<compile_context>
chip_gen: v7x
topology: tpu7x:2x2x1
jax: 0.10.2.dev20260603
libtpu: 0.0.44.dev20260713+nightly
codegen_flags: <defaults>
</compile_context>

<pallas_src>
import functools

import jax
import jax.numpy as jnp
import numpy as np
from jax import lax
from jax.experimental import pallas as pl
from jax.experimental.pallas import tpu as pltpu
from jax.experimental.pallas import tpu_sc as plsc

_L = 16
_BITS = [int(np.uint32(1 << b).astype(np.int32)) for b in range(32)]


def _mesh():
  return plsc.VectorSubcoreMesh(core_axis_name="c", subcore_axis_name="s")


@functools.lru_cache(maxsize=None)
def _build_pack(table: int):
  mesh = _mesh()
  nw = mesh.num_cores * mesh.num_subcores
  nwords = table // 32
  per_w_ent = table // nw
  per_w_words = nwords // nw
  wblk = 8192
  nwblk = per_w_ent // wblk
  gpb = wblk // (32 * _L)
  assert table % 32 == 0 and nwords % nw == 0 and per_w_ent % wblk == 0

  def body(w_hbm, mask_hbm, wc0, wc1, word_v, s0, s1):
    wid = lax.axis_index("s") * mesh.num_cores + lax.axis_index("c")
    lanes = lax.iota(jnp.int32, _L)
    ent_base = pl.multiple_of(wid * per_w_ent, wblk)
    wcb, sems = [wc0, wc1], [s0, s1]

    def start(kb):
      return pltpu.async_copy(w_hbm.at[pl.ds(ent_base + kb * wblk, wblk)],
                              wcb[kb & 1], sems[kb & 1])

    wh = {kb: start(kb) for kb in range(min(2, nwblk))}
    for kb in range(nwblk):
      wh.pop(kb).wait()
      w_chunk = wcb[kb & 1]

      @plsc.parallel_loop(0, gpb, 1, unroll=2)
      def pack_group(g, kb=kb, w_chunk=w_chunk):
        base = lanes * 32 + g * (32 * _L)
        acc = jnp.zeros((_L,), jnp.int32)
        for b in range(32):
          v = plsc.load_gather(w_chunk, [base + b])
          acc = acc | jnp.where(v > 0.5, jnp.int32(_BITS[b]), jnp.int32(0))
        word_v[pl.ds(pl.multiple_of(kb * gpb * _L + g * _L, _L), _L)] = acc

      if kb + 2 < nwblk:
        wh[kb + 2] = start(kb + 2)

    pltpu.sync_copy(
        word_v, mask_hbm.at[pl.ds(pl.multiple_of(wid * per_w_words, 8),
                                  per_w_words)])

  return pl.kernel(
      body,
      out_type=jax.ShapeDtypeStruct((nwords,), jnp.int32),
      mesh=mesh,
      compiler_params=pltpu.CompilerParams(needs_layout_passes=False),
      scratch_types=[
          pltpu.VMEM((wblk,), jnp.float32),
          pltpu.VMEM((wblk,), jnp.float32),
          pltpu.VMEM((per_w_words,), jnp.int32),
          pltpu.SemaphoreType.DMA,
          pltpu.SemaphoreType.DMA,
      ],
  )


@functools.lru_cache(maxsize=None)
def _build_apply(flat: int, nwords: int):
  mesh = _mesh()
  nw = mesh.num_cores * mesh.num_subcores
  per_w = flat // nw
  assert per_w * nw == flat
  chunk = 12800
  assert per_w % chunk == 0
  nchunk = per_w // chunk
  assert nchunk >= 2

  def body(x_hbm, idx_hbm, mask_hbm, out_hbm, idx0, idx1, x0, x1, o0, o1,
           mask_v, is0, is1, os0, os1, msem):
    wid = lax.axis_index("s") * mesh.num_cores + lax.axis_index("c")
    idxb, xb, ob = [idx0, idx1], [x0, x1], [o0, o1]
    isem, osem = [is0, is1], [os0, os1]

    def cbase(k):
      return pl.multiple_of(wid * per_w + k * chunk, chunk)

    ih, oh = {}, {}

    def start_in(k):
      p = k & 1
      b = cbase(k)
      ih[k] = (
          pltpu.async_copy(idx_hbm.at[pl.ds(b, chunk)], idxb[p], isem[p]),
          pltpu.async_copy(x_hbm.at[pl.ds(b, chunk)], xb[p], isem[p]),
      )

    start_in(0)
    mh = pltpu.async_copy(mask_hbm, mask_v, msem)
    start_in(1)
    mh.wait()

    for k in range(nchunk):
      p = k & 1
      ha, hb = ih.pop(k)
      ha.wait()
      hb.wait()
      if k >= 2:
        oh.pop(k - 2).wait()
      iv_ref, xv, ov = idxb[p], xb[p], ob[p]

      @plsc.parallel_loop(0, chunk // _L, 1, unroll=8)
      def _(i):
        sl = pl.ds(pl.multiple_of(i * _L, _L), _L)
        iv = iv_ref[sl]
        words = plsc.load_gather(mask_v, [lax.shift_right_logical(iv, 5)])
        t = lax.shift_left(words, jnp.bitwise_and(jnp.bitwise_not(iv), 31))
        m = lax.shift_right_arithmetic(t, 31)
        ov[sl] = plsc.bitcast(plsc.bitcast(xv[sl], jnp.int32) & m,
                              jnp.float32)

      oh[k] = pltpu.async_copy(ov, out_hbm.at[pl.ds(cbase(k), chunk)],
                               osem[p])
      if k + 2 < nchunk:
        start_in(k + 2)

    oh.pop(nchunk - 2).wait()
    oh.pop(nchunk - 1).wait()

  return pl.kernel(
      body,
      out_type=jax.ShapeDtypeStruct((flat,), jnp.float32),
      mesh=mesh,
      compiler_params=pltpu.CompilerParams(needs_layout_passes=False),
      scratch_types=[
          pltpu.VMEM((chunk,), jnp.int32),
          pltpu.VMEM((chunk,), jnp.int32),
          pltpu.VMEM((chunk,), jnp.float32),
          pltpu.VMEM((chunk,), jnp.float32),
          pltpu.VMEM((chunk,), jnp.float32),
          pltpu.VMEM((chunk,), jnp.float32),
          pltpu.VMEM((nwords,), jnp.int32),
          pltpu.SemaphoreType.DMA,
          pltpu.SemaphoreType.DMA,
          pltpu.SemaphoreType.DMA,
          pltpu.SemaphoreType.DMA,
          pltpu.SemaphoreType.DMA,
      ],
  )


def kernel(x, idx, W):
  flat = x.size
  xf = x.reshape(flat)
  idxf = idx.reshape(flat).astype(jnp.int32)
  align = 32 * 8192
  table = ((W.shape[0] + align - 1) // align) * align
  if table != W.shape[0]:
    W = jnp.concatenate([W, jnp.zeros((table - W.shape[0],), W.dtype)])
  mask = _build_pack(table)(W)
  out = _build_apply(flat, table // 32)(xf, idxf, mask)
  return out.reshape(x.shape)

# --- scband reference (transcript-rebuilt; emitter-appended) ---
"""Pipeline reference for scband-mask-weight-91207925498644 (READ-ONLY COPY).

The authoritative reference and input builder live on the scoring server;
editing this copy changes nothing except your own understanding.
"""

import jax, jax.numpy as jnp
import numpy as np

NUM_TRAIN = 1000000
B, L = 16384, 200


def setup_inputs(seed: int = 0) -> dict:
    key = jax.random.key(seed)
    k1, k2, k3 = jax.random.split(key, 3)
    x = jax.random.normal(k1, (B, L), dtype=jnp.float32)
    idx = jax.random.randint(k2, (B, L), 0, NUM_TRAIN, dtype=jnp.int64 if jax.config.jax_enable_x64 else jnp.int32)
    # Parameter W: module initializes to 0.5 everywhere; we use uniform [0,1)
    # so the hard-threshold mask is non-trivial for testing.
    W = jax.random.uniform(k3, (NUM_TRAIN,), dtype=jnp.float32)
    return {"x": x, "idx": idx, "W": W}


def reference(x, idx, W):
    # gather per-sample weights (embedding lookup into W)
    w_gathered = jnp.take(W, idx, axis=0)
    # GetIndicators.forward: hard threshold at 0.5 (straight-through in bwd)
    mask = (w_gathered > 0.5).astype(jnp.float32)
    out = mask * x
    return out

if __name__ == "__main__":
    import jax
    _d = setup_inputs()
    print(jax.jit(kernel)(*tuple(_d.values())))

</pallas_src>

<mosaic_0001>
#map = affine_map<(d0, d1) -> (0)>
module attributes {stable_mosaic.version = 14 : i64} {
  func.func @body(%arg0: i32, %arg1: i32, %arg2: memref<1048576xf32, #tpu.memory_space<hbm>>, %arg3: memref<32768xi32, #tpu.memory_space<hbm>>, %arg4: memref<8192xf32, #tpu.memory_space<vmem>>, %arg5: memref<8192xf32, #tpu.memory_space<vmem>>, %arg6: memref<1024xi32, #tpu.memory_space<vmem>>, %arg7: memref<!tpu.dma_semaphore, #tpu.memory_space<semaphore_mem>>, %arg8: memref<!tpu.dma_semaphore, #tpu.memory_space<semaphore_mem>>) attributes {dimension_semantics = [#tpu.dimension_semantics<core_parallel>, #tpu.dimension_semantics<subcore_parallel>], iteration_bounds = array<i64: 2, 16>, scalar_prefetch = 0 : i64, scratch_operands = 5 : i64, tpu.core_type = #tpu.core_type<sc_vector_subcore>, window_params = [{transform_indices = #map}, {transform_indices = #map}]} {
    %mul3A = arith.constant 2 : i32
    %mul3A_0 = arith.muli %arg1, %mul3A : i32
    %add3A = arith.addi %mul3A_0, %arg0 : i32
    %iota3A = tpu.iota {dimensions = array<i32: 0>} : vector<16xi32>
    %mul3A_1 = arith.constant 32768 : i32
    %mul3A_2 = arith.muli %add3A, %mul3A_1 : i32
    %multiple_of3A = tpu.assume_multiple %mul3A_2, 8192 : i32
    %add3A_3 = arith.constant 0 : i32
    %add3A_4 = arith.addi %multiple_of3A, %add3A_3 : i32
    %dma_start3A = tpu.memref_slice %arg2[%add3A_4] : memref<1048576xf32, #tpu.memory_space<hbm>> -> memref<8192xf32, #tpu.memory_space<hbm>>
    %dma_start3A_5 = tpu.memref_slice %arg2[%add3A_4] : memref<1048576xf32, #tpu.memory_space<hbm>> -> memref<8192xf32, #tpu.memory_space<hbm>>
    tpu.enqueue_dma source(%dma_start3A_5 : memref<8192xf32, #tpu.memory_space<hbm>>) target(%arg4 : memref<8192xf32, #tpu.memory_space<vmem>>) target_semaphore(%arg7 : memref<!tpu.dma_semaphore, #tpu.memory_space<semaphore_mem>>)
    %add3A_6 = arith.constant 8192 : i32
    %add3A_7 = arith.addi %multiple_of3A, %add3A_6 : i32
    %dma_start3A_8 = tpu.memref_slice %arg2[%add3A_7] : memref<1048576xf32, #tpu.memory_space<hbm>> -> memref<8192xf32, #tpu.memory_space<hbm>>
    %dma_start3A_9 = tpu.memref_slice %arg2[%add3A_7] : memref<1048576xf32, #tpu.memory_space<hbm>> -> memref<8192xf32, #tpu.memory_space<hbm>>
    tpu.enqueue_dma source(%dma_start3A_9 : memref<8192xf32, #tpu.memory_space<hbm>>) target(%arg5 : memref<8192xf32, #tpu.memory_space<vmem>>) target_semaphore(%arg8 : memref<!tpu.dma_semaphore, #tpu.memory_space<semaphore_mem>>)
    %dma_wait3A = tpu.memref_slice %arg2[%add3A_4] : memref<1048576xf32, #tpu.memory_space<hbm>> -> memref<8192xf32, #tpu.memory_space<hbm>>
    %dma_wait3A_10 = tpu.memref_slice %arg2[%add3A_4] : memref<1048576xf32, #tpu.memory_space<hbm>> -> memref<8192xf32, #tpu.memory_space<hbm>>
    tpu.wait_dma2 semaphore(%arg7 : memref<!tpu.dma_semaphore, #tpu.memory_space<semaphore_mem>>) src(%dma_wait3A_10 : memref<8192xf32, #tpu.memory_space<hbm>>) dst(%arg4 : memref<8192xf32, #tpu.memory_space<vmem>>)
    %parallel_loop3A = arith.constant 0 : i32
    %parallel_loop3A_11 = arith.constant 16 : i32
    %parallel_loop3A_12 = arith.constant 1 : i32
    scf.for %parallel_loop3A_39 = %parallel_loop3A to %parallel_loop3A_11 step %parallel_loop3A_12  : i32 {
      %parallel_loop3A_40 = arith.constant 32 : i32
      %parallel_loop3A_41 = vector.broadcast %parallel_loop3A_40 : i32 to vector<16xi32>
      %parallel_loop3A_42 = arith.muli %iota3A, %parallel_loop3A_41 : vector<16xi32>
      %parallel_loop3A_43 = arith.constant 512 : i32
      %parallel_loop3A_44 = arith.muli %parallel_loop3A_39, %parallel_loop3A_43 : i32
      %parallel_loop3A_45 = vector.broadcast %parallel_loop3A_44 : i32 to vector<16xi32>
      %parallel_loop3A_46 = arith.addi %parallel_loop3A_42, %parallel_loop3A_45 : vector<16xi32>
      %parallel_loop3A_47 = arith.constant 0 : i32
      %parallel_loop3A_48 = vector.broadcast %parallel_loop3A_47 : i32 to vector<16xi32>
      %parallel_loop3A_49 = arith.constant 0 : i32
      %parallel_loop3A_50 = vector.broadcast %parallel_loop3A_49 : i32 to vector<16xi32>
      %parallel_loop3A_51 = arith.addi %parallel_loop3A_46, %parallel_loop3A_50 : vector<16xi32>
      %parallel_loop3A_52 = tpu.vector_load_idx %arg4[%parallel_loop3A_51] : memref<8192xf32, #tpu.memory_space<vmem>>[vector<16xi32>], vector<16xf32>,
      %parallel_loop3A_53 = arith.constant 5.000000e-01 : f32
      %parallel_loop3A_54 = vector.broadcast %parallel_loop3A_53 : f32 to vector<16xf32>
      %parallel_loop3A_55 = arith.cmpf ogt, %parallel_loop3A_52, %parallel_loop3A_54 : vector<16xf32>
      %parallel_loop3A_56 = arith.constant 1 : i32
      %parallel_loop3A_57 = arith.constant 0 : i32
      %parallel_loop3A_58 = vector.broadcast %parallel_loop3A_56 : i32 to vector<16xi32>
      %parallel_loop3A_59 = vector.broadcast %parallel_loop3A_57 : i32 to vector<16xi32>
      %parallel_loop3A_60 = arith.select %parallel_loop3A_55, %parallel_loop3A_58, %parallel_loop3A_59 : vector<16xi1>, vector<16xi32>
      %parallel_loop3A_61 = arith.ori %parallel_loop3A_48, %parallel_loop3A_60 : vector<16xi32>
      %parallel_loop3A_62 = arith.constant 1 : i32
      %parallel_loop3A_63 = vector.broadcast %parallel_loop3A_62 : i32 to vector<16xi32>
      %parallel_loop3A_64 = arith.addi %parallel_loop3A_46, %parallel_loop3A_63 : vector<16xi32>
      %parallel_loop3A_65 = tpu.vector_load_idx %arg4[%parallel_loop3A_64] : memref<8192xf32, #tpu.memory_space<vmem>>[vector<16xi32>], vector<16xf32>,
      %parallel_loop3A_66 = arith.constant 5.000000e-01 : f32
      %parallel_loop3A_67 = vector.broadcast %parallel_loop3A_66 : f32 to vector<16xf32>
      %parallel_loop3A_68 = arith.cmpf ogt, %parallel_loop3A_65, %parallel_loop3A_67 : vector<16xf32>
      %parallel_loop3A_69 = arith.constant 2 : i32
      %parallel_loop3A_70 = arith.constant 0 : i32
      %parallel_loop3A_71 = vector.broadcast %parallel_loop3A_69 : i32 to vector<16xi32>
      %parallel_loop3A_72 = vector.broadcast %parallel_loop3A_70 : i32 to vector<16xi32>
      %parallel_loop3A_73 = arith.select %parallel_loop3A_68, %parallel_loop3A_71, %parallel_loop3A_72 : vector<16xi1>, vector<16xi32>
      %parallel_loop3A_74 = arith.ori %parallel_loop3A_61, %parallel_loop3A_73 : vector<16xi32>
      %parallel_loop3A_75 = arith.constant 2 : i32
      %parallel_loop3A_76 = vector.broadcast %parallel_loop3A_75 : i32 to vector<16xi32>
      %parallel_loop3A_77 = arith.addi %parallel_loop3A_46, %parallel_loop3A_76 : vector<16xi32>
      %parallel_loop3A_78 = tpu.vector_load_idx %arg4[%parallel_loop3A_77] : memref<8192xf32, #tpu.memory_space<vmem>>[vector<16xi32>], vector<16xf32>,
      %parallel_loop3A_79 = arith.constant 5.000000e-01 : f32
      %parallel_loop3A_80 = vector.broadcast %parallel_loop3A_79 : f32 to vector<16xf32>
      %parallel_loop3A_81 = arith.cmpf ogt, %parallel_loop3A_78, %parallel_loop3A_80 : vector<16xf32>
      %parallel_loop3A_82 = arith.constant 4 : i32
      %parallel_loop3A_83 = arith.constant 0 : i32
      %parallel_loop3A_84 = vector.broadcast %parallel_loop3A_82 : i32 to vector<16xi32>
      %parallel_loop3A_85 = vector.broadcast %parallel_loop3A_83 : i32 to vector<16xi32>
      %parallel_loop3A_86 = arith.select %parallel_loop3A_81, %parallel_loop3A_84, %parallel_loop3A_85 : vector<16xi1>, vector<16xi32>
      %parallel_loop3A_87 = arith.ori %parallel_loop3A_74, %parallel_loop3A_86 : vector<16xi32>
      %parallel_loop3A_88 = arith.constant 3 : i32
      %parallel_loop3A_89 = vector.broadcast %parallel_loop3A_88 : i32 to vector<16xi32>
      %parallel_loop3A_90 = arith.addi %parallel_loop3A_46, %parallel_loop3A_89 : vector<16xi32>
      %parallel_loop3A_91 = tpu.vector_load_idx %arg4[%parallel_loop3A_90] : memref<8192xf32, #tpu.memory_space<vmem>>[vector<16xi32>], vector<16xf32>,
      %parallel_loop3A_92 = arith.constant 5.000000e-01 : f32
      %parallel_loop3A_93 = vector.broadcast %parallel_loop3A_92 : f32 to vector<16xf32>
      %parallel_loop3A_94 = arith.cmpf ogt, %parallel_loop3A_91, %parallel_loop3A_93 : vector<16xf32>
      %parallel_loop3A_95 = arith.constant 8 : i32
      %parallel_loop3A_96 = arith.constant 0 : i32
      %parallel_loop3A_97 = vector.broadcast %parallel_loop3A_95 : i32 to vector<16xi32>
      %parallel_loop3A_98 = vector.broadcast %parallel_loop3A_96 : i32 to vector<16xi32>
      %parallel_loop3A_99 = arith.select %parallel_loop3A_94, %parallel_loop3A_97, %parallel_loop3A_98 : vector<16xi1>, vector<16xi32>
      %parallel_loop3A_100 = arith.ori %parallel_loop3A_87, %parallel_loop3A_99 : vector<16xi32>
      %parallel_loop3A_101 = arith.constant 4 : i32
      %parallel_loop3A_102 = vector.broadcast %parallel_loop3A_101 : i32 to vector<16xi32>
      %parallel_loop3A_103 = arith.addi %parallel_loop3A_46, %parallel_loop3A_102 : vector<16xi32>
      %parallel_loop3A_104 = tpu.vector_load_idx %arg4[%parallel_loop3A_103] : memref<8192xf32, #tpu.memory_space<vmem>>[vector<16xi32>], vector<16xf32>,
      %parallel_loop3A_105 = arith.constant 5.000000e-01 : f32
      %parallel_loop3A_106 = vector.broadcast %parallel_loop3A_105 : f32 to vector<16xf32>
      %parallel_loop3A_107 = arith.cmpf ogt, %parallel_loop3A_104, %parallel_loop3A_106 : vector<16xf32>
      %parallel_loop3A_108 = arith.constant 16 : i32
      %parallel_loop3A_109 = arith.constant 0 : i32
      %parallel_loop3A_110 = vector.broadcast %parallel_loop3A_108 : i32 to vector<16xi32>
      %parallel_loop3A_111 = vector.broadcast %parallel_loop3A_109 : i32 to vector<16xi32>
      %parallel_loop3A_112 = arith.select %parallel_loop3A_107, %parallel_loop3A_110, %parallel_loop3A_111 : vector<16xi1>, vector<16xi32>
      %parallel_loop3A_113 = arith.ori %parallel_loop3A_100, %parallel_loop3A_112 : vector<16xi32>
      %parallel_loop3A_114 = arith.constant 5 : i32
      %parallel_loop3A_115 = vector.broadcast %parallel_loop3A_114 : i32 to vector<16xi32>
      %parallel_loop3A_116 = arith.addi %parallel_loop3A_46, %parallel_loop3A_115 : vector<16xi32>
      %parallel_loop3A_117 = tpu.vector_load_idx %arg4[%parallel_loop3A_116] : memref<8192xf32, #tpu.memory_space<vmem>>[vector<16xi32>], vector<16xf32>,
      %parallel_loop3A_118 = arith.constant 5.000000e-01 : f32
      %parallel_loop3A_119 = vector.broadcast %parallel_loop3A_118 : f32 to vector<16xf32>
      %parallel_loop3A_120 = arith.cmpf ogt, %parallel_loop3A_117, %parallel_loop3A_119 : vector<16xf32>
      %parallel_loop3A_121 = arith.constant 32 : i32
      %parallel_loop3A_122 = arith.constant 0 : i32
      %parallel_loop3A_123 = vector.broadcast %parallel_loop3A_121 : i32 to vector<16xi32>
      %parallel_loop3A_124 = vector.broadcast %parallel_loop3A_122 : i32 to vector<16xi32>
      %parallel_loop3A_125 = arith.select %parallel_loop3A_120, %parallel_loop3A_123, %parallel_loop3A_124 : vector<16xi1>, vector<16xi32>
      %parallel_loop3A_126 = arith.ori %parallel_loop3A_113, %parallel_loop3A_125 : vector<16xi32>
      %parallel_loop3A_127 = arith.constant 6 : i32
      %parallel_loop3A_128 = vector.broadcast %parallel_loop3A_127 : i32 to vector<16xi32>
      %parallel_loop3A_129 = arith.addi %parallel_loop3A_46, %parallel_loop3A_128 : vector<16xi32>
      %parallel_loop3A_130 = tpu.vector_load_idx %arg4[%parallel_loop3A_129] : memref<8192xf32, #tpu.memory_space<vmem>>[vector<16xi32>], vector<16xf32>,
      %parallel_loop3A_131 = arith.constant 5.000000e-01 : f32
      %parallel_loop3A_132 = vector.broadcast %parallel_loop3A_131 : f32 to vector<16xf32>
      %parallel_loop3A_133 = arith.cmpf ogt, %parallel_loop3A_130, %parallel_loop3A_132 : vector<16xf32>
      %parallel_loop3A_134 = arith.constant 64 : i32
      %parallel_loop3A_135 = arith.constant 0 : i32
      %parallel_loop3A_136 = vector.broadcast %parallel_loop3A_134 : i32 to vector<16xi32>
      %parallel_loop3A_137 = vector.broadcast %parallel_loop3A_135 : i32 to vector<16xi32>
      %parallel_loop3A_138 = arith.select %parallel_loop3A_133, %parallel_loop3A_136, %parallel_loop3A_137 : vector<16xi1>, vector<16xi32>
      %parallel_loop3A_139 = arith.ori %parallel_loop3A_126, %parallel_loop3A_138 : vector<16xi32>
      %parallel_loop3A_140 = arith.constant 7 : i32
      %parallel_loop3A_141 = vector.broadcast %parallel_loop3A_140 : i32 to vector<16xi32>
      %parallel_loop3A_142 = arith.addi %parallel_loop3A_46, %parallel_loop3A_141 : vector<16xi32>
      %parallel_loop3A_143 = tpu.vector_load_idx %arg4[%parallel_loop3A_142] : memref<8192xf32, #tpu.memory_space<vmem>>[vector<16xi32>], vector<16xf32>,
      %parallel_loop3A_144 = arith.constant 5.000000e-01 : f32
      %parallel_loop3A_145 = vector.broadcast %parallel_loop3A_144 : f32 to vector<16xf32>
      %parallel_loop3A_146 = arith.cmpf ogt, %parallel_loop3A_143, %parallel_loop3A_145 : vector<16xf32>
      %parallel_loop3A_147 = arith.constant 128 : i32
      %parallel_loop3A_148 = arith.constant 0 : i32
      %parallel_loop3A_149 = vector.broadcast %parallel_loop3A_147 : i32 to vector<16xi32>
      %parallel_loop3A_150 = vector.broadcast %parallel_loop3A_148 : i32 to vector<16xi32>
      %parallel_loop3A_151 = arith.select %parallel_loop3A_146, %parallel_loop3A_149, %parallel_loop3A_150 : vector<16xi1>, vector<16xi32>
      %parallel_loop3A_152 = arith.ori %parallel_loop3A_139, %parallel_loop3A_151 : vector<16xi32>
      %parallel_loop3A_153 = arith.constant 8 : i32
      %parallel_loop3A_154 = vector.broadcast %parallel_loop3A_153 : i32 to vector<16xi32>
      %parallel_loop3A_155 = arith.addi %parallel_loop3A_46, %parallel_loop3A_154 : vector<16xi32>
      %parallel_loop3A_156 = tpu.vector_load_idx %arg4[%parallel_loop3A_155] : memref<8192xf32, #tpu.memory_space<vmem>>[vector<16xi32>], vector<16xf32>,
      %parallel_loop3A_157 = arith.constant 5.000000e-01 : f32
      %parallel_loop3A_158 = vector.broadcast %parallel_loop3A_157 : f32 to vector<16xf32>
      %parallel_loop3A_159 = arith.cmpf ogt, %parallel_loop3A_156, %parallel_loop3A_158 : vector<16xf32>
      %parallel_loop3A_160 = arith.constant 256 : i32
      %parallel_loop3A_161 = arith.constant 0 : i32
      %parallel_loop3A_162 = vector.broadcast %parallel_loop3A_160 : i32 to vector<16xi32>
      %parallel_loop3A_163 = vector.broadcast %parallel_loop3A_161 : i32 to vector<16xi32>
      %parallel_loop3A_164 = arith.select %parallel_loop3A_159, %parallel_loop3A_162, %parallel_loop3A_163 : vector<16xi1>, vector<16xi32>
      %parallel_loop3A_165 = arith.ori %parallel_loop3A_152, %parallel_loop3A_164 : vector<16xi32>
      %parallel_loop3A_166 = arith.constant 9 : i32
      %parallel_loop3A_167 = vector.broadcast %parallel_loop3A_166 : i32 to vector<16xi32>
      %parallel_loop3A_168 = arith.addi %parallel_loop3A_46, %parallel_loop3A_167 : vector<16xi32>
      %parallel_loop3A_169 = tpu.vector_load_idx %arg4[%parallel_loop3A_168] : memref<8192xf32, #tpu.memory_space<vmem>>[vector<16xi32>], vector<16xf32>,
      %parallel_loop3A_170 = arith.constant 5.000000e-01 : f32
      %parallel_loop3A_171 = vector.broadcast %parallel_loop3A_170 : f32 to vector<16xf32>
      %parallel_loop3A_172 = arith.cmpf ogt, %parallel_loop3A_169, %parallel_loop3A_171 : vector<16xf32>
      %parallel_loop3A_173 = arith.constant 512 : i32
      %parallel_loop3A_174 = arith.constant 0 : i32
      %parallel_loop3A_175 = vector.broadcast %parallel_loop3A_173 : i32 to vector<16xi32>
      %parallel_loop3A_176 = vector.broadcast %parallel_loop3A_174 : i32 to vector<16xi32>
      %parallel_loop3A_177 = arith.select %parallel_loop3A_172, %parallel_loop3A_175, %parallel_loop3A_176 : vector<16xi1>, vector<16xi32>
      %parallel_loop3A_178 = arith.ori %parallel_loop3A_165, %parallel_loop3A_177 : vector<16xi32>
      %parallel_loop3A_179 = arith.constant 10 : i32
      %parallel_loop3A_180 = vector.broadcast %parallel_loop3A_179 : i32 to vector<16xi32>
      %parallel_loop3A_181 = arith.addi %parallel_loop3A_46, %parallel_loop3A_180 : vector<16xi32>
      %parallel_loop3A_182 = tpu.vector_load_idx %arg4[%parallel_loop3A_181] : memref<8192xf32, #tpu.memory_space<vmem>>[vector<16xi32>], vector<16xf32>,
      %parallel_loop3A_183 = arith.constant 5.000000e-01 : f32
      %parallel_loop3A_184 = vector.broadcast %parallel_loop3A_183 : f32 to vector<16xf32>
      %parallel_loop3A_185 = arith.cmpf ogt, %parallel_loop3A_182, %parallel_loop3A_184 : vector<16xf32>
      %parallel_loop3A_186 = arith.constant 1024 : i32
      %parallel_loop3A_187 = arith.constant 0 : i32
      %parallel_loop3A_188 = vector.broadcast %parallel_loop3A_186 : i32 to vector<16xi32>
      %parallel_loop3A_189 = vector.broadcast %parallel_loop3A_187 : i32 to vector<16xi32>
      %parallel_loop3A_190 = arith.select %parallel_loop3A_185, %parallel_loop3A_188, %parallel_loop3A_189 : vector<16xi1>, vector<16xi32>
      %parallel_loop3A_191 = arith.ori %parallel_loop3A_178, %parallel_loop3A_190 : vector<16xi32>
      %parallel_loop3A_192 = arith.constant 11 : i32
      %parallel_loop3A_193 = vector.broadcast %parallel_loop3A_192 : i32 to vector<16xi32>
      %parallel_loop3A_194 = arith.addi %parallel_loop3A_46, %parallel_loop3A_193 : vector<16xi32>
      %parallel_loop3A_195 = tpu.vector_load_idx %arg4[%parallel_loop3A_194] : memref<8192xf32, #tpu.memory_space<vmem>>[vector<16xi32>], vector<16xf32>,
      %parallel_loop3A_196 = arith.constant 5.000000e-01 : f32
      %parallel_loop3A_197 = vector.broadcast %parallel_loop3A_196 : f32 to vector<16xf32>
      %parallel_loop3A_198 = arith.cmpf ogt, %parallel_loop3A_195, %parallel_loop3A_197 : vector<16xf32>
      %parallel_loop3A_199 = arith.constant 2048 : i32
      %parallel_loop3A_200 = arith.constant 0 : i32
      %parallel_loop3A_201 = vector.broadcast %parallel_loop3A_199 : i32 to vector<16xi32>
      %parallel_loop3A_202 = vector.broadcast %parallel_loop3A_200 : i32 to vector<16xi32>
      %parallel_loop3A_203 = arith.select %parallel_loop3A_198, %parallel_loop3A_201, %parallel_loop3A_202 : vector<16xi1>, vector<16xi32>
      %parallel_loop3A_204 = arith.ori %parallel_loop3A_191, %parallel_loop3A_203 : vector<16xi32>
      %parallel_loop3A_205 = arith.constant 12 : i32
      %parallel_loop3A_206 = vector.broadcast %parallel_loop3A_205 : i32 to vector<16xi32>
      %parallel_loop3A_207 = arith.addi %parallel_loop3A_46, %parallel_loop3A_206 : vector<16xi32>
      %parallel_loop3A_208 = tpu.vector_load_idx %arg4[%parallel_loop3A_207] : memref<8192xf32, #tpu.memory_space<vmem>>[vector<16xi32>], vector<16xf32>,
      %parallel_loop3A_209 = arith.constant 5.000000e-01 : f32
      %parallel_loop3A_210 = vector.broadcast %parallel_loop3A_209 : f32 to vector<16xf32>
      %parallel_loop3A_211 = arith.cmpf ogt, %parallel_loop3A_208, %parallel_loop3A_210 : vector<16xf32>
      %parallel_loop3A_212 = arith.constant 4096 : i32
      %parallel_loop3A_213 = arith.constant 0 : i32
      %parallel_loop3A_214 = vector.broadcast %parallel_loop3A_212 : i32 to vector<16xi32>
      %parallel_loop3A_215 = vector.broadcast %parallel_loop3A_213 : i32 to vector<16xi32>
      %parallel_loop3A_216 = arith.select %parallel_loop3A_211, %parallel_loop3A_214, %parallel_loop3A_215 : vector<16xi1>, vector<16xi32>
      %parallel_loop3A_217 = arith.ori %parallel_loop3A_204, %parallel_loop3A_216 : vector<16xi32>
      %parallel_loop3A_218 = arith.constant 13 : i32
      %parallel_loop3A_219 = vector.broadcast %parallel_loop3A_218 : i32 to vector<16xi32>
      %parallel_loop3A_220 = arith.addi %parallel_loop3A_46, %parallel_loop3A_219 : vector<16xi32>
      %parallel_loop3A_221 = tpu.vector_load_idx %arg4[%parallel_loop3A_220] : memref<8192xf32, #tpu.memory_space<vmem>>[vector<16xi32>], vector<16xf32>,
      %parallel_loop3A_222 = arith.constant 5.000000e-01 : f32
      %parallel_loop3A_223 = vector.broadcast %parallel_loop3A_222 : f32 to vector<16xf32>
      %parallel_loop3A_224 = arith.cmpf ogt, %parallel_loop3A_221, %parallel_loop3A_223 : vector<16xf32>
      %parallel_loop3A_225 = arith.constant 8192 : i32
      %parallel_loop3A_226 = arith.constant 0 : i32
      %parallel_loop3A_227 = vector.broadcast %parallel_loop3A_225 : i32 to vector<16xi32>
      %parallel_loop3A_228 = vector.broadcast %parallel_loop3A_226 : i32 to vector<16xi32>
      %parallel_loop3A_229 = arith.select %parallel_loop3A_224, %parallel_loop3A_227, %parallel_loop3A_228 : vector<16xi1>, vector<16xi32>
      %parallel_loop3A_230 = arith.ori %parallel_loop3A_217, %parallel_loop3A_229 : vector<16xi32>
      %parallel_loop3A_231 = arith.constant 14 : i32
      %parallel_loop3A_232 = vector.broadcast %parallel_loop3A_231 : i32 to vector<16xi32>
      %parallel_loop3A_233 = arith.addi %parallel_loop3A_46, %parallel_loop3A_232 : vector<16xi32>
      %parallel_loop3A_234 = tpu.vector_load_idx %arg4[%parallel_loop3A_233] : memref<8192xf32, #tpu.memory_space<vmem>>[vector<16xi32>], vector<16xf32>,
      %parallel_loop3A_235 = arith.constant 5.000000e-01 : f32
      %parallel_loop3A_236 = vector.broadcast %parallel_loop3A_235 : f32 to vector<16xf32>
      %parallel_loop3A_237 = arith.cmpf ogt, %parallel_loop3A_234, %parallel_loop3A_236 : vector<16xf32>
      %parallel_loop3A_238 = arith.constant 16384 : i32
      %parallel_loop3A_239 = arith.constant 0 : i32
      %parallel_loop3A_240 = vector.broadcast %parallel_loop3A_238 : i32 to vector<16xi32>
      %parallel_loop3A_241 = vector.broadcast %parallel_loop3A_239 : i32 to vector<16xi32>
      %parallel_loop3A_242 = arith.select %parallel_loop3A_237, %parallel_loop3A_240, %parallel_loop3A_241 : vector<16xi1>, vector<16xi32>
      %parallel_loop3A_243 = arith.ori %parallel_loop3A_230, %parallel_loop3A_242 : vector<16xi32>
      %parallel_loop3A_244 = arith.constant 15 : i32
      %parallel_loop3A_245 = vector.broadcast %parallel_loop3A_244 : i32 to vector<16xi32>
      %parallel_loop3A_246 = arith.addi %parallel_loop3A_46, %parallel_loop3A_245 : vector<16xi32>
      %parallel_loop3A_247 = tpu.vector_load_idx %arg4[%parallel_loop3A_246] : memref<8192xf32, #tpu.memory_space<vmem>>[vector<16xi32>], vector<16xf32>,
      %parallel_loop3A_248 = arith.constant 5.000000e-01 : f32
      %parallel_loop3A_249 = vector.broadcast %parallel_loop3A_248 : f32 to vector<16xf32>
      %parallel_loop3A_250 = arith.cmpf ogt, %parallel_loop3A_247, %parallel_loop3A_249 : vector<16xf32>
      %parallel_loop3A_251 = arith.constant 32768 : i32
      %parallel_loop3A_252 = arith.constant 0 : i32
      %parallel_loop3A_253 = vector.broadcast %parallel_loop3A_251 : i32 to vector<16xi32>
      %parallel_loop3A_254 = vector.broadcast %parallel_loop3A_252 : i32 to vector<16xi32>
      %parallel_loop3A_255 = arith.select %parallel_loop3A_250, %parallel_loop3A_253, %parallel_loop3A_254 : vector<16xi1>, vector<16xi32>
      %parallel_loop3A_256 = arith.ori %parallel_loop3A_243, %parallel_loop3A_255 : vector<16xi32>
      %parallel_loop3A_257 = arith.constant 16 : i32
      %parallel_loop3A_258 = vector.broadcast %parallel_loop3A_257 : i32 to vector<16xi32>
      %parallel_loop3A_259 = arith.addi %parallel_loop3A_46, %parallel_loop3A_258 : vector<16xi32>
      %parallel_loop3A_260 = tpu.vector_load_idx %arg4[%parallel_loop3A_259] : memref<8192xf32, #tpu.memory_space<vmem>>[vector<16xi32>], vector<16xf32>,
      %parallel_loop3A_261 = arith.constant 5.000000e-01 : f32
      %parallel_loop3A_262 = vector.broadcast %parallel_loop3A_261 : f32 to vector<16xf32>
      %parallel_loop3A_263 = arith.cmpf ogt, %parallel_loop3A_260, %parallel_loop3A_262 : vector<16xf32>
      %parallel_loop3A_264 = arith.constant 65536 : i32
      %parallel_loop3A_265 = arith.constant 0 : i32
      %parallel_loop3A_266 = vector.broadcast %parallel_loop3A_264 : i32 to vector<16xi32>
      %parallel_loop3A_267 = vector.broadcast %parallel_loop3A_265 : i32 to vector<16xi32>
      %parallel_loop3A_268 = arith.select %parallel_loop3A_263, %parallel_loop3A_266, %parallel_loop3A_267 : vector<16xi1>, vector<16xi32>
      %parallel_loop3A_269 = arith.ori %parallel_loop3A_256, %parallel_loop3A_268 : vector<16xi32>
      %parallel_loop3A_270 = arith.constant 17 : i32
      %parallel_loop3A_271 = vector.broadcast %parallel_loop3A_270 : i32 to vector<16xi32>
      %parallel_loop3A_272 = arith.addi %parallel_loop3A_46, %parallel_loop3A_271 : vector<16xi32>
      %parallel_loop3A_273 = tpu.vector_load_idx %arg4[%parallel_loop3A_272] : memref<8192xf32, #tpu.memory_space<vmem>>[vector<16xi32>], vector<16xf32>,
      %parallel_loop3A_274 = arith.constant 5.000000e-01 : f32
      %parallel_loop3A_275 = vector.broadcast %parallel_loop3A_274 : f32 to vector<16xf32>
      %parallel_loop3A_276 = arith.cmpf ogt, %parallel_loop3A_273, %parallel_loop3A_275 : vector<16xf32>
      %parallel_loop3A_277 = arith.constant 131072 : i32
      %parallel_loop3A_278 = arith.constant 0 : i32
      %parallel_loop3A_279 = vector.broadcast %parallel_loop3A_277 : i32 to vector<16xi32>
      %parallel_loop3A_280 = vector.broadcast %parallel_loop3A_278 : i32 to vector<16xi32>
      %parallel_loop3A_281 = arith.select %parallel_loop3A_276, %parallel_loop3A_279, %parallel_loop3A_280 : vector<16xi1>, vector<16xi32>
      %parallel_loop3A_282 = arith.ori %parallel_loop3A_269, %parallel_loop3A_281 : vector<16xi32>
      %parallel_loop3A_283 = arith.constant 18 : i32
      %parallel_loop3A_284 = vector.broadcast %parallel_loop3A_283 : i32 to vector<16xi32>
      %parallel_loop3A_285 = arith.addi %parallel_loop3A_46, %parallel_loop3A_284 : vector<16xi32>
      %parallel_loop3A_286 = tpu.vector_load_idx %arg4[%parallel_loop3A_285] : memref<8192xf32, #tpu.memory_space<vmem>>[vector<16xi32>], vector<16xf32>,
      %parallel_loop3A_287 = arith.constant 5.000000e-01 : f32
      %parallel_loop3A_288 = vector.broadcast %parallel_loop3A_287 : f32 to vector<16xf32>
      %parallel_loop3A_289 = arith.cmpf ogt, %parallel_loop3A_286, %parallel_loop3A_288 : vector<16xf32>
      %parallel_loop3A_290 = arith.constant 262144 : i32
      %parallel_loop3A_291 = arith.constant 0 : i32
      %parallel_loop3A_292 = vector.broadcast %parallel_loop3A_290 : i32 to vector<16xi32>
      %parallel_loop3A_293 = vector.broadcast %parallel_loop3A_291 : i32 to vector<16xi32>
      %parallel_loop3A_294 = arith.select %parallel_loop3A_289, %parallel_loop3A_292, %parallel_loop3A_293 : vector<16xi1>, vector<16xi32>
      %parallel_loop3A_295 = arith.ori %parallel_loop3A_282, %parallel_loop3A_294 : vector<16xi32>
      %parallel_loop3A_296 = arith.constant 19 : i32
      %parallel_loop3A_297 = vector.broadcast %parallel_loop3A_296 : i32 to vector<16xi32>
      %parallel_loop3A_298 = arith.addi %parallel_loop3A_46, %parallel_loop3A_297 : vector<16xi32>
      %parallel_loop3A_299 = tpu.vector_load_idx %arg4[%parallel_loop3A_298] : memref<8192xf32, #tpu.memory_space<vmem>>[vector<16xi32>], vector<16xf32>,
      %parallel_loop3A_300 = arith.constant 5.000000e-01 : f32
      %parallel_loop3A_301 = vector.broadcast %parallel_loop3A_300 : f32 to vector<16xf32>
      %parallel_loop3A_302 = arith.cmpf ogt, %parallel_loop3A_299, %parallel_loop3A_301 : vector<16xf32>
      %parallel_loop3A_303 = arith.constant 524288 : i32
      %parallel_loop3A_304 = arith.constant 0 : i32
      %parallel_loop3A_305 = vector.broadcast %parallel_loop3A_303 : i32 to vector<16xi32>
      %parallel_loop3A_306 = vector.broadcast %parallel_loop3A_304 : i32 to vector<16xi32>
      %parallel_loop3A_307 = arith.select %parallel_loop3A_302, %parallel_loop3A_305, %parallel_loop3A_306 : vector<16xi1>, vector<16xi32>
      %parallel_loop3A_308 = arith.ori %parallel_loop3A_295, %parallel_loop3A_307 : vector<16xi32>
      %parallel_loop3A_309 = arith.constant 20 : i32
      %parallel_loop3A_310 = vector.broadcast %parallel_loop3A_309 : i32 to vector<16xi32>
      %parallel_loop3A_311 = arith.addi %parallel_loop3A_46, %parallel_loop3A_310 : vector<16xi32>
      %parallel_loop3A_312 = tpu.vector_load_idx %arg4[%parallel_loop3A_311] : memref<8192xf32, #tpu.memory_space<vmem>>[vector<16xi32>], vector<16xf32>,
      %parallel_loop3A_313 = arith.constant 5.000000e-01 : f32
      %parallel_loop3A_314 = vector.broadcast %parallel_loop3A_313 : f32 to vector<16xf32>
      %parallel_loop3A_315 = arith.cmpf ogt, %parallel_loop3A_312, %parallel_loop3A_314 : vector<16xf32>
      %parallel_loop3A_316 = arith.constant 1048576 : i32
      %parallel_loop3A_317 = arith.constant 0 : i32
      %parallel_loop3A_318 = vector.broadcast %parallel_loop3A_316 : i32 to vector<16xi32>
      %parallel_loop3A_319 = vector.broadcast %parallel_loop3A_317 : i32 to vector<16xi32>
      %parallel_loop3A_320 = arith.select %parallel_loop3A_315, %parallel_loop3A_318, %parallel_loop3A_319 : vector<16xi1>, vector<16xi32>
      %parallel_loop3A_321 = arith.ori %parallel_loop3A_308, %parallel_loop3A_320 : vector<16xi32>
      %parallel_loop3A_322 = arith.constant 21 : i32
      %parallel_loop3A_323 = vector.broadcast %parallel_loop3A_322 : i32 to vector<16xi32>
      %parallel_loop3A_324 = arith.addi %parallel_loop3A_46, %parallel_loop3A_323 : vector<16xi32>
      %parallel_loop3A_325 = tpu.vector_load_idx %arg4[%parallel_loop3A_324] : memref<8192xf32, #tpu.memory_space<vmem>>[vector<16xi32>], vector<16xf32>,
      %parallel_loop3A_326 = arith.constant 5.000000e-01 : f32
      %parallel_loop3A_327 = vector.broadcast %parallel_loop3A_326 : f32 to vector<16xf32>
      %parallel_loop3A_328 = arith.cmpf ogt, %parallel_loop3A_325, %parallel_loop3A_327 : vector<16xf32>
      %parallel_loop3A_329 = arith.constant 2097152 : i32
      %parallel_loop3A_330 = arith.constant 0 : i32
      %parallel_loop3A_331 = vector.broadcast %parallel_loop3A_329 : i32 to vector<16xi32>
      %parallel_loop3A_332 = vector.broadcast %parallel_loop3A_330 : i32 to vector<16xi32>
      %parallel_loop3A_333 = arith.select %parallel_loop3A_328, %parallel_loop3A_331, %parallel_loop3A_332 : vector<16xi1>, vector<16xi32>
      %parallel_loop3A_334 = arith.ori %parallel_loop3A_321, %parallel_loop3A_333 : vector<16xi32>
      %parallel_loop3A_335 = arith.constant 22 : i32
      %parallel_loop3A_336 = vector.broadcast %parallel_loop3A_335 : i32 to vector<16xi32>
      %parallel_loop3A_337 = arith.addi %parallel_loop3A_46, %parallel_loop3A_336 : vector<16xi32>
      %parallel_loop3A_338 = tpu.vector_load_idx %arg4[%parallel_loop3A_337] : memref<8192xf32, #tpu.memory_space<vmem>>[vector<16xi32>], vector<16xf32>,
      %parallel_loop3A_339 = arith.constant 5.000000e-01 : f32
      %parallel_loop3A_340 = vector.broadcast %parallel_loop3A_339 : f32 to vector<16xf32>
      %parallel_loop3A_341 = arith.cmpf ogt, %parallel_loop3A_338, %parallel_loop3A_340 : vector<16xf32>
      %parallel_loop3A_342 = arith.constant 4194304 : i32
      %parallel_loop3A_343 = arith.constant 0 : i32
      %parallel_loop3A_344 = vector.broadcast %parallel_loop3A_342 : i32 to vector<16xi32>
      %parallel_loop3A_345 = vector.broadcast %parallel_loop3A_343 : i32 to vector<16xi32>
      %parallel_loop3A_346 = arith.select %parallel_loop3A_341, %parallel_loop3A_344, %parallel_loop3A_345 : vector<16xi1>, vector<16xi32>
      %parallel_loop3A_347 = arith.ori %parallel_loop3A_334, %parallel_loop3A_346 : vector<16xi32>
      %parallel_loop3A_348 = arith.constant 23 : i32
      %parallel_loop3A_349 = vector.broadcast %parallel_loop3A_348 : i32 to vector<16xi32>
      %parallel_loop3A_350 = arith.addi %parallel_loop3A_46, %parallel_loop3A_349 : vector<16xi32>
      %parallel_loop3A_351 = tpu.vector_load_idx %arg4[%parallel_loop3A_350] : memref<8192xf32, #tpu.memory_space<vmem>>[vector<16xi32>], vector<16xf32>,
      %parallel_loop3A_352 = arith.constant 5.000000e-01 : f32
      %parallel_loop3A_353 = vector.broadcast %parallel_loop3A_352 : f32 to vector<16xf32>
      %parallel_loop3A_354 = arith.cmpf ogt, %parallel_loop3A_351, %parallel_loop3A_353 : vector<16xf32>
      %parallel_loop3A_355 = arith.constant 8388608 : i32
      %parallel_loop3A_356 = arith.constant 0 : i32
      %parallel_loop3A_357 = vector.broadcast %parallel_loop3A_355 : i32 to vector<16xi32>
      %parallel_loop3A_358 = vector.broadcast %parallel_loop3A_356 : i32 to vector<16xi32>
      %parallel_loop3A_359 = arith.select %parallel_loop3A_354, %parallel_loop3A_357, %parallel_loop3A_358 : vector<16xi1>, vector<16xi32>
      %parallel_loop3A_360 = arith.ori %parallel_loop3A_347, %parallel_loop3A_359 : vector<16xi32>
      %parallel_loop3A_361 = arith.constant 24 : i32
      %parallel_loop3A_362 = vector.broadcast %parallel_loop3A_361 : i32 to vector<16xi32>
      %parallel_loop3A_363 = arith.addi %parallel_loop3A_46, %parallel_loop3A_362 : vector<16xi32>
      %parallel_loop3A_364 = tpu.vector_load_idx %arg4[%parallel_loop3A_363] : memref<8192xf32, #tpu.memory_space<vmem>>[vector<16xi32>], vector<16xf32>,
      %parallel_loop3A_365 = arith.constant 5.000000e-01 : f32
      %parallel_loop3A_366 = vector.broadcast %parallel_loop3A_365 : f32 to vector<16xf32>
      %parallel_loop3A_367 = arith.cmpf ogt, %parallel_loop3A_364, %parallel_loop3A_366 : vector<16xf32>
      %parallel_loop3A_368 = arith.constant 16777216 : i32
      %parallel_loop3A_369 = arith.constant 0 : i32
      %parallel_loop3A_370 = vector.broadcast %parallel_loop3A_368 : i32 to vector<16xi32>
      %parallel_loop3A_371 = vector.broadcast %parallel_loop3A_369 : i32 to vector<16xi32>
      %parallel_loop3A_372 = arith.select %parallel_loop3A_367, %parallel_loop3A_370, %parallel_loop3A_371 : vector<16xi1>, vector<16xi32>
      %parallel_loop3A_373 = arith.ori %parallel_loop3A_360, %parallel_loop3A_372 : vector<16xi32>
      %parallel_loop3A_374 = arith.constant 25 : i32
      %parallel_loop3A_375 = vector.broadcast %parallel_loop3A_374 : i32 to vector<16xi32>
      %parallel_loop3A_376 = arith.addi %parallel_loop3A_46, %parallel_loop3A_375 : vector<16xi32>
      %parallel_loop3A_377 = tpu.vector_load_idx %arg4[%parallel_loop3A_376] : memref<8192xf32, #tpu.memory_space<vmem>>[vector<16xi32>], vector<16xf32>,
      %parallel_loop3A_378 = arith.constant 5.000000e-01 : f32
      %parallel_loop3A_379 = vector.broadcast %parallel_loop3A_378 : f32 to vector<16xf32>
      %parallel_loop3A_380 = arith.cmpf ogt, %parallel_loop3A_377, %parallel_loop3A_379 : vector<16xf32>
      %parallel_loop3A_381 = arith.constant 33554432 : i32
      %parallel_loop3A_382 = arith.constant 0 : i32
      %parallel_loop3A_383 = vector.broadcast %parallel_loop3A_381 : i32 to vector<16xi32>
      %parallel_loop3A_384 = vector.broadcast %parallel_loop3A_382 : i32 to vector<16xi32>
      %parallel_loop3A_385 = arith.select %parallel_loop3A_380, %parallel_loop3A_383, %parallel_loop3A_384 : vector<16xi1>, vector<16xi32>
      %parallel_loop3A_386 = arith.ori %parallel_loop3A_373, %parallel_loop3A_385 : vector<16xi32>
      %parallel_loop3A_387 = arith.constant 26 : i32
      %parallel_loop3A_388 = vector.broadcast %parallel_loop3A_387 : i32 to vector<16xi32>
      %parallel_loop3A_389 = arith.addi %parallel_loop3A_46, %parallel_loop3A_388 : vector<16xi32>
      %parallel_loop3A_390 = tpu.vector_load_idx %arg4[%parallel_loop3A_389] : memref<8192xf32, #tpu.memory_space<vmem>>[vector<16xi32>], vector<16xf32>,
      %parallel_loop3A_391 = arith.constant 5.000000e-01 : f32
      %parallel_loop3A_392 = vector.broadcast %parallel_loop3A_391 : f32 to vector<16xf32>
      %parallel_loop3A_393 = arith.cmpf ogt, %parallel_loop3A_390, %parallel_loop3A_392 : vector<16xf32>
      %parallel_loop3A_394 = arith.constant 67108864 : i32
      %parallel_loop3A_395 = arith.constant 0 : i32
      %parallel_loop3A_396 = vector.broadcast %parallel_loop3A_394 : i32 to vector<16xi32>
      %parallel_loop3A_397 = vector.broadcast %parallel_loop3A_395 : i32 to vector<16xi32>
      %parallel_loop3A_398 = arith.select %parallel_loop3A_393, %parallel_loop3A_396, %parallel_loop3A_397 : vector<16xi1>, vector<16xi32>
      %parallel_loop3A_399 = arith.ori %parallel_loop3A_386, %parallel_loop3A_398 : vector<16xi32>
      %parallel_loop3A_400 = arith.constant 27 : i32
      %parallel_loop3A_401 = vector.broadcast %parallel_loop3A_400 : i32 to vector<16xi32>
      %parallel_loop3A_402 = arith.addi %parallel_loop3A_46, %parallel_loop3A_401 : vector<16xi32>
      %parallel_loop3A_403 = tpu.vector_load_idx %arg4[%parallel_loop3A_402] : memref<8192xf32, #tpu.memory_space<vmem>>[vector<16xi32>], vector<16xf32>,
      %parallel_loop3A_404 = arith.constant 5.000000e-01 : f32
      %parallel_loop3A_405 = vector.broadcast %parallel_loop3A_404 : f32 to vector<16xf32>
      %parallel_loop3A_406 = arith.cmpf ogt, %parallel_loop3A_403, %parallel_loop3A_405 : vector<16xf32>
      %parallel_loop3A_407 = arith.constant 134217728 : i32
      %parallel_loop3A_408 = arith.constant 0 : i32
      %parallel_loop3A_409 = vector.broadcast %parallel_loop3A_407 : i32 to vector<16xi32>
      %parallel_loop3A_410 = vector.broadcast %parallel_loop3A_408 : i32 to vector<16xi32>
      %parallel_loop3A_411 = arith.select %parallel_loop3A_406, %parallel_loop3A_409, %parallel_loop3A_410 : vector<16xi1>, vector<16xi32>
      %parallel_loop3A_412 = arith.ori %parallel_loop3A_399, %parallel_loop3A_411 : vector<16xi32>
      %parallel_loop3A_413 = arith.constant 28 : i32
      %parallel_loop3A_414 = vector.broadcast %parallel_loop3A_413 : i32 to vector<16xi32>
      %parallel_loop3A_415 = arith.addi %parallel_loop3A_46, %parallel_loop3A_414 : vector<16xi32>
      %parallel_loop3A_416 = tpu.vector_load_idx %arg4[%parallel_loop3A_415] : memref<8192xf32, #tpu.memory_space<vmem>>[vector<16xi32>], vector<16xf32>,
      %parallel_loop3A_417 = arith.constant 5.000000e-01 : f32
      %parallel_loop3A_418 = vector.broadcast %parallel_loop3A_417 : f32 to vector<16xf32>
      %parallel_loop3A_419 = arith.cmpf ogt, %parallel_loop3A_416, %parallel_loop3A_418 : vector<16xf32>
      %parallel_loop3A_420 = arith.constant 268435456 : i32
      %parallel_loop3A_421 = arith.constant 0 : i32
      %parallel_loop3A_422 = vector.broadcast %parallel_loop3A_420 : i32 to vector<16xi32>
      %parallel_loop3A_423 = vector.broadcast %parallel_loop3A_421 : i32 to vector<16xi32>
      %parallel_loop3A_424 = arith.select %parallel_loop3A_419, %parallel_loop3A_422, %parallel_loop3A_423 : vector<16xi1>, vector<16xi32>
      %parallel_loop3A_425 = arith.ori %parallel_loop3A_412, %parallel_loop3A_424 : vector<16xi32>
      %parallel_loop3A_426 = arith.constant 29 : i32
      %parallel_loop3A_427 = vector.broadcast %parallel_loop3A_426 : i32 to vector<16xi32>
      %parallel_loop3A_428 = arith.addi %parallel_loop3A_46, %parallel_loop3A_427 : vector<16xi32>
      %parallel_loop3A_429 = tpu.vector_load_idx %arg4[%parallel_loop3A_428] : memref<8192xf32, #tpu.memory_space<vmem>>[vector<16xi32>], vector<16xf32>,
      %parallel_loop3A_430 = arith.constant 5.000000e-01 : f32
      %parallel_loop3A_431 = vector.broadcast %parallel_loop3A_430 : f32 to vector<16xf32>
      %parallel_loop3A_432 = arith.cmpf ogt, %parallel_loop3A_429, %parallel_loop3A_431 : vector<16xf32>
      %parallel_loop3A_433 = arith.constant 536870912 : i32
      %parallel_loop3A_434 = arith.constant 0 : i32
      %parallel_loop3A_435 = vector.broadcast %parallel_loop3A_433 : i32 to vector<16xi32>
      %parallel_loop3A_436 = vector.broadcast %parallel_loop3A_434 : i32 to vector<16xi32>
      %parallel_loop3A_437 = arith.select %parallel_loop3A_432, %parallel_loop3A_435, %parallel_loop3A_436 : vector<16xi1>, vector<16xi32>
      %parallel_loop3A_438 = arith.ori %parallel_loop3A_425, %parallel_loop3A_437 : vector<16xi32>
      %parallel_loop3A_439 = arith.constant 30 : i32
      %parallel_loop3A_440 = vector.broadcast %parallel_loop3A_439 : i32 to vector<16xi32>
      %parallel_loop3A_441 = arith.addi %parallel_loop3A_46, %parallel_loop3A_440 : vector<16xi32>
      %parallel_loop3A_442 = tpu.vector_load_idx %arg4[%parallel_loop3A_441] : memref<8192xf32, #tpu.memory_space<vmem>>[vector<16xi32>], vector<16xf32>,
      %parallel_loop3A_443 = arith.constant 5.000000e-01 : f32
      %parallel_loop3A_444 = vector.broadcast %parallel_loop3A_443 : f32 to vector<16xf32>
      %parallel_loop3A_445 = arith.cmpf ogt, %parallel_loop3A_442, %parallel_loop3A_444 : vector<16xf32>
      %parallel_loop3A_446 = arith.constant 1073741824 : i32
      %parallel_loop3A_447 = arith.constant 0 : i32
      %parallel_loop3A_448 = vector.broadcast %parallel_loop3A_446 : i32 to vector<16xi32>
      %parallel_loop3A_449 = vector.broadcast %parallel_loop3A_447 : i32 to vector<16xi32>
      %parallel_loop3A_450 = arith.select %parallel_loop3A_445, %parallel_loop3A_448, %parallel_loop3A_449 : vector<16xi1>, vector<16xi32>
      %parallel_loop3A_451 = arith.ori %parallel_loop3A_438, %parallel_loop3A_450 : vector<16xi32>
      %parallel_loop3A_452 = arith.constant 31 : i32
      %parallel_loop3A_453 = vector.broadcast %parallel_loop3A_452 : i32 to vector<16xi32>
      %parallel_loop3A_454 = arith.addi %parallel_loop3A_46, %parallel_loop3A_453 : vector<16xi32>
      %parallel_loop3A_455 = tpu.vector_load_idx %arg4[%parallel_loop3A_454] : memref<8192xf32, #tpu.memory_space<vmem>>[vector<16xi32>], vector<16xf32>,
      %parallel_loop3A_456 = arith.constant 5.000000e-01 : f32
      %parallel_loop3A_457 = vector.broadcast %parallel_loop3A_456 : f32 to vector<16xf32>
      %parallel_loop3A_458 = arith.cmpf ogt, %parallel_loop3A_455, %parallel_loop3A_457 : vector<16xf32>
      %parallel_loop3A_459 = arith.constant -2147483648 : i32
      %parallel_loop3A_460 = arith.constant 0 : i32
      %parallel_loop3A_461 = vector.broadcast %parallel_loop3A_459 : i32 to vector<16xi32>
      %parallel_loop3A_462 = vector.broadcast %parallel_loop3A_460 : i32 to vector<16xi32>
      %parallel_loop3A_463 = arith.select %parallel_loop3A_458, %parallel_loop3A_461, %parallel_loop3A_462 : vector<16xi1>, vector<16xi32>
      %parallel_loop3A_464 = arith.ori %parallel_loop3A_451, %parallel_loop3A_463 : vector<16xi32>
      %parallel_loop3A_465 = arith.constant 16 : i32
      %parallel_loop3A_466 = arith.muli %parallel_loop3A_39, %parallel_loop3A_465 : i32
      %parallel_loop3A_467 = arith.constant 0 : i32
      %parallel_loop3A_468 = arith.addi %parallel_loop3A_467, %parallel_loop3A_466 : i32
      %parallel_loop3A_469 = tpu.assume_multiple %parallel_loop3A_468, 16 : i32
      %parallel_loop3A_470 = arith.index_cast %parallel_loop3A_469 : i32 to index
      %parallel_loop3A_471 = tpu.vector_load %arg6[%parallel_loop3A_470] {strides = array<i32>} : memref<1024xi32, #tpu.memory_space<vmem>>, vector<16xi32>,
      tpu.vector_store %arg6[%parallel_loop3A_470], %parallel_loop3A_464 {strides = array<i32>} : memref<1024xi32, #tpu.memory_space<vmem>>, vector<16xi32>,
    } {sc.loop_unroll_factor = 2 : i64, sc.parallel_access}
    %add3A_13 = arith.constant 16384 : i32
    %add3A_14 = arith.addi %multiple_of3A, %add3A_13 : i32
    %dma_start3A_15 = tpu.memref_slice %arg2[%add3A_14] : memref<1048576xf32, #tpu.memory_space<hbm>> -> memref<8192xf32, #tpu.memory_space<hbm>>
    %dma_start3A_16 = tpu.memref_slice %arg2[%add3A_14] : memref<1048576xf32, #tpu.memory_space<hbm>> -> memref<8192xf32, #tpu.memory_space<hbm>>
    tpu.enqueue_dma source(%dma_start3A_16 : memref<8192xf32, #tpu.memory_space<hbm>>) target(%arg4 : memref<8192xf32, #tpu.memory_space<vmem>>) target_semaphore(%arg7 : memref<!tpu.dma_semaphore, #tpu.memory_space<semaphore_mem>>)
    %dma_wait3A_17 = tpu.memref_slice %arg2[%add3A_7] : memref<1048576xf32, #tpu.memory_space<hbm>> -> memref<8192xf32, #tpu.memory_space<hbm>>
    %dma_wait3A_18 = tpu.memref_slice %arg2[%add3A_7] : memref<1048576xf32, #tpu.memory_space<hbm>> -> memref<8192xf32, #tpu.memory_space<hbm>>
    tpu.wait_dma2 semaphore(%arg8 : memref<!tpu.dma_semaphore, #tpu.memory_space<semaphore_mem>>) src(%dma_wait3A_18 : memref<8192xf32, #tpu.memory_space<hbm>>) dst(%arg5 : memref<8192xf32, #tpu.memory_space<vmem>>)
    %parallel_loop3A_19 = arith.constant 0 : i32
    %parallel_loop3A_20 = arith.constant 16 : i32
    %parallel_loop3A_21 = arith.constant 1 : i32
    scf.for %parallel_loop3A_39 = %parallel_loop3A_19 to %parallel_loop3A_20 step %parallel_loop3A_21  : i32 {
      %parallel_loop3A_40 = arith.constant 32 : i32
      %parallel_loop3A_41 = vector.broadcast %parallel_loop3A_40 : i32 to vector<16xi32>
      %parallel_loop3A_42 = arith.muli %iota3A, %parallel_loop3A_41 : vector<16xi32>
      %parallel_loop3A_43 = arith.constant 512 : i32
      %parallel_loop3A_44 = arith.muli %parallel_loop3A_39, %parallel_loop3A_43 : i32
      %parallel_loop3A_45 = vector.broadcast %parallel_loop3A_44 : i32 to vector<16xi32>
      %parallel_loop3A_46 = arith.addi %parallel_loop3A_42, %parallel_loop3A_45 : vector<16xi32>
      %parallel_loop3A_47 = arith.constant 0 : i32
      %parallel_loop3A_48 = vector.broadcast %parallel_loop3A_47 : i32 to vector<16xi32>
      %parallel_loop3A_49 = arith.constant 0 : i32
      %parallel_loop3A_50 = vector.broadcast %parallel_loop3A_49 : i32 to vector<16xi32>
      %parallel_loop3A_51 = arith.addi %parallel_loop3A_46, %parallel_loop3A_50 : vector<16xi32>
      %parallel_loop3A_52 = tpu.vector_load_idx %arg5[%parallel_loop3A_51] : memref<8192xf32, #tpu.memory_space<vmem>>[vector<16xi32>], vector<16xf32>,
      %parallel_loop3A_53 = arith.constant 5.000000e-01 : f32
      %parallel_loop3A_54 = vector.broadcast %parallel_loop3A_53 : f32 to vector<16xf32>
      %parallel_loop3A_55 = arith.cmpf ogt, %parallel_loop3A_52, %parallel_loop3A_54 : vector<16xf32>
      %parallel_loop3A_56 = arith.constant 1 : i32
      %parallel_loop3A_57 = arith.constant 0 : i32
      %parallel_loop3A_58 = vector.broadcast %parallel_loop3A_56 : i32 to vector<16xi32>
      %parallel_loop3A_59 = vector.broadcast %parallel_loop3A_57 : i32 to vector<16xi32>
      %parallel_loop3A_60 = arith.select %parallel_loop3A_55, %parallel_loop3A_58, %parallel_loop3A_59 : vector<16xi1>, vector<16xi32>
      %parallel_loop3A_61 = arith.ori %parallel_loop3A_48, %parallel_loop3A_60 : vector<16xi32>
      %parallel_loop3A_62 = arith.constant 1 : i32
      %parallel_loop3A_63 = vector.broadcast %parallel_loop3A_62 : i32 to vector<16xi32>
      %parallel_loop3A_64 = arith.addi %parallel_loop3A_46, %parallel_loop3A_63 : vector<16xi32>
      %parallel_loop3A_65 = tpu.vector_load_idx %arg5[%parallel_loop3A_64] : memref<8192xf32, #tpu.memory_space<vmem>>[vector<16xi32>], vector<16xf32>,
      %parallel_loop3A_66 = arith.constant 5.000000e-01 : f32
      %parallel_loop3A_67 = vector.broadcast %parallel_loop3A_66 : f32 to vector<16xf32>
      %parallel_loop3A_68 = arith.cmpf ogt, %parallel_loop3A_65, %parallel_loop3A_67 : vector<16xf32>
      %parallel_loop3A_69 = arith.constant 2 : i32
      %parallel_loop3A_70 = arith.constant 0 : i32
      %parallel_loop3A_71 = vector.broadcast %parallel_loop3A_69 : i32 to vector<16xi32>
      %parallel_loop3A_72 = vector.broadcast %parallel_loop3A_70 : i32 to vector<16xi32>
      %parallel_loop3A_73 = arith.select %parallel_loop3A_68, %parallel_loop3A_71, %parallel_loop3A_72 : vector<16xi1>, vector<16xi32>
      %parallel_loop3A_74 = arith.ori %parallel_loop3A_61, %parallel_loop3A_73 : vector<16xi32>
      %parallel_loop3A_75 = arith.constant 2 : i32
      %parallel_loop3A_76 = vector.broadcast %parallel_loop3A_75 : i32 to vector<16xi32>
      %parallel_loop3A_77 = arith.addi %parallel_loop3A_46, %parallel_loop3A_76 : vector<16xi32>
      %parallel_loop3A_78 = tpu.vector_load_idx %arg5[%parallel_loop3A_77] : memref<8192xf32, #tpu.memory_space<vmem>>[vector<16xi32>], vector<16xf32>,
      %parallel_loop3A_79 = arith.constant 5.000000e-01 : f32
      %parallel_loop3A_80 = vector.broadcast %parallel_loop3A_79 : f32 to vector<16xf32>
      %parallel_loop3A_81 = arith.cmpf ogt, %parallel_loop3A_78, %parallel_loop3A_80 : vector<16xf32>
      %parallel_loop3A_82 = arith.constant 4 : i32
      %parallel_loop3A_83 = arith.constant 0 : i32
      %parallel_loop3A_84 = vector.broadcast %parallel_loop3A_82 : i32 to vector<16xi32>
      %parallel_loop3A_85 = vector.broadcast %parallel_loop3A_83 : i32 to vector<16xi32>
      %parallel_loop3A_86 = arith.select %parallel_loop3A_81, %parallel_loop3A_84, %parallel_loop3A_85 : vector<16xi1>, vector<16xi32>
      %parallel_loop3A_87 = arith.ori %parallel_loop3A_74, %parallel_loop3A_86 : vector<16xi32>
      %parallel_loop3A_88 = arith.constant 3 : i32
      %parallel_loop3A_89 = vector.broadcast %parallel_loop3A_88 : i32 to vector<16xi32>
      %parallel_loop3A_90 = arith.addi %parallel_loop3A_46, %parallel_loop3A_89 : vector<16xi32>
      %parallel_loop3A_91 = tpu.vector_load_idx %arg5[%parallel_loop3A_90] : memref<8192xf32, #tpu.memory_space<vmem>>[vector<16xi32>], vector<16xf32>,
      %parallel_loop3A_92 = arith.constant 5.000000e-01 : f32
      %parallel_loop3A_93 = vector.broadcast %parallel_loop3A_92 : f32 to vector<16xf32>
      %parallel_loop3A_94 = arith.cmpf ogt, %parallel_loop3A_91, %parallel_loop3A_93 : vector<16xf32>
      %parallel_loop3A_95 = arith.constant 8 : i32
      %parallel_loop3A_96 = arith.constant 0 : i32
      %parallel_loop3A_97 = vector.broadcast %parallel_loop3A_95 : i32 to vector<16xi32>
      %parallel_loop3A_98 = vector.broadcast %parallel_loop3A_96 : i32 to vector<16xi32>
      %parallel_loop3A_99 = arith.select %parallel_loop3A_94, %parallel_loop3A_97, %parallel_loop3A_98 : vector<16xi1>, vector<16xi32>
      %parallel_loop3A_100 = arith.ori %parallel_loop3A_87, %parallel_loop3A_99 : vector<16xi32>
      %parallel_loop3A_101 = arith.constant 4 : i32
      %parallel_loop3A_102 = vector.broadcast %parallel_loop3A_101 : i32 to vector<16xi32>
      %parallel_loop3A_103 = arith.addi %parallel_loop3A_46, %parallel_loop3A_102 : vector<16xi32>
      %parallel_loop3A_104 = tpu.vector_load_idx %arg5[%parallel_loop3A_103] : memref<8192xf32, #tpu.memory_space<vmem>>[vector<16xi32>], vector<16xf32>,
      %parallel_loop3A_105 = arith.constant 5.000000e-01 : f32
      %parallel_loop3A_106 = vector.broadcast %parallel_loop3A_105 : f32 to vector<16xf32>
      %parallel_loop3A_107 = arith.cmpf ogt, %parallel_loop3A_104, %parallel_loop3A_106 : vector<16xf32>
      %parallel_loop3A_108 = arith.constant 16 : i32
      %parallel_loop3A_109 = arith.constant 0 : i32
      %parallel_loop3A_110 = vector.broadcast %parallel_loop3A_108 : i32 to vector<16xi32>
      %parallel_loop3A_111 = vector.broadcast %parallel_loop3A_109 : i32 to vector<16xi32>
      %parallel_loop3A_112 = arith.select %parallel_loop3A_107, %parallel_loop3A_110, %parallel_loop3A_111 : vector<16xi1>, vector<16xi32>
      %parallel_loop3A_113 = arith.ori %parallel_loop3A_100, %parallel_loop3A_112 : vector<16xi32>
      %parallel_loop3A_114 = arith.constant 5 : i32
      %parallel_loop3A_115 = vector.broadcast %parallel_loop3A_114 : i32 to vector<16xi32>
      %parallel_loop3A_116 = arith.addi %parallel_loop3A_46, %parallel_loop3A_115 : vector<16xi32>
      %parallel_loop3A_117 = tpu.vector_load_idx %arg5[%parallel_loop3A_116] : memref<8192xf32, #tpu.memory_space<vmem>>[vector<16xi32>], vector<16xf32>,
      %parallel_loop3A_118 = arith.constant 5.000000e-01 : f32
      %parallel_loop3A_119 = vector.broadcast %parallel_loop3A_118 : f32 to vector<16xf32>
      %parallel_loop3A_120 = arith.cmpf ogt, %parallel_loop3A_117, %parallel_loop3A_119 : vector<16xf32>
      %parallel_loop3A_121 = arith.constant 32 : i32
      %parallel_loop3A_122 = arith.constant 0 : i32
      %parallel_loop3A_123 = vector.broadcast %parallel_loop3A_121 : i32 to vector<16xi32>
      %parallel_loop3A_124 = vector.broadcast %parallel_loop3A_122 : i32 to vector<16xi32>
      %parallel_loop3A_125 = arith.select %parallel_loop3A_120, %parallel_loop3A_123, %parallel_loop3A_124 : vector<16xi1>, vector<16xi32>
      %parallel_loop3A_126 = arith.ori %parallel_loop3A_113, %parallel_loop3A_125 : vector<16xi32>
      %parallel_loop3A_127 = arith.constant 6 : i32
      %parallel_loop3A_128 = vector.broadcast %parallel_loop3A_127 : i32 to vector<16xi32>
      %parallel_loop3A_129 = arith.addi %parallel_loop3A_46, %parallel_loop3A_128 : vector<16xi32>
      %parallel_loop3A_130 = tpu.vector_load_idx %arg5[%parallel_loop3A_129] : memref<8192xf32, #tpu.memory_space<vmem>>[vector<16xi32>], vector<16xf32>,
      %parallel_loop3A_131 = arith.constant 5.000000e-01 : f32
      %parallel_loop3A_132 = vector.broadcast %parallel_loop3A_131 : f32 to vector<16xf32>
      %parallel_loop3A_133 = arith.cmpf ogt, %parallel_loop3A_130, %parallel_loop3A_132 : vector<16xf32>
      %parallel_loop3A_134 = arith.constant 64 : i32
      %parallel_loop3A_135 = arith.constant 0 : i32
      %parallel_loop3A_136 = vector.broadcast %parallel_loop3A_134 : i32 to vector<16xi32>
      %parallel_loop3A_137 = vector.broadcast %parallel_loop3A_135 : i32 to vector<16xi32>
      %parallel_loop3A_138 = arith.select %parallel_loop3A_133, %parallel_loop3A_136, %parallel_loop3A_137 : vector<16xi1>, vector<16xi32>
      %parallel_loop3A_139 = arith.ori %parallel_loop3A_126, %parallel_loop3A_138 : vector<16xi32>
      %parallel_loop3A_140 = arith.constant 7 : i32
      %parallel_loop3A_141 = vector.broadcast %parallel_loop3A_140 : i32 to vector<16xi32>
      %parallel_loop3A_142 = arith.addi %parallel_loop3A_46, %parallel_loop3A_141 : vector<16xi32>
      %parallel_loop3A_143 = tpu.vector_load_idx %arg5[%parallel_loop3A_142] : memref<8192xf32, #tpu.memory_space<vmem>>[vector<16xi32>], vector<16xf32>,
      %parallel_loop3A_144 = arith.constant 5.000000e-01 : f32
      %parallel_loop3A_145 = vector.broadcast %parallel_loop3A_144 : f32 to vector<16xf32>
      %parallel_loop3A_146 = arith.cmpf ogt, %parallel_loop3A_143, %parallel_loop3A_145 : vector<16xf32>
      %parallel_loop3A_147 = arith.constant 128 : i32
      %parallel_loop3A_148 = arith.constant 0 : i32
      %parallel_loop3A_149 = vector.broadcast %parallel_loop3A_147 : i32 to vector<16xi32>
      %parallel_loop3A_150 = vector.broadcast %parallel_loop3A_148 : i32 to vector<16xi32>
      %parallel_loop3A_151 = arith.select %parallel_loop3A_146, %parallel_loop3A_149, %parallel_loop3A_150 : vector<16xi1>, vector<16xi32>
      %parallel_loop3A_152 = arith.ori %parallel_loop3A_139, %parallel_loop3A_151 : vector<16xi32>
      %parallel_loop3A_153 = arith.constant 8 : i32
      %parallel_loop3A_154 = vector.broadcast %parallel_loop3A_153 : i32 to vector<16xi32>
      %parallel_loop3A_155 = arith.addi %parallel_loop3A_46, %parallel_loop3A_154 : vector<16xi32>
      %parallel_loop3A_156 = tpu.vector_load_idx %arg5[%parallel_loop3A_155] : memref<8192xf32, #tpu.memory_space<vmem>>[vector<16xi32>], vector<16xf32>,
      %parallel_loop3A_157 = arith.constant 5.000000e-01 : f32
      %parallel_loop3A_158 = vector.broadcast %parallel_loop3A_157 : f32 to vector<16xf32>
      %parallel_loop3A_159 = arith.cmpf ogt, %parallel_loop3A_156, %parallel_loop3A_158 : vector<16xf32>
      %parallel_loop3A_160 = arith.constant 256 : i32
      %parallel_loop3A_161 = arith.constant 0 : i32
      %parallel_loop3A_162 = vector.broadcast %parallel_loop3A_160 : i32 to vector<16xi32>
      %parallel_loop3A_163 = vector.broadcast %parallel_loop3A_161 : i32 to vector<16xi32>
      %parallel_loop3A_164 = arith.select %parallel_loop3A_159, %parallel_loop3A_162, %parallel_loop3A_163 : vector<16xi1>, vector<16xi32>
      %parallel_loop3A_165 = arith.ori %parallel_loop3A_152, %parallel_loop3A_164 : vector<16xi32>
      %parallel_loop3A_166 = arith.constant 9 : i32
      %parallel_loop3A_167 = vector.broadcast %parallel_loop3A_166 : i32 to vector<16xi32>
      %parallel_loop3A_168 = arith.addi %parallel_loop3A_46, %parallel_loop3A_167 : vector<16xi32>
      %parallel_loop3A_169 = tpu.vector_load_idx %arg5[%parallel_loop3A_168] : memref<8192xf32, #tpu.memory_space<vmem>>[vector<16xi32>], vector<16xf32>,
      %parallel_loop3A_170 = arith.constant 5.000000e-01 : f32
      %parallel_loop3A_171 = vector.broadcast %parallel_loop3A_170 : f32 to vector<16xf32>
      %parallel_loop3A_172 = arith.cmpf ogt, %parallel_loop3A_169, %parallel_loop3A_171 : vector<16xf32>
      %parallel_loop3A_173 = arith.constant 512 : i32
      %parallel_loop3A_174 = arith.constant 0 : i32
      %parallel_loop3A_175 = vector.broadcast %parallel_loop3A_173 : i32 to vector<16xi32>
      %parallel_loop3A_176 = vector.broadcast %parallel_loop3A_174 : i32 to vector<16xi32>
      %parallel_loop3A_177 = arith.select %parallel_loop3A_172, %parallel_loop3A_175, %parallel_loop3A_176 : vector<16xi1>, vector<16xi32>
      %parallel_loop3A_178 = arith.ori %parallel_loop3A_165, %parallel_loop3A_177 : vector<16xi32>
      %parallel_loop3A_179 = arith.constant 10 : i32
      %parallel_loop3A_180 = vector.broadcast %parallel_loop3A_179 : i32 to vector<16xi32>
      %parallel_loop3A_181 = arith.addi %parallel_loop3A_46, %parallel_loop3A_180 : vector<16xi32>
      %parallel_loop3A_182 = tpu.vector_load_idx %arg5[%parallel_loop3A_181] : memref<8192xf32, #tpu.memory_space<vmem>>[vector<16xi32>], vector<16xf32>,
      %parallel_loop3A_183 = arith.constant 5.000000e-01 : f32
      %parallel_loop3A_184 = vector.broadcast %parallel_loop3A_183 : f32 to vector<16xf32>
      %parallel_loop3A_185 = arith.cmpf ogt, %parallel_loop3A_182, %parallel_loop3A_184 : vector<16xf32>
      %parallel_loop3A_186 = arith.constant 1024 : i32
      %parallel_loop3A_187 = arith.constant 0 : i32
      %parallel_loop3A_188 = vector.broadcast %parallel_loop3A_186 : i32 to vector<16xi32>
      %parallel_loop3A_189 = vector.broadcast %parallel_loop3A_187 : i32 to vector<16xi32>
      %parallel_loop3A_190 = arith.select %parallel_loop3A_185, %parallel_loop3A_188, %parallel_loop3A_189 : vector<16xi1>, vector<16xi32>
      %parallel_loop3A_191 = arith.ori %parallel_loop3A_178, %parallel_loop3A_190 : vector<16xi32>
      %parallel_loop3A_192 = arith.constant 11 : i32
      %parallel_loop3A_193 = vector.broadcast %parallel_loop3A_192 : i32 to vector<16xi32>
      %parallel_loop3A_194 = arith.addi %parallel_loop3A_46, %parallel_loop3A_193 : vector<16xi32>
      %parallel_loop3A_195 = tpu.vector_load_idx %arg5[%parallel_loop3A_194] : memref<8192xf32, #tpu.memory_space<vmem>>[vector<16xi32>], vector<16xf32>,
      %parallel_loop3A_196 = arith.constant 5.000000e-01 : f32
      %parallel_loop3A_197 = vector.broadcast %parallel_loop3A_196 : f32 to vector<16xf32>
      %parallel_loop3A_198 = arith.cmpf ogt, %parallel_loop3A_195, %parallel_loop3A_197 : vector<16xf32>
      %parallel_loop3A_199 = arith.constant 2048 : i32
      %parallel_loop3A_200 = arith.constant 0 : i32
      %parallel_loop3A_201 = vector.broadcast %parallel_loop3A_199 : i32 to vector<16xi32>
      %parallel_loop3A_202 = vector.broadcast %parallel_loop3A_200 : i32 to vector<16xi32>
      %parallel_loop3A_203 = arith.select %parallel_loop3A_198, %parallel_loop3A_201, %parallel_loop3A_202 : vector<16xi1>, vector<16xi32>
      %parallel_loop3A_204 = arith.ori %parallel_loop3A_191, %parallel_loop3A_203 : vector<16xi32>
      %parallel_loop3A_205 = arith.constant 12 : i32
      %parallel_loop3A_206 = vector.broadcast %parallel_loop3A_205 : i32 to vector<16xi32>
      %parallel_loop3A_207 = arith.addi %parallel_loop3A_46, %parallel_loop3A_206 : vector<16xi32>
      %parallel_loop3A_208 = tpu.vector_load_idx %arg5[%parallel_loop3A_207] : memref<8192xf32, #tpu.memory_space<vmem>>[vector<16xi32>], vector<16xf32>,
      %parallel_loop3A_209 = arith.constant 5.000000e-01 : f32
      %parallel_loop3A_210 = vector.broadcast %parallel_loop3A_209 : f32 to vector<16xf32>
      %parallel_loop3A_211 = arith.cmpf ogt, %parallel_loop3A_208, %parallel_loop3A_210 : vector<16xf32>
      %parallel_loop3A_212 = arith.constant 4096 : i32
      %parallel_loop3A_213 = arith.constant 0 : i32
      %parallel_loop3A_214 = vector.broadcast %parallel_loop3A_212 : i32 to vector<16xi32>
      %parallel_loop3A_215 = vector.broadcast %parallel_loop3A_213 : i32 to vector<16xi32>
      %parallel_loop3A_216 = arith.select %parallel_loop3A_211, %parallel_loop3A_214, %parallel_loop3A_215 : vector<16xi1>, vector<16xi32>
      %parallel_loop3A_217 = arith.ori %parallel_loop3A_204, %parallel_loop3A_216 : vector<16xi32>
      %parallel_loop3A_218 = arith.constant 13 : i32
      %parallel_loop3A_219 = vector.broadcast %parallel_loop3A_218 : i32 to vector<16xi32>
      %parallel_loop3A_220 = arith.addi %parallel_loop3A_46, %parallel_loop3A_219 : vector<16xi32>
      %parallel_loop3A_221 = tpu.vector_load_idx %arg5[%parallel_loop3A_220] : memref<8192xf32, #tpu.memory_space<vmem>>[vector<16xi32>], vector<16xf32>,
      %parallel_loop3A_222 = arith.constant 5.000000e-01 : f32
      %parallel_loop3A_223 = vector.broadcast %parallel_loop3A_222 : f32 to vector<16xf32>
      %parallel_loop3A_224 = arith.cmpf ogt, %parallel_loop3A_221, %parallel_loop3A_223 : vector<16xf32>
      %parallel_loop3A_225 = arith.constant 8192 : i32
      %parallel_loop3A_226 = arith.constant 0 : i32
      %parallel_loop3A_227 = vector.broadcast %parallel_loop3A_225 : i32 to vector<16xi32>
      %parallel_loop3A_228 = vector.broadcast %parallel_loop3A_226 : i32 to vector<16xi32>
      %parallel_loop3A_229 = arith.select %parallel_loop3A_224, %parallel_loop3A_227, %parallel_loop3A_228 : vector<16xi1>, vector<16xi32>
      %parallel_loop3A_230 = arith.ori %parallel_loop3A_217, %parallel_loop3A_229 : vector<16xi32>
      %parallel_loop3A_231 = arith.constant 14 : i32
      %parallel_loop3A_232 = vector.broadcast %parallel_loop3A_231 : i32 to vector<16xi32>
      %parallel_loop3A_233 = arith.addi %parallel_loop3A_46, %parallel_loop3A_232 : vector<16xi32>
      %parallel_loop3A_234 = tpu.vector_load_idx %arg5[%parallel_loop3A_233] : memref<8192xf32, #tpu.memory_space<vmem>>[vector<16xi32>], vector<16xf32>,
      %parallel_loop3A_235 = arith.constant 5.000000e-01 : f32
      %parallel_loop3A_236 = vector.broadcast %parallel_loop3A_235 : f32 to vector<16xf32>
      %parallel_loop3A_237 = arith.cmpf ogt, %parallel_loop3A_234, %parallel_loop3A_236 : vector<16xf32>
      %parallel_loop3A_238 = arith.constant 16384 : i32
      %parallel_loop3A_239 = arith.constant 0 : i32
      %parallel_loop3A_240 = vector.broadcast %parallel_loop3A_238 : i32 to vector<16xi32>
      %parallel_loop3A_241 = vector.broadcast %parallel_loop3A_239 : i32 to vector<16xi32>
      %parallel_loop3A_242 = arith.select %parallel_loop3A_237, %parallel_loop3A_240, %parallel_loop3A_241 : vector<16xi1>, vector<16xi32>
      %parallel_loop3A_243 = arith.ori %parallel_loop3A_230, %parallel_loop3A_242 : vector<16xi32>
      %parallel_loop3A_244 = arith.constant 15 : i32
      %parallel_loop3A_245 = vector.broadcast %parallel_loop3A_244 : i32 to vector<16xi32>
      %parallel_loop3A_246 = arith.addi %parallel_loop3A_46, %parallel_loop3A_245 : vector<16xi32>
      %parallel_loop3A_247 = tpu.vector_load_idx %arg5[%parallel_loop3A_246] : memref<8192xf32, #tpu.memory_space<vmem>>[vector<16xi32>], vector<16xf32>,
      %parallel_loop3A_248 = arith.constant 5.000000e-01 : f32
      %parallel_loop3A_249 = vector.broadcast %parallel_loop3A_248 : f32 to vector<16xf32>
      %parallel_loop3A_250 = arith.cmpf ogt, %parallel_loop3A_247, %parallel_loop3A_249 : vector<16xf32>
      %parallel_loop3A_251 = arith.constant 32768 : i32
      %parallel_loop3A_252 = arith.constant 0 : i32
      %parallel_loop3A_253 = vector.broadcast %parallel_loop3A_251 : i32 to vector<16xi32>
      %parallel_loop3A_254 = vector.broadcast %parallel_loop3A_252 : i32 to vector<16xi32>
      %parallel_loop3A_255 = arith.select %parallel_loop3A_250, %parallel_loop3A_253, %parallel_loop3A_254 : vector<16xi1>, vector<16xi32>
      %parallel_loop3A_256 = arith.ori %parallel_loop3A_243, %parallel_loop3A_255 : vector<16xi32>
      %parallel_loop3A_257 = arith.constant 16 : i32
      %parallel_loop3A_258 = vector.broadcast %parallel_loop3A_257 : i32 to vector<16xi32>
      %parallel_loop3A_259 = arith.addi %parallel_loop3A_46, %parallel_loop3A_258 : vector<16xi32>
      %parallel_loop3A_260 = tpu.vector_load_idx %arg5[%parallel_loop3A_259] : memref<8192xf32, #tpu.memory_space<vmem>>[vector<16xi32>], vector<16xf32>,
      %parallel_loop3A_261 = arith.constant 5.000000e-01 : f32
      %parallel_loop3A_262 = vector.broadcast %parallel_loop3A_261 : f32 to vector<16xf32>
      %parallel_loop3A_263 = arith.cmpf ogt, %parallel_loop3A_260, %parallel_loop3A_262 : vector<16xf32>
      %parallel_loop3A_264 = arith.constant 65536 : i32
      %parallel_loop3A_265 = arith.constant 0 : i32
      %parallel_loop3A_266 = vector.broadcast %parallel_loop3A_264 : i32 to vector<16xi32>
      %parallel_loop3A_267 = vector.broadcast %parallel_loop3A_265 : i32 to vector<16xi32>
      %parallel_loop3A_268 = arith.select %parallel_loop3A_263, %parallel_loop3A_266, %parallel_loop3A_267 : vector<16xi1>, vector<16xi32>
      %parallel_loop3A_269 = arith.ori %parallel_loop3A_256, %parallel_loop3A_268 : vector<16xi32>
      %parallel_loop3A_270 = arith.constant 17 : i32
      %parallel_loop3A_271 = vector.broadcast %parallel_loop3A_270 : i32 to vector<16xi32>
      %parallel_loop3A_272 = arith.addi %parallel_loop3A_46, %parallel_loop3A_271 : vector<16xi32>
      %parallel_loop3A_273 = tpu.vector_load_idx %arg5[%parallel_loop3A_272] : memref<8192xf32, #tpu.memory_space<vmem>>[vector<16xi32>], vector<16xf32>,
      %parallel_loop3A_274 = arith.constant 5.000000e-01 : f32
      %parallel_loop3A_275 = vector.broadcast %parallel_loop3A_274 : f32 to vector<16xf32>
      %parallel_loop3A_276 = arith.cmpf ogt, %parallel_loop3A_273, %parallel_loop3A_275 : vector<16xf32>
      %parallel_loop3A_277 = arith.constant 131072 : i32
      %parallel_loop3A_278 = arith.constant 0 : i32
      %parallel_loop3A_279 = vector.broadcast %parallel_loop3A_277 : i32 to vector<16xi32>
      %parallel_loop3A_280 = vector.broadcast %parallel_loop3A_278 : i32 to vector<16xi32>
      %parallel_loop3A_281 = arith.select %parallel_loop3A_276, %parallel_loop3A_279, %parallel_loop3A_280 : vector<16xi1>, vector<16xi32>
      %parallel_loop3A_282 = arith.ori %parallel_loop3A_269, %parallel_loop3A_281 : vector<16xi32>
      %parallel_loop3A_283 = arith.constant 18 : i32
      %parallel_loop3A_284 = vector.broadcast %parallel_loop3A_283 : i32 to vector<16xi32>
      %parallel_loop3A_285 = arith.addi %parallel_loop3A_46, %parallel_loop3A_284 : vector<16xi32>
      %parallel_loop3A_286 = tpu.vector_load_idx %arg5[%parallel_loop3A_285] : memref<8192xf32, #tpu.memory_space<vmem>>[vector<16xi32>], vector<16xf32>,
      %parallel_loop3A_287 = arith.constant 5.000000e-01 : f32
      %parallel_loop3A_288 = vector.broadcast %parallel_loop3A_287 : f32 to vector<16xf32>
      %parallel_loop3A_289 = arith.cmpf ogt, %parallel_loop3A_286, %parallel_loop3A_288 : vector<16xf32>
      %parallel_loop3A_290 = arith.constant 262144 : i32
      %parallel_loop3A_291 = arith.constant 0 : i32
      %parallel_loop3A_292 = vector.broadcast %parallel_loop3A_290 : i32 to vector<16xi32>
      %parallel_loop3A_293 = vector.broadcast %parallel_loop3A_291 : i32 to vector<16xi32>
      %parallel_loop3A_294 = arith.select %parallel_loop3A_289, %parallel_loop3A_292, %parallel_loop3A_293 : vector<16xi1>, vector<16xi32>
      %parallel_loop3A_295 = arith.ori %parallel_loop3A_282, %parallel_loop3A_294 : vector<16xi32>
      %parallel_loop3A_296 = arith.constant 19 : i32
      %parallel_loop3A_297 = vector.broadcast %parallel_loop3A_296 : i32 to vector<16xi32>
      %parallel_loop3A_298 = arith.addi %parallel_loop3A_46, %parallel_loop3A_297 : vector<16xi32>
      %parallel_loop3A_299 = tpu.vector_load_idx %arg5[%parallel_loop3A_298] : memref<8192xf32, #tpu.memory_space<vmem>>[vector<16xi32>], vector<16xf32>,
      %parallel_loop3A_300 = arith.constant 5.000000e-01 : f32
      %parallel_loop3A_301 = vector.broadcast %parallel_loop3A_300 : f32 to vector<16xf32>
      %parallel_loop3A_302 = arith.cmpf ogt, %parallel_loop3A_299, %parallel_loop3A_301 : vector<16xf32>
      %parallel_loop3A_303 = arith.constant 524288 : i32
      %parallel_loop3A_304 = arith.constant 0 : i32
      %parallel_loop3A_305 = vector.broadcast %parallel_loop3A_303 : i32 to vector<16xi32>
      %parallel_loop3A_306 = vector.broadcast %parallel_loop3A_304 : i32 to vector<16xi32>
      %parallel_loop3A_307 = arith.select %parallel_loop3A_302, %parallel_loop3A_305, %parallel_loop3A_306 : vector<16xi1>, vector<16xi32>
      %parallel_loop3A_308 = arith.ori %parallel_loop3A_295, %parallel_loop3A_307 : vector<16xi32>
      %parallel_loop3A_309 = arith.constant 20 : i32
      %parallel_loop3A_310 = vector.broadcast %parallel_loop3A_309 : i32 to vector<16xi32>
      %parallel_loop3A_311 = arith.addi %parallel_loop3A_46, %parallel_loop3A_310 : vector<16xi32>
      %parallel_loop3A_312 = tpu.vector_load_idx %arg5[%parallel_loop3A_311] : memref<8192xf32, #tpu.memory_space<vmem>>[vector<16xi32>], vector<16xf32>,
      %parallel_loop3A_313 = arith.constant 5.000000e-01 : f32
      %parallel_loop3A_314 = vector.broadcast %parallel_loop3A_313 : f32 to vector<16xf32>
      %parallel_loop3A_315 = arith.cmpf ogt, %parallel_loop3A_312, %parallel_loop3A_314 : vector<16xf32>
      %parallel_loop3A_316 = arith.constant 1048576 : i32
      %parallel_loop3A_317 = arith.constant 0 : i32
      %parallel_loop3A_318 = vector.broadcast %parallel_loop3A_316 : i32 to vector<16xi32>
      %parallel_loop3A_319 = vector.broadcast %parallel_loop3A_317 : i32 to vector<16xi32>
      %parallel_loop3A_320 = arith.select %parallel_loop3A_315, %parallel_loop3A_318, %parallel_loop3A_319 : vector<16xi1>, vector<16xi32>
      %parallel_loop3A_321 = arith.ori %parallel_loop3A_308, %parallel_loop3A_320 : vector<16xi32>
      %parallel_loop3A_322 = arith.constant 21 : i32
      %parallel_loop3A_323 = vector.broadcast %parallel_loop3A_322 : i32 to vector<16xi32>
      %parallel_loop3A_324 = arith.addi %parallel_loop3A_46, %parallel_loop3A_323 : vector<16xi32>
      %parallel_loop3A_325 = tpu.vector_load_idx %arg5[%parallel_loop3A_324] : memref<8192xf32, #tpu.memory_space<vmem>>[vector<16xi32>], vector<16xf32>,
      %parallel_loop3A_326 = arith.constant 5.000000e-01 : f32
      %parallel_loop3A_327 = vector.broadcast %parallel_loop3A_326 : f32 to vector<16xf32>
      %parallel_loop3A_328 = arith.cmpf ogt, %parallel_loop3A_325, %parallel_loop3A_327 : vector<16xf32>
      %parallel_loop3A_329 = arith.constant 2097152 : i32
      %parallel_loop3A_330 = arith.constant 0 : i32
      %parallel_loop3A_331 = vector.broadcast %parallel_loop3A_329 : i32 to vector<16xi32>
      %parallel_loop3A_332 = vector.broadcast %parallel_loop3A_330 : i32 to vector<16xi32>
      %parallel_loop3A_333 = arith.select %parallel_loop3A_328, %parallel_loop3A_331, %parallel_loop3A_332 : vector<16xi1>, vector<16xi32>
      %parallel_loop3A_334 = arith.ori %parallel_loop3A_321, %parallel_loop3A_333 : vector<16xi32>
      %parallel_loop3A_335 = arith.constant 22 : i32
      %parallel_loop3A_336 = vector.broadcast %parallel_loop3A_335 : i32 to vector<16xi32>
      %parallel_loop3A_337 = arith.addi %parallel_loop3A_46, %parallel_loop3A_336 : vector<16xi32>
      %parallel_loop3A_338 = tpu.vector_load_idx %arg5[%parallel_loop3A_337] : memref<8192xf32, #tpu.memory_space<vmem>>[vector<16xi32>], vector<16xf32>,
      %parallel_loop3A_339 = arith.constant 5.000000e-01 : f32
      %parallel_loop3A_340 = vector.broadcast %parallel_loop3A_339 : f32 to vector<16xf32>
      %parallel_loop3A_341 = arith.cmpf ogt, %parallel_loop3A_338, %parallel_loop3A_340 : vector<16xf32>
      %parallel_loop3A_342 = arith.constant 4194304 : i32
      %parallel_loop3A_343 = arith.constant 0 : i32
      %parallel_loop3A_344 = vector.broadcast %parallel_loop3A_342 : i32 to vector<16xi32>
      %parallel_loop3A_345 = vector.broadcast %parallel_loop3A_343 : i32 to vector<16xi32>
      %parallel_loop3A_346 = arith.select %parallel_loop3A_341, %parallel_loop3A_344, %parallel_loop3A_345 : vector<16xi1>, vector<16xi32>
      %parallel_loop3A_347 = arith.ori %parallel_loop3A_334, %parallel_loop3A_346 : vector<16xi32>
      %parallel_loop3A_348 = arith.constant 23 : i32
      %parallel_loop3A_349 = vector.broadcast %parallel_loop3A_348 : i32 to vector<16xi32>
      %parallel_loop3A_350 = arith.addi %parallel_loop3A_46, %parallel_loop3A_349 : vector<16xi32>
      %parallel_loop3A_351 = tpu.vector_load_idx %arg5[%parallel_loop3A_350] : memref<8192xf32, #tpu.memory_space<vmem>>[vector<16xi32>], vector<16xf32>,
      %parallel_loop3A_352 = arith.constant 5.000000e-01 : f32
      %parallel_loop3A_353 = vector.broadcast %parallel_loop3A_352 : f32 to vector<16xf32>
      %parallel_loop3A_354 = arith.cmpf ogt, %parallel_loop3A_351, %parallel_loop3A_353 : vector<16xf32>
      %parallel_loop3A_355 = arith.constant 8388608 : i32
      %parallel_loop3A_356 = arith.constant 0 : i32
      %parallel_loop3A_357 = vector.broadcast %parallel_loop3A_355 : i32 to vector<16xi32>
      %parallel_loop3A_358 = vector.broadcast %parallel_loop3A_356 : i32 to vector<16xi32>
      %parallel_loop3A_359 = arith.select %parallel_loop3A_354, %parallel_loop3A_357, %parallel_loop3A_358 : vector<16xi1>, vector<16xi32>
      %parallel_loop3A_360 = arith.ori %parallel_loop3A_347, %parallel_loop3A_359 : vector<16xi32>
      %parallel_loop3A_361 = arith.constant 24 : i32
      %parallel_loop3A_362 = vector.broadcast %parallel_loop3A_361 : i32 to vector<16xi32>
      %parallel_loop3A_363 = arith.addi %parallel_loop3A_46, %parallel_loop3A_362 : vector<16xi32>
      %parallel_loop3A_364 = tpu.vector_load_idx %arg5[%parallel_loop3A_363] : memref<8192xf32, #tpu.memory_space<vmem>>[vector<16xi32>], vector<16xf32>,
      %parallel_loop3A_365 = arith.constant 5.000000e-01 : f32
      %parallel_loop3A_366 = vector.broadcast %parallel_loop3A_365 : f32 to vector<16xf32>
      %parallel_loop3A_367 = arith.cmpf ogt, %parallel_loop3A_364, %parallel_loop3A_366 : vector<16xf32>
      %parallel_loop3A_368 = arith.constant 16777216 : i32
      %parallel_loop3A_369 = arith.constant 0 : i32
      %parallel_loop3A_370 = vector.broadcast %parallel_loop3A_368 : i32 to vector<16xi32>
      %parallel_loop3A_371 = vector.broadcast %parallel_loop3A_369 : i32 to vector<16xi32>
      %parallel_loop3A_372 = arith.select %parallel_loop3A_367, %parallel_loop3A_370, %parallel_loop3A_371 : vector<16xi1>, vector<16xi32>
      %parallel_loop3A_373 = arith.ori %parallel_loop3A_360, %parallel_loop3A_372 : vector<16xi32>
      %parallel_loop3A_374 = arith.constant 25 : i32
      %parallel_loop3A_375 = vector.broadcast %parallel_loop3A_374 : i32 to vector<16xi32>
      %parallel_loop3A_376 = arith.addi %parallel_loop3A_46, %parallel_loop3A_375 : vector<16xi32>
      %parallel_loop3A_377 = tpu.vector_load_idx %arg5[%parallel_loop3A_376] : memref<8192xf32, #tpu.memory_space<vmem>>[vector<16xi32>], vector<16xf32>,
      %parallel_loop3A_378 = arith.constant 5.000000e-01 : f32
      %parallel_loop3A_379 = vector.broadcast %parallel_loop3A_378 : f32 to vector<16xf32>
      %parallel_loop3A_380 = arith.cmpf ogt, %parallel_loop3A_377, %parallel_loop3A_379 : vector<16xf32>
      %parallel_loop3A_381 = arith.constant 33554432 : i32
      %parallel_loop3A_382 = arith.constant 0 : i32
      %parallel_loop3A_383 = vector.broadcast %parallel_loop3A_381 : i32 to vector<16xi32>
      %parallel_loop3A_384 = vector.broadcast %parallel_loop3A_382 : i32 to vector<16xi32>
      %parallel_loop3A_385 = arith.select %parallel_loop3A_380, %parallel_loop3A_383, %parallel_loop3A_384 : vector<16xi1>, vector<16xi32>
      %parallel_loop3A_386 = arith.ori %parallel_loop3A_373, %parallel_loop3A_385 : vector<16xi32>
      %parallel_loop3A_387 = arith.constant 26 : i32
      %parallel_loop3A_388 = vector.broadcast %parallel_loop3A_387 : i32 to vector<16xi32>
      %parallel_loop3A_389 = arith.addi %parallel_loop3A_46, %parallel_loop3A_388 : vector<16xi32>
      %parallel_loop3A_390 = tpu.vector_load_idx %arg5[%parallel_loop3A_389] : memref<8192xf32, #tpu.memory_space<vmem>>[vector<16xi32>], vector<16xf32>,
      %parallel_loop3A_391 = arith.constant 5.000000e-01 : f32
      %parallel_loop3A_392 = vector.broadcast %parallel_loop3A_391 : f32 to vector<16xf32>
      %parallel_loop3A_393 = arith.cmpf ogt, %parallel_loop3A_390, %parallel_loop3A_392 : vector<16xf32>
      %parallel_loop3A_394 = arith.constant 67108864 : i32
      %parallel_loop3A_395 = arith.constant 0 : i32
      %parallel_loop3A_396 = vector.broadcast %parallel_loop3A_394 : i32 to vector<16xi32>
      %parallel_loop3A_397 = vector.broadcast %parallel_loop3A_395 : i32 to vector<16xi32>
      %parallel_loop3A_398 = arith.select %parallel_loop3A_393, %parallel_loop3A_396, %parallel_loop3A_397 : vector<16xi1>, vector<16xi32>
      %parallel_loop3A_399 = arith.ori %parallel_loop3A_386, %parallel_loop3A_398 : vector<16xi32>
      %parallel_loop3A_400 = arith.constant 27 : i32
      %parallel_loop3A_401 = vector.broadcast %parallel_loop3A_400 : i32 to vector<16xi32>
      %parallel_loop3A_402 = arith.addi %parallel_loop3A_46, %parallel_loop3A_401 : vector<16xi32>
      %parallel_loop3A_403 = tpu.vector_load_idx %arg5[%parallel_loop3A_402] : memref<8192xf32, #tpu.memory_space<vmem>>[vector<16xi32>], vector<16xf32>,
      %parallel_loop3A_404 = arith.constant 5.000000e-01 : f32
      %parallel_loop3A_405 = vector.broadcast %parallel_loop3A_404 : f32 to vector<16xf32>
      %parallel_loop3A_406 = arith.cmpf ogt, %parallel_loop3A_403, %parallel_loop3A_405 : vector<16xf32>
      %parallel_loop3A_407 = arith.constant 134217728 : i32
      %parallel_loop3A_408 = arith.constant 0 : i32
      %parallel_loop3A_409 = vector.broadcast %parallel_loop3A_407 : i32 to vector<16xi32>
      %parallel_loop3A_410 = vector.broadcast %parallel_loop3A_408 : i32 to vector<16xi32>
      %parallel_loop3A_411 = arith.select %parallel_loop3A_406, %parallel_loop3A_409, %parallel_loop3A_410 : vector<16xi1>, vector<16xi32>
      %parallel_loop3A_412 = arith.ori %parallel_loop3A_399, %parallel_loop3A_411 : vector<16xi32>
      %parallel_loop3A_413 = arith.constant 28 : i32
      %parallel_loop3A_414 = vector.broadcast %parallel_loop3A_413 : i32 to vector<16xi32>
      %parallel_loop3A_415 = arith.addi %parallel_loop3A_46, %parallel_loop3A_414 : vector<16xi32>
      %parallel_loop3A_416 = tpu.vector_load_idx %arg5[%parallel_loop3A_415] : memref<8192xf32, #tpu.memory_space<vmem>>[vector<16xi32>], vector<16xf32>,
      %parallel_loop3A_417 = arith.constant 5.000000e-01 : f32
      %parallel_loop3A_418 = vector.broadcast %parallel_loop3A_417 : f32 to vector<16xf32>
      %parallel_loop3A_419 = arith.cmpf ogt, %parallel_loop3A_416, %parallel_loop3A_418 : vector<16xf32>
      %parallel_loop3A_420 = arith.constant 268435456 : i32
      %parallel_loop3A_421 = arith.constant 0 : i32
      %parallel_loop3A_422 = vector.broadcast %parallel_loop3A_420 : i32 to vector<16xi32>
      %parallel_loop3A_423 = vector.broadcast %parallel_loop3A_421 : i32 to vector<16xi32>
      %parallel_loop3A_424 = arith.select %parallel_loop3A_419, %parallel_loop3A_422, %parallel_loop3A_423 : vector<16xi1>, vector<16xi32>
      %parallel_loop3A_425 = arith.ori %parallel_loop3A_412, %parallel_loop3A_424 : vector<16xi32>
      %parallel_loop3A_426 = arith.constant 29 : i32
      %parallel_loop3A_427 = vector.broadcast %parallel_loop3A_426 : i32 to vector<16xi32>
      %parallel_loop3A_428 = arith.addi %parallel_loop3A_46, %parallel_loop3A_427 : vector<16xi32>
      %parallel_loop3A_429 = tpu.vector_load_idx %arg5[%parallel_loop3A_428] : memref<8192xf32, #tpu.memory_space<vmem>>[vector<16xi32>], vector<16xf32>,
      %parallel_loop3A_430 = arith.constant 5.000000e-01 : f32
      %parallel_loop3A_431 = vector.broadcast %parallel_loop3A_430 : f32 to vector<16xf32>
      %parallel_loop3A_432 = arith.cmpf ogt, %parallel_loop3A_429, %parallel_loop3A_431 : vector<16xf32>
      %parallel_loop3A_433 = arith.constant 536870912 : i32
      %parallel_loop3A_434 = arith.constant 0 : i32
      %parallel_loop3A_435 = vector.broadcast %parallel_loop3A_433 : i32 to vector<16xi32>
      %parallel_loop3A_436 = vector.broadcast %parallel_loop3A_434 : i32 to vector<16xi32>
      %parallel_loop3A_437 = arith.select %parallel_loop3A_432, %parallel_loop3A_435, %parallel_loop3A_436 : vector<16xi1>, vector<16xi32>
      %parallel_loop3A_438 = arith.ori %parallel_loop3A_425, %parallel_loop3A_437 : vector<16xi32>
      %parallel_loop3A_439 = arith.constant 30 : i32
      %parallel_loop3A_440 = vector.broadcast %parallel_loop3A_439 : i32 to vector<16xi32>
      %parallel_loop3A_441 = arith.addi %parallel_loop3A_46, %parallel_loop3A_440 : vector<16xi32>
      %parallel_loop3A_442 = tpu.vector_load_idx %arg5[%parallel_loop3A_441] : memref<8192xf32, #tpu.memory_space<vmem>>[vector<16xi32>], vector<16xf32>,
      %parallel_loop3A_443 = arith.constant 5.000000e-01 : f32
      %parallel_loop3A_444 = vector.broadcast %parallel_loop3A_443 : f32 to vector<16xf32>
      %parallel_loop3A_445 = arith.cmpf ogt, %parallel_loop3A_442, %parallel_loop3A_444 : vector<16xf32>
      %parallel_loop3A_446 = arith.constant 1073741824 : i32
      %parallel_loop3A_447 = arith.constant 0 : i32
      %parallel_loop3A_448 = vector.broadcast %parallel_loop3A_446 : i32 to vector<16xi32>
      %parallel_loop3A_449 = vector.broadcast %parallel_loop3A_447 : i32 to vector<16xi32>
      %parallel_loop3A_450 = arith.select %parallel_loop3A_445, %parallel_loop3A_448, %parallel_loop3A_449 : vector<16xi1>, vector<16xi32>
      %parallel_loop3A_451 = arith.ori %parallel_loop3A_438, %parallel_loop3A_450 : vector<16xi32>
      %parallel_loop3A_452 = arith.constant 31 : i32
      %parallel_loop3A_453 = vector.broadcast %parallel_loop3A_452 : i32 to vector<16xi32>
      %parallel_loop3A_454 = arith.addi %parallel_loop3A_46, %parallel_loop3A_453 : vector<16xi32>
      %parallel_loop3A_455 = tpu.vector_load_idx %arg5[%parallel_loop3A_454] : memref<8192xf32, #tpu.memory_space<vmem>>[vector<16xi32>], vector<16xf32>,
      %parallel_loop3A_456 = arith.constant 5.000000e-01 : f32
      %parallel_loop3A_457 = vector.broadcast %parallel_loop3A_456 : f32 to vector<16xf32>
      %parallel_loop3A_458 = arith.cmpf ogt, %parallel_loop3A_455, %parallel_loop3A_457 : vector<16xf32>
      %parallel_loop3A_459 = arith.constant -2147483648 : i32
      %parallel_loop3A_460 = arith.constant 0 : i32
      %parallel_loop3A_461 = vector.broadcast %parallel_loop3A_459 : i32 to vector<16xi32>
      %parallel_loop3A_462 = vector.broadcast %parallel_loop3A_460 : i32 to vector<16xi32>
      %parallel_loop3A_463 = arith.select %parallel_loop3A_458, %parallel_loop3A_461, %parallel_loop3A_462 : vector<16xi1>, vector<16xi32>
      %parallel_loop3A_464 = arith.ori %parallel_loop3A_451, %parallel_loop3A_463 : vector<16xi32>
      %parallel_loop3A_465 = arith.constant 16 : i32
      %parallel_loop3A_466 = arith.muli %parallel_loop3A_39, %parallel_loop3A_465 : i32
      %parallel_loop3A_467 = arith.constant 256 : i32
      %parallel_loop3A_468 = arith.addi %parallel_loop3A_467, %parallel_loop3A_466 : i32
      %parallel_loop3A_469 = tpu.assume_multiple %parallel_loop3A_468, 16 : i32
      %parallel_loop3A_470 = arith.index_cast %parallel_loop3A_469 : i32 to index
      %parallel_loop3A_471 = tpu.vector_load %arg6[%parallel_loop3A_470] {strides = array<i32>} : memref<1024xi32, #tpu.memory_space<vmem>>, vector<16xi32>,
      tpu.vector_store %arg6[%parallel_loop3A_470], %parallel_loop3A_464 {strides = array<i32>} : memref<1024xi32, #tpu.memory_space<vmem>>, vector<16xi32>,
    } {sc.loop_unroll_factor = 2 : i64, sc.parallel_access}
    %add3A_22 = arith.constant 24576 : i32
    %add3A_23 = arith.addi %multiple_of3A, %add3A_22 : i32
    %dma_start3A_24 = tpu.memref_slice %arg2[%add3A_23] : memref<1048576xf32, #tpu.memory_space<hbm>> -> memref<8192xf32, #tpu.memory_space<hbm>>
    %dma_start3A_25 = tpu.memref_slice %arg2[%add3A_23] : memref<1048576xf32, #tpu.memory_space<hbm>> -> memref<8192xf32, #tpu.memory_space<hbm>>
    tpu.enqueue_dma source(%dma_start3A_25 : memref<8192xf32, #tpu.memory_space<hbm>>) target(%arg5 : memref<8192xf32, #tpu.memory_space<vmem>>) target_semaphore(%arg8 : memref<!tpu.dma_semaphore, #tpu.memory_space<semaphore_mem>>)
    %dma_wait3A_26 = tpu.memref_slice %arg2[%add3A_14] : memref<1048576xf32, #tpu.memory_space<hbm>> -> memref<8192xf32, #tpu.memory_space<hbm>>
    %dma_wait3A_27 = tpu.memref_slice %arg2[%add3A_14] : memref<1048576xf32, #tpu.memory_space<hbm>> -> memref<8192xf32, #tpu.memory_space<hbm>>
    tpu.wait_dma2 semaphore(%arg7 : memref<!tpu.dma_semaphore, #tpu.memory_space<semaphore_mem>>) src(%dma_wait3A_27 : memref<8192xf32, #tpu.memory_space<hbm>>) dst(%arg4 : memref<8192xf32, #tpu.memory_space<vmem>>)
    %parallel_loop3A_28 = arith.constant 0 : i32
    %parallel_loop3A_29 = arith.constant 16 : i32
    %parallel_loop3A_30 = arith.constant 1 : i32
    scf.for %parallel_loop3A_39 = %parallel_loop3A_28 to %parallel_loop3A_29 step %parallel_loop3A_30  : i32 {
      %parallel_loop3A_40 = arith.constant 32 : i32
      %parallel_loop3A_41 = vector.broadcast %parallel_loop3A_40 : i32 to vector<16xi32>
      %parallel_loop3A_42 = arith.muli %iota3A, %parallel_loop3A_41 : vector<16xi32>
      %parallel_loop3A_43 = arith.constant 512 : i32
      %parallel_loop3A_44 = arith.muli %parallel_loop3A_39, %parallel_loop3A_43 : i32
      %parallel_loop3A_45 = vector.broadcast %parallel_loop3A_44 : i32 to vector<16xi32>
      %parallel_loop3A_46 = arith.addi %parallel_loop3A_42, %parallel_loop3A_45 : vector<16xi32>
      %parallel_loop3A_47 = arith.constant 0 : i32
      %parallel_loop3A_48 = vector.broadcast %parallel_loop3A_47 : i32 to vector<16xi32>
      %parallel_loop3A_49 = arith.constant 0 : i32
      %parallel_loop3A_50 = vector.broadcast %parallel_loop3A_49 : i32 to vector<16xi32>
      %parallel_loop3A_51 = arith.addi %parallel_loop3A_46, %parallel_loop3A_50 : vector<16xi32>
      %parallel_loop3A_52 = tpu.vector_load_idx %arg4[%parallel_loop3A_51] : memref<8192xf32, #tpu.memory_space<vmem>>[vector<16xi32>], vector<16xf32>,
      %parallel_loop3A_53 = arith.constant 5.000000e-01 : f32
      %parallel_loop3A_54 = vector.broadcast %parallel_loop3A_53 : f32 to vector<16xf32>
      %parallel_loop3A_55 = arith.cmpf ogt, %parallel_loop3A_52, %parallel_loop3A_54 : vector<16xf32>
      %parallel_loop3A_56 = arith.constant 1 : i32
      %parallel_loop3A_57 = arith.constant 0 : i32
      %parallel_loop3A_58 = vector.broadcast %parallel_loop3A_56 : i32 to vector<16xi32>
      %parallel_loop3A_59 = vector.broadcast %parallel_loop3A_57 : i32 to vector<16xi32>
      %parallel_loop3A_60 = arith.select %parallel_loop3A_55, %parallel_loop3A_58, %parallel_loop3A_59 : vector<16xi1>, vector<16xi32>
      %parallel_loop3A_61 = arith.ori %parallel_loop3A_48, %parallel_loop3A_60 : vector<16xi32>
      %parallel_loop3A_62 = arith.constant 1 : i32
      %parallel_loop3A_63 = vector.broadcast %parallel_loop3A_62 : i32 to vector<16xi32>
      %parallel_loop3A_64 = arith.addi %parallel_loop3A_46, %parallel_loop3A_63 : vector<16xi32>
      %parallel_loop3A_65 = tpu.vector_load_idx %arg4[%parallel_loop3A_64] : memref<8192xf32, #tpu.memory_space<vmem>>[vector<16xi32>], vector<16xf32>,
      %parallel_loop3A_66 = arith.constant 5.000000e-01 : f32
      %parallel_loop3A_67 = vector.broadcast %parallel_loop3A_66 : f32 to vector<16xf32>
      %parallel_loop3A_68 = arith.cmpf ogt, %parallel_loop3A_65, %parallel_loop3A_67 : vector<16xf32>
      %parallel_loop3A_69 = arith.constant 2 : i32
      %parallel_loop3A_70 = arith.constant 0 : i32
      %parallel_loop3A_71 = vector.broadcast %parallel_loop3A_69 : i32 to vector<16xi32>
      %parallel_loop3A_72 = vector.broadcast %parallel_loop3A_70 : i32 to vector<16xi32>
      %parallel_loop3A_73 = arith.select %parallel_loop3A_68, %parallel_loop3A_71, %parallel_loop3A_72 : vector<16xi1>, vector<16xi32>
      %parallel_loop3A_74 = arith.ori %parallel_loop3A_61, %parallel_loop3A_73 : vector<16xi32>
      %parallel_loop3A_75 = arith.constant 2 : i32
      %parallel_loop3A_76 = vector.broadcast %parallel_loop3A_75 : i32 to vector<16xi32>
      %parallel_loop3A_77 = arith.addi %parallel_loop3A_46, %parallel_loop3A_76 : vector<16xi32>
      %parallel_loop3A_78 = tpu.vector_load_idx %arg4[%parallel_loop3A_77] : memref<8192xf32, #tpu.memory_space<vmem>>[vector<16xi32>], vector<16xf32>,
      %parallel_loop3A_79 = arith.constant 5.000000e-01 : f32
      %parallel_loop3A_80 = vector.broadcast %parallel_loop3A_79 : f32 to vector<16xf32>
      %parallel_loop3A_81 = arith.cmpf ogt, %parallel_loop3A_78, %parallel_loop3A_80 : vector<16xf32>
      %parallel_loop3A_82 = arith.constant 4 : i32
      %parallel_loop3A_83 = arith.constant 0 : i32
      %parallel_loop3A_84 = vector.broadcast %parallel_loop3A_82 : i32 to vector<16xi32>
      %parallel_loop3A_85 = vector.broadcast %parallel_loop3A_83 : i32 to vector<16xi32>
      %parallel_loop3A_86 = arith.select %parallel_loop3A_81, %parallel_loop3A_84, %parallel_loop3A_85 : vector<16xi1>, vector<16xi32>
      %parallel_loop3A_87 = arith.ori %parallel_loop3A_74, %parallel_loop3A_86 : vector<16xi32>
      %parallel_loop3A_88 = arith.constant 3 : i32
      %parallel_loop3A_89 = vector.broadcast %parallel_loop3A_88 : i32 to vector<16xi32>
      %parallel_loop3A_90 = arith.addi %parallel_loop3A_46, %parallel_loop3A_89 : vector<16xi32>
      %parallel_loop3A_91 = tpu.vector_load_idx %arg4[%parallel_loop3A_90] : memref<8192xf32, #tpu.memory_space<vmem>>[vector<16xi32>], vector<16xf32>,
      %parallel_loop3A_92 = arith.constant 5.000000e-01 : f32
      %parallel_loop3A_93 = vector.broadcast %parallel_loop3A_92 : f32 to vector<16xf32>
      %parallel_loop3A_94 = arith.cmpf ogt, %parallel_loop3A_91, %parallel_loop3A_93 : vector<16xf32>
      %parallel_loop3A_95 = arith.constant 8 : i32
      %parallel_loop3A_96 = arith.constant 0 : i32
      %parallel_loop3A_97 = vector.broadcast %parallel_loop3A_95 : i32 to vector<16xi32>
      %parallel_loop3A_98 = vector.broadcast %parallel_loop3A_96 : i32 to vector<16xi32>
      %parallel_loop3A_99 = arith.select %parallel_loop3A_94, %parallel_loop3A_97, %parallel_loop3A_98 : vector<16xi1>, vector<16xi32>
      %parallel_loop3A_100 = arith.ori %parallel_loop3A_87, %parallel_loop3A_99 : vector<16xi32>
      %parallel_loop3A_101 = arith.constant 4 : i32
      %parallel_loop3A_102 = vector.broadcast %parallel_loop3A_101 : i32 to vector<16xi32>
      %parallel_loop3A_103 = arith.addi %parallel_loop3A_46, %parallel_loop3A_102 : vector<16xi32>
      %parallel_loop3A_104 = tpu.vector_load_idx %arg4[%parallel_loop3A_103] : memref<8192xf32, #tpu.memory_space<vmem>>[vector<16xi32>], vector<16xf32>,
      %parallel_loop3A_105 = arith.constant 5.000000e-01 : f32
      %parallel_loop3A_106 = vector.broadcast %parallel_loop3A_105 : f32 to vector<16xf32>
      %parallel_loop3A_107 = arith.cmpf ogt, %parallel_loop3A_104, %parallel_loop3A_106 : vector<16xf32>
      %parallel_loop3A_108 = arith.constant 16 : i32
      %parallel_loop3A_109 = arith.constant 0 : i32
      %parallel_loop3A_110 = vector.broadcast %parallel_loop3A_108 : i32 to vector<16xi32>
      %parallel_loop3A_111 = vector.broadcast %parallel_loop3A_109 : i32 to vector<16xi32>
      %parallel_loop3A_112 = arith.select %parallel_loop3A_107, %parallel_loop3A_110, %parallel_loop3A_111 : vector<16xi1>, vector<16xi32>
      %parallel_loop3A_113 = arith.ori %parallel_loop3A_100, %parallel_loop3A_112 : vector<16xi32>
      %parallel_loop3A_114 = arith.constant 5 : i32
      %parallel_loop3A_115 = vector.broadcast %parallel_loop3A_114 : i32 to vector<16xi32>
      %parallel_loop3A_116 = arith.addi %parallel_loop3A_46, %parallel_loop3A_115 : vector<16xi32>
      %parallel_loop3A_117 = tpu.vector_load_idx %arg4[%parallel_loop3A_116] : memref<8192xf32, #tpu.memory_space<vmem>>[vector<16xi32>], vector<16xf32>,
      %parallel_loop3A_118 = arith.constant 5.000000e-01 : f32
      %parallel_loop3A_119 = vector.broadcast %parallel_loop3A_118 : f32 to vector<16xf32>
      %parallel_loop3A_120 = arith.cmpf ogt, %parallel_loop3A_117, %parallel_loop3A_119 : vector<16xf32>
      %parallel_loop3A_121 = arith.constant 32 : i32
      %parallel_loop3A_122 = arith.constant 0 : i32
      %parallel_loop3A_123 = vector.broadcast %parallel_loop3A_121 : i32 to vector<16xi32>
      %parallel_loop3A_124 = vector.broadcast %parallel_loop3A_122 : i32 to vector<16xi32>
      %parallel_loop3A_125 = arith.select %parallel_loop3A_120, %parallel_loop3A_123, %parallel_loop3A_124 : vector<16xi1>, vector<16xi32>
      %parallel_loop3A_126 = arith.ori %parallel_loop3A_113, %parallel_loop3A_125 : vector<16xi32>
      %parallel_loop3A_127 = arith.constant 6 : i32
      %parallel_loop3A_128 = vector.broadcast %parallel_loop3A_127 : i32 to vector<16xi32>
      %parallel_loop3A_129 = arith.addi %parallel_loop3A_46, %parallel_loop3A_128 : vector<16xi32>
      %parallel_loop3A_130 = tpu.vector_load_idx %arg4[%parallel_loop3A_129] : memref<8192xf32, #tpu.memory_space<vmem>>[vector<16xi32>], vector<16xf32>,
      %parallel_loop3A_131 = arith.constant 5.000000e-01 : f32
      %parallel_loop3A_132 = vector.broadcast %parallel_loop3A_131 : f32 to vector<16xf32>
      %parallel_loop3A_133 = arith.cmpf ogt, %parallel_loop3A_130, %parallel_loop3A_132 : vector<16xf32>
      %parallel_loop3A_134 = arith.constant 64 : i32
      %parallel_loop3A_135 = arith.constant 0 : i32
      %parallel_loop3A_136 = vector.broadcast %parallel_loop3A_134 : i32 to vector<16xi32>
      %parallel_loop3A_137 = vector.broadcast %parallel_loop3A_135 : i32 to vector<16xi32>
      %parallel_loop3A_138 = arith.select %parallel_loop3A_133, %parallel_loop3A_136, %parallel_loop3A_137 : vector<16xi1>, vector<16xi32>
      %parallel_loop3A_139 = arith.ori %parallel_loop3A_126, %parallel_loop3A_138 : vector<16xi32>
      %parallel_loop3A_140 = arith.constant 7 : i32
      %parallel_loop3A_141 = vector.broadcast %parallel_loop3A_140 : i32 to vector<16xi32>
      %parallel_loop3A_142 = arith.addi %parallel_loop3A_46, %parallel_loop3A_141 : vector<16xi32>
      %parallel_loop3A_143 = tpu.vector_load_idx %arg4[%parallel_loop3A_142] : memref<8192xf32, #tpu.memory_space<vmem>>[vector<16xi32>], vector<16xf32>,
      %parallel_loop3A_144 = arith.constant 5.000000e-01 : f32
      %parallel_loop3A_145 = vector.broadcast %parallel_loop3A_144 : f32 to vector<16xf32>
      %parallel_loop3A_146 = arith.cmpf ogt, %parallel_loop3A_143, %parallel_loop3A_145 : vector<16xf32>
      %parallel_loop3A_147 = arith.constant 128 : i32
      %parallel_loop3A_148 = arith.constant 0 : i32
      %parallel_loop3A_149 = vector.broadcast %parallel_loop3A_147 : i32 to vector<16xi32>
      %parallel_loop3A_150 = vector.broadcast %parallel_loop3A_148 : i32 to vector<16xi32>
      %parallel_loop3A_151 = arith.select %parallel_loop3A_146, %parallel_loop3A_149, %parallel_loop3A_150 : vector<16xi1>, vector<16xi32>
      %parallel_loop3A_152 = arith.ori %parallel_loop3A_139, %parallel_loop3A_151 : vector<16xi32>
      %parallel_loop3A_153 = arith.constant 8 : i32
      %parallel_loop3A_154 = vector.broadcast %parallel_loop3A_153 : i32 to vector<16xi32>
      %parallel_loop3A_155 = arith.addi %parallel_loop3A_46, %parallel_loop3A_154 : vector<16xi32>
      %parallel_loop3A_156 = tpu.vector_load_idx %arg4[%parallel_loop3A_155] : memref<8192xf32, #tpu.memory_space<vmem>>[vector<16xi32>], vector<16xf32>,
      %parallel_loop3A_157 = arith.constant 5.000000e-01 : f32
      %parallel_loop3A_158 = vector.broadcast %parallel_loop3A_157 : f32 to vector<16xf32>
      %parallel_loop3A_159 = arith.cmpf ogt, %parallel_loop3A_156, %parallel_loop3A_158 : vector<16xf32>
      %parallel_loop3A_160 = arith.constant 256 : i32
      %parallel_loop3A_161 = arith.constant 0 : i32
      %parallel_loop3A_162 = vector.broadcast %parallel_loop3A_160 : i32 to vector<16xi32>
      %parallel_loop3A_163 = vector.broadcast %parallel_loop3A_161 : i32 to vector<16xi32>
      %parallel_loop3A_164 = arith.select %parallel_loop3A_159, %parallel_loop3A_162, %parallel_loop3A_163 : vector<16xi1>, vector<16xi32>
      %parallel_loop3A_165 = arith.ori %parallel_loop3A_152, %parallel_loop3A_164 : vector<16xi32>
      %parallel_loop3A_166 = arith.constant 9 : i32
      %parallel_loop3A_167 = vector.broadcast %parallel_loop3A_166 : i32 to vector<16xi32>
      %parallel_loop3A_168 = arith.addi %parallel_loop3A_46, %parallel_loop3A_167 : vector<16xi32>
      %parallel_loop3A_169 = tpu.vector_load_idx %arg4[%parallel_loop3A_168] : memref<8192xf32, #tpu.memory_space<vmem>>[vector<16xi32>], vector<16xf32>,
      %parallel_loop3A_170 = arith.constant 5.000000e-01 : f32
      %parallel_loop3A_171 = vector.broadcast %parallel_loop3A_170 : f32 to vector<16xf32>
      %parallel_loop3A_172 = arith.cmpf ogt, %parallel_loop3A_169, %parallel_loop3A_171 : vector<16xf32>
      %parallel_loop3A_173 = arith.constant 512 : i32
      %parallel_loop3A_174 = arith.constant 0 : i32
      %parallel_loop3A_175 = vector.broadcast %parallel_loop3A_173 : i32 to vector<16xi32>
      %parallel_loop3A_176 = vector.broadcast %parallel_loop3A_174 : i32 to vector<16xi32>
      %parallel_loop3A_177 = arith.select %parallel_loop3A_172, %parallel_loop3A_175, %parallel_loop3A_176 : vector<16xi1>, vector<16xi32>
      %parallel_loop3A_178 = arith.ori %parallel_loop3A_165, %parallel_loop3A_177 : vector<16xi32>
      %parallel_loop3A_179 = arith.constant 10 : i32
      %parallel_loop3A_180 = vector.broadcast %parallel_loop3A_179 : i32 to vector<16xi32>
      %parallel_loop3A_181 = arith.addi %parallel_loop3A_46, %parallel_loop3A_180 : vector<16xi32>
      %parallel_loop3A_182 = tpu.vector_load_idx %arg4[%parallel_loop3A_181] : memref<8192xf32, #tpu.memory_space<vmem>>[vector<16xi32>], vector<16xf32>,
      %parallel_loop3A_183 = arith.constant 5.000000e-01 : f32
      %parallel_loop3A_184 = vector.broadcast %parallel_loop3A_183 : f32 to vector<16xf32>
      %parallel_loop3A_185 = arith.cmpf ogt, %parallel_loop3A_182, %parallel_loop3A_184 : vector<16xf32>
      %parallel_loop3A_186 = arith.constant 1024 : i32
      %parallel_loop3A_187 = arith.constant 0 : i32
      %parallel_loop3A_188 = vector.broadcast %parallel_loop3A_186 : i32 to vector<16xi32>
      %parallel_loop3A_189 = vector.broadcast %parallel_loop3A_187 : i32 to vector<16xi32>
      %parallel_loop3A_190 = arith.select %parallel_loop3A_185, %parallel_loop3A_188, %parallel_loop3A_189 : vector<16xi1>, vector<16xi32>
      %parallel_loop3A_191 = arith.ori %parallel_loop3A_178, %parallel_loop3A_190 : vector<16xi32>
      %parallel_loop3A_192 = arith.constant 11 : i32
      %parallel_loop3A_193 = vector.broadcast %parallel_loop3A_192 : i32 to vector<16xi32>
      %parallel_loop3A_194 = arith.addi %parallel_loop3A_46, %parallel_loop3A_193 : vector<16xi32>
      %parallel_loop3A_195 = tpu.vector_load_idx %arg4[%parallel_loop3A_194] : memref<8192xf32, #tpu.memory_space<vmem>>[vector<16xi32>], vector<16xf32>,
      %parallel_loop3A_196 = arith.constant 5.000000e-01 : f32
      %parallel_loop3A_197 = vector.broadcast %parallel_loop3A_196 : f32 to vector<16xf32>
      %parallel_loop3A_198 = arith.cmpf ogt, %parallel_loop3A_195, %parallel_loop3A_197 : vector<16xf32>
      %parallel_loop3A_199 = arith.constant 2048 : i32
      %parallel_loop3A_200 = arith.constant 0 : i32
      %parallel_loop3A_201 = vector.broadcast %parallel_loop3A_199 : i32 to vector<16xi32>
      %parallel_loop3A_202 = vector.broadcast %parallel_loop3A_200 : i32 to vector<16xi32>
      %parallel_loop3A_203 = arith.select %parallel_loop3A_198, %parallel_loop3A_201, %parallel_loop3A_202 : vector<16xi1>, vector<16xi32>
      %parallel_loop3A_204 = arith.ori %parallel_loop3A_191, %parallel_loop3A_203 : vector<16xi32>
      %parallel_loop3A_205 = arith.constant 12 : i32
      %parallel_loop3A_206 = vector.broadcast %parallel_loop3A_205 : i32 to vector<16xi32>
      %parallel_loop3A_207 = arith.addi %parallel_loop3A_46, %parallel_loop3A_206 : vector<16xi32>
      %parallel_loop3A_208 = tpu.vector_load_idx %arg4[%parallel_loop3A_207] : memref<8192xf32, #tpu.memory_space<vmem>>[vector<16xi32>], vector<16xf32>,
      %parallel_loop3A_209 = arith.constant 5.000000e-01 : f32
      %parallel_loop3A_210 = vector.broadcast %parallel_loop3A_209 : f32 to vector<16xf32>
      %parallel_loop3A_211 = arith.cmpf ogt, %parallel_loop3A_208, %parallel_loop3A_210 : vector<16xf32>
      %parallel_loop3A_212 = arith.constant 4096 : i32
      %parallel_loop3A_213 = arith.constant 0 : i32
      %parallel_loop3A_214 = vector.broadcast %parallel_loop3A_212 : i32 to vector<16xi32>
      %parallel_loop3A_215 = vector.broadcast %parallel_loop3A_213 : i32 to vector<16xi32>
      %parallel_loop3A_216 = arith.select %parallel_loop3A_211, %parallel_loop3A_214, %parallel_loop3A_215 : vector<16xi1>, vector<16xi32>
      %parallel_loop3A_217 = arith.ori %parallel_loop3A_204, %parallel_loop3A_216 : vector<16xi32>
      %parallel_loop3A_218 = arith.constant 13 : i32
      %parallel_loop3A_219 = vector.broadcast %parallel_loop3A_218 : i32 to vector<16xi32>
      %parallel_loop3A_220 = arith.addi %parallel_loop3A_46, %parallel_loop3A_219 : vector<16xi32>
      %parallel_loop3A_221 = tpu.vector_load_idx %arg4[%parallel_loop3A_220] : memref<8192xf32, #tpu.memory_space<vmem>>[vector<16xi32>], vector<16xf32>,
      %parallel_loop3A_222 = arith.constant 5.000000e-01 : f32
      %parallel_loop3A_223 = vector.broadcast %parallel_loop3A_222 : f32 to vector<16xf32>
      %parallel_loop3A_224 = arith.cmpf ogt, %parallel_loop3A_221, %parallel_loop3A_223 : vector<16xf32>
      %parallel_loop3A_225 = arith.constant 8192 : i32
      %parallel_loop3A_226 = arith.constant 0 : i32
      %parallel_loop3A_227 = vector.broadcast %parallel_loop3A_225 : i32 to vector<16xi32>
      %parallel_loop3A_228 = vector.broadcast %parallel_loop3A_226 : i32 to vector<16xi32>
      %parallel_loop3A_229 = arith.select %parallel_loop3A_224, %parallel_loop3A_227, %parallel_loop3A_228 : vector<16xi1>, vector<16xi32>
      %parallel_loop3A_230 = arith.ori %parallel_loop3A_217, %parallel_loop3A_229 : vector<16xi32>
      %parallel_loop3A_231 = arith.constant 14 : i32
      %parallel_loop3A_232 = vector.broadcast %parallel_loop3A_231 : i32 to vector<16xi32>
      %parallel_loop3A_233 = arith.addi %parallel_loop3A_46, %parallel_loop3A_232 : vector<16xi32>
      %parallel_loop3A_234 = tpu.vector_load_idx %arg4[%parallel_loop3A_233] : memref<8192xf32, #tpu.memory_space<vmem>>[vector<16xi32>], vector<16xf32>,
      %parallel_loop3A_235 = arith.constant 5.000000e-01 : f32
      %parallel_loop3A_236 = vector.broadcast %parallel_loop3A_235 : f32 to vector<16xf32>
      %parallel_loop3A_237 = arith.cmpf ogt, %parallel_loop3A_234, %parallel_loop3A_236 : vector<16xf32>
      %parallel_loop3A_238 = arith.constant 16384 : i32
      %parallel_loop3A_239 = arith.constant 0 : i32
      %parallel_loop3A_240 = vector.broadcast %parallel_loop3A_238 : i32 to vector<16xi32>
      %parallel_loop3A_241 = vector.broadcast %parallel_loop3A_239 : i32 to vector<16xi32>
      %parallel_loop3A_242 = arith.select %parallel_loop3A_237, %parallel_loop3A_240, %parallel_loop3A_241 : vector<16xi1>, vector<16xi32>
      %parallel_loop3A_243 = arith.ori %parallel_loop3A_230, %parallel_loop3A_242 : vector<16xi32>
      %parallel_loop3A_244 = arith.constant 15 : i32
      %parallel_loop3A_245 = vector.broadcast %parallel_loop3A_244 : i32 to vector<16xi32>
      %parallel_loop3A_246 = arith.addi %parallel_loop3A_46, %parallel_loop3A_245 : vector<16xi32>
      %parallel_loop3A_247 = tpu.vector_load_idx %arg4[%parallel_loop3A_246] : memref<8192xf32, #tpu.memory_space<vmem>>[vector<16xi32>], vector<16xf32>,
      %parallel_loop3A_248 = arith.constant 5.000000e-01 : f32
      %parallel_loop3A_249 = vector.broadcast %parallel_loop3A_248 : f32 to vector<16xf32>
      %parallel_loop3A_250 = arith.cmpf ogt, %parallel_loop3A_247, %parallel_loop3A_249 : vector<16xf32>
      %parallel_loop3A_251 = arith.constant 32768 : i32
      %parallel_loop3A_252 = arith.constant 0 : i32
      %parallel_loop3A_253 = vector.broadcast %parallel_loop3A_251 : i32 to vector<16xi32>
      %parallel_loop3A_254 = vector.broadcast %parallel_loop3A_252 : i32 to vector<16xi32>
      %parallel_loop3A_255 = arith.select %parallel_loop3A_250, %parallel_loop3A_253, %parallel_loop3A_254 : vector<16xi1>, vector<16xi32>
      %parallel_loop3A_256 = arith.ori %parallel_loop3A_243, %parallel_loop3A_255 : vector<16xi32>
      %parallel_loop3A_257 = arith.constant 16 : i32
      %parallel_loop3A_258 = vector.broadcast %parallel_loop3A_257 : i32 to vector<16xi32>
      %parallel_loop3A_259 = arith.addi %parallel_loop3A_46, %parallel_loop3A_258 : vector<16xi32>
      %parallel_loop3A_260 = tpu.vector_load_idx %arg4[%parallel_loop3A_259] : memref<8192xf32, #tpu.memory_space<vmem>>[vector<16xi32>], vector<16xf32>,
      %parallel_loop3A_261 = arith.constant 5.000000e-01 : f32
      %parallel_loop3A_262 = vector.broadcast %parallel_loop3A_261 : f32 to vector<16xf32>
      %parallel_loop3A_263 = arith.cmpf ogt, %parallel_loop3A_260, %parallel_loop3A_262 : vector<16xf32>
      %parallel_loop3A_264 = arith.constant 65536 : i32
      %parallel_loop3A_265 = arith.constant 0 : i32
      %parallel_loop3A_266 = vector.broadcast %parallel_loop3A_264 : i32 to vector<16xi32>
      %parallel_loop3A_267 = vector.broadcast %parallel_loop3A_265 : i32 to vector<16xi32>
      %parallel_loop3A_268 = arith.select %parallel_loop3A_263, %parallel_loop3A_266, %parallel_loop3A_267 : vector<16xi1>, vector<16xi32>
      %parallel_loop3A_269 = arith.ori %parallel_loop3A_256, %parallel_loop3A_268 : vector<16xi32>
      %parallel_loop3A_270 = arith.constant 17 : i32
      %parallel_loop3A_271 = vector.broadcast %parallel_loop3A_270 : i32 to vector<16xi32>
      %parallel_loop3A_272 = arith.addi %parallel_loop3A_46, %parallel_loop3A_271 : vector<16xi32>
      %parallel_loop3A_273 = tpu.vector_load_idx %arg4[%parallel_loop3A_272] : memref<8192xf32, #tpu.memory_space<vmem>>[vector<16xi32>], vector<16xf32>,
      %parallel_loop3A_274 = arith.constant 5.000000e-01 : f32
      %parallel_loop3A_275 = vector.broadcast %parallel_loop3A_274 : f32 to vector<16xf32>
      %parallel_loop3A_276 = arith.cmpf ogt, %parallel_loop3A_273, %parallel_loop3A_275 : vector<16xf32>
      %parallel_loop3A_277 = arith.constant 131072 : i32
      %parallel_loop3A_278 = arith.constant 0 : i32
      %parallel_loop3A_279 = vector.broadcast %parallel_loop3A_277 : i32 to vector<16xi32>
      %parallel_loop3A_280 = vector.broadcast %parallel_loop3A_278 : i32 to vector<16xi32>
      %parallel_loop3A_281 = arith.select %parallel_loop3A_276, %parallel_loop3A_279, %parallel_loop3A_280 : vector<16xi1>, vector<16xi32>
      %parallel_loop3A_282 = arith.ori %parallel_loop3A_269, %parallel_loop3A_281 : vector<16xi32>
      %parallel_loop3A_283 = arith.constant 18 : i32
      %parallel_loop3A_284 = vector.broadcast %parallel_loop3A_283 : i32 to vector<16xi32>
      %parallel_loop3A_285 = arith.addi %parallel_loop3A_46, %parallel_loop3A_284 : vector<16xi32>
      %parallel_loop3A_286 = tpu.vector_load_idx %arg4[%parallel_loop3A_285] : memref<8192xf32, #tpu.memory_space<vmem>>[vector<16xi32>], vector<16xf32>,
      %parallel_loop3A_287 = arith.constant 5.000000e-01 : f32
      %parallel_loop3A_288 = vector.broadcast %parallel_loop3A_287 : f32 to vector<16xf32>
      %parallel_loop3A_289 = arith.cmpf ogt, %parallel_loop3A_286, %parallel_loop3A_288 : vector<16xf32>
      %parallel_loop3A_290 = arith.constant 262144 : i32
      %parallel_loop3A_291 = arith.constant 0 : i32
      %parallel_loop3A_292 = vector.broadcast %parallel_loop3A_290 : i32 to vector<16xi32>
      %parallel_loop3A_293 = vector.broadcast %parallel_loop3A_291 : i32 to vector<16xi32>
      %parallel_loop3A_294 = arith.select %parallel_loop3A_289, %parallel_loop3A_292, %parallel_loop3A_293 : vector<16xi1>, vector<16xi32>
      %parallel_loop3A_295 = arith.ori %parallel_loop3A_282, %parallel_loop3A_294 : vector<16xi32>
      %parallel_loop3A_296 = arith.constant 19 : i32
      %parallel_loop3A_297 = vector.broadcast %parallel_loop3A_296 : i32 to vector<16xi32>
      %parallel_loop3A_298 = arith.addi %parallel_loop3A_46, %parallel_loop3A_297 : vector<16xi32>
      %parallel_loop3A_299 = tpu.vector_load_idx %arg4[%parallel_loop3A_298] : memref<8192xf32, #tpu.memory_space<vmem>>[vector<16xi32>], vector<16xf32>,
      %parallel_loop3A_300 = arith.constant 5.000000e-01 : f32
      %parallel_loop3A_301 = vector.broadcast %parallel_loop3A_300 : f32 to vector<16xf32>
      %parallel_loop3A_302 = arith.cmpf ogt, %parallel_loop3A_299, %parallel_loop3A_301 : vector<16xf32>
      %parallel_loop3A_303 = arith.constant 524288 : i32
      %parallel_loop3A_304 = arith.constant 0 : i32
      %parallel_loop3A_305 = vector.broadcast %parallel_loop3A_303 : i32 to vector<16xi32>
      %parallel_loop3A_306 = vector.broadcast %parallel_loop3A_304 : i32 to vector<16xi32>
      %parallel_loop3A_307 = arith.select %parallel_loop3A_302, %parallel_loop3A_305, %parallel_loop3A_306 : vector<16xi1>, vector<16xi32>
      %parallel_loop3A_308 = arith.ori %parallel_loop3A_295, %parallel_loop3A_307 : vector<16xi32>
      %parallel_loop3A_309 = arith.constant 20 : i32
      %parallel_loop3A_310 = vector.broadcast %parallel_loop3A_309 : i32 to vector<16xi32>
      %parallel_loop3A_311 = arith.addi %parallel_loop3A_46, %parallel_loop3A_310 : vector<16xi32>
      %parallel_loop3A_312 = tpu.vector_load_idx %arg4[%parallel_loop3A_311] : memref<8192xf32, #tpu.memory_space<vmem>>[vector<16xi32>], vector<16xf32>,
      %parallel_loop3A_313 = arith.constant 5.000000e-01 : f32
      %parallel_loop3A_314 = vector.broadcast %parallel_loop3A_313 : f32 to vector<16xf32>
      %parallel_loop3A_315 = arith.cmpf ogt, %parallel_loop3A_312, %parallel_loop3A_314 : vector<16xf32>
      %parallel_loop3A_316 = arith.constant 1048576 : i32
      %parallel_loop3A_317 = arith.constant 0 : i32
      %parallel_loop3A_318 = vector.broadcast %parallel_loop3A_316 : i32 to vector<16xi32>
      %parallel_loop3A_319 = vector.broadcast %parallel_loop3A_317 : i32 to vector<16xi32>
      %parallel_loop3A_320 = arith.select %parallel_loop3A_315, %parallel_loop3A_318, %parallel_loop3A_319 : vector<16xi1>, vector<16xi32>
      %parallel_loop3A_321 = arith.ori %parallel_loop3A_308, %parallel_loop3A_320 : vector<16xi32>
      %parallel_loop3A_322 = arith.constant 21 : i32
      %parallel_loop3A_323 = vector.broadcast %parallel_loop3A_322 : i32 to vector<16xi32>
      %parallel_loop3A_324 = arith.addi %parallel_loop3A_46, %parallel_loop3A_323 : vector<16xi32>
      %parallel_loop3A_325 = tpu.vector_load_idx %arg4[%parallel_loop3A_324] : memref<8192xf32, #tpu.memory_space<vmem>>[vector<16xi32>], vector<16xf32>,
      %parallel_loop3A_326 = arith.constant 5.000000e-01 : f32
      %parallel_loop3A_327 = vector.broadcast %parallel_loop3A_326 : f32 to vector<16xf32>
      %parallel_loop3A_328 = arith.cmpf ogt, %parallel_loop3A_325, %parallel_loop3A_327 : vector<16xf32>
      %parallel_loop3A_329 = arith.constant 2097152 : i32
      %parallel_loop3A_330 = arith.constant 0 : i32
      %parallel_loop3A_331 = vector.broadcast %parallel_loop3A_329 : i32 to vector<16xi32>
      %parallel_loop3A_332 = vector.broadcast %parallel_loop3A_330 : i32 to vector<16xi32>
      %parallel_loop3A_333 = arith.select %parallel_loop3A_328, %parallel_loop3A_331, %parallel_loop3A_332 : vector<16xi1>, vector<16xi32>
      %parallel_loop3A_334 = arith.ori %parallel_loop3A_321, %parallel_loop3A_333 : vector<16xi32>
      %parallel_loop3A_335 = arith.constant 22 : i32
      %parallel_loop3A_336 = vector.broadcast %parallel_loop3A_335 : i32 to vector<16xi32>
      %parallel_loop3A_337 = arith.addi %parallel_loop3A_46, %parallel_loop3A_336 : vector<16xi32>
      %parallel_loop3A_338 = tpu.vector_load_idx %arg4[%parallel_loop3A_337] : memref<8192xf32, #tpu.memory_space<vmem>>[vector<16xi32>], vector<16xf32>,
      %parallel_loop3A_339 = arith.constant 5.000000e-01 : f32
      %parallel_loop3A_340 = vector.broadcast %parallel_loop3A_339 : f32 to vector<16xf32>
      %parallel_loop3A_341 = arith.cmpf ogt, %parallel_loop3A_338, %parallel_loop3A_340 : vector<16xf32>
      %parallel_loop3A_342 = arith.constant 4194304 : i32
      %parallel_loop3A_343 = arith.constant 0 : i32
      %parallel_loop3A_344 = vector.broadcast %parallel_loop3A_342 : i32 to vector<16xi32>
      %parallel_loop3A_345 = vector.broadcast %parallel_loop3A_343 : i32 to vector<16xi32>
      %parallel_loop3A_346 = arith.select %parallel_loop3A_341, %parallel_loop3A_344, %parallel_loop3A_345 : vector<16xi1>, vector<16xi32>
      %parallel_loop3A_347 = arith.ori %parallel_loop3A_334, %parallel_loop3A_346 : vector<16xi32>
      %parallel_loop3A_348 = arith.constant 23 : i32
      %parallel_loop3A_349 = vector.broadcast %parallel_loop3A_348 : i32 to vector<16xi32>
      %parallel_loop3A_350 = arith.addi %parallel_loop3A_46, %parallel_loop3A_349 : vector<16xi32>
      %parallel_loop3A_351 = tpu.vector_load_idx %arg4[%parallel_loop3A_350] : memref<8192xf32, #tpu.memory_space<vmem>>[vector<16xi32>], vector<16xf32>,
      %parallel_loop3A_352 = arith.constant 5.000000e-01 : f32
      %parallel_loop3A_353 = vector.broadcast %parallel_loop3A_352 : f32 to vector<16xf32>
      %parallel_loop3A_354 = arith.cmpf ogt, %parallel_loop3A_351, %parallel_loop3A_353 : vector<16xf32>
      %parallel_loop3A_355 = arith.constant 8388608 : i32
      %parallel_loop3A_356 = arith.constant 0 : i32
      %parallel_loop3A_357 = vector.broadcast %parallel_loop3A_355 : i32 to vector<16xi32>
      %parallel_loop3A_358 = vector.broadcast %parallel_loop3A_356 : i32 to vector<16xi32>
      %parallel_loop3A_359 = arith.select %parallel_loop3A_354, %parallel_loop3A_357, %parallel_loop3A_358 : vector<16xi1>, vector<16xi32>
      %parallel_loop3A_360 = arith.ori %parallel_loop3A_347, %parallel_loop3A_359 : vector<16xi32>
      %parallel_loop3A_361 = arith.constant 24 : i32
      %parallel_loop3A_362 = vector.broadcast %parallel_loop3A_361 : i32 to vector<16xi32>
      %parallel_loop3A_363 = arith.addi %parallel_loop3A_46, %parallel_loop3A_362 : vector<16xi32>
      %parallel_loop3A_364 = tpu.vector_load_idx %arg4[%parallel_loop3A_363] : memref<8192xf32, #tpu.memory_space<vmem>>[vector<16xi32>], vector<16xf32>,
      %parallel_loop3A_365 = arith.constant 5.000000e-01 : f32
      %parallel_loop3A_366 = vector.broadcast %parallel_loop3A_365 : f32 to vector<16xf32>
      %parallel_loop3A_367 = arith.cmpf ogt, %parallel_loop3A_364, %parallel_loop3A_366 : vector<16xf32>
      %parallel_loop3A_368 = arith.constant 16777216 : i32
      %parallel_loop3A_369 = arith.constant 0 : i32
      %parallel_loop3A_370 = vector.broadcast %parallel_loop3A_368 : i32 to vector<16xi32>
      %parallel_loop3A_371 = vector.broadcast %parallel_loop3A_369 : i32 to vector<16xi32>
      %parallel_loop3A_372 = arith.select %parallel_loop3A_367, %parallel_loop3A_370, %parallel_loop3A_371 : vector<16xi1>, vector<16xi32>
      %parallel_loop3A_373 = arith.ori %parallel_loop3A_360, %parallel_loop3A_372 : vector<16xi32>
      %parallel_loop3A_374 = arith.constant 25 : i32
      %parallel_loop3A_375 = vector.broadcast %parallel_loop3A_374 : i32 to vector<16xi32>
      %parallel_loop3A_376 = arith.addi %parallel_loop3A_46, %parallel_loop3A_375 : vector<16xi32>
      %parallel_loop3A_377 = tpu.vector_load_idx %arg4[%parallel_loop3A_376] : memref<8192xf32, #tpu.memory_space<vmem>>[vector<16xi32>], vector<16xf32>,
      %parallel_loop3A_378 = arith.constant 5.000000e-01 : f32
      %parallel_loop3A_379 = vector.broadcast %parallel_loop3A_378 : f32 to vector<16xf32>
      %parallel_loop3A_380 = arith.cmpf ogt, %parallel_loop3A_377, %parallel_loop3A_379 : vector<16xf32>
      %parallel_loop3A_381 = arith.constant 33554432 : i32
      %parallel_loop3A_382 = arith.constant 0 : i32
      %parallel_loop3A_383 = vector.broadcast %parallel_loop3A_381 : i32 to vector<16xi32>
      %parallel_loop3A_384 = vector.broadcast %parallel_loop3A_382 : i32 to vector<16xi32>
      %parallel_loop3A_385 = arith.select %parallel_loop3A_380, %parallel_loop3A_383, %parallel_loop3A_384 : vector<16xi1>, vector<16xi32>
      %parallel_loop3A_386 = arith.ori %parallel_loop3A_373, %parallel_loop3A_385 : vector<16xi32>
      %parallel_loop3A_387 = arith.constant 26 : i32
      %parallel_loop3A_388 = vector.broadcast %parallel_loop3A_387 : i32 to vector<16xi32>
      %parallel_loop3A_389 = arith.addi %parallel_loop3A_46, %parallel_loop3A_388 : vector<16xi32>
      %parallel_loop3A_390 = tpu.vector_load_idx %arg4[%parallel_loop3A_389] : memref<8192xf32, #tpu.memory_space<vmem>>[vector<16xi32>], vector<16xf32>,
      %parallel_loop3A_391 = arith.constant 5.000000e-01 : f32
      %parallel_loop3A_392 = vector.broadcast %parallel_loop3A_391 : f32 to vector<16xf32>
      %parallel_loop3A_393 = arith.cmpf ogt, %parallel_loop3A_390, %parallel_loop3A_392 : vector<16xf32>
      %parallel_loop3A_394 = arith.constant 67108864 : i32
      %parallel_loop3A_395 = arith.constant 0 : i32
      %parallel_loop3A_396 = vector.broadcast %parallel_loop3A_394 : i32 to vector<16xi32>
      %parallel_loop3A_397 = vector.broadcast %parallel_loop3A_395 : i32 to vector<16xi32>
      %parallel_loop3A_398 = arith.select %parallel_loop3A_393, %parallel_loop3A_396, %parallel_loop3A_397 : vector<16xi1>, vector<16xi32>
      %parallel_loop3A_399 = arith.ori %parallel_loop3A_386, %parallel_loop3A_398 : vector<16xi32>
      %parallel_loop3A_400 = arith.constant 27 : i32
      %parallel_loop3A_401 = vector.broadcast %parallel_loop3A_400 : i32 to vector<16xi32>
      %parallel_loop3A_402 = arith.addi %parallel_loop3A_46, %parallel_loop3A_401 : vector<16xi32>
      %parallel_loop3A_403 = tpu.vector_load_idx %arg4[%parallel_loop3A_402] : memref<8192xf32, #tpu.memory_space<vmem>>[vector<16xi32>], vector<16xf32>,
      %parallel_loop3A_404 = arith.constant 5.000000e-01 : f32
      %parallel_loop3A_405 = vector.broadcast %parallel_loop3A_404 : f32 to vector<16xf32>
      %parallel_loop3A_406 = arith.cmpf ogt, %parallel_loop3A_403, %parallel_loop3A_405 : vector<16xf32>
      %parallel_loop3A_407 = arith.constant 134217728 : i32
      %parallel_loop3A_408 = arith.constant 0 : i32
      %parallel_loop3A_409 = vector.broadcast %parallel_loop3A_407 : i32 to vector<16xi32>
      %parallel_loop3A_410 = vector.broadcast %parallel_loop3A_408 : i32 to vector<16xi32>
      %parallel_loop3A_411 = arith.select %parallel_loop3A_406, %parallel_loop3A_409, %parallel_loop3A_410 : vector<16xi1>, vector<16xi32>
      %parallel_loop3A_412 = arith.ori %parallel_loop3A_399, %parallel_loop3A_411 : vector<16xi32>
      %parallel_loop3A_413 = arith.constant 28 : i32
      %parallel_loop3A_414 = vector.broadcast %parallel_loop3A_413 : i32 to vector<16xi32>
      %parallel_loop3A_415 = arith.addi %parallel_loop3A_46, %parallel_loop3A_414 : vector<16xi32>
      %parallel_loop3A_416 = tpu.vector_load_idx %arg4[%parallel_loop3A_415] : memref<8192xf32, #tpu.memory_space<vmem>>[vector<16xi32>], vector<16xf32>,
      %parallel_loop3A_417 = arith.constant 5.000000e-01 : f32
      %parallel_loop3A_418 = vector.broadcast %parallel_loop3A_417 : f32 to vector<16xf32>
      %parallel_loop3A_419 = arith.cmpf ogt, %parallel_loop3A_416, %parallel_loop3A_418 : vector<16xf32>
      %parallel_loop3A_420 = arith.constant 268435456 : i32
      %parallel_loop3A_421 = arith.constant 0 : i32
      %parallel_loop3A_422 = vector.broadcast %parallel_loop3A_420 : i32 to vector<16xi32>
      %parallel_loop3A_423 = vector.broadcast %parallel_loop3A_421 : i32 to vector<16xi32>
      %parallel_loop3A_424 = arith.select %parallel_loop3A_419, %parallel_loop3A_422, %parallel_loop3A_423 : vector<16xi1>, vector<16xi32>
      %parallel_loop3A_425 = arith.ori %parallel_loop3A_412, %parallel_loop3A_424 : vector<16xi32>
      %parallel_loop3A_426 = arith.constant 29 : i32
      %parallel_loop3A_427 = vector.broadcast %parallel_loop3A_426 : i32 to vector<16xi32>
      %parallel_loop3A_428 = arith.addi %parallel_loop3A_46, %parallel_loop3A_427 : vector<16xi32>
      %parallel_loop3A_429 = tpu.vector_load_idx %arg4[%parallel_loop3A_428] : memref<8192xf32, #tpu.memory_space<vmem>>[vector<16xi32>], vector<16xf32>,
      %parallel_loop3A_430 = arith.constant 5.000000e-01 : f32
      %parallel_loop3A_431 = vector.broadcast %parallel_loop3A_430 : f32 to vector<16xf32>
      %parallel_loop3A_432 = arith.cmpf ogt, %parallel_loop3A_429, %parallel_loop3A_431 : vector<16xf32>
      %parallel_loop3A_433 = arith.constant 536870912 : i32
      %parallel_loop3A_434 = arith.constant 0 : i32
      %parallel_loop3A_435 = vector.broadcast %parallel_loop3A_433 : i32 to vector<16xi32>
      %parallel_loop3A_436 = vector.broadcast %parallel_loop3A_434 : i32 to vector<16xi32>
      %parallel_loop3A_437 = arith.select %parallel_loop3A_432, %parallel_loop3A_435, %parallel_loop3A_436 : vector<16xi1>, vector<16xi32>
      %parallel_loop3A_438 = arith.ori %parallel_loop3A_425, %parallel_loop3A_437 : vector<16xi32>
      %parallel_loop3A_439 = arith.constant 30 : i32
      %parallel_loop3A_440 = vector.broadcast %parallel_loop3A_439 : i32 to vector<16xi32>
      %parallel_loop3A_441 = arith.addi %parallel_loop3A_46, %parallel_loop3A_440 : vector<16xi32>
      %parallel_loop3A_442 = tpu.vector_load_idx %arg4[%parallel_loop3A_441] : memref<8192xf32, #tpu.memory_space<vmem>>[vector<16xi32>], vector<16xf32>,
      %parallel_loop3A_443 = arith.constant 5.000000e-01 : f32
      %parallel_loop3A_444 = vector.broadcast %parallel_loop3A_443 : f32 to vector<16xf32>
      %parallel_loop3A_445 = arith.cmpf ogt, %parallel_loop3A_442, %parallel_loop3A_444 : vector<16xf32>
      %parallel_loop3A_446 = arith.constant 1073741824 : i32
      %parallel_loop3A_447 = arith.constant 0 : i32
      %parallel_loop3A_448 = vector.broadcast %parallel_loop3A_446 : i32 to vector<16xi32>
      %parallel_loop3A_449 = vector.broadcast %parallel_loop3A_447 : i32 to vector<16xi32>
      %parallel_loop3A_450 = arith.select %parallel_loop3A_445, %parallel_loop3A_448, %parallel_loop3A_449 : vector<16xi1>, vector<16xi32>
      %parallel_loop3A_451 = arith.ori %parallel_loop3A_438, %parallel_loop3A_450 : vector<16xi32>
      %parallel_loop3A_452 = arith.constant 31 : i32
      %parallel_loop3A_453 = vector.broadcast %parallel_loop3A_452 : i32 to vector<16xi32>
      %parallel_loop3A_454 = arith.addi %parallel_loop3A_46, %parallel_loop3A_453 : vector<16xi32>
      %parallel_loop3A_455 = tpu.vector_load_idx %arg4[%parallel_loop3A_454] : memref<8192xf32, #tpu.memory_space<vmem>>[vector<16xi32>], vector<16xf32>,
      %parallel_loop3A_456 = arith.constant 5.000000e-01 : f32
      %parallel_loop3A_457 = vector.broadcast %parallel_loop3A_456 : f32 to vector<16xf32>
      %parallel_loop3A_458 = arith.cmpf ogt, %parallel_loop3A_455, %parallel_loop3A_457 : vector<16xf32>
      %parallel_loop3A_459 = arith.constant -2147483648 : i32
      %parallel_loop3A_460 = arith.constant 0 : i32
      %parallel_loop3A_461 = vector.broadcast %parallel_loop3A_459 : i32 to vector<16xi32>
      %parallel_loop3A_462 = vector.broadcast %parallel_loop3A_460 : i32 to vector<16xi32>
      %parallel_loop3A_463 = arith.select %parallel_loop3A_458, %parallel_loop3A_461, %parallel_loop3A_462 : vector<16xi1>, vector<16xi32>
      %parallel_loop3A_464 = arith.ori %parallel_loop3A_451, %parallel_loop3A_463 : vector<16xi32>
      %parallel_loop3A_465 = arith.constant 16 : i32
      %parallel_loop3A_466 = arith.muli %parallel_loop3A_39, %parallel_loop3A_465 : i32
      %parallel_loop3A_467 = arith.constant 512 : i32
      %parallel_loop3A_468 = arith.addi %parallel_loop3A_467, %parallel_loop3A_466 : i32
      %parallel_loop3A_469 = tpu.assume_multiple %parallel_loop3A_468, 16 : i32
      %parallel_loop3A_470 = arith.index_cast %parallel_loop3A_469 : i32 to index
      %parallel_loop3A_471 = tpu.vector_load %arg6[%parallel_loop3A_470] {strides = array<i32>} : memref<1024xi32, #tpu.memory_space<vmem>>, vector<16xi32>,
      tpu.vector_store %arg6[%parallel_loop3A_470], %parallel_loop3A_464 {strides = array<i32>} : memref<1024xi32, #tpu.memory_space<vmem>>, vector<16xi32>,
    } {sc.loop_unroll_factor = 2 : i64, sc.parallel_access}
    %dma_wait3A_31 = tpu.memref_slice %arg2[%add3A_23] : memref<1048576xf32, #tpu.memory_space<hbm>> -> memref<8192xf32, #tpu.memory_space<hbm>>
    %dma_wait3A_32 = tpu.memref_slice %arg2[%add3A_23] : memref<1048576xf32, #tpu.memory_space<hbm>> -> memref<8192xf32, #tpu.memory_space<hbm>>
    tpu.wait_dma2 semaphore(%arg8 : memref<!tpu.dma_semaphore, #tpu.memory_space<semaphore_mem>>) src(%dma_wait3A_32 : memref<8192xf32, #tpu.memory_space<hbm>>) dst(%arg5 : memref<8192xf32, #tpu.memory_space<vmem>>)
    %parallel_loop3A_33 = arith.constant 0 : i32
    %parallel_loop3A_34 = arith.constant 16 : i32
    %parallel_loop3A_35 = arith.constant 1 : i32
    scf.for %parallel_loop3A_39 = %parallel_loop3A_33 to %parallel_loop3A_34 step %parallel_loop3A_35  : i32 {
      %parallel_loop3A_40 = arith.constant 32 : i32
      %parallel_loop3A_41 = vector.broadcast %parallel_loop3A_40 : i32 to vector<16xi32>
      %parallel_loop3A_42 = arith.muli %iota3A, %parallel_loop3A_41 : vector<16xi32>
      %parallel_loop3A_43 = arith.constant 512 : i32
      %parallel_loop3A_44 = arith.muli %parallel_loop3A_39, %parallel_loop3A_43 : i32
      %parallel_loop3A_45 = vector.broadcast %parallel_loop3A_44 : i32 to vector<16xi32>
      %parallel_loop3A_46 = arith.addi %parallel_loop3A_42, %parallel_loop3A_45 : vector<16xi32>
      %parallel_loop3A_47 = arith.constant 0 : i32
      %parallel_loop3A_48 = vector.broadcast %parallel_loop3A_47 : i32 to vector<16xi32>
      %parallel_loop3A_49 = arith.constant 0 : i32
      %parallel_loop3A_50 = vector.broadcast %parallel_loop3A_49 : i32 to vector<16xi32>
      %parallel_loop3A_51 = arith.addi %parallel_loop3A_46, %parallel_loop3A_50 : vector<16xi32>
      %parallel_loop3A_52 = tpu.vector_load_idx %arg5[%parallel_loop3A_51] : memref<8192xf32, #tpu.memory_space<vmem>>[vector<16xi32>], vector<16xf32>,
      %parallel_loop3A_53 = arith.constant 5.000000e-01 : f32
      %parallel_loop3A_54 = vector.broadcast %parallel_loop3A_53 : f32 to vector<16xf32>
      %parallel_loop3A_55 = arith.cmpf ogt, %parallel_loop3A_52, %parallel_loop3A_54 : vector<16xf32>
      %parallel_loop3A_56 = arith.constant 1 : i32
      %parallel_loop3A_57 = arith.constant 0 : i32
      %parallel_loop3A_58 = vector.broadcast %parallel_loop3A_56 : i32 to vector<16xi32>
      %parallel_loop3A_59 = vector.broadcast %parallel_loop3A_57 : i32 to vector<16xi32>
      %parallel_loop3A_60 = arith.select %parallel_loop3A_55, %parallel_loop3A_58, %parallel_loop3A_59 : vector<16xi1>, vector<16xi32>
      %parallel_loop3A_61 = arith.ori %parallel_loop3A_48, %parallel_loop3A_60 : vector<16xi32>
      %parallel_loop3A_62 = arith.constant 1 : i32
      %parallel_loop3A_63 = vector.broadcast %parallel_loop3A_62 : i32 to vector<16xi32>
      %parallel_loop3A_64 = arith.addi %parallel_loop3A_46, %parallel_loop3A_63 : vector<16xi32>
      %parallel_loop3A_65 = tpu.vector_load_idx %arg5[%parallel_loop3A_64] : memref<8192xf32, #tpu.memory_space<vmem>>[vector<16xi32>], vector<16xf32>,
      %parallel_loop3A_66 = arith.constant 5.000000e-01 : f32
      %parallel_loop3A_67 = vector.broadcast %parallel_loop3A_66 : f32 to vector<16xf32>
      %parallel_loop3A_68 = arith.cmpf ogt, %parallel_loop3A_65, %parallel_loop3A_67 : vector<16xf32>
      %parallel_loop3A_69 = arith.constant 2 : i32
      %parallel_loop3A_70 = arith.constant 0 : i32
      %parallel_loop3A_71 = vector.broadcast %parallel_loop3A_69 : i32 to vector<16xi32>
      %parallel_loop3A_72 = vector.broadcast %parallel_loop3A_70 : i32 to vector<16xi32>
      %parallel_loop3A_73 = arith.select %parallel_loop3A_68, %parallel_loop3A_71, %parallel_loop3A_72 : vector<16xi1>, vector<16xi32>
      %parallel_loop3A_74 = arith.ori %parallel_loop3A_61, %parallel_loop3A_73 : vector<16xi32>
      %parallel_loop3A_75 = arith.constant 2 : i32
      %parallel_loop3A_76 = vector.broadcast %parallel_loop3A_75 : i32 to vector<16xi32>
      %parallel_loop3A_77 = arith.addi %parallel_loop3A_46, %parallel_loop3A_76 : vector<16xi32>
      %parallel_loop3A_78 = tpu.vector_load_idx %arg5[%parallel_loop3A_77] : memref<8192xf32, #tpu.memory_space<vmem>>[vector<16xi32>], vector<16xf32>,
      %parallel_loop3A_79 = arith.constant 5.000000e-01 : f32
      %parallel_loop3A_80 = vector.broadcast %parallel_loop3A_79 : f32 to vector<16xf32>
      %parallel_loop3A_81 = arith.cmpf ogt, %parallel_loop3A_78, %parallel_loop3A_80 : vector<16xf32>
      %parallel_loop3A_82 = arith.constant 4 : i32
      %parallel_loop3A_83 = arith.constant 0 : i32
      %parallel_loop3A_84 = vector.broadcast %parallel_loop3A_82 : i32 to vector<16xi32>
      %parallel_loop3A_85 = vector.broadcast %parallel_loop3A_83 : i32 to vector<16xi32>
      %parallel_loop3A_86 = arith.select %parallel_loop3A_81, %parallel_loop3A_84, %parallel_loop3A_85 : vector<16xi1>, vector<16xi32>
      %parallel_loop3A_87 = arith.ori %parallel_loop3A_74, %parallel_loop3A_86 : vector<16xi32>
      %parallel_loop3A_88 = arith.constant 3 : i32
      %parallel_loop3A_89 = vector.broadcast %parallel_loop3A_88 : i32 to vector<16xi32>
      %parallel_loop3A_90 = arith.addi %parallel_loop3A_46, %parallel_loop3A_89 : vector<16xi32>
      %parallel_loop3A_91 = tpu.vector_load_idx %arg5[%parallel_loop3A_90] : memref<8192xf32, #tpu.memory_space<vmem>>[vector<16xi32>], vector<16xf32>,
      %parallel_loop3A_92 = arith.constant 5.000000e-01 : f32
      %parallel_loop3A_93 = vector.broadcast %parallel_loop3A_92 : f32 to vector<16xf32>
      %parallel_loop3A_94 = arith.cmpf ogt, %parallel_loop3A_91, %parallel_loop3A_93 : vector<16xf32>
      %parallel_loop3A_95 = arith.constant 8 : i32
      %parallel_loop3A_96 = arith.constant 0 : i32
      %parallel_loop3A_97 = vector.broadcast %parallel_loop3A_95 : i32 to vector<16xi32>
      %parallel_loop3A_98 = vector.broadcast %parallel_loop3A_96 : i32 to vector<16xi32>
      %parallel_loop3A_99 = arith.select %parallel_loop3A_94, %parallel_loop3A_97, %parallel_loop3A_98 : vector<16xi1>, vector<16xi32>
      %parallel_loop3A_100 = arith.ori %parallel_loop3A_87, %parallel_loop3A_99 : vector<16xi32>
      %parallel_loop3A_101 = arith.constant 4 : i32
      %parallel_loop3A_102 = vector.broadcast %parallel_loop3A_101 : i32 to vector<16xi32>
      %parallel_loop3A_103 = arith.addi %parallel_loop3A_46, %parallel_loop3A_102 : vector<16xi32>
      %parallel_loop3A_104 = tpu.vector_load_idx %arg5[%parallel_loop3A_103] : memref<8192xf32, #tpu.memory_space<vmem>>[vector<16xi32>], vector<16xf32>,
      %parallel_loop3A_105 = arith.constant 5.000000e-01 : f32
      %parallel_loop3A_106 = vector.broadcast %parallel_loop3A_105 : f32 to vector<16xf32>
      %parallel_loop3A_107 = arith.cmpf ogt, %parallel_loop3A_104, %parallel_loop3A_106 : vector<16xf32>
      %parallel_loop3A_108 = arith.constant 16 : i32
      %parallel_loop3A_109 = arith.constant 0 : i32
      %parallel_loop3A_110 = vector.broadcast %parallel_loop3A_108 : i32 to vector<16xi32>
      %parallel_loop3A_111 = vector.broadcast %parallel_loop3A_109 : i32 to vector<16xi32>
      %parallel_loop3A_112 = arith.select %parallel_loop3A_107, %parallel_loop3A_110, %parallel_loop3A_111 : vector<16xi1>, vector<16xi32>
      %parallel_loop3A_113 = arith.ori %parallel_loop3A_100, %parallel_loop3A_112 : vector<16xi32>
      %parallel_loop3A_114 = arith.constant 5 : i32
      %parallel_loop3A_115 = vector.broadcast %parallel_loop3A_114 : i32 to vector<16xi32>
      %parallel_loop3A_116 = arith.addi %parallel_loop3A_46, %parallel_loop3A_115 : vector<16xi32>
      %parallel_loop3A_117 = tpu.vector_load_idx %arg5[%parallel_loop3A_116] : memref<8192xf32, #tpu.memory_space<vmem>>[vector<16xi32>], vector<16xf32>,
      %parallel_loop3A_118 = arith.constant 5.000000e-01 : f32
      %parallel_loop3A_119 = vector.broadcast %parallel_loop3A_118 : f32 to vector<16xf32>
      %parallel_loop3A_120 = arith.cmpf ogt, %parallel_loop3A_117, %parallel_loop3A_119 : vector<16xf32>
      %parallel_loop3A_121 = arith.constant 32 : i32
      %parallel_loop3A_122 = arith.constant 0 : i32
      %parallel_loop3A_123 = vector.broadcast %parallel_loop3A_121 : i32 to vector<16xi32>
      %parallel_loop3A_124 = vector.broadcast %parallel_loop3A_122 : i32 to vector<16xi32>
      %parallel_loop3A_125 = arith.select %parallel_loop3A_120, %parallel_loop3A_123, %parallel_loop3A_124 : vector<16xi1>, vector<16xi32>
      %parallel_loop3A_126 = arith.ori %parallel_loop3A_113, %parallel_loop3A_125 : vector<16xi32>
      %parallel_loop3A_127 = arith.constant 6 : i32
      %parallel_loop3A_128 = vector.broadcast %parallel_loop3A_127 : i32 to vector<16xi32>
      %parallel_loop3A_129 = arith.addi %parallel_loop3A_46, %parallel_loop3A_128 : vector<16xi32>
      %parallel_loop3A_130 = tpu.vector_load_idx %arg5[%parallel_loop3A_129] : memref<8192xf32, #tpu.memory_space<vmem>>[vector<16xi32>], vector<16xf32>,
      %parallel_loop3A_131 = arith.constant 5.000000e-01 : f32
      %parallel_loop3A_132 = vector.broadcast %parallel_loop3A_131 : f32 to vector<16xf32>
      %parallel_loop3A_133 = arith.cmpf ogt, %parallel_loop3A_130, %parallel_loop3A_132 : vector<16xf32>
      %parallel_loop3A_134 = arith.constant 64 : i32
      %parallel_loop3A_135 = arith.constant 0 : i32
      %parallel_loop3A_136 = vector.broadcast %parallel_loop3A_134 : i32 to vector<16xi32>
      %parallel_loop3A_137 = vector.broadcast %parallel_loop3A_135 : i32 to vector<16xi32>
      %parallel_loop3A_138 = arith.select %parallel_loop3A_133, %parallel_loop3A_136, %parallel_loop3A_137 : vector<16xi1>, vector<16xi32>
      %parallel_loop3A_139 = arith.ori %parallel_loop3A_126, %parallel_loop3A_138 : vector<16xi32>
      %parallel_loop3A_140 = arith.constant 7 : i32
      %parallel_loop3A_141 = vector.broadcast %parallel_loop3A_140 : i32 to vector<16xi32>
      %parallel_loop3A_142 = arith.addi %parallel_loop3A_46, %parallel_loop3A_141 : vector<16xi32>
      %parallel_loop3A_143 = tpu.vector_load_idx %arg5[%parallel_loop3A_142] : memref<8192xf32, #tpu.memory_space<vmem>>[vector<16xi32>], vector<16xf32>,
      %parallel_loop3A_144 = arith.constant 5.000000e-01 : f32
      %parallel_loop3A_145 = vector.broadcast %parallel_loop3A_144 : f32 to vector<16xf32>
      %parallel_loop3A_146 = arith.cmpf ogt, %parallel_loop3A_143, %parallel_loop3A_145 : vector<16xf32>
      %parallel_loop3A_147 = arith.constant 128 : i32
      %parallel_loop3A_148 = arith.constant 0 : i32
      %parallel_loop3A_149 = vector.broadcast %parallel_loop3A_147 : i32 to vector<16xi32>
      %parallel_loop3A_150 = vector.broadcast %parallel_loop3A_148 : i32 to vector<16xi32>
      %parallel_loop3A_151 = arith.select %parallel_loop3A_146, %parallel_loop3A_149, %parallel_loop3A_150 : vector<16xi1>, vector<16xi32>
      %parallel_loop3A_152 = arith.ori %parallel_loop3A_139, %parallel_loop3A_151 : vector<16xi32>
      %parallel_loop3A_153 = arith.constant 8 : i32
      %parallel_loop3A_154 = vector.broadcast %parallel_loop3A_153 : i32 to vector<16xi32>
      %parallel_loop3A_155 = arith.addi %parallel_loop3A_46, %parallel_loop3A_154 : vector<16xi32>
      %parallel_loop3A_156 = tpu.vector_load_idx %arg5[%parallel_loop3A_155] : memref<8192xf32, #tpu.memory_space<vmem>>[vector<16xi32>], vector<16xf32>,
      %parallel_loop3A_157 = arith.constant 5.000000e-01 : f32
      %parallel_loop3A_158 = vector.broadcast %parallel_loop3A_157 : f32 to vector<16xf32>
      %parallel_loop3A_159 = arith.cmpf ogt, %parallel_loop3A_156, %parallel_loop3A_158 : vector<16xf32>
      %parallel_loop3A_160 = arith.constant 256 : i32
      %parallel_loop3A_161 = arith.constant 0 : i32
      %parallel_loop3A_162 = vector.broadcast %parallel_loop3A_160 : i32 to vector<16xi32>
      %parallel_loop3A_163 = vector.broadcast %parallel_loop3A_161 : i32 to vector<16xi32>
      %parallel_loop3A_164 = arith.select %parallel_loop3A_159, %parallel_loop3A_162, %parallel_loop3A_163 : vector<16xi1>, vector<16xi32>
      %parallel_loop3A_165 = arith.ori %parallel_loop3A_152, %parallel_loop3A_164 : vector<16xi32>
      %parallel_loop3A_166 = arith.constant 9 : i32
      %parallel_loop3A_167 = vector.broadcast %parallel_loop3A_166 : i32 to vector<16xi32>
      %parallel_loop3A_168 = arith.addi %parallel_loop3A_46, %parallel_loop3A_167 : vector<16xi32>
      %parallel_loop3A_169 = tpu.vector_load_idx %arg5[%parallel_loop3A_168] : memref<8192xf32, #tpu.memory_space<vmem>>[vector<16xi32>], vector<16xf32>,
      %parallel_loop3A_170 = arith.constant 5.000000e-01 : f32
      %parallel_loop3A_171 = vector.broadcast %parallel_loop3A_170 : f32 to vector<16xf32>
      %parallel_loop3A_172 = arith.cmpf ogt, %parallel_loop3A_169, %parallel_loop3A_171 : vector<16xf32>
      %parallel_loop3A_173 = arith.constant 512 : i32
      %parallel_loop3A_174 = arith.constant 0 : i32
      %parallel_loop3A_175 = vector.broadcast %parallel_loop3A_173 : i32 to vector<16xi32>
      %parallel_loop3A_176 = vector.broadcast %parallel_loop3A_174 : i32 to vector<16xi32>
      %parallel_loop3A_177 = arith.select %parallel_loop3A_172, %parallel_loop3A_175, %parallel_loop3A_176 : vector<16xi1>, vector<16xi32>
      %parallel_loop3A_178 = arith.ori %parallel_loop3A_165, %parallel_loop3A_177 : vector<16xi32>
      %parallel_loop3A_179 = arith.constant 10 : i32
      %parallel_loop3A_180 = vector.broadcast %parallel_loop3A_179 : i32 to vector<16xi32>
      %parallel_loop3A_181 = arith.addi %parallel_loop3A_46, %parallel_loop3A_180 : vector<16xi32>
      %parallel_loop3A_182 = tpu.vector_load_idx %arg5[%parallel_loop3A_181] : memref<8192xf32, #tpu.memory_space<vmem>>[vector<16xi32>], vector<16xf32>,
      %parallel_loop3A_183 = arith.constant 5.000000e-01 : f32
      %parallel_loop3A_184 = vector.broadcast %parallel_loop3A_183 : f32 to vector<16xf32>
      %parallel_loop3A_185 = arith.cmpf ogt, %parallel_loop3A_182, %parallel_loop3A_184 : vector<16xf32>
      %parallel_loop3A_186 = arith.constant 1024 : i32
      %parallel_loop3A_187 = arith.constant 0 : i32
      %parallel_loop3A_188 = vector.broadcast %parallel_loop3A_186 : i32 to vector<16xi32>
      %parallel_loop3A_189 = vector.broadcast %parallel_loop3A_187 : i32 to vector<16xi32>
      %parallel_loop3A_190 = arith.select %parallel_loop3A_185, %parallel_loop3A_188, %parallel_loop3A_189 : vector<16xi1>, vector<16xi32>
      %parallel_loop3A_191 = arith.ori %parallel_loop3A_178, %parallel_loop3A_190 : vector<16xi32>
      %parallel_loop3A_192 = arith.constant 11 : i32
      %parallel_loop3A_193 = vector.broadcast %parallel_loop3A_192 : i32 to vector<16xi32>
      %parallel_loop3A_194 = arith.addi %parallel_loop3A_46, %parallel_loop3A_193 : vector<16xi32>
      %parallel_loop3A_195 = tpu.vector_load_idx %arg5[%parallel_loop3A_194] : memref<8192xf32, #tpu.memory_space<vmem>>[vector<16xi32>], vector<16xf32>,
      %parallel_loop3A_196 = arith.constant 5.000000e-01 : f32
      %parallel_loop3A_197 = vector.broadcast %parallel_loop3A_196 : f32 to vector<16xf32>
      %parallel_loop3A_198 = arith.cmpf ogt, %parallel_loop3A_195, %parallel_loop3A_197 : vector<16xf32>
      %parallel_loop3A_199 = arith.constant 2048 : i32
      %parallel_loop3A_200 = arith.constant 0 : i32
      %parallel_loop3A_201 = vector.broadcast %parallel_loop3A_199 : i32 to vector<16xi32>
      %parallel_loop3A_202 = vector.broadcast %parallel_loop3A_200 : i32 to vector<16xi32>
      %parallel_loop3A_203 = arith.select %parallel_loop3A_198, %parallel_loop3A_201, %parallel_loop3A_202 : vector<16xi1>, vector<16xi32>
      %parallel_loop3A_204 = arith.ori %parallel_loop3A_191, %parallel_loop3A_203 : vector<16xi32>
      %parallel_loop3A_205 = arith.constant 12 : i32
      %parallel_loop3A_206 = vector.broadcast %parallel_loop3A_205 : i32 to vector<16xi32>
      %parallel_loop3A_207 = arith.addi %parallel_loop3A_46, %parallel_loop3A_206 : vector<16xi32>
      %parallel_loop3A_208 = tpu.vector_load_idx %arg5[%parallel_loop3A_207] : memref<8192xf32, #tpu.memory_space<vmem>>[vector<16xi32>], vector<16xf32>,
      %parallel_loop3A_209 = arith.constant 5.000000e-01 : f32
      %parallel_loop3A_210 = vector.broadcast %parallel_loop3A_209 : f32 to vector<16xf32>
      %parallel_loop3A_211 = arith.cmpf ogt, %parallel_loop3A_208, %parallel_loop3A_210 : vector<16xf32>
      %parallel_loop3A_212 = arith.constant 4096 : i32
      %parallel_loop3A_213 = arith.constant 0 : i32
      %parallel_loop3A_214 = vector.broadcast %parallel_loop3A_212 : i32 to vector<16xi32>
      %parallel_loop3A_215 = vector.broadcast %parallel_loop3A_213 : i32 to vector<16xi32>
      %parallel_loop3A_216 = arith.select %parallel_loop3A_211, %parallel_loop3A_214, %parallel_loop3A_215 : vector<16xi1>, vector<16xi32>
      %parallel_loop3A_217 = arith.ori %parallel_loop3A_204, %parallel_loop3A_216 : vector<16xi32>
      %parallel_loop3A_218 = arith.constant 13 : i32
      %parallel_loop3A_219 = vector.broadcast %parallel_loop3A_218 : i32 to vector<16xi32>
      %parallel_loop3A_220 = arith.addi %parallel_loop3A_46, %parallel_loop3A_219 : vector<16xi32>
      %parallel_loop3A_221 = tpu.vector_load_idx %arg5[%parallel_loop3A_220] : memref<8192xf32, #tpu.memory_space<vmem>>[vector<16xi32>], vector<16xf32>,
      %parallel_loop3A_222 = arith.constant 5.000000e-01 : f32
      %parallel_loop3A_223 = vector.broadcast %parallel_loop3A_222 : f32 to vector<16xf32>
      %parallel_loop3A_224 = arith.cmpf ogt, %parallel_loop3A_221, %parallel_loop3A_223 : vector<16xf32>
      %parallel_loop3A_225 = arith.constant 8192 : i32
      %parallel_loop3A_226 = arith.constant 0 : i32
      %parallel_loop3A_227 = vector.broadcast %parallel_loop3A_225 : i32 to vector<16xi32>
      %parallel_loop3A_228 = vector.broadcast %parallel_loop3A_226 : i32 to vector<16xi32>
      %parallel_loop3A_229 = arith.select %parallel_loop3A_224, %parallel_loop3A_227, %parallel_loop3A_228 : vector<16xi1>, vector<16xi32>
      %parallel_loop3A_230 = arith.ori %parallel_loop3A_217, %parallel_loop3A_229 : vector<16xi32>
      %parallel_loop3A_231 = arith.constant 14 : i32
      %parallel_loop3A_232 = vector.broadcast %parallel_loop3A_231 : i32 to vector<16xi32>
      %parallel_loop3A_233 = arith.addi %parallel_loop3A_46, %parallel_loop3A_232 : vector<16xi32>
      %parallel_loop3A_234 = tpu.vector_load_idx %arg5[%parallel_loop3A_233] : memref<8192xf32, #tpu.memory_space<vmem>>[vector<16xi32>], vector<16xf32>,
      %parallel_loop3A_235 = arith.constant 5.000000e-01 : f32
      %parallel_loop3A_236 = vector.broadcast %parallel_loop3A_235 : f32 to vector<16xf32>
      %parallel_loop3A_237 = arith.cmpf ogt, %parallel_loop3A_234, %parallel_loop3A_236 : vector<16xf32>
      %parallel_loop3A_238 = arith.constant 16384 : i32
      %parallel_loop3A_239 = arith.constant 0 : i32
      %parallel_loop3A_240 = vector.broadcast %parallel_loop3A_238 : i32 to vector<16xi32>
      %parallel_loop3A_241 = vector.broadcast %parallel_loop3A_239 : i32 to vector<16xi32>
      %parallel_loop3A_242 = arith.select %parallel_loop3A_237, %parallel_loop3A_240, %parallel_loop3A_241 : vector<16xi1>, vector<16xi32>
      %parallel_loop3A_243 = arith.ori %parallel_loop3A_230, %parallel_loop3A_242 : vector<16xi32>
      %parallel_loop3A_244 = arith.constant 15 : i32
      %parallel_loop3A_245 = vector.broadcast %parallel_loop3A_244 : i32 to vector<16xi32>
      %parallel_loop3A_246 = arith.addi %parallel_loop3A_46, %parallel_loop3A_245 : vector<16xi32>
      %parallel_loop3A_247 = tpu.vector_load_idx %arg5[%parallel_loop3A_246] : memref<8192xf32, #tpu.memory_space<vmem>>[vector<16xi32>], vector<16xf32>,
      %parallel_loop3A_248 = arith.constant 5.000000e-01 : f32
      %parallel_loop3A_249 = vector.broadcast %parallel_loop3A_248 : f32 to vector<16xf32>
      %parallel_loop3A_250 = arith.cmpf ogt, %parallel_loop3A_247, %parallel_loop3A_249 : vector<16xf32>
      %parallel_loop3A_251 = arith.constant 32768 : i32
      %parallel_loop3A_252 = arith.constant 0 : i32
      %parallel_loop3A_253 = vector.broadcast %parallel_loop3A_251 : i32 to vector<16xi32>
      %parallel_loop3A_254 = vector.broadcast %parallel_loop3A_252 : i32 to vector<16xi32>
      %parallel_loop3A_255 = arith.select %parallel_loop3A_250, %parallel_loop3A_253, %parallel_loop3A_254 : vector<16xi1>, vector<16xi32>
      %parallel_loop3A_256 = arith.ori %parallel_loop3A_243, %parallel_loop3A_255 : vector<16xi32>
      %parallel_loop3A_257 = arith.constant 16 : i32
      %parallel_loop3A_258 = vector.broadcast %parallel_loop3A_257 : i32 to vector<16xi32>
      %parallel_loop3A_259 = arith.addi %parallel_loop3A_46, %parallel_loop3A_258 : vector<16xi32>
      %parallel_loop3A_260 = tpu.vector_load_idx %arg5[%parallel_loop3A_259] : memref<8192xf32, #tpu.memory_space<vmem>>[vector<16xi32>], vector<16xf32>,
      %parallel_loop3A_261 = arith.constant 5.000000e-01 : f32
      %parallel_loop3A_262 = vector.broadcast %parallel_loop3A_261 : f32 to vector<16xf32>
      %parallel_loop3A_263 = arith.cmpf ogt, %parallel_loop3A_260, %parallel_loop3A_262 : vector<16xf32>
      %parallel_loop3A_264 = arith.constant 65536 : i32
      %parallel_loop3A_265 = arith.constant 0 : i32
      %parallel_loop3A_266 = vector.broadcast %parallel_loop3A_264 : i32 to vector<16xi32>
      %parallel_loop3A_267 = vector.broadcast %parallel_loop3A_265 : i32 to vector<16xi32>
      %parallel_loop3A_268 = arith.select %parallel_loop3A_263, %parallel_loop3A_266, %parallel_loop3A_267 : vector<16xi1>, vector<16xi32>
      %parallel_loop3A_269 = arith.ori %parallel_loop3A_256, %parallel_loop3A_268 : vector<16xi32>
      %parallel_loop3A_270 = arith.constant 17 : i32
      %parallel_loop3A_271 = vector.broadcast %parallel_loop3A_270 : i32 to vector<16xi32>
      %parallel_loop3A_272 = arith.addi %parallel_loop3A_46, %parallel_loop3A_271 : vector<16xi32>
      %parallel_loop3A_273 = tpu.vector_load_idx %arg5[%parallel_loop3A_272] : memref<8192xf32, #tpu.memory_space<vmem>>[vector<16xi32>], vector<16xf32>,
      %parallel_loop3A_274 = arith.constant 5.000000e-01 : f32
      %parallel_loop3A_275 = vector.broadcast %parallel_loop3A_274 : f32 to vector<16xf32>
      %parallel_loop3A_276 = arith.cmpf ogt, %parallel_loop3A_273, %parallel_loop3A_275 : vector<16xf32>
      %parallel_loop3A_277 = arith.constant 131072 : i32
      %parallel_loop3A_278 = arith.constant 0 : i32
      %parallel_loop3A_279 = vector.broadcast %parallel_loop3A_277 : i32 to vector<16xi32>
      %parallel_loop3A_280 = vector.broadcast %parallel_loop3A_278 : i32 to vector<16xi32>
      %parallel_loop3A_281 = arith.select %parallel_loop3A_276, %parallel_loop3A_279, %parallel_loop3A_280 : vector<16xi1>, vector<16xi32>
      %parallel_loop3A_282 = arith.ori %parallel_loop3A_269, %parallel_loop3A_281 : vector<16xi32>
      %parallel_loop3A_283 = arith.constant 18 : i32
      %parallel_loop3A_284 = vector.broadcast %parallel_loop3A_283 : i32 to vector<16xi32>
      %parallel_loop3A_285 = arith.addi %parallel_loop3A_46, %parallel_loop3A_284 : vector<16xi32>
      %parallel_loop3A_286 = tpu.vector_load_idx %arg5[%parallel_loop3A_285] : memref<8192xf32, #tpu.memory_space<vmem>>[vector<16xi32>], vector<16xf32>,
      %parallel_loop3A_287 = arith.constant 5.000000e-01 : f32
      %parallel_loop3A_288 = vector.broadcast %parallel_loop3A_287 : f32 to vector<16xf32>
      %parallel_loop3A_289 = arith.cmpf ogt, %parallel_loop3A_286, %parallel_loop3A_288 : vector<16xf32>
      %parallel_loop3A_290 = arith.constant 262144 : i32
      %parallel_loop3A_291 = arith.constant 0 : i32
      %parallel_loop3A_292 = vector.broadcast %parallel_loop3A_290 : i32 to vector<16xi32>
      %parallel_loop3A_293 = vector.broadcast %parallel_loop3A_291 : i32 to vector<16xi32>
      %parallel_loop3A_294 = arith.select %parallel_loop3A_289, %parallel_loop3A_292, %parallel_loop3A_293 : vector<16xi1>, vector<16xi32>
      %parallel_loop3A_295 = arith.ori %parallel_loop3A_282, %parallel_loop3A_294 : vector<16xi32>
      %parallel_loop3A_296 = arith.constant 19 : i32
      %parallel_loop3A_297 = vector.broadcast %parallel_loop3A_296 : i32 to vector<16xi32>
      %parallel_loop3A_298 = arith.addi %parallel_loop3A_46, %parallel_loop3A_297 : vector<16xi32>
      %parallel_loop3A_299 = tpu.vector_load_idx %arg5[%parallel_loop3A_298] : memref<8192xf32, #tpu.memory_space<vmem>>[vector<16xi32>], vector<16xf32>,
      %parallel_loop3A_300 = arith.constant 5.000000e-01 : f32
      %parallel_loop3A_301 = vector.broadcast %parallel_loop3A_300 : f32 to vector<16xf32>
      %parallel_loop3A_302 = arith.cmpf ogt, %parallel_loop3A_299, %parallel_loop3A_301 : vector<16xf32>
      %parallel_loop3A_303 = arith.constant 524288 : i32
      %parallel_loop3A_304 = arith.constant 0 : i32
      %parallel_loop3A_305 = vector.broadcast %parallel_loop3A_303 : i32 to vector<16xi32>
      %parallel_loop3A_306 = vector.broadcast %parallel_loop3A_304 : i32 to vector<16xi32>
      %parallel_loop3A_307 = arith.select %parallel_loop3A_302, %parallel_loop3A_305, %parallel_loop3A_306 : vector<16xi1>, vector<16xi32>
      %parallel_loop3A_308 = arith.ori %parallel_loop3A_295, %parallel_loop3A_307 : vector<16xi32>
      %parallel_loop3A_309 = arith.constant 20 : i32
      %parallel_loop3A_310 = vector.broadcast %parallel_loop3A_309 : i32 to vector<16xi32>
      %parallel_loop3A_311 = arith.addi %parallel_loop3A_46, %parallel_loop3A_310 : vector<16xi32>
      %parallel_loop3A_312 = tpu.vector_load_idx %arg5[%parallel_loop3A_311] : memref<8192xf32, #tpu.memory_space<vmem>>[vector<16xi32>], vector<16xf32>,
      %parallel_loop3A_313 = arith.constant 5.000000e-01 : f32
      %parallel_loop3A_314 = vector.broadcast %parallel_loop3A_313 : f32 to vector<16xf32>
      %parallel_loop3A_315 = arith.cmpf ogt, %parallel_loop3A_312, %parallel_loop3A_314 : vector<16xf32>
      %parallel_loop3A_316 = arith.constant 1048576 : i32
      %parallel_loop3A_317 = arith.constant 0 : i32
      %parallel_loop3A_318 = vector.broadcast %parallel_loop3A_316 : i32 to vector<16xi32>
      %parallel_loop3A_319 = vector.broadcast %parallel_loop3A_317 : i32 to vector<16xi32>
      %parallel_loop3A_320 = arith.select %parallel_loop3A_315, %parallel_loop3A_318, %parallel_loop3A_319 : vector<16xi1>, vector<16xi32>
      %parallel_loop3A_321 = arith.ori %parallel_loop3A_308, %parallel_loop3A_320 : vector<16xi32>
      %parallel_loop3A_322 = arith.constant 21 : i32
      %parallel_loop3A_323 = vector.broadcast %parallel_loop3A_322 : i32 to vector<16xi32>
      %parallel_loop3A_324 = arith.addi %parallel_loop3A_46, %parallel_loop3A_323 : vector<16xi32>
      %parallel_loop3A_325 = tpu.vector_load_idx %arg5[%parallel_loop3A_324] : memref<8192xf32, #tpu.memory_space<vmem>>[vector<16xi32>], vector<16xf32>,
      %parallel_loop3A_326 = arith.constant 5.000000e-01 : f32
      %parallel_loop3A_327 = vector.broadcast %parallel_loop3A_326 : f32 to vector<16xf32>
      %parallel_loop3A_328 = arith.cmpf ogt, %parallel_loop3A_325, %parallel_loop3A_327 : vector<16xf32>
      %parallel_loop3A_329 = arith.constant 2097152 : i32
      %parallel_loop3A_330 = arith.constant 0 : i32
      %parallel_loop3A_331 = vector.broadcast %parallel_loop3A_329 : i32 to vector<16xi32>
      %parallel_loop3A_332 = vector.broadcast %parallel_loop3A_330 : i32 to vector<16xi32>
      %parallel_loop3A_333 = arith.select %parallel_loop3A_328, %parallel_loop3A_331, %parallel_loop3A_332 : vector<16xi1>, vector<16xi32>
      %parallel_loop3A_334 = arith.ori %parallel_loop3A_321, %parallel_loop3A_333 : vector<16xi32>
      %parallel_loop3A_335 = arith.constant 22 : i32
      %parallel_loop3A_336 = vector.broadcast %parallel_loop3A_335 : i32 to vector<16xi32>
      %parallel_loop3A_337 = arith.addi %parallel_loop3A_46, %parallel_loop3A_336 : vector<16xi32>
      %parallel_loop3A_338 = tpu.vector_load_idx %arg5[%parallel_loop3A_337] : memref<8192xf32, #tpu.memory_space<vmem>>[vector<16xi32>], vector<16xf32>,
      %parallel_loop3A_339 = arith.constant 5.000000e-01 : f32
      %parallel_loop3A_340 = vector.broadcast %parallel_loop3A_339 : f32 to vector<16xf32>
      %parallel_loop3A_341 = arith.cmpf ogt, %parallel_loop3A_338, %parallel_loop3A_340 : vector<16xf32>
      %parallel_loop3A_342 = arith.constant 4194304 : i32
      %parallel_loop3A_343 = arith.constant 0 : i32
      %parallel_loop3A_344 = vector.broadcast %parallel_loop3A_342 : i32 to vector<16xi32>
      %parallel_loop3A_345 = vector.broadcast %parallel_loop3A_343 : i32 to vector<16xi32>
      %parallel_loop3A_346 = arith.select %parallel_loop3A_341, %parallel_loop3A_344, %parallel_loop3A_345 : vector<16xi1>, vector<16xi32>
      %parallel_loop3A_347 = arith.ori %parallel_loop3A_334, %parallel_loop3A_346 : vector<16xi32>
      %parallel_loop3A_348 = arith.constant 23 : i32
      %parallel_loop3A_349 = vector.broadcast %parallel_loop3A_348 : i32 to vector<16xi32>
      %parallel_loop3A_350 = arith.addi %parallel_loop3A_46, %parallel_loop3A_349 : vector<16xi32>
      %parallel_loop3A_351 = tpu.vector_load_idx %arg5[%parallel_loop3A_350] : memref<8192xf32, #tpu.memory_space<vmem>>[vector<16xi32>], vector<16xf32>,
      %parallel_loop3A_352 = arith.constant 5.000000e-01 : f32
      %parallel_loop3A_353 = vector.broadcast %parallel_loop3A_352 : f32 to vector<16xf32>
      %parallel_loop3A_354 = arith.cmpf ogt, %parallel_loop3A_351, %parallel_loop3A_353 : vector<16xf32>
      %parallel_loop3A_355 = arith.constant 8388608 : i32
      %parallel_loop3A_356 = arith.constant 0 : i32
      %parallel_loop3A_357 = vector.broadcast %parallel_loop3A_355 : i32 to vector<16xi32>
      %parallel_loop3A_358 = vector.broadcast %parallel_loop3A_356 : i32 to vector<16xi32>
      %parallel_loop3A_359 = arith.select %parallel_loop3A_354, %parallel_loop3A_357, %parallel_loop3A_358 : vector<16xi1>, vector<16xi32>
      %parallel_loop3A_360 = arith.ori %parallel_loop3A_347, %parallel_loop3A_359 : vector<16xi32>
      %parallel_loop3A_361 = arith.constant 24 : i32
      %parallel_loop3A_362 = vector.broadcast %parallel_loop3A_361 : i32 to vector<16xi32>
      %parallel_loop3A_363 = arith.addi %parallel_loop3A_46, %parallel_loop3A_362 : vector<16xi32>
      %parallel_loop3A_364 = tpu.vector_load_idx %arg5[%parallel_loop3A_363] : memref<8192xf32, #tpu.memory_space<vmem>>[vector<16xi32>], vector<16xf32>,
      %parallel_loop3A_365 = arith.constant 5.000000e-01 : f32
      %parallel_loop3A_366 = vector.broadcast %parallel_loop3A_365 : f32 to vector<16xf32>
      %parallel_loop3A_367 = arith.cmpf ogt, %parallel_loop3A_364, %parallel_loop3A_366 : vector<16xf32>
      %parallel_loop3A_368 = arith.constant 16777216 : i32
      %parallel_loop3A_369 = arith.constant 0 : i32
      %parallel_loop3A_370 = vector.broadcast %parallel_loop3A_368 : i32 to vector<16xi32>
      %parallel_loop3A_371 = vector.broadcast %parallel_loop3A_369 : i32 to vector<16xi32>
      %parallel_loop3A_372 = arith.select %parallel_loop3A_367, %parallel_loop3A_370, %parallel_loop3A_371 : vector<16xi1>, vector<16xi32>
      %parallel_loop3A_373 = arith.ori %parallel_loop3A_360, %parallel_loop3A_372 : vector<16xi32>
      %parallel_loop3A_374 = arith.constant 25 : i32
      %parallel_loop3A_375 = vector.broadcast %parallel_loop3A_374 : i32 to vector<16xi32>
      %parallel_loop3A_376 = arith.addi %parallel_loop3A_46, %parallel_loop3A_375 : vector<16xi32>
      %parallel_loop3A_377 = tpu.vector_load_idx %arg5[%parallel_loop3A_376] : memref<8192xf32, #tpu.memory_space<vmem>>[vector<16xi32>], vector<16xf32>,
      %parallel_loop3A_378 = arith.constant 5.000000e-01 : f32
      %parallel_loop3A_379 = vector.broadcast %parallel_loop3A_378 : f32 to vector<16xf32>
      %parallel_loop3A_380 = arith.cmpf ogt, %parallel_loop3A_377, %parallel_loop3A_379 : vector<16xf32>
      %parallel_loop3A_381 = arith.constant 33554432 : i32
      %parallel_loop3A_382 = arith.constant 0 : i32
      %parallel_loop3A_383 = vector.broadcast %parallel_loop3A_381 : i32 to vector<16xi32>
      %parallel_loop3A_384 = vector.broadcast %parallel_loop3A_382 : i32 to vector<16xi32>
      %parallel_loop3A_385 = arith.select %parallel_loop3A_380, %parallel_loop3A_383, %parallel_loop3A_384 : vector<16xi1>, vector<16xi32>
      %parallel_loop3A_386 = arith.ori %parallel_loop3A_373, %parallel_loop3A_385 : vector<16xi32>
      %parallel_loop3A_387 = arith.constant 26 : i32
      %parallel_loop3A_388 = vector.broadcast %parallel_loop3A_387 : i32 to vector<16xi32>
      %parallel_loop3A_389 = arith.addi %parallel_loop3A_46, %parallel_loop3A_388 : vector<16xi32>
      %parallel_loop3A_390 = tpu.vector_load_idx %arg5[%parallel_loop3A_389] : memref<8192xf32, #tpu.memory_space<vmem>>[vector<16xi32>], vector<16xf32>,
      %parallel_loop3A_391 = arith.constant 5.000000e-01 : f32
      %parallel_loop3A_392 = vector.broadcast %parallel_loop3A_391 : f32 to vector<16xf32>
      %parallel_loop3A_393 = arith.cmpf ogt, %parallel_loop3A_390, %parallel_loop3A_392 : vector<16xf32>
      %parallel_loop3A_394 = arith.constant 67108864 : i32
      %parallel_loop3A_395 = arith.constant 0 : i32
      %parallel_loop3A_396 = vector.broadcast %parallel_loop3A_394 : i32 to vector<16xi32>
      %parallel_loop3A_397 = vector.broadcast %parallel_loop3A_395 : i32 to vector<16xi32>
      %parallel_loop3A_398 = arith.select %parallel_loop3A_393, %parallel_loop3A_396, %parallel_loop3A_397 : vector<16xi1>, vector<16xi32>
      %parallel_loop3A_399 = arith.ori %parallel_loop3A_386, %parallel_loop3A_398 : vector<16xi32>
      %parallel_loop3A_400 = arith.constant 27 : i32
      %parallel_loop3A_401 = vector.broadcast %parallel_loop3A_400 : i32 to vector<16xi32>
      %parallel_loop3A_402 = arith.addi %parallel_loop3A_46, %parallel_loop3A_401 : vector<16xi32>
      %parallel_loop3A_403 = tpu.vector_load_idx %arg5[%parallel_loop3A_402] : memref<8192xf32, #tpu.memory_space<vmem>>[vector<16xi32>], vector<16xf32>,
      %parallel_loop3A_404 = arith.constant 5.000000e-01 : f32
      %parallel_loop3A_405 = vector.broadcast %parallel_loop3A_404 : f32 to vector<16xf32>
      %parallel_loop3A_406 = arith.cmpf ogt, %parallel_loop3A_403, %parallel_loop3A_405 : vector<16xf32>
      %parallel_loop3A_407 = arith.constant 134217728 : i32
      %parallel_loop3A_408 = arith.constant 0 : i32
      %parallel_loop3A_409 = vector.broadcast %parallel_loop3A_407 : i32 to vector<16xi32>
      %parallel_loop3A_410 = vector.broadcast %parallel_loop3A_408 : i32 to vector<16xi32>
      %parallel_loop3A_411 = arith.select %parallel_loop3A_406, %parallel_loop3A_409, %parallel_loop3A_410 : vector<16xi1>, vector<16xi32>
      %parallel_loop3A_412 = arith.ori %parallel_loop3A_399, %parallel_loop3A_411 : vector<16xi32>
      %parallel_loop3A_413 = arith.constant 28 : i32
      %parallel_loop3A_414 = vector.broadcast %parallel_loop3A_413 : i32 to vector<16xi32>
      %parallel_loop3A_415 = arith.addi %parallel_loop3A_46, %parallel_loop3A_414 : vector<16xi32>
      %parallel_loop3A_416 = tpu.vector_load_idx %arg5[%parallel_loop3A_415] : memref<8192xf32, #tpu.memory_space<vmem>>[vector<16xi32>], vector<16xf32>,
      %parallel_loop3A_417 = arith.constant 5.000000e-01 : f32
      %parallel_loop3A_418 = vector.broadcast %parallel_loop3A_417 : f32 to vector<16xf32>
      %parallel_loop3A_419 = arith.cmpf ogt, %parallel_loop3A_416, %parallel_loop3A_418 : vector<16xf32>
      %parallel_loop3A_420 = arith.constant 268435456 : i32
      %parallel_loop3A_421 = arith.constant 0 : i32
      %parallel_loop3A_422 = vector.broadcast %parallel_loop3A_420 : i32 to vector<16xi32>
      %parallel_loop3A_423 = vector.broadcast %parallel_loop3A_421 : i32 to vector<16xi32>
      %parallel_loop3A_424 = arith.select %parallel_loop3A_419, %parallel_loop3A_422, %parallel_loop3A_423 : vector<16xi1>, vector<16xi32>
      %parallel_loop3A_425 = arith.ori %parallel_loop3A_412, %parallel_loop3A_424 : vector<16xi32>
      %parallel_loop3A_426 = arith.constant 29 : i32
      %parallel_loop3A_427 = vector.broadcast %parallel_loop3A_426 : i32 to vector<16xi32>
      %parallel_loop3A_428 = arith.addi %parallel_loop3A_46, %parallel_loop3A_427 : vector<16xi32>
      %parallel_loop3A_429 = tpu.vector_load_idx %arg5[%parallel_loop3A_428] : memref<8192xf32, #tpu.memory_space<vmem>>[vector<16xi32>], vector<16xf32>,
      %parallel_loop3A_430 = arith.constant 5.000000e-01 : f32
      %parallel_loop3A_431 = vector.broadcast %parallel_loop3A_430 : f32 to vector<16xf32>
      %parallel_loop3A_432 = arith.cmpf ogt, %parallel_loop3A_429, %parallel_loop3A_431 : vector<16xf32>
      %parallel_loop3A_433 = arith.constant 536870912 : i32
      %parallel_loop3A_434 = arith.constant 0 : i32
      %parallel_loop3A_435 = vector.broadcast %parallel_loop3A_433 : i32 to vector<16xi32>
      %parallel_loop3A_436 = vector.broadcast %parallel_loop3A_434 : i32 to vector<16xi32>
      %parallel_loop3A_437 = arith.select %parallel_loop3A_432, %parallel_loop3A_435, %parallel_loop3A_436 : vector<16xi1>, vector<16xi32>
      %parallel_loop3A_438 = arith.ori %parallel_loop3A_425, %parallel_loop3A_437 : vector<16xi32>
      %parallel_loop3A_439 = arith.constant 30 : i32
      %parallel_loop3A_440 = vector.broadcast %parallel_loop3A_439 : i32 to vector<16xi32>
      %parallel_loop3A_441 = arith.addi %parallel_loop3A_46, %parallel_loop3A_440 : vector<16xi32>
      %parallel_loop3A_442 = tpu.vector_load_idx %arg5[%parallel_loop3A_441] : memref<8192xf32, #tpu.memory_space<vmem>>[vector<16xi32>], vector<16xf32>,
      %parallel_loop3A_443 = arith.constant 5.000000e-01 : f32
      %parallel_loop3A_444 = vector.broadcast %parallel_loop3A_443 : f32 to vector<16xf32>
      %parallel_loop3A_445 = arith.cmpf ogt, %parallel_loop3A_442, %parallel_loop3A_444 : vector<16xf32>
      %parallel_loop3A_446 = arith.constant 1073741824 : i32
      %parallel_loop3A_447 = arith.constant 0 : i32
      %parallel_loop3A_448 = vector.broadcast %parallel_loop3A_446 : i32 to vector<16xi32>
      %parallel_loop3A_449 = vector.broadcast %parallel_loop3A_447 : i32 to vector<16xi32>
      %parallel_loop3A_450 = arith.select %parallel_loop3A_445, %parallel_loop3A_448, %parallel_loop3A_449 : vector<16xi1>, vector<16xi32>
      %parallel_loop3A_451 = arith.ori %parallel_loop3A_438, %parallel_loop3A_450 : vector<16xi32>
      %parallel_loop3A_452 = arith.constant 31 : i32
      %parallel_loop3A_453 = vector.broadcast %parallel_loop3A_452 : i32 to vector<16xi32>
      %parallel_loop3A_454 = arith.addi %parallel_loop3A_46, %parallel_loop3A_453 : vector<16xi32>
      %parallel_loop3A_455 = tpu.vector_load_idx %arg5[%parallel_loop3A_454] : memref<8192xf32, #tpu.memory_space<vmem>>[vector<16xi32>], vector<16xf32>,
      %parallel_loop3A_456 = arith.constant 5.000000e-01 : f32
      %parallel_loop3A_457 = vector.broadcast %parallel_loop3A_456 : f32 to vector<16xf32>
      %parallel_loop3A_458 = arith.cmpf ogt, %parallel_loop3A_455, %parallel_loop3A_457 : vector<16xf32>
      %parallel_loop3A_459 = arith.constant -2147483648 : i32
      %parallel_loop3A_460 = arith.constant 0 : i32
      %parallel_loop3A_461 = vector.broadcast %parallel_loop3A_459 : i32 to vector<16xi32>
      %parallel_loop3A_462 = vector.broadcast %parallel_loop3A_460 : i32 to vector<16xi32>
      %parallel_loop3A_463 = arith.select %parallel_loop3A_458, %parallel_loop3A_461, %parallel_loop3A_462 : vector<16xi1>, vector<16xi32>
      %parallel_loop3A_464 = arith.ori %parallel_loop3A_451, %parallel_loop3A_463 : vector<16xi32>
      %parallel_loop3A_465 = arith.constant 16 : i32
      %parallel_loop3A_466 = arith.muli %parallel_loop3A_39, %parallel_loop3A_465 : i32
      %parallel_loop3A_467 = arith.constant 768 : i32
      %parallel_loop3A_468 = arith.addi %parallel_loop3A_467, %parallel_loop3A_466 : i32
      %parallel_loop3A_469 = tpu.assume_multiple %parallel_loop3A_468, 16 : i32
      %parallel_loop3A_470 = arith.index_cast %parallel_loop3A_469 : i32 to index
      %parallel_loop3A_471 = tpu.vector_load %arg6[%parallel_loop3A_470] {strides = array<i32>} : memref<1024xi32, #tpu.memory_space<vmem>>, vector<16xi32>,
      tpu.vector_store %arg6[%parallel_loop3A_470], %parallel_loop3A_464 {strides = array<i32>} : memref<1024xi32, #tpu.memory_space<vmem>>, vector<16xi32>,
    } {sc.loop_unroll_factor = 2 : i64, sc.parallel_access}
    %mul3A_36 = arith.constant 1024 : i32
    %mul3A_37 = arith.muli %add3A, %mul3A_36 : i32
    %multiple_of3A_38 = tpu.assume_multiple %mul3A_37, 8 : i32
    "tpu.region"() ({
      %run_scoped3A = tpu.sem_alloc : memref<!tpu.dma_semaphore, #tpu.memory_space<semaphore_mem>>
      %dma_start3A_39 = tpu.memref_slice %arg3[%multiple_of3A_38] : memref<32768xi32, #tpu.memory_space<hbm>> -> memref<1024xi32, #tpu.memory_space<hbm>>
      %dma_start3A_40 = tpu.memref_slice %arg3[%multiple_of3A_38] : memref<32768xi32, #tpu.memory_space<hbm>> -> memref<1024xi32, #tpu.memory_space<hbm>>
      tpu.enqueue_dma source(%arg6 : memref<1024xi32, #tpu.memory_space<vmem>>) target(%dma_start3A_40 : memref<1024xi32, #tpu.memory_space<hbm>>) target_semaphore(%run_scoped3A : memref<!tpu.dma_semaphore, #tpu.memory_space<semaphore_mem>>)
      %dma_wait3A_41 = tpu.memref_slice %arg3[%multiple_of3A_38] : memref<32768xi32, #tpu.memory_space<hbm>> -> memref<1024xi32, #tpu.memory_space<hbm>>
      %dma_wait3A_42 = tpu.memref_slice %arg3[%multiple_of3A_38] : memref<32768xi32, #tpu.memory_space<hbm>> -> memref<1024xi32, #tpu.memory_space<hbm>>
      tpu.wait_dma2 semaphore(%run_scoped3A : memref<!tpu.dma_semaphore, #tpu.memory_space<semaphore_mem>>) src(%arg6 : memref<1024xi32, #tpu.memory_space<vmem>>) dst(%dma_wait3A_42 : memref<1024xi32, #tpu.memory_space<hbm>>)
      tpu.yield
    }) : () -> ()
    return
  }
}

#map = affine_map<(d0, d1) -> (0)>
module attributes {stable_mosaic.version = 14 : i64} {
  func.func @body(%arg0: i32, %arg1: i32, %arg2: memref<3276800xf32, #tpu.memory_space<hbm>>, %arg3: memref<3276800xi32, #tpu.memory_space<hbm>>, %arg4: memref<32768xi32, #tpu.memory_space<hbm>>, %arg5: memref<3276800xf32, #tpu.memory_space<hbm>>, %arg6: memref<12800xi32, #tpu.memory_space<vmem>>, %arg7: memref<12800xi32, #tpu.memory_space<vmem>>, %arg8: memref<12800xf32, #tpu.memory_space<vmem>>, %arg9: memref<12800xf32, #tpu.memory_space<vmem>>, %arg10: memref<12800xf32, #tpu.memory_space<vmem>>, %arg11: memref<12800xf32, #tpu.memory_space<vmem>>, %arg12: memref<32768xi32, #tpu.memory_space<vmem>>, %arg13: memref<!tpu.dma_semaphore, #tpu.memory_space<semaphore_mem>>, %arg14: memref<!tpu.dma_semaphore, #tpu.memory_space<semaphore_mem>>, %arg15: memref<!tpu.dma_semaphore, #tpu.memory_space<semaphore_mem>>, %arg16: memref<!tpu.dma_semaphore, #tpu.memory_space<semaphore_mem>>, %arg17: memref<!tpu.dma_semaphore, #tpu.memory_space<semaphore_mem>>) attributes {dimension_semantics = [#tpu.dimension_semantics<core_parallel>, #tpu.dimension_semantics<subcore_parallel>], iteration_bounds = array<i64: 2, 16>, scalar_prefetch = 0 : i64, scratch_operands = 12 : i64, tpu.core_type = #tpu.core_type<sc_vector_subcore>, window_params = [{transform_indices = #map}, {transform_indices = #map}, {transform_indices = #map}, {transform_indices = #map}]} {
    %mul3A = arith.constant 2 : i32
    %mul3A_0 = arith.muli %arg1, %mul3A : i32
    %add3A = arith.addi %mul3A_0, %arg0 : i32
    %mul3A_1 = arith.constant 102400 : i32
    %mul3A_2 = arith.muli %add3A, %mul3A_1 : i32
    %add3A_3 = arith.constant 0 : i32
    %add3A_4 = arith.addi %mul3A_2, %add3A_3 : i32
    %multiple_of3A = tpu.assume_multiple %add3A_4, 12800 : i32
    %dma_start3A = tpu.memref_slice %arg3[%multiple_of3A] : memref<3276800xi32, #tpu.memory_space<hbm>> -> memref<12800xi32, #tpu.memory_space<hbm>>
    %dma_start3A_5 = tpu.memref_slice %arg3[%multiple_of3A] : memref<3276800xi32, #tpu.memory_space<hbm>> -> memref<12800xi32, #tpu.memory_space<hbm>>
    tpu.enqueue_dma source(%dma_start3A_5 : memref<12800xi32, #tpu.memory_space<hbm>>) target(%arg6 : memref<12800xi32, #tpu.memory_space<vmem>>) target_semaphore(%arg13 : memref<!tpu.dma_semaphore, #tpu.memory_space<semaphore_mem>>)
    %dma_start3A_6 = tpu.memref_slice %arg2[%multiple_of3A] : memref<3276800xf32, #tpu.memory_space<hbm>> -> memref<12800xf32, #tpu.memory_space<hbm>>
    %dma_start3A_7 = tpu.memref_slice %arg2[%multiple_of3A] : memref<3276800xf32, #tpu.memory_space<hbm>> -> memref<12800xf32, #tpu.memory_space<hbm>>
    tpu.enqueue_dma source(%dma_start3A_7 : memref<12800xf32, #tpu.memory_space<hbm>>) target(%arg8 : memref<12800xf32, #tpu.memory_space<vmem>>) target_semaphore(%arg13 : memref<!tpu.dma_semaphore, #tpu.memory_space<semaphore_mem>>)
    tpu.enqueue_dma source(%arg4 : memref<32768xi32, #tpu.memory_space<hbm>>) target(%arg12 : memref<32768xi32, #tpu.memory_space<vmem>>) target_semaphore(%arg17 : memref<!tpu.dma_semaphore, #tpu.memory_space<semaphore_mem>>)
    %mul3A_8 = arith.constant 102400 : i32
    %mul3A_9 = arith.muli %add3A, %mul3A_8 : i32
    %add3A_10 = arith.constant 12800 : i32
    %add3A_11 = arith.addi %mul3A_9, %add3A_10 : i32
    %multiple_of3A_12 = tpu.assume_multiple %add3A_11, 12800 : i32
    %dma_start3A_13 = tpu.memref_slice %arg3[%multiple_of3A_12] : memref<3276800xi32, #tpu.memory_space<hbm>> -> memref<12800xi32, #tpu.memory_space<hbm>>
    %dma_start3A_14 = tpu.memref_slice %arg3[%multiple_of3A_12] : memref<3276800xi32, #tpu.memory_space<hbm>> -> memref<12800xi32, #tpu.memory_space<hbm>>
    tpu.enqueue_dma source(%dma_start3A_14 : memref<12800xi32, #tpu.memory_space<hbm>>) target(%arg7 : memref<12800xi32, #tpu.memory_space<vmem>>) target_semaphore(%arg14 : memref<!tpu.dma_semaphore, #tpu.memory_space<semaphore_mem>>)
    %dma_start3A_15 = tpu.memref_slice %arg2[%multiple_of3A_12] : memref<3276800xf32, #tpu.memory_space<hbm>> -> memref<12800xf32, #tpu.memory_space<hbm>>
    %dma_start3A_16 = tpu.memref_slice %arg2[%multiple_of3A_12] : memref<3276800xf32, #tpu.memory_space<hbm>> -> memref<12800xf32, #tpu.memory_space<hbm>>
    tpu.enqueue_dma source(%dma_start3A_16 : memref<12800xf32, #tpu.memory_space<hbm>>) target(%arg9 : memref<12800xf32, #tpu.memory_space<vmem>>) target_semaphore(%arg14 : memref<!tpu.dma_semaphore, #tpu.memory_space<semaphore_mem>>)
    tpu.wait_dma2 semaphore(%arg17 : memref<!tpu.dma_semaphore, #tpu.memory_space<semaphore_mem>>) src(%arg4 : memref<32768xi32, #tpu.memory_space<hbm>>) dst(%arg12 : memref<32768xi32, #tpu.memory_space<vmem>>)
    %dma_wait3A = tpu.memref_slice %arg3[%multiple_of3A] : memref<3276800xi32, #tpu.memory_space<hbm>> -> memref<12800xi32, #tpu.memory_space<hbm>>
    %dma_wait3A_17 = tpu.memref_slice %arg3[%multiple_of3A] : memref<3276800xi32, #tpu.memory_space<hbm>> -> memref<12800xi32, #tpu.memory_space<hbm>>
    tpu.wait_dma2 semaphore(%arg13 : memref<!tpu.dma_semaphore, #tpu.memory_space<semaphore_mem>>) src(%dma_wait3A_17 : memref<12800xi32, #tpu.memory_space<hbm>>) dst(%arg6 : memref<12800xi32, #tpu.memory_space<vmem>>)
    %dma_wait3A_18 = tpu.memref_slice %arg2[%multiple_of3A] : memref<3276800xf32, #tpu.memory_space<hbm>> -> memref<12800xf32, #tpu.memory_space<hbm>>
    %dma_wait3A_19 = tpu.memref_slice %arg2[%multiple_of3A] : memref<3276800xf32, #tpu.memory_space<hbm>> -> memref<12800xf32, #tpu.memory_space<hbm>>
    tpu.wait_dma2 semaphore(%arg13 : memref<!tpu.dma_semaphore, #tpu.memory_space<semaphore_mem>>) src(%dma_wait3A_19 : memref<12800xf32, #tpu.memory_space<hbm>>) dst(%arg8 : memref<12800xf32, #tpu.memory_space<vmem>>)
    %parallel_loop3A = arith.constant 0 : i32
    %parallel_loop3A_20 = arith.constant 800 : i32
    %parallel_loop3A_21 = arith.constant 1 : i32
    scf.for %parallel_loop3A_197 = %parallel_loop3A to %parallel_loop3A_20 step %parallel_loop3A_21  : i32 {
      %parallel_loop3A_198 = arith.constant 16 : i32
      %parallel_loop3A_199 = arith.muli %parallel_loop3A_197, %parallel_loop3A_198 : i32
      %parallel_loop3A_200 = tpu.assume_multiple %parallel_loop3A_199, 16 : i32
      %parallel_loop3A_201 = arith.index_cast %parallel_loop3A_200 : i32 to index
      %parallel_loop3A_202 = tpu.vector_load %arg6[%parallel_loop3A_201] {strides = array<i32>} : memref<12800xi32, #tpu.memory_space<vmem>>, vector<16xi32>,
      %parallel_loop3A_203 = arith.constant 5 : i32
      %parallel_loop3A_204 = vector.broadcast %parallel_loop3A_203 : i32 to vector<16xi32>
      %parallel_loop3A_205 = arith.shrui %parallel_loop3A_202, %parallel_loop3A_204 : vector<16xi32>
      %parallel_loop3A_206 = tpu.vector_load_idx %arg12[%parallel_loop3A_205] : memref<32768xi32, #tpu.memory_space<vmem>>[vector<16xi32>], vector<16xi32>,
      %parallel_loop3A_207 = arith.constant dense<-1> : vector<16xi32>
      %parallel_loop3A_208 = arith.xori %parallel_loop3A_202, %parallel_loop3A_207 : vector<16xi32>
      %parallel_loop3A_209 = arith.constant 31 : i32
      %parallel_loop3A_210 = vector.broadcast %parallel_loop3A_209 : i32 to vector<16xi32>
      %parallel_loop3A_211 = arith.andi %parallel_loop3A_208, %parallel_loop3A_210 : vector<16xi32>
      %parallel_loop3A_212 = arith.shli %parallel_loop3A_206, %parallel_loop3A_211 : vector<16xi32>
      %parallel_loop3A_213 = arith.constant 31 : i32
      %parallel_loop3A_214 = vector.broadcast %parallel_loop3A_213 : i32 to vector<16xi32>
      %parallel_loop3A_215 = arith.shrsi %parallel_loop3A_212, %parallel_loop3A_214 : vector<16xi32>
      %parallel_loop3A_216 = arith.index_cast %parallel_loop3A_200 : i32 to index
      %parallel_loop3A_217 = tpu.vector_load %arg8[%parallel_loop3A_216] {strides = array<i32>} : memref<12800xf32, #tpu.memory_space<vmem>>, vector<16xf32>,
      %parallel_loop3A_218 = vector.bitcast %parallel_loop3A_217 : vector<16xf32> to vector<16xi32>
      %parallel_loop3A_219 = arith.andi %parallel_loop3A_218, %parallel_loop3A_215 : vector<16xi32>
      %parallel_loop3A_220 = vector.bitcast %parallel_loop3A_219 : vector<16xi32> to vector<16xf32>
      %parallel_loop3A_221 = arith.index_cast %parallel_loop3A_200 : i32 to index
      %parallel_loop3A_222 = tpu.vector_load %arg10[%parallel_loop3A_221] {strides = array<i32>} : memref<12800xf32, #tpu.memory_space<vmem>>, vector<16xf32>,
      tpu.vector_store %arg10[%parallel_loop3A_221], %parallel_loop3A_220 {strides = array<i32>} : memref<12800xf32, #tpu.memory_space<vmem>>, vector<16xf32>,
    } {sc.loop_unroll_factor = 8 : i64, sc.parallel_access}
    %mul3A_22 = arith.constant 102400 : i32
    %mul3A_23 = arith.muli %add3A, %mul3A_22 : i32
    %add3A_24 = arith.constant 0 : i32
    %add3A_25 = arith.addi %mul3A_23, %add3A_24 : i32
    %multiple_of3A_26 = tpu.assume_multiple %add3A_25, 12800 : i32
    %dma_start3A_27 = tpu.memref_slice %arg5[%multiple_of3A_26] : memref<3276800xf32, #tpu.memory_space<hbm>> -> memref<12800xf32, #tpu.memory_space<hbm>>
    %dma_start3A_28 = tpu.memref_slice %arg5[%multiple_of3A_26] : memref<3276800xf32, #tpu.memory_space<hbm>> -> memref<12800xf32, #tpu.memory_space<hbm>>
    tpu.enqueue_dma source(%arg10 : memref<12800xf32, #tpu.memory_space<vmem>>) target(%dma_start3A_28 : memref<12800xf32, #tpu.memory_space<hbm>>) target_semaphore(%arg15 : memref<!tpu.dma_semaphore, #tpu.memory_space<semaphore_mem>>)
    %mul3A_29 = arith.constant 102400 : i32
    %mul3A_30 = arith.muli %add3A, %mul3A_29 : i32
    %add3A_31 = arith.constant 25600 : i32
    %add3A_32 = arith.addi %mul3A_30, %add3A_31 : i32
    %multiple_of3A_33 = tpu.assume_multiple %add3A_32, 12800 : i32
    %dma_start3A_34 = tpu.memref_slice %arg3[%multiple_of3A_33] : memref<3276800xi32, #tpu.memory_space<hbm>> -> memref<12800xi32, #tpu.memory_space<hbm>>
    %dma_start3A_35 = tpu.memref_slice %arg3[%multiple_of3A_33] : memref<3276800xi32, #tpu.memory_space<hbm>> -> memref<12800xi32, #tpu.memory_space<hbm>>
    tpu.enqueue_dma source(%dma_start3A_35 : memref<12800xi32, #tpu.memory_space<hbm>>) target(%arg6 : memref<12800xi32, #tpu.memory_space<vmem>>) target_semaphore(%arg13 : memref<!tpu.dma_semaphore, #tpu.memory_space<semaphore_mem>>)
    %dma_start3A_36 = tpu.memref_slice %arg2[%multiple_of3A_33] : memref<3276800xf32, #tpu.memory_space<hbm>> -> memref<12800xf32, #tpu.memory_space<hbm>>
    %dma_start3A_37 = tpu.memref_slice %arg2[%multiple_of3A_33] : memref<3276800xf32, #tpu.memory_space<hbm>> -> memref<12800xf32, #tpu.memory_space<hbm>>
    tpu.enqueue_dma source(%dma_start3A_37 : memref<12800xf32, #tpu.memory_space<hbm>>) target(%arg8 : memref<12800xf32, #tpu.memory_space<vmem>>) target_semaphore(%arg13 : memref<!tpu.dma_semaphore, #tpu.memory_space<semaphore_mem>>)
    %dma_wait3A_38 = tpu.memref_slice %arg3[%multiple_of3A_12] : memref<3276800xi32, #tpu.memory_space<hbm>> -> memref<12800xi32, #tpu.memory_space<hbm>>
    %dma_wait3A_39 = tpu.memref_slice %arg3[%multiple_of3A_12] : memref<3276800xi32, #tpu.memory_space<hbm>> -> memref<12800xi32, #tpu.memory_space<hbm>>
    tpu.wait_dma2 semaphore(%arg14 : memref<!tpu.dma_semaphore, #tpu.memory_space<semaphore_mem>>) src(%dma_wait3A_39 : memref<12800xi32, #tpu.memory_space<hbm>>) dst(%arg7 : memref<12800xi32, #tpu.memory_space<vmem>>)
    %dma_wait3A_40 = tpu.memref_slice %arg2[%multiple_of3A_12] : memref<3276800xf32, #tpu.memory_space<hbm>> -> memref<12800xf32, #tpu.memory_space<hbm>>
    %dma_wait3A_41 = tpu.memref_slice %arg2[%multiple_of3A_12] : memref<3276800xf32, #tpu.memory_space<hbm>> -> memref<12800xf32, #tpu.memory_space<hbm>>
    tpu.wait_dma2 semaphore(%arg14 : memref<!tpu.dma_semaphore, #tpu.memory_space<semaphore_mem>>) src(%dma_wait3A_41 : memref<12800xf32, #tpu.memory_space<hbm>>) dst(%arg9 : memref<12800xf32, #tpu.memory_space<vmem>>)
    %parallel_loop3A_42 = arith.constant 0 : i32
    %parallel_loop3A_43 = arith.constant 800 : i32
    %parallel_loop3A_44 = arith.constant 1 : i32
    scf.for %parallel_loop3A_197 = %parallel_loop3A_42 to %parallel_loop3A_43 step %parallel_loop3A_44  : i32 {
      %parallel_loop3A_198 = arith.constant 16 : i32
      %parallel_loop3A_199 = arith.muli %parallel_loop3A_197, %parallel_loop3A_198 : i32
      %parallel_loop3A_200 = tpu.assume_multiple %parallel_loop3A_199, 16 : i32
      %parallel_loop3A_201 = arith.index_cast %parallel_loop3A_200 : i32 to index
      %parallel_loop3A_202 = tpu.vector_load %arg7[%parallel_loop3A_201] {strides = array<i32>} : memref<12800xi32, #tpu.memory_space<vmem>>, vector<16xi32>,
      %parallel_loop3A_203 = arith.constant 5 : i32
      %parallel_loop3A_204 = vector.broadcast %parallel_loop3A_203 : i32 to vector<16xi32>
      %parallel_loop3A_205 = arith.shrui %parallel_loop3A_202, %parallel_loop3A_204 : vector<16xi32>
      %parallel_loop3A_206 = tpu.vector_load_idx %arg12[%parallel_loop3A_205] : memref<32768xi32, #tpu.memory_space<vmem>>[vector<16xi32>], vector<16xi32>,
      %parallel_loop3A_207 = arith.constant dense<-1> : vector<16xi32>
      %parallel_loop3A_208 = arith.xori %parallel_loop3A_202, %parallel_loop3A_207 : vector<16xi32>
      %parallel_loop3A_209 = arith.constant 31 : i32
      %parallel_loop3A_210 = vector.broadcast %parallel_loop3A_209 : i32 to vector<16xi32>
      %parallel_loop3A_211 = arith.andi %parallel_loop3A_208, %parallel_loop3A_210 : vector<16xi32>
      %parallel_loop3A_212 = arith.shli %parallel_loop3A_206, %parallel_loop3A_211 : vector<16xi32>
      %parallel_loop3A_213 = arith.constant 31 : i32
      %parallel_loop3A_214 = vector.broadcast %parallel_loop3A_213 : i32 to vector<16xi32>
      %parallel_loop3A_215 = arith.shrsi %parallel_loop3A_212, %parallel_loop3A_214 : vector<16xi32>
      %parallel_loop3A_216 = arith.index_cast %parallel_loop3A_200 : i32 to index
      %parallel_loop3A_217 = tpu.vector_load %arg9[%parallel_loop3A_216] {strides = array<i32>} : memref<12800xf32, #tpu.memory_space<vmem>>, vector<16xf32>,
      %parallel_loop3A_218 = vector.bitcast %parallel_loop3A_217 : vector<16xf32> to vector<16xi32>
      %parallel_loop3A_219 = arith.andi %parallel_loop3A_218, %parallel_loop3A_215 : vector<16xi32>
      %parallel_loop3A_220 = vector.bitcast %parallel_loop3A_219 : vector<16xi32> to vector<16xf32>
      %parallel_loop3A_221 = arith.index_cast %parallel_loop3A_200 : i32 to index
      %parallel_loop3A_222 = tpu.vector_load %arg11[%parallel_loop3A_221] {strides = array<i32>} : memref<12800xf32, #tpu.memory_space<vmem>>, vector<16xf32>,
      tpu.vector_store %arg11[%parallel_loop3A_221], %parallel_loop3A_220 {strides = array<i32>} : memref<12800xf32, #tpu.memory_space<vmem>>, vector<16xf32>,
    } {sc.loop_unroll_factor = 8 : i64, sc.parallel_access}
    %mul3A_45 = arith.constant 102400 : i32
    %mul3A_46 = arith.muli %add3A, %mul3A_45 : i32
    %add3A_47 = arith.constant 12800 : i32
    %add3A_48 = arith.addi %mul3A_46, %add3A_47 : i32
    %multiple_of3A_49 = tpu.assume_multiple %add3A_48, 12800 : i32
    %dma_start3A_50 = tpu.memref_slice %arg5[%multiple_of3A_49] : memref<3276800xf32, #tpu.memory_space<hbm>> -> memref<12800xf32, #tpu.memory_space<hbm>>
    %dma_start3A_51 = tpu.memref_slice %arg5[%multiple_of3A_49] : memref<3276800xf32, #tpu.memory_space<hbm>> -> memref<12800xf32, #tpu.memory_space<hbm>>
    tpu.enqueue_dma source(%arg11 : memref<12800xf32, #tpu.memory_space<vmem>>) target(%dma_start3A_51 : memref<12800xf32, #tpu.memory_space<hbm>>) target_semaphore(%arg16 : memref<!tpu.dma_semaphore, #tpu.memory_space<semaphore_mem>>)
    %mul3A_52 = arith.constant 102400 : i32
    %mul3A_53 = arith.muli %add3A, %mul3A_52 : i32
    %add3A_54 = arith.constant 38400 : i32
    %add3A_55 = arith.addi %mul3A_53, %add3A_54 : i32
    %multiple_of3A_56 = tpu.assume_multiple %add3A_55, 12800 : i32
    %dma_start3A_57 = tpu.memref_slice %arg3[%multiple_of3A_56] : memref<3276800xi32, #tpu.memory_space<hbm>> -> memref<12800xi32, #tpu.memory_space<hbm>>
    %dma_start3A_58 = tpu.memref_slice %arg3[%multiple_of3A_56] : memref<3276800xi32, #tpu.memory_space<hbm>> -> memref<12800xi32, #tpu.memory_space<hbm>>
    tpu.enqueue_dma source(%dma_start3A_58 : memref<12800xi32, #tpu.memory_space<hbm>>) target(%arg7 : memref<12800xi32, #tpu.memory_space<vmem>>) target_semaphore(%arg14 : memref<!tpu.dma_semaphore, #tpu.memory_space<semaphore_mem>>)
    %dma_start3A_59 = tpu.memref_slice %arg2[%multiple_of3A_56] : memref<3276800xf32, #tpu.memory_space<hbm>> -> memref<12800xf32, #tpu.memory_space<hbm>>
    %dma_start3A_60 = tpu.memref_slice %arg2[%multiple_of3A_56] : memref<3276800xf32, #tpu.memory_space<hbm>> -> memref<12800xf32, #tpu.memory_space<hbm>>
    tpu.enqueue_dma source(%dma_start3A_60 : memref<12800xf32, #tpu.memory_space<hbm>>) target(%arg9 : memref<12800xf32, #tpu.memory_space<vmem>>) target_semaphore(%arg14 : memref<!tpu.dma_semaphore, #tpu.memory_space<semaphore_mem>>)
    %dma_wait3A_61 = tpu.memref_slice %arg3[%multiple_of3A_33] : memref<3276800xi32, #tpu.memory_space<hbm>> -> memref<12800xi32, #tpu.memory_space<hbm>>
    %dma_wait3A_62 = tpu.memref_slice %arg3[%multiple_of3A_33] : memref<3276800xi32, #tpu.memory_space<hbm>> -> memref<12800xi32, #tpu.memory_space<hbm>>
    tpu.wait_dma2 semaphore(%arg13 : memref<!tpu.dma_semaphore, #tpu.memory_space<semaphore_mem>>) src(%dma_wait3A_62 : memref<12800xi32, #tpu.memory_space<hbm>>) dst(%arg6 : memref<12800xi32, #tpu.memory_space<vmem>>)
    %dma_wait3A_63 = tpu.memref_slice %arg2[%multiple_of3A_33] : memref<3276800xf32, #tpu.memory_space<hbm>> -> memref<12800xf32, #tpu.memory_space<hbm>>
    %dma_wait3A_64 = tpu.memref_slice %arg2[%multiple_of3A_33] : memref<3276800xf32, #tpu.memory_space<hbm>> -> memref<12800xf32, #tpu.memory_space<hbm>>
    tpu.wait_dma2 semaphore(%arg13 : memref<!tpu.dma_semaphore, #tpu.memory_space<semaphore_mem>>) src(%dma_wait3A_64 : memref<12800xf32, #tpu.memory_space<hbm>>) dst(%arg8 : memref<12800xf32, #tpu.memory_space<vmem>>)
    %dma_wait3A_65 = tpu.memref_slice %arg5[%multiple_of3A_26] : memref<3276800xf32, #tpu.memory_space<hbm>> -> memref<12800xf32, #tpu.memory_space<hbm>>
    %dma_wait3A_66 = tpu.memref_slice %arg5[%multiple_of3A_26] : memref<3276800xf32, #tpu.memory_space<hbm>> -> memref<12800xf32, #tpu.memory_space<hbm>>
    tpu.wait_dma2 semaphore(%arg15 : memref<!tpu.dma_semaphore, #tpu.memory_space<semaphore_mem>>) src(%arg10 : memref<12800xf32, #tpu.memory_space<vmem>>) dst(%dma_wait3A_66 : memref<12800xf32, #tpu.memory_space<hbm>>)
    %parallel_loop3A_67 = arith.constant 0 : i32
    %parallel_loop3A_68 = arith.constant 800 : i32
    %parallel_loop3A_69 = arith.constant 1 : i32
    scf.for %parallel_loop3A_197 = %parallel_loop3A_67 to %parallel_loop3A_68 step %parallel_loop3A_69  : i32 {
      %parallel_loop3A_198 = arith.constant 16 : i32
      %parallel_loop3A_199 = arith.muli %parallel_loop3A_197, %parallel_loop3A_198 : i32
      %parallel_loop3A_200 = tpu.assume_multiple %parallel_loop3A_199, 16 : i32
      %parallel_loop3A_201 = arith.index_cast %parallel_loop3A_200 : i32 to index
      %parallel_loop3A_202 = tpu.vector_load %arg6[%parallel_loop3A_201] {strides = array<i32>} : memref<12800xi32, #tpu.memory_space<vmem>>, vector<16xi32>,
      %parallel_loop3A_203 = arith.constant 5 : i32
      %parallel_loop3A_204 = vector.broadcast %parallel_loop3A_203 : i32 to vector<16xi32>
      %parallel_loop3A_205 = arith.shrui %parallel_loop3A_202, %parallel_loop3A_204 : vector<16xi32>
      %parallel_loop3A_206 = tpu.vector_load_idx %arg12[%parallel_loop3A_205] : memref<32768xi32, #tpu.memory_space<vmem>>[vector<16xi32>], vector<16xi32>,
      %parallel_loop3A_207 = arith.constant dense<-1> : vector<16xi32>
      %parallel_loop3A_208 = arith.xori %parallel_loop3A_202, %parallel_loop3A_207 : vector<16xi32>
      %parallel_loop3A_209 = arith.constant 31 : i32
      %parallel_loop3A_210 = vector.broadcast %parallel_loop3A_209 : i32 to vector<16xi32>
      %parallel_loop3A_211 = arith.andi %parallel_loop3A_208, %parallel_loop3A_210 : vector<16xi32>
      %parallel_loop3A_212 = arith.shli %parallel_loop3A_206, %parallel_loop3A_211 : vector<16xi32>
      %parallel_loop3A_213 = arith.constant 31 : i32
      %parallel_loop3A_214 = vector.broadcast %parallel_loop3A_213 : i32 to vector<16xi32>
      %parallel_loop3A_215 = arith.shrsi %parallel_loop3A_212, %parallel_loop3A_214 : vector<16xi32>
      %parallel_loop3A_216 = arith.index_cast %parallel_loop3A_200 : i32 to index
      %parallel_loop3A_217 = tpu.vector_load %arg8[%parallel_loop3A_216] {strides = array<i32>} : memref<12800xf32, #tpu.memory_space<vmem>>, vector<16xf32>,
      %parallel_loop3A_218 = vector.bitcast %parallel_loop3A_217 : vector<16xf32> to vector<16xi32>
      %parallel_loop3A_219 = arith.andi %parallel_loop3A_218, %parallel_loop3A_215 : vector<16xi32>
      %parallel_loop3A_220 = vector.bitcast %parallel_loop3A_219 : vector<16xi32> to vector<16xf32>
      %parallel_loop3A_221 = arith.index_cast %parallel_loop3A_200 : i32 to index
      %parallel_loop3A_222 = tpu.vector_load %arg10[%parallel_loop3A_221] {strides = array<i32>} : memref<12800xf32, #tpu.memory_space<vmem>>, vector<16xf32>,
      tpu.vector_store %arg10[%parallel_loop3A_221], %parallel_loop3A_220 {strides = array<i32>} : memref<12800xf32, #tpu.memory_space<vmem>>, vector<16xf32>,
    } {sc.loop_unroll_factor = 8 : i64, sc.parallel_access}
    %mul3A_70 = arith.constant 102400 : i32
    %mul3A_71 = arith.muli %add3A, %mul3A_70 : i32
    %add3A_72 = arith.constant 25600 : i32
    %add3A_73 = arith.addi %mul3A_71, %add3A_72 : i32
    %multiple_of3A_74 = tpu.assume_multiple %add3A_73, 12800 : i32
    %dma_start3A_75 = tpu.memref_slice %arg5[%multiple_of3A_74] : memref<3276800xf32, #tpu.memory_space<hbm>> -> memref<12800xf32, #tpu.memory_space<hbm>>
    %dma_start3A_76 = tpu.memref_slice %arg5[%multiple_of3A_74] : memref<3276800xf32, #tpu.memory_space<hbm>> -> memref<12800xf32, #tpu.memory_space<hbm>>
    tpu.enqueue_dma source(%arg10 : memref<12800xf32, #tpu.memory_space<vmem>>) target(%dma_start3A_76 : memref<12800xf32, #tpu.memory_space<hbm>>) target_semaphore(%arg15 : memref<!tpu.dma_semaphore, #tpu.memory_space<semaphore_mem>>)
    %mul3A_77 = arith.constant 102400 : i32
    %mul3A_78 = arith.muli %add3A, %mul3A_77 : i32
    %add3A_79 = arith.constant 51200 : i32
    %add3A_80 = arith.addi %mul3A_78, %add3A_79 : i32
    %multiple_of3A_81 = tpu.assume_multiple %add3A_80, 12800 : i32
    %dma_start3A_82 = tpu.memref_slice %arg3[%multiple_of3A_81] : memref<3276800xi32, #tpu.memory_space<hbm>> -> memref<12800xi32, #tpu.memory_space<hbm>>
    %dma_start3A_83 = tpu.memref_slice %arg3[%multiple_of3A_81] : memref<3276800xi32, #tpu.memory_space<hbm>> -> memref<12800xi32, #tpu.memory_space<hbm>>
    tpu.enqueue_dma source(%dma_start3A_83 : memref<12800xi32, #tpu.memory_space<hbm>>) target(%arg6 : memref<12800xi32, #tpu.memory_space<vmem>>) target_semaphore(%arg13 : memref<!tpu.dma_semaphore, #tpu.memory_space<semaphore_mem>>)
    %dma_start3A_84 = tpu.memref_slice %arg2[%multiple_of3A_81] : memref<3276800xf32, #tpu.memory_space<hbm>> -> memref<12800xf32, #tpu.memory_space<hbm>>
    %dma_start3A_85 = tpu.memref_slice %arg2[%multiple_of3A_81] : memref<3276800xf32, #tpu.memory_space<hbm>> -> memref<12800xf32, #tpu.memory_space<hbm>>
    tpu.enqueue_dma source(%dma_start3A_85 : memref<12800xf32, #tpu.memory_space<hbm>>) target(%arg8 : memref<12800xf32, #tpu.memory_space<vmem>>) target_semaphore(%arg13 : memref<!tpu.dma_semaphore, #tpu.memory_space<semaphore_mem>>)
    %dma_wait3A_86 = tpu.memref_slice %arg3[%multiple_of3A_56] : memref<3276800xi32, #tpu.memory_space<hbm>> -> memref<12800xi32, #tpu.memory_space<hbm>>
    %dma_wait3A_87 = tpu.memref_slice %arg3[%multiple_of3A_56] : memref<3276800xi32, #tpu.memory_space<hbm>> -> memref<12800xi32, #tpu.memory_space<hbm>>
    tpu.wait_dma2 semaphore(%arg14 : memref<!tpu.dma_semaphore, #tpu.memory_space<semaphore_mem>>) src(%dma_wait3A_87 : memref<12800xi32, #tpu.memory_space<hbm>>) dst(%arg7 : memref<12800xi32, #tpu.memory_space<vmem>>)
    %dma_wait3A_88 = tpu.memref_slice %arg2[%multiple_of3A_56] : memref<3276800xf32, #tpu.memory_space<hbm>> -> memref<12800xf32, #tpu.memory_space<hbm>>
    %dma_wait3A_89 = tpu.memref_slice %arg2[%multiple_of3A_56] : memref<3276800xf32, #tpu.memory_space<hbm>> -> memref<12800xf32, #tpu.memory_space<hbm>>
    tpu.wait_dma2 semaphore(%arg14 : memref<!tpu.dma_semaphore, #tpu.memory_space<semaphore_mem>>) src(%dma_wait3A_89 : memref<12800xf32, #tpu.memory_space<hbm>>) dst(%arg9 : memref<12800xf32, #tpu.memory_space<vmem>>)
    %dma_wait3A_90 = tpu.memref_slice %arg5[%multiple_of3A_49] : memref<3276800xf32, #tpu.memory_space<hbm>> -> memref<12800xf32, #tpu.memory_space<hbm>>
    %dma_wait3A_91 = tpu.memref_slice %arg5[%multiple_of3A_49] : memref<3276800xf32, #tpu.memory_space<hbm>> -> memref<12800xf32, #tpu.memory_space<hbm>>
    tpu.wait_dma2 semaphore(%arg16 : memref<!tpu.dma_semaphore, #tpu.memory_space<semaphore_mem>>) src(%arg11 : memref<12800xf32, #tpu.memory_space<vmem>>) dst(%dma_wait3A_91 : memref<12800xf32, #tpu.memory_space<hbm>>)
    %parallel_loop3A_92 = arith.constant 0 : i32
    %parallel_loop3A_93 = arith.constant 800 : i32
    %parallel_loop3A_94 = arith.constant 1 : i32
    scf.for %parallel_loop3A_197 = %parallel_loop3A_92 to %parallel_loop3A_93 step %parallel_loop3A_94  : i32 {
      %parallel_loop3A_198 = arith.constant 16 : i32
      %parallel_loop3A_199 = arith.muli %parallel_loop3A_197, %parallel_loop3A_198 : i32
      %parallel_loop3A_200 = tpu.assume_multiple %parallel_loop3A_199, 16 : i32
      %parallel_loop3A_201 = arith.index_cast %parallel_loop3A_200 : i32 to index
      %parallel_loop3A_202 = tpu.vector_load %arg7[%parallel_loop3A_201] {strides = array<i32>} : memref<12800xi32, #tpu.memory_space<vmem>>, vector<16xi32>,
      %parallel_loop3A_203 = arith.constant 5 : i32
      %parallel_loop3A_204 = vector.broadcast %parallel_loop3A_203 : i32 to vector<16xi32>
      %parallel_loop3A_205 = arith.shrui %parallel_loop3A_202, %parallel_loop3A_204 : vector<16xi32>
      %parallel_loop3A_206 = tpu.vector_load_idx %arg12[%parallel_loop3A_205] : memref<32768xi32, #tpu.memory_space<vmem>>[vector<16xi32>], vector<16xi32>,
      %parallel_loop3A_207 = arith.constant dense<-1> : vector<16xi32>
      %parallel_loop3A_208 = arith.xori %parallel_loop3A_202, %parallel_loop3A_207 : vector<16xi32>
      %parallel_loop3A_209 = arith.constant 31 : i32
      %parallel_loop3A_210 = vector.broadcast %parallel_loop3A_209 : i32 to vector<16xi32>
      %parallel_loop3A_211 = arith.andi %parallel_loop3A_208, %parallel_loop3A_210 : vector<16xi32>
      %parallel_loop3A_212 = arith.shli %parallel_loop3A_206, %parallel_loop3A_211 : vector<16xi32>
      %parallel_loop3A_213 = arith.constant 31 : i32
      %parallel_loop3A_214 = vector.broadcast %parallel_loop3A_213 : i32 to vector<16xi32>
      %parallel_loop3A_215 = arith.shrsi %parallel_loop3A_212, %parallel_loop3A_214 : vector<16xi32>
      %parallel_loop3A_216 = arith.index_cast %parallel_loop3A_200 : i32 to index
      %parallel_loop3A_217 = tpu.vector_load %arg9[%parallel_loop3A_216] {strides = array<i32>} : memref<12800xf32, #tpu.memory_space<vmem>>, vector<16xf32>,
      %parallel_loop3A_218 = vector.bitcast %parallel_loop3A_217 : vector<16xf32> to vector<16xi32>
      %parallel_loop3A_219 = arith.andi %parallel_loop3A_218, %parallel_loop3A_215 : vector<16xi32>
      %parallel_loop3A_220 = vector.bitcast %parallel_loop3A_219 : vector<16xi32> to vector<16xf32>
      %parallel_loop3A_221 = arith.index_cast %parallel_loop3A_200 : i32 to index
      %parallel_loop3A_222 = tpu.vector_load %arg11[%parallel_loop3A_221] {strides = array<i32>} : memref<12800xf32, #tpu.memory_space<vmem>>, vector<16xf32>,
      tpu.vector_store %arg11[%parallel_loop3A_221], %parallel_loop3A_220 {strides = array<i32>} : memref<12800xf32, #tpu.memory_space<vmem>>, vector<16xf32>,
    } {sc.loop_unroll_factor = 8 : i64, sc.parallel_access}
    %mul3A_95 = arith.constant 102400 : i32
    %mul3A_96 = arith.muli %add3A, %mul3A_95 : i32
    %add3A_97 = arith.constant 38400 : i32
    %add3A_98 = arith.addi %mul3A_96, %add3A_97 : i32
    %multiple_of3A_99 = tpu.assume_multiple %add3A_98, 12800 : i32
    %dma_start3A_100 = tpu.memref_slice %arg5[%multiple_of3A_99] : memref<3276800xf32, #tpu.memory_space<hbm>> -> memref<12800xf32, #tpu.memory_space<hbm>>
    %dma_start3A_101 = tpu.memref_slice %arg5[%multiple_of3A_99] : memref<3276800xf32, #tpu.memory_space<hbm>> -> memref<12800xf32, #tpu.memory_space<hbm>>
    tpu.enqueue_dma source(%arg11 : memref<12800xf32, #tpu.memory_space<vmem>>) target(%dma_start3A_101 : memref<12800xf32, #tpu.memory_space<hbm>>) target_semaphore(%arg16 : memref<!tpu.dma_semaphore, #tpu.memory_space<semaphore_mem>>)
    %mul3A_102 = arith.constant 102400 : i32
    %mul3A_103 = arith.muli %add3A, %mul3A_102 : i32
    %add3A_104 = arith.constant 64000 : i32
    %add3A_105 = arith.addi %mul3A_103, %add3A_104 : i32
    %multiple_of3A_106 = tpu.assume_multiple %add3A_105, 12800 : i32
    %dma_start3A_107 = tpu.memref_slice %arg3[%multiple_of3A_106] : memref<3276800xi32, #tpu.memory_space<hbm>> -> memref<12800xi32, #tpu.memory_space<hbm>>
    %dma_start3A_108 = tpu.memref_slice %arg3[%multiple_of3A_106] : memref<3276800xi32, #tpu.memory_space<hbm>> -> memref<12800xi32, #tpu.memory_space<hbm>>
    tpu.enqueue_dma source(%dma_start3A_108 : memref<12800xi32, #tpu.memory_space<hbm>>) target(%arg7 : memref<12800xi32, #tpu.memory_space<vmem>>) target_semaphore(%arg14 : memref<!tpu.dma_semaphore, #tpu.memory_space<semaphore_mem>>)
    %dma_start3A_109 = tpu.memref_slice %arg2[%multiple_of3A_106] : memref<3276800xf32, #tpu.memory_space<hbm>> -> memref<12800xf32, #tpu.memory_space<hbm>>
    %dma_start3A_110 = tpu.memref_slice %arg2[%multiple_of3A_106] : memref<3276800xf32, #tpu.memory_space<hbm>> -> memref<12800xf32, #tpu.memory_space<hbm>>
    tpu.enqueue_dma source(%dma_start3A_110 : memref<12800xf32, #tpu.memory_space<hbm>>) target(%arg9 : memref<12800xf32, #tpu.memory_space<vmem>>) target_semaphore(%arg14 : memref<!tpu.dma_semaphore, #tpu.memory_space<semaphore_mem>>)
    %dma_wait3A_111 = tpu.memref_slice %arg3[%multiple_of3A_81] : memref<3276800xi32, #tpu.memory_space<hbm>> -> memref<12800xi32, #tpu.memory_space<hbm>>
    %dma_wait3A_112 = tpu.memref_slice %arg3[%multiple_of3A_81] : memref<3276800xi32, #tpu.memory_space<hbm>> -> memref<12800xi32, #tpu.memory_space<hbm>>
    tpu.wait_dma2 semaphore(%arg13 : memref<!tpu.dma_semaphore, #tpu.memory_space<semaphore_mem>>) src(%dma_wait3A_112 : memref<12800xi32, #tpu.memory_space<hbm>>) dst(%arg6 : memref<12800xi32, #tpu.memory_space<vmem>>)
    %dma_wait3A_113 = tpu.memref_slice %arg2[%multiple_of3A_81] : memref<3276800xf32, #tpu.memory_space<hbm>> -> memref<12800xf32, #tpu.memory_space<hbm>>
    %dma_wait3A_114 = tpu.memref_slice %arg2[%multiple_of3A_81] : memref<3276800xf32, #tpu.memory_space<hbm>> -> memref<12800xf32, #tpu.memory_space<hbm>>
    tpu.wait_dma2 semaphore(%arg13 : memref<!tpu.dma_semaphore, #tpu.memory_space<semaphore_mem>>) src(%dma_wait3A_114 : memref<12800xf32, #tpu.memory_space<hbm>>) dst(%arg8 : memref<12800xf32, #tpu.memory_space<vmem>>)
    %dma_wait3A_115 = tpu.memref_slice %arg5[%multiple_of3A_74] : memref<3276800xf32, #tpu.memory_space<hbm>> -> memref<12800xf32, #tpu.memory_space<hbm>>
    %dma_wait3A_116 = tpu.memref_slice %arg5[%multiple_of3A_74] : memref<3276800xf32, #tpu.memory_space<hbm>> -> memref<12800xf32, #tpu.memory_space<hbm>>
    tpu.wait_dma2 semaphore(%arg15 : memref<!tpu.dma_semaphore, #tpu.memory_space<semaphore_mem>>) src(%arg10 : memref<12800xf32, #tpu.memory_space<vmem>>) dst(%dma_wait3A_116 : memref<12800xf32, #tpu.memory_space<hbm>>)
    %parallel_loop3A_117 = arith.constant 0 : i32
    %parallel_loop3A_118 = arith.constant 800 : i32
    %parallel_loop3A_119 = arith.constant 1 : i32
    scf.for %parallel_loop3A_197 = %parallel_loop3A_117 to %parallel_loop3A_118 step %parallel_loop3A_119  : i32 {
      %parallel_loop3A_198 = arith.constant 16 : i32
      %parallel_loop3A_199 = arith.muli %parallel_loop3A_197, %parallel_loop3A_198 : i32
      %parallel_loop3A_200 = tpu.assume_multiple %parallel_loop3A_199, 16 : i32
      %parallel_loop3A_201 = arith.index_cast %parallel_loop3A_200 : i32 to index
      %parallel_loop3A_202 = tpu.vector_load %arg6[%parallel_loop3A_201] {strides = array<i32>} : memref<12800xi32, #tpu.memory_space<vmem>>, vector<16xi32>,
      %parallel_loop3A_203 = arith.constant 5 : i32
      %parallel_loop3A_204 = vector.broadcast %parallel_loop3A_203 : i32 to vector<16xi32>
      %parallel_loop3A_205 = arith.shrui %parallel_loop3A_202, %parallel_loop3A_204 : vector<16xi32>
      %parallel_loop3A_206 = tpu.vector_load_idx %arg12[%parallel_loop3A_205] : memref<32768xi32, #tpu.memory_space<vmem>>[vector<16xi32>], vector<16xi32>,
      %parallel_loop3A_207 = arith.constant dense<-1> : vector<16xi32>
      %parallel_loop3A_208 = arith.xori %parallel_loop3A_202, %parallel_loop3A_207 : vector<16xi32>
      %parallel_loop3A_209 = arith.constant 31 : i32
      %parallel_loop3A_210 = vector.broadcast %parallel_loop3A_209 : i32 to vector<16xi32>
      %parallel_loop3A_211 = arith.andi %parallel_loop3A_208, %parallel_loop3A_210 : vector<16xi32>
      %parallel_loop3A_212 = arith.shli %parallel_loop3A_206, %parallel_loop3A_211 : vector<16xi32>
      %parallel_loop3A_213 = arith.constant 31 : i32
      %parallel_loop3A_214 = vector.broadcast %parallel_loop3A_213 : i32 to vector<16xi32>
      %parallel_loop3A_215 = arith.shrsi %parallel_loop3A_212, %parallel_loop3A_214 : vector<16xi32>
      %parallel_loop3A_216 = arith.index_cast %parallel_loop3A_200 : i32 to index
      %parallel_loop3A_217 = tpu.vector_load %arg8[%parallel_loop3A_216] {strides = array<i32>} : memref<12800xf32, #tpu.memory_space<vmem>>, vector<16xf32>,
      %parallel_loop3A_218 = vector.bitcast %parallel_loop3A_217 : vector<16xf32> to vector<16xi32>
      %parallel_loop3A_219 = arith.andi %parallel_loop3A_218, %parallel_loop3A_215 : vector<16xi32>
      %parallel_loop3A_220 = vector.bitcast %parallel_loop3A_219 : vector<16xi32> to vector<16xf32>
      %parallel_loop3A_221 = arith.index_cast %parallel_loop3A_200 : i32 to index
      %parallel_loop3A_222 = tpu.vector_load %arg10[%parallel_loop3A_221] {strides = array<i32>} : memref<12800xf32, #tpu.memory_space<vmem>>, vector<16xf32>,
      tpu.vector_store %arg10[%parallel_loop3A_221], %parallel_loop3A_220 {strides = array<i32>} : memref<12800xf32, #tpu.memory_space<vmem>>, vector<16xf32>,
    } {sc.loop_unroll_factor = 8 : i64, sc.parallel_access}
    %mul3A_120 = arith.constant 102400 : i32
    %mul3A_121 = arith.muli %add3A, %mul3A_120 : i32
    %add3A_122 = arith.constant 51200 : i32
    %add3A_123 = arith.addi %mul3A_121, %add3A_122 : i32
    %multiple_of3A_124 = tpu.assume_multiple %add3A_123, 12800 : i32
    %dma_start3A_125 = tpu.memref_slice %arg5[%multiple_of3A_124] : memref<3276800xf32, #tpu.memory_space<hbm>> -> memref<12800xf32, #tpu.memory_space<hbm>>
    %dma_start3A_126 = tpu.memref_slice %arg5[%multiple_of3A_124] : memref<3276800xf32, #tpu.memory_space<hbm>> -> memref<12800xf32, #tpu.memory_space<hbm>>
    tpu.enqueue_dma source(%arg10 : memref<12800xf32, #tpu.memory_space<vmem>>) target(%dma_start3A_126 : memref<12800xf32, #tpu.memory_space<hbm>>) target_semaphore(%arg15 : memref<!tpu.dma_semaphore, #tpu.memory_space<semaphore_mem>>)
    %mul3A_127 = arith.constant 102400 : i32
    %mul3A_128 = arith.muli %add3A, %mul3A_127 : i32
    %add3A_129 = arith.constant 76800 : i32
    %add3A_130 = arith.addi %mul3A_128, %add3A_129 : i32
    %multiple_of3A_131 = tpu.assume_multiple %add3A_130, 12800 : i32
    %dma_start3A_132 = tpu.memref_slice %arg3[%multiple_of3A_131] : memref<3276800xi32, #tpu.memory_space<hbm>> -> memref<12800xi32, #tpu.memory_space<hbm>>
    %dma_start3A_133 = tpu.memref_slice %arg3[%multiple_of3A_131] : memref<3276800xi32, #tpu.memory_space<hbm>> -> memref<12800xi32, #tpu.memory_space<hbm>>
    tpu.enqueue_dma source(%dma_start3A_133 : memref<12800xi32, #tpu.memory_space<hbm>>) target(%arg6 : memref<12800xi32, #tpu.memory_space<vmem>>) target_semaphore(%arg13 : memref<!tpu.dma_semaphore, #tpu.memory_space<semaphore_mem>>)
    %dma_start3A_134 = tpu.memref_slice %arg2[%multiple_of3A_131] : memref<3276800xf32, #tpu.memory_space<hbm>> -> memref<12800xf32, #tpu.memory_space<hbm>>
    %dma_start3A_135 = tpu.memref_slice %arg2[%multiple_of3A_131] : memref<3276800xf32, #tpu.memory_space<hbm>> -> memref<12800xf32, #tpu.memory_space<hbm>>
    tpu.enqueue_dma source(%dma_start3A_135 : memref<12800xf32, #tpu.memory_space<hbm>>) target(%arg8 : memref<12800xf32, #tpu.memory_space<vmem>>) target_semaphore(%arg13 : memref<!tpu.dma_semaphore, #tpu.memory_space<semaphore_mem>>)
    %dma_wait3A_136 = tpu.memref_slice %arg3[%multiple_of3A_106] : memref<3276800xi32, #tpu.memory_space<hbm>> -> memref<12800xi32, #tpu.memory_space<hbm>>
    %dma_wait3A_137 = tpu.memref_slice %arg3[%multiple_of3A_106] : memref<3276800xi32, #tpu.memory_space<hbm>> -> memref<12800xi32, #tpu.memory_space<hbm>>
    tpu.wait_dma2 semaphore(%arg14 : memref<!tpu.dma_semaphore, #tpu.memory_space<semaphore_mem>>) src(%dma_wait3A_137 : memref<12800xi32, #tpu.memory_space<hbm>>) dst(%arg7 : memref<12800xi32, #tpu.memory_space<vmem>>)
    %dma_wait3A_138 = tpu.memref_slice %arg2[%multiple_of3A_106] : memref<3276800xf32, #tpu.memory_space<hbm>> -> memref<12800xf32, #tpu.memory_space<hbm>>
    %dma_wait3A_139 = tpu.memref_slice %arg2[%multiple_of3A_106] : memref<3276800xf32, #tpu.memory_space<hbm>> -> memref<12800xf32, #tpu.memory_space<hbm>>
    tpu.wait_dma2 semaphore(%arg14 : memref<!tpu.dma_semaphore, #tpu.memory_space<semaphore_mem>>) src(%dma_wait3A_139 : memref<12800xf32, #tpu.memory_space<hbm>>) dst(%arg9 : memref<12800xf32, #tpu.memory_space<vmem>>)
    %dma_wait3A_140 = tpu.memref_slice %arg5[%multiple_of3A_99] : memref<3276800xf32, #tpu.memory_space<hbm>> -> memref<12800xf32, #tpu.memory_space<hbm>>
    %dma_wait3A_141 = tpu.memref_slice %arg5[%multiple_of3A_99] : memref<3276800xf32, #tpu.memory_space<hbm>> -> memref<12800xf32, #tpu.memory_space<hbm>>
    tpu.wait_dma2 semaphore(%arg16 : memref<!tpu.dma_semaphore, #tpu.memory_space<semaphore_mem>>) src(%arg11 : memref<12800xf32, #tpu.memory_space<vmem>>) dst(%dma_wait3A_141 : memref<12800xf32, #tpu.memory_space<hbm>>)
    %parallel_loop3A_142 = arith.constant 0 : i32
    %parallel_loop3A_143 = arith.constant 800 : i32
    %parallel_loop3A_144 = arith.constant 1 : i32
    scf.for %parallel_loop3A_197 = %parallel_loop3A_142 to %parallel_loop3A_143 step %parallel_loop3A_144  : i32 {
      %parallel_loop3A_198 = arith.constant 16 : i32
      %parallel_loop3A_199 = arith.muli %parallel_loop3A_197, %parallel_loop3A_198 : i32
      %parallel_loop3A_200 = tpu.assume_multiple %parallel_loop3A_199, 16 : i32
      %parallel_loop3A_201 = arith.index_cast %parallel_loop3A_200 : i32 to index
      %parallel_loop3A_202 = tpu.vector_load %arg7[%parallel_loop3A_201] {strides = array<i32>} : memref<12800xi32, #tpu.memory_space<vmem>>, vector<16xi32>,
      %parallel_loop3A_203 = arith.constant 5 : i32
      %parallel_loop3A_204 = vector.broadcast %parallel_loop3A_203 : i32 to vector<16xi32>
      %parallel_loop3A_205 = arith.shrui %parallel_loop3A_202, %parallel_loop3A_204 : vector<16xi32>
      %parallel_loop3A_206 = tpu.vector_load_idx %arg12[%parallel_loop3A_205] : memref<32768xi32, #tpu.memory_space<vmem>>[vector<16xi32>], vector<16xi32>,
      %parallel_loop3A_207 = arith.constant dense<-1> : vector<16xi32>
      %parallel_loop3A_208 = arith.xori %parallel_loop3A_202, %parallel_loop3A_207 : vector<16xi32>
      %parallel_loop3A_209 = arith.constant 31 : i32
      %parallel_loop3A_210 = vector.broadcast %parallel_loop3A_209 : i32 to vector<16xi32>
      %parallel_loop3A_211 = arith.andi %parallel_loop3A_208, %parallel_loop3A_210 : vector<16xi32>
      %parallel_loop3A_212 = arith.shli %parallel_loop3A_206, %parallel_loop3A_211 : vector<16xi32>
      %parallel_loop3A_213 = arith.constant 31 : i32
      %parallel_loop3A_214 = vector.broadcast %parallel_loop3A_213 : i32 to vector<16xi32>
      %parallel_loop3A_215 = arith.shrsi %parallel_loop3A_212, %parallel_loop3A_214 : vector<16xi32>
      %parallel_loop3A_216 = arith.index_cast %parallel_loop3A_200 : i32 to index
      %parallel_loop3A_217 = tpu.vector_load %arg9[%parallel_loop3A_216] {strides = array<i32>} : memref<12800xf32, #tpu.memory_space<vmem>>, vector<16xf32>,
      %parallel_loop3A_218 = vector.bitcast %parallel_loop3A_217 : vector<16xf32> to vector<16xi32>
      %parallel_loop3A_219 = arith.andi %parallel_loop3A_218, %parallel_loop3A_215 : vector<16xi32>
      %parallel_loop3A_220 = vector.bitcast %parallel_loop3A_219 : vector<16xi32> to vector<16xf32>
      %parallel_loop3A_221 = arith.index_cast %parallel_loop3A_200 : i32 to index
      %parallel_loop3A_222 = tpu.vector_load %arg11[%parallel_loop3A_221] {strides = array<i32>} : memref<12800xf32, #tpu.memory_space<vmem>>, vector<16xf32>,
      tpu.vector_store %arg11[%parallel_loop3A_221], %parallel_loop3A_220 {strides = array<i32>} : memref<12800xf32, #tpu.memory_space<vmem>>, vector<16xf32>,
    } {sc.loop_unroll_factor = 8 : i64, sc.parallel_access}
    %mul3A_145 = arith.constant 102400 : i32
    %mul3A_146 = arith.muli %add3A, %mul3A_145 : i32
    %add3A_147 = arith.constant 64000 : i32
    %add3A_148 = arith.addi %mul3A_146, %add3A_147 : i32
    %multiple_of3A_149 = tpu.assume_multiple %add3A_148, 12800 : i32
    %dma_start3A_150 = tpu.memref_slice %arg5[%multiple_of3A_149] : memref<3276800xf32, #tpu.memory_space<hbm>> -> memref<12800xf32, #tpu.memory_space<hbm>>
    %dma_start3A_151 = tpu.memref_slice %arg5[%multiple_of3A_149] : memref<3276800xf32, #tpu.memory_space<hbm>> -> memref<12800xf32, #tpu.memory_space<hbm>>
    tpu.enqueue_dma source(%arg11 : memref<12800xf32, #tpu.memory_space<vmem>>) target(%dma_start3A_151 : memref<12800xf32, #tpu.memory_space<hbm>>) target_semaphore(%arg16 : memref<!tpu.dma_semaphore, #tpu.memory_space<semaphore_mem>>)
    %mul3A_152 = arith.constant 102400 : i32
    %mul3A_153 = arith.muli %add3A, %mul3A_152 : i32
    %add3A_154 = arith.constant 89600 : i32
    %add3A_155 = arith.addi %mul3A_153, %add3A_154 : i32
    %multiple_of3A_156 = tpu.assume_multiple %add3A_155, 12800 : i32
    %dma_start3A_157 = tpu.memref_slice %arg3[%multiple_of3A_156] : memref<3276800xi32, #tpu.memory_space<hbm>> -> memref<12800xi32, #tpu.memory_space<hbm>>
    %dma_start3A_158 = tpu.memref_slice %arg3[%multiple_of3A_156] : memref<3276800xi32, #tpu.memory_space<hbm>> -> memref<12800xi32, #tpu.memory_space<hbm>>
    tpu.enqueue_dma source(%dma_start3A_158 : memref<12800xi32, #tpu.memory_space<hbm>>) target(%arg7 : memref<12800xi32, #tpu.memory_space<vmem>>) target_semaphore(%arg14 : memref<!tpu.dma_semaphore, #tpu.memory_space<semaphore_mem>>)
    %dma_start3A_159 = tpu.memref_slice %arg2[%multiple_of3A_156] : memref<3276800xf32, #tpu.memory_space<hbm>> -> memref<12800xf32, #tpu.memory_space<hbm>>
    %dma_start3A_160 = tpu.memref_slice %arg2[%multiple_of3A_156] : memref<3276800xf32, #tpu.memory_space<hbm>> -> memref<12800xf32, #tpu.memory_space<hbm>>
    tpu.enqueue_dma source(%dma_start3A_160 : memref<12800xf32, #tpu.memory_space<hbm>>) target(%arg9 : memref<12800xf32, #tpu.memory_space<vmem>>) target_semaphore(%arg14 : memref<!tpu.dma_semaphore, #tpu.memory_space<semaphore_mem>>)
    %dma_wait3A_161 = tpu.memref_slice %arg3[%multiple_of3A_131] : memref<3276800xi32, #tpu.memory_space<hbm>> -> memref<12800xi32, #tpu.memory_space<hbm>>
    %dma_wait3A_162 = tpu.memref_slice %arg3[%multiple_of3A_131] : memref<3276800xi32, #tpu.memory_space<hbm>> -> memref<12800xi32, #tpu.memory_space<hbm>>
    tpu.wait_dma2 semaphore(%arg13 : memref<!tpu.dma_semaphore, #tpu.memory_space<semaphore_mem>>) src(%dma_wait3A_162 : memref<12800xi32, #tpu.memory_space<hbm>>) dst(%arg6 : memref<12800xi32, #tpu.memory_space<vmem>>)
    %dma_wait3A_163 = tpu.memref_slice %arg2[%multiple_of3A_131] : memref<3276800xf32, #tpu.memory_space<hbm>> -> memref<12800xf32, #tpu.memory_space<hbm>>
    %dma_wait3A_164 = tpu.memref_slice %arg2[%multiple_of3A_131] : memref<3276800xf32, #tpu.memory_space<hbm>> -> memref<12800xf32, #tpu.memory_space<hbm>>
    tpu.wait_dma2 semaphore(%arg13 : memref<!tpu.dma_semaphore, #tpu.memory_space<semaphore_mem>>) src(%dma_wait3A_164 : memref<12800xf32, #tpu.memory_space<hbm>>) dst(%arg8 : memref<12800xf32, #tpu.memory_space<vmem>>)
    %dma_wait3A_165 = tpu.memref_slice %arg5[%multiple_of3A_124] : memref<3276800xf32, #tpu.memory_space<hbm>> -> memref<12800xf32, #tpu.memory_space<hbm>>
    %dma_wait3A_166 = tpu.memref_slice %arg5[%multiple_of3A_124] : memref<3276800xf32, #tpu.memory_space<hbm>> -> memref<12800xf32, #tpu.memory_space<hbm>>
    tpu.wait_dma2 semaphore(%arg15 : memref<!tpu.dma_semaphore, #tpu.memory_space<semaphore_mem>>) src(%arg10 : memref<12800xf32, #tpu.memory_space<vmem>>) dst(%dma_wait3A_166 : memref<12800xf32, #tpu.memory_space<hbm>>)
    %parallel_loop3A_167 = arith.constant 0 : i32
    %parallel_loop3A_168 = arith.constant 800 : i32
    %parallel_loop3A_169 = arith.constant 1 : i32
    scf.for %parallel_loop3A_197 = %parallel_loop3A_167 to %parallel_loop3A_168 step %parallel_loop3A_169  : i32 {
      %parallel_loop3A_198 = arith.constant 16 : i32
      %parallel_loop3A_199 = arith.muli %parallel_loop3A_197, %parallel_loop3A_198 : i32
      %parallel_loop3A_200 = tpu.assume_multiple %parallel_loop3A_199, 16 : i32
      %parallel_loop3A_201 = arith.index_cast %parallel_loop3A_200 : i32 to index
      %parallel_loop3A_202 = tpu.vector_load %arg6[%parallel_loop3A_201] {strides = array<i32>} : memref<12800xi32, #tpu.memory_space<vmem>>, vector<16xi32>,
      %parallel_loop3A_203 = arith.constant 5 : i32
      %parallel_loop3A_204 = vector.broadcast %parallel_loop3A_203 : i32 to vector<16xi32>
      %parallel_loop3A_205 = arith.shrui %parallel_loop3A_202, %parallel_loop3A_204 : vector<16xi32>
      %parallel_loop3A_206 = tpu.vector_load_idx %arg12[%parallel_loop3A_205] : memref<32768xi32, #tpu.memory_space<vmem>>[vector<16xi32>], vector<16xi32>,
      %parallel_loop3A_207 = arith.constant dense<-1> : vector<16xi32>
      %parallel_loop3A_208 = arith.xori %parallel_loop3A_202, %parallel_loop3A_207 : vector<16xi32>
      %parallel_loop3A_209 = arith.constant 31 : i32
      %parallel_loop3A_210 = vector.broadcast %parallel_loop3A_209 : i32 to vector<16xi32>
      %parallel_loop3A_211 = arith.andi %parallel_loop3A_208, %parallel_loop3A_210 : vector<16xi32>
      %parallel_loop3A_212 = arith.shli %parallel_loop3A_206, %parallel_loop3A_211 : vector<16xi32>
      %parallel_loop3A_213 = arith.constant 31 : i32
      %parallel_loop3A_214 = vector.broadcast %parallel_loop3A_213 : i32 to vector<16xi32>
      %parallel_loop3A_215 = arith.shrsi %parallel_loop3A_212, %parallel_loop3A_214 : vector<16xi32>
      %parallel_loop3A_216 = arith.index_cast %parallel_loop3A_200 : i32 to index
      %parallel_loop3A_217 = tpu.vector_load %arg8[%parallel_loop3A_216] {strides = array<i32>} : memref<12800xf32, #tpu.memory_space<vmem>>, vector<16xf32>,
      %parallel_loop3A_218 = vector.bitcast %parallel_loop3A_217 : vector<16xf32> to vector<16xi32>
      %parallel_loop3A_219 = arith.andi %parallel_loop3A_218, %parallel_loop3A_215 : vector<16xi32>
      %parallel_loop3A_220 = vector.bitcast %parallel_loop3A_219 : vector<16xi32> to vector<16xf32>
      %parallel_loop3A_221 = arith.index_cast %parallel_loop3A_200 : i32 to index
      %parallel_loop3A_222 = tpu.vector_load %arg10[%parallel_loop3A_221] {strides = array<i32>} : memref<12800xf32, #tpu.memory_space<vmem>>, vector<16xf32>,
      tpu.vector_store %arg10[%parallel_loop3A_221], %parallel_loop3A_220 {strides = array<i32>} : memref<12800xf32, #tpu.memory_space<vmem>>, vector<16xf32>,
    } {sc.loop_unroll_factor = 8 : i64, sc.parallel_access}
    %mul3A_170 = arith.constant 102400 : i32
    %mul3A_171 = arith.muli %add3A, %mul3A_170 : i32
    %add3A_172 = arith.constant 76800 : i32
    %add3A_173 = arith.addi %mul3A_171, %add3A_172 : i32
    %multiple_of3A_174 = tpu.assume_multiple %add3A_173, 12800 : i32
    %dma_start3A_175 = tpu.memref_slice %arg5[%multiple_of3A_174] : memref<3276800xf32, #tpu.memory_space<hbm>> -> memref<12800xf32, #tpu.memory_space<hbm>>
    %dma_start3A_176 = tpu.memref_slice %arg5[%multiple_of3A_174] : memref<3276800xf32, #tpu.memory_space<hbm>> -> memref<12800xf32, #tpu.memory_space<hbm>>
    tpu.enqueue_dma source(%arg10 : memref<12800xf32, #tpu.memory_space<vmem>>) target(%dma_start3A_176 : memref<12800xf32, #tpu.memory_space<hbm>>) target_semaphore(%arg15 : memref<!tpu.dma_semaphore, #tpu.memory_space<semaphore_mem>>)
    %dma_wait3A_177 = tpu.memref_slice %arg3[%multiple_of3A_156] : memref<3276800xi32, #tpu.memory_space<hbm>> -> memref<12800xi32, #tpu.memory_space<hbm>>
    %dma_wait3A_178 = tpu.memref_slice %arg3[%multiple_of3A_156] : memref<3276800xi32, #tpu.memory_space<hbm>> -> memref<12800xi32, #tpu.memory_space<hbm>>
    tpu.wait_dma2 semaphore(%arg14 : memref<!tpu.dma_semaphore, #tpu.memory_space<semaphore_mem>>) src(%dma_wait3A_178 : memref<12800xi32, #tpu.memory_space<hbm>>) dst(%arg7 : memref<12800xi32, #tpu.memory_space<vmem>>)
    %dma_wait3A_179 = tpu.memref_slice %arg2[%multiple_of3A_156] : memref<3276800xf32, #tpu.memory_space<hbm>> -> memref<12800xf32, #tpu.memory_space<hbm>>
    %dma_wait3A_180 = tpu.memref_slice %arg2[%multiple_of3A_156] : memref<3276800xf32, #tpu.memory_space<hbm>> -> memref<12800xf32, #tpu.memory_space<hbm>>
    tpu.wait_dma2 semaphore(%arg14 : memref<!tpu.dma_semaphore, #tpu.memory_space<semaphore_mem>>) src(%dma_wait3A_180 : memref<12800xf32, #tpu.memory_space<hbm>>) dst(%arg9 : memref<12800xf32, #tpu.memory_space<vmem>>)
    %dma_wait3A_181 = tpu.memref_slice %arg5[%multiple_of3A_149] : memref<3276800xf32, #tpu.memory_space<hbm>> -> memref<12800xf32, #tpu.memory_space<hbm>>
    %dma_wait3A_182 = tpu.memref_slice %arg5[%multiple_of3A_149] : memref<3276800xf32, #tpu.memory_space<hbm>> -> memref<12800xf32, #tpu.memory_space<hbm>>
    tpu.wait_dma2 semaphore(%arg16 : memref<!tpu.dma_semaphore, #tpu.memory_space<semaphore_mem>>) src(%arg11 : memref<12800xf32, #tpu.memory_space<vmem>>) dst(%dma_wait3A_182 : memref<12800xf32, #tpu.memory_space<hbm>>)
    %parallel_loop3A_183 = arith.constant 0 : i32
    %parallel_loop3A_184 = arith.constant 800 : i32
    %parallel_loop3A_185 = arith.constant 1 : i32
    scf.for %parallel_loop3A_197 = %parallel_loop3A_183 to %parallel_loop3A_184 step %parallel_loop3A_185  : i32 {
      %parallel_loop3A_198 = arith.constant 16 : i32
      %parallel_loop3A_199 = arith.muli %parallel_loop3A_197, %parallel_loop3A_198 : i32
      %parallel_loop3A_200 = tpu.assume_multiple %parallel_loop3A_199, 16 : i32
      %parallel_loop3A_201 = arith.index_cast %parallel_loop3A_200 : i32 to index
      %parallel_loop3A_202 = tpu.vector_load %arg7[%parallel_loop3A_201] {strides = array<i32>} : memref<12800xi32, #tpu.memory_space<vmem>>, vector<16xi32>,
      %parallel_loop3A_203 = arith.constant 5 : i32
      %parallel_loop3A_204 = vector.broadcast %parallel_loop3A_203 : i32 to vector<16xi32>
      %parallel_loop3A_205 = arith.shrui %parallel_loop3A_202, %parallel_loop3A_204 : vector<16xi32>
      %parallel_loop3A_206 = tpu.vector_load_idx %arg12[%parallel_loop3A_205] : memref<32768xi32, #tpu.memory_space<vmem>>[vector<16xi32>], vector<16xi32>,
      %parallel_loop3A_207 = arith.constant dense<-1> : vector<16xi32>
      %parallel_loop3A_208 = arith.xori %parallel_loop3A_202, %parallel_loop3A_207 : vector<16xi32>
      %parallel_loop3A_209 = arith.constant 31 : i32
      %parallel_loop3A_210 = vector.broadcast %parallel_loop3A_209 : i32 to vector<16xi32>
      %parallel_loop3A_211 = arith.andi %parallel_loop3A_208, %parallel_loop3A_210 : vector<16xi32>
      %parallel_loop3A_212 = arith.shli %parallel_loop3A_206, %parallel_loop3A_211 : vector<16xi32>
      %parallel_loop3A_213 = arith.constant 31 : i32
      %parallel_loop3A_214 = vector.broadcast %parallel_loop3A_213 : i32 to vector<16xi32>
      %parallel_loop3A_215 = arith.shrsi %parallel_loop3A_212, %parallel_loop3A_214 : vector<16xi32>
      %parallel_loop3A_216 = arith.index_cast %parallel_loop3A_200 : i32 to index
      %parallel_loop3A_217 = tpu.vector_load %arg9[%parallel_loop3A_216] {strides = array<i32>} : memref<12800xf32, #tpu.memory_space<vmem>>, vector<16xf32>,
      %parallel_loop3A_218 = vector.bitcast %parallel_loop3A_217 : vector<16xf32> to vector<16xi32>
      %parallel_loop3A_219 = arith.andi %parallel_loop3A_218, %parallel_loop3A_215 : vector<16xi32>
      %parallel_loop3A_220 = vector.bitcast %parallel_loop3A_219 : vector<16xi32> to vector<16xf32>
      %parallel_loop3A_221 = arith.index_cast %parallel_loop3A_200 : i32 to index
      %parallel_loop3A_222 = tpu.vector_load %arg11[%parallel_loop3A_221] {strides = array<i32>} : memref<12800xf32, #tpu.memory_space<vmem>>, vector<16xf32>,
      tpu.vector_store %arg11[%parallel_loop3A_221], %parallel_loop3A_220 {strides = array<i32>} : memref<12800xf32, #tpu.memory_space<vmem>>, vector<16xf32>,
    } {sc.loop_unroll_factor = 8 : i64, sc.parallel_access}
    %mul3A_186 = arith.constant 102400 : i32
    %mul3A_187 = arith.muli %add3A, %mul3A_186 : i32
    %add3A_188 = arith.constant 89600 : i32
    %add3A_189 = arith.addi %mul3A_187, %add3A_188 : i32
    %multiple_of3A_190 = tpu.assume_multiple %add3A_189, 12800 : i32
    %dma_start3A_191 = tpu.memref_slice %arg5[%multiple_of3A_190] : memref<3276800xf32, #tpu.memory_space<hbm>> -> memref<12800xf32, #tpu.memory_space<hbm>>
    %dma_start3A_192 = tpu.memref_slice %arg5[%multiple_of3A_190] : memref<3276800xf32, #tpu.memory_space<hbm>> -> memref<12800xf32, #tpu.memory_space<hbm>>
    tpu.enqueue_dma source(%arg11 : memref<12800xf32, #tpu.memory_space<vmem>>) target(%dma_start3A_192 : memref<12800xf32, #tpu.memory_space<hbm>>) target_semaphore(%arg16 : memref<!tpu.dma_semaphore, #tpu.memory_space<semaphore_mem>>)
    %dma_wait3A_193 = tpu.memref_slice %arg5[%multiple_of3A_174] : memref<3276800xf32, #tpu.memory_space<hbm>> -> memref<12800xf32, #tpu.memory_space<hbm>>
    %dma_wait3A_194 = tpu.memref_slice %arg5[%multiple_of3A_174] : memref<3276800xf32, #tpu.memory_space<hbm>> -> memref<12800xf32, #tpu.memory_space<hbm>>
    tpu.wait_dma2 semaphore(%arg15 : memref<!tpu.dma_semaphore, #tpu.memory_space<semaphore_mem>>) src(%arg10 : memref<12800xf32, #tpu.memory_space<vmem>>) dst(%dma_wait3A_194 : memref<12800xf32, #tpu.memory_space<hbm>>)
    %dma_wait3A_195 = tpu.memref_slice %arg5[%multiple_of3A_190] : memref<3276800xf32, #tpu.memory_space<hbm>> -> memref<12800xf32, #tpu.memory_space<hbm>>
    %dma_wait3A_196 = tpu.memref_slice %arg5[%multiple_of3A_190] : memref<3276800xf32, #tpu.memory_space<hbm>> -> memref<12800xf32, #tpu.memory_space<hbm>>
    tpu.wait_dma2 semaphore(%arg16 : memref<!tpu.dma_semaphore, #tpu.memory_space<semaphore_mem>>) src(%arg11 : memref<12800xf32, #tpu.memory_space<vmem>>) dst(%dma_wait3A_196 : memref<12800xf32, #tpu.memory_space<hbm>>)
    return
  }
}

</mosaic_0001>

<sc_bundles>
// kernel: kernel.4.cloned.1.call-start
scs
__scs_entry_jumppad:
0x0: {  	(pc) =	sbr.rel $0x88, $3  }
0x1: {  	(tag) =	ssettag $0x0;
	lr =	simm.s32 $0x1  }
0x2: {  	[smem:$0x3F9E] =	sst lr;
	_ =	strace $0xD0000000  }
0x3: {  	_ = 	snop  }
0x4: {  	_ = 	snop  }
0x5: {  	_ = 	snop  }
0x6: {  	_ = 	snop  }
0x7: {  	_ = 	snop  }
__scs_overlays_trampoline_lowered:
0x8: {  	[smem:$0x3FAD] =	sst s0  }
0x9: {  	[smem:$0x3FAE] =	sst s1  }
0xa: {  	[smem:$0x3FAF] =	sst s2  }
0xb: {  	[smem:$0x3FB0] =	sst s3  }
0xc: {  	[smem:$0x3FB1] =	sst s4  }
0xd: {  	[smem:$0x3FB2] =	sst s5  }
0xe: {  	[smem:$0x3FB3] =	sst s6  }
0xf: {  	[smem:$0x3FB4] =	sst s7  }
0x10: {  	[smem:$0x3FB5] =	sst s8  }
0x11: {  	[smem:$0x3FB6] =	sst s9;
	s0 =	simm.s32 @!p0 $0x0  }
0x12: {  	s1 =	sld [smem:$0x3F9C];
	s0 =	simm.s32 @p0 $0x1  }
0x13: {  	[smem:$0x3FB7] =	sst s0;
	s0 =	simm.s32 @!p1 $0x0  }
0x14: {  	s2 =	sld [smem:$0x3F9B];
	s0 =	simm.s32 @p1 $0x1  }
0x15: {  	[smem:$0x3FB8] =	sst s0;
	s0 =	simm.s32 @!p2 $0x0  }
0x16: {  	s3 =	sld [smem:$0x3FDB];
	s0 =	simm.s32 @p2 $0x1  }
0x17: {  	s4 =	simm.s32 $0x1BF5;
	[smem:$0x3FBA] =	sst s0  }
0x18: {  	s0 =	sld [smem:$0x3F9D];
	_ =	swait.ge [sflag:s4], $0x0  }
0x19: {  	s7 =	sld [smem:$0x3F9E]  }
0x1a: {  	s8 =	sadd.s32 $0xFFFFE003, lr  }
0x1b: {  	s9 =	sadd.s32 $0xFFFFFEF7, lr;
	s5 =	simm.s32 $0xFFFFFFFF;
	p2 =	slt.u32 s8, $0xFFFFF086  }
0x1c: {  	p1 =	slt.u32 s9, $0xF7A;
	s5 =	simm.s32 @!p2 $0x0  }
0x1d: {  	s5 =	simm.s32 @p1 $0x1;
	p0 =	seq.s32 s7, s2  }
0x1e: {  	s7 =	smul.u32 @!p0 $0xF7A, s2;
	p2 =	seq.s32 @!p0 s5, $0x0  }
0x1f: {  	s9 =	smul.u32 $0xF7A, s1;
	s8 =	simm.s32 @!p0 $0x1BF5;
	p2 =	por !p2, p0  }
0x20: {  	[sflag:s8] =	ssyncset.s32 @!p0 $0xFFFFF086;
	s6 =	sadd.s32 @!p0 s3, s7;
	s7 =	simm.s32 @!p0 $0x108  }
0x21: {  	s3 =	sadd.s32 s3, s9;
	s6 =	sadd.s32 @!p0 $0x88, s6;
	s7 =	simm.s32 @p2 $0x1082  }
0x22: {  	[simem:s7], [sflag:s8] =	dma.local @!p0 [hbm:s6], $0xF7A  }
0x23: {  	s9 =	sor.u32 $0xD0000000, s2;
	s6 =	simm.s32 $0x108;
	_ =	swait.ge @!p0 [sflag:s8], $0x0  }
0x24: {  	s3 =	sadd.s32 $0x88, s3;
	s6 =	simm.s32 @!p1 $0x1082;
	[sflag:s4] =	ssyncset.s32 $0xFFFFF086  }
0x25: {  	[simem:s6], [sflag:s4] =	dma.local [hbm:s3], $0xF7A  }
0x26: {  	[smem:$0x3F9E] =	sst s1;
	(tag) =	ssettag s2;
	_ =	strace s9  }
0x27: {  	s1 =	sld [smem:$0x3FAE]  }
0x28: {  	s2 =	sld [smem:$0x3FAF]  }
0x29: {  	s4 =	sld [smem:$0x3FB1]  }
0x2a: {  	p0 =	seq.s32 s5, $0x0;
	s5 =	sld [smem:$0x3FB2]  }
0x2b: {  	s6 =	sld [smem:$0x3FB3]  }
0x2c: {  	s7 =	sld [smem:$0x3FB4]  }
0x2d: {  	s3 =	simm.s32 $0x108;
	s8 =	sld [smem:$0x3FB5]  }
0x2e: {  	s3 =	simm.s32 @!p0 $0x1082;
	s9 =	sld [smem:$0x3FB6]  }
0x2f: {  	lr =	sadd.s32 s0, s3;
	s0 =	sld [smem:$0x3FAD]  }
0x30: {  	s3 =	sld [smem:$0x3FB0]  }
0x31: {  	[smem:$0x3FB9] =	sst s10  }
0x32: {  	s10 =	sld [smem:$0x3FB7];
	_ =	sdelay $0x3  }
0x33: {  	p0 =	seq.s32 s10, $0x1;
	s10 =	sld [smem:$0x3FB9];
	_ =	sdelay $0x3  }
0x34: {  	[smem:$0x3FB9] =	sst s10  }
0x35: {  	s10 =	sld [smem:$0x3FB8];
	_ =	sdelay $0x3  }
0x36: {  	p1 =	seq.s32 s10, $0x1;
	s10 =	sld [smem:$0x3FB9];
	_ =	sdelay $0x3  }
0x37: {  	[smem:$0x3FB9] =	sst s10  }
0x38: {  	s10 =	sld [smem:$0x3FBA]  }
0x39: {  	_ = 	snop;
	(pc) =	sbr.ind lr, $3  }
0x3a: {  	_ = 	snop  }
0x3b: {  	_ = 	snop  }
0x3c: {  	p2 =	seq.s32 s10, $0x1;
	s10 =	sld [smem:$0x3FB9]  }
0x3d: {  	_ =	shalt  }
0x3e: {  	_ =	shalt  }
0x3f: {  	_ =	shalt  }
0x40: {  	_ =	shalt  }
0x41: {  	_ =	shalt  }
0x42: {  	_ =	shalt  }
0x43: {  	_ =	shalt  }
0x44: {  	_ =	shalt  }
0x45: {  	_ =	shalt  }
0x46: {  	_ =	shalt  }
0x47: {  	_ =	shalt  }
0x48: {  	_ =	shalt  }
0x49: {  	_ =	shalt  }
0x4a: {  	_ =	shalt  }
0x4b: {  	_ =	shalt  }
0x4c: {  	_ =	shalt  }
0x4d: {  	_ =	shalt  }
0x4e: {  	_ =	shalt  }
0x4f: {  	_ =	shalt  }
0x50: {  	_ =	shalt  }
0x51: {  	_ =	shalt  }
0x52: {  	_ =	shalt  }
0x53: {  	_ =	shalt  }
0x54: {  	_ =	shalt  }
0x55: {  	_ =	shalt  }
0x56: {  	_ =	shalt  }
0x57: {  	_ =	shalt  }
0x58: {  	_ =	shalt  }
0x59: {  	_ =	shalt  }
0x5a: {  	_ =	shalt  }
0x5b: {  	_ =	shalt  }
0x5c: {  	_ =	shalt  }
0x5d: {  	_ =	shalt  }
0x5e: {  	_ =	shalt  }
0x5f: {  	_ =	shalt  }
0x60: {  	_ =	shalt  }
0x61: {  	_ =	shalt  }
0x62: {  	_ =	shalt  }
0x63: {  	_ =	shalt  }
0x64: {  	_ =	shalt  }
0x65: {  	_ =	shalt  }
0x66: {  	_ =	shalt  }
0x67: {  	_ =	shalt  }
0x68: {  	_ =	shalt  }
0x69: {  	_ =	shalt  }
0x6a: {  	_ =	shalt  }
0x6b: {  	_ =	shalt  }
0x6c: {  	_ =	shalt  }
0x6d: {  	_ =	shalt  }
0x6e: {  	_ =	shalt  }
0x6f: {  	_ =	shalt  }
0x70: {  	_ =	shalt  }
0x71: {  	_ =	shalt  }
0x72: {  	_ =	shalt  }
0x73: {  	_ =	shalt  }
0x74: {  	_ =	shalt  }
0x75: {  	_ =	shalt  }
0x76: {  	_ =	shalt  }
0x77: {  	_ =	shalt  }
0x78: {  	_ =	shalt  }
0x79: {  	_ =	shalt  }
0x7a: {  	_ =	shalt  }
0x7b: {  	_ =	shalt  }
0x7c: {  	_ =	shalt  }
0x7d: {  	_ =	shalt  }
0x7e: {  	_ =	shalt  }
0x7f: {  	_ =	shalt  }
0x80: {  	_ =	shalt  }
0x81: {  	_ =	shalt  }
0x82: {  	_ =	shalt  }
0x83: {  	_ =	shalt  }
0x84: {  	_ =	shalt  }
0x85: {  	_ =	shalt  }
0x86: {  	_ =	shalt  }
0x87: {  	_ =	shalt  }
.Lfunc_end0:
.L_simem_size_0:
called_computation_lowered:
.L_overlay_start_0:
0x88: {  	s2 =	sld [smem:$0x3FD9]  }
0x89: {  	s3 =	sld [smem:$0x3FFE];
	_ =	sdelay $0x1  }
0x8a: {  	s1 =	srdreg.scid  }
0x8b: {  	s0 =	sand.u32 $0x1, s1  }
0x8c: {  	s16 =	sshll.u32 s0, $0xA;
	s2 =	sadd.s32 s3, s2  }
0x8d: {  	s2 =	sadd.s32 s2, s16  }
0x8e: {  	[smem:$0x3FC5] =	sst s2  }
0x8f: {  	_ = 	snop  }
0x90: {  	(tm) =	ssettm $0x1  }
0x91: {  	s17 =	sld [smem:$0x3FFB];
	_ =	sdelay $0x3  }
0x92: {  	_ =	strace s17  }
0x93: {  	s2 =	sld [smem:$0x3FFC];
	_ =	sdelay $0x3  }
0x94: {  	_ =	strace s2  }
0x95: {  	s2 =	sld [smem:$0x3FFD];
	_ =	sdelay $0x3  }
0x96: {  	_ =	strace s2  }
0x97: {  	_ =	strace $0x8FFFFFFF  }
0x98: {  	s18 =	sld [smem:$0x3FDB];
	_ =	sdelay $0x1  }
0x99: {  	s19 =	simm.s32 $_scs_section_size  }
0x9a: {  	s4 =	simm.s32 $_size__tile_overlayer_lowered;
	s5 =	simm.s32 $_tile_overlayer_lowered  }
0x9b: {  	s22 =	simm.s32 $0x1BFF;
	s21 =	sshll.u32 s5, $0x1;
	s2 =	sadd.s32 s19, s18  }
0x9c: {  	s6 =	simm.s32 $0x0;
	s20 =	sshll.u32 s4, $0x1;
	s4 =	sadd.s32 s21, s2  }
0x9d: {  	[timem:s6], [sflag:s22] =	dma.local [hbm:s4], s20  }
0x9e: {  	_ =	swait.ge [sflag:s22], s20  }
0x9f: {  	s3 =	ssub.s32 $0x0, s20;
	[sflag:s22] =	ssyncset.done $0x0  }
0xa0: {  	[sflag:s22] =	ssyncadd.s32 s3;
	_ =	sdelay $0x1  }
0xa1: {  	s23 =	simm.s32 $0x1B8B  }
0xa2: {  	_ =	swait.ge [sflag:s23], $0x1  }
0xa3: {  	[sflag:s23] =	ssyncset.done $0x0  }
0xa4: {  	s25 =	simm.s32 $0x1B8E;
	s24 =	sld [smem:$0x3FFE];
	[sflag:s23] =	ssyncadd.s32 $0xFFFFFFFF  }
0xa5: {  	s26 =	simm.s32 $execute0_lowered;
	[smem:$0x3FD2] =	sst s25  }
0xa6: {  	s4 =	sshll.u32 s26, $0x1;
	_ =	strace $0x80000046;
	[dreg:$0x1] =	wrdreg $0xFFFFFFFF  }
0xa7: {  	s28 =	simm.s32 $_size_execute0_lowered;
	s2 =	sadd.s32 s2, s4;
	[dreg:$0x0] =	wrdreg $0x0  }
0xa8: {  	s4 =	sshll.u32 s28, $0x1;
	[dreg:$0x2] =	wrdreg s2  }
0xa9: {  	[dreg:$0x3] =	wrdreg s4  }
0xaa: {  	[dreg:$0x4] =	wrdreg $0xC0  }
0xab: {  	_ =	task [dreg:s6], $0x5FFFF  }
0xac: {  	[dreg:$0x1] =	wrdreg $0xFFFFFFFF  }
0xad: {  	[dreg:$0x0] =	wrdreg $0x60  }
0xae: {  	[dreg:$0x2] =	wrdreg s24  }
0xaf: {  	[dreg:$0x3] =	wrdreg $0x9  }
0xb0: {  	_ =	task.clear_ibuf [dreg:s6], $0x4FFFF;
	_ =	strace $0x90000046  }
0xb1: {  	s29 =	simm.s32 $0x9;
	_ =	strace $0x80000048  }
0xb2: {  	_ =	swait.ge [sflag:s29], $0x1  }
0xb3: {  	[sflag:s29] =	ssyncadd.s32 $0xFFFFFFFF  }
0xb4: {  	_ =	strace $0x90000048  }
0xb5: {  	_ =	sfence  }
0xb6: {  	s30 =	sld [smem:$0x0];
	_ =	sdelay $0x2  }
0xb7: {  	s31 =	sshll.u32 s1, $0xD;
	s1 =	sshrl.u32 s1, $0x2  }
0xb8: {  	s3 =	sand.u32 $0x4000, s31;
	s1 =	sadd.s32 s1, s30  }
0xb9: {  	s0 =	sor.u32 s3, s0;
	s1 =	sshll.u32 s1, $0x11  }
0xba: {  	s0 =	sor.u32 s1, s0  }
0xbb: {  	s0 =	sadd.s32 $0x8F2B, s0  }
0xbc: {  	[sflag:s0] =	ssyncadd.remote.s32 $0x1  }
0xbd: {  	_ =	sfence.sel $0xFFFF  }
0xbe: {  	[dreg:$0x0] =	wrdreg $0xFFFFFFFF;
	(pc) =	sbr.abs _section_cstart, $3  }
0xbf: {  	[dreg:$0x1] =	wrdreg $0xFFFFFFFF  }
0xc0: {  	_ =	task.clear_ibuf [dreg:s6], $0x2FFFF;
	_ =	strace $0x9FFFFFFF  }
0xc1: {  	(tm) =	ssettm $0x7FFFFFFF  }
tec
execute0_lowered:
.L_overlay_start_1:
0x0: {  	(tag) =	ssettag $0x1  }
0x1: {  	v0 =	vlaneseq.u32  }
0x2: {  	s3 =	rddreg [dreg:$0x0];
	s2 =	simm.s32 $0x0;
	v51 =	vmul.u32 $0x20, v0  }
0x3: {  	[smem:$0x7FF] =	sst s2  }
0x4: {  	s0 =	rddreg [dreg:$0x1];
	_ =	strace $0x80000047;
	v53 =	vor.u32 $0x1, v51;
	[tilespmem:$0x1FE40] =	vst v51  }
0x5: {  	v54 =	vor.u32 $0x2, v51;
	[tilespmem:$0x1FE50] =	vst v53  }
0x6: {  	v55 =	vor.u32 $0x3, v51;
	[tilespmem:$0x1FE60] =	vst v54  }
0x7: {  	v56 =	vor.u32 $0x4, v51;
	[tilespmem:$0x1FE70] =	vst v55  }
0x8: {  	v57 =	vor.u32 $0x5, v51;
	[tilespmem:$0x1FE80] =	vst v56  }
0x9: {  	v1 =	vand.u32 $0x3, v0;
	v48 =	vor.u32 $0x1B, v51;
	[tilespmem:$0x1FE90] =	vst v57  }
0xa: {  	v34 =	vmul.u32 $0x20, v1;
	v1 =	vor.u32 $0x1C, v51;
	[tilespmem:$0x1FEA0] =	vst v48  }
0xb: {  	v47 =	vor.u32 $0x1D, v51;
	[tilespmem:$0x1FEB0] =	vst v1  }
0xc: {  	v49 =	vor.u32 $0x1E, v51;
	[tilespmem:$0x1FEC0] =	vst v47  }
0xd: {  	v45 =	vor.u32 $0x1F, v51;
	[tilespmem:$0x1FED0] =	vst v49  }
0xe: {  	v3 =	vor.u32 $0x14, v51;
	[tilespmem:$0x1FEE0] =	vst v45  }
0xf: {  	v4 =	vor.u32 $0x19, v51;
	[tilespmem:$0x1FEF0] =	vst v3  }
0x10: {  	v5 =	vor.u32 $0x8, v51;
	[tilespmem:$0x1FF00] =	vst v4  }
0x11: {  	v6 =	vor.u32 $0x9, v51;
	[tilespmem:$0x1FF10] =	vst v5  }
0x12: {  	v7 =	vor.u32 $0xA, v51;
	[tilespmem:$0x1FF20] =	vst v6  }
0x13: {  	v8 =	vor.u32 $0xB, v51;
	[tilespmem:$0x1FF30] =	vst v7  }
0x14: {  	v9 =	vor.u32 $0xC, v51;
	[tilespmem:$0x1FF40] =	vst v8  }
0x15: {  	v10 =	vor.u32 $0xD, v51;
	[tilespmem:$0x1FF50] =	vst v9  }
0x16: {  	v11 =	vor.u32 $0xE, v51;
	[tilespmem:$0x1FF60] =	vst v10  }
0x17: {  	v12 =	vor.u32 $0xF, v51;
	[tilespmem:$0x1FF70] =	vst v11  }
0x18: {  	s4 =	srdreg.scid;
	s1 =	stileid.u32;
	s10 =	simm.s32 $0x1;
	v13 =	vor.u32 $0x10, v51;
	[tilespmem:$0x1FF80] =	vst v12  }
0x19: {  	s11 =	simm.s32 $0x2;
	s4 =	sand.u32 $0x1, s4;
	s5 =	sshll.u32 s1, $0x1;
	v15 =	vor.u32 $0x11, v51;
	[tilespmem:$0x1FF90] =	vst v13  }
0x1a: {  	s12 =	simm.s32 $0x4000;
	s13 =	simm.s32 $0x3;
	s5 =	sor.u32 s4, s5;
	v16 =	vor.u32 $0x12, v51;
	[tilespmem:$0x1FFA0] =	vst v15  }
0x1b: {  	s14 =	simm.s32 $0x0;
	s4 =	ssub.s32 $0x2, s4;
	s6 =	sshll.u32 s5, $0xC;
	v17 =	vor.u32 $0x13, v51;
	[tilespmem:$0x1FFB0] =	vst v16  }
0x1c: {  	s5 =	sshll.u32 s5, $0x7;
	s7 =	sshrl.u32 s4, $0x1;
	v0 =	vor.u32 $0x1A, v51;
	s6 =	sadd.s32 s6, s3;
	[tilespmem:$0x1FFC0] =	vst v17  }
0x1d: {  	v2 =	vimm.s32 $0x0;
	v58 =	vor.u32 $0x6, v51;
	v62 =	vor.u32 $0x15, v51;
	s8 =	sadd.s32 s5, s3;
	s9 =	ssub.s32 s4, s7;
	[tilespmem:$0x1FFE0] =	vst v0;
	s3 =	sadd.s32 $0xA00, s6  }
0x1e: {  	v61 =	vor.u32 $0x7, v51;
	v63 =	vor.u32 $0x16, v51;
	v52 =	vor.u32 $0xFFFFFD80, v34;
	[tilespmem:$0x1FFF0] =	vst v58;
	s4 =	sadd.s32 $0xE00, s6;
	s5 =	sadd.s32 $0x1200, s6;
	s6 =	sadd.s32 $0x1600, s6  }
0x1f: {  	v59 =	vor.u32 $0x17, v51;
	v60 =	vor.u32 $0x18, v51;
	v50 =	vor.u32 $0xFFFFFF80, v34;
	s7 =	sadd.s32 $0x20A00, s8;
	s8 =	smax.u32 s9, $0x1;
	s9 =	simm.s32 $0x2000;
	[tilespmem:$0x1FFD0] =	vst v52;
	v34 =	vmovc v1  }
.LBB2_1:
0x20: {  	[tilespmem:s2], [sflag:$0x1] =	stream.linear.gather [hbm4b:s3+s2], $0x2000, $0x38;
	[tilespmem:$0x4400] =	vst v63  }
0x21: {  	s16 =	simm.s32 $0x0  }
0x22: {  	v36 =	vor.u32 s16, v53  }
0x23: {  	v37 =	vor.u32 s16, v54;
	[tilespmem:s9], [sflag:$0x2] =	stream.linear.gather [hbm4b:s4+s2], $0x2000, $0x38;
	[tilespmem:$0x4400] =	vst v63  }
0x24: {  	v35 =	vor.u32 s16, v51;
	v38 =	vor.u32 s16, v55;
	_ =	swait.ge [sflag:s10], $0x2000  }
0x25: {  	v35 =	vand.u32 v52, v35;
	[sflag:s10] =	ssyncset.done $0x0  }
0x26: {  	v39 =	vor.u32 s16, v56;
	v1 =	vld [tilespmem:$0x1FEE0];
	[sflag:s10] =	ssyncadd.s32 $0xFFFFE000  }
0x27: {  	v42 =	vor.u32 s16, v57;
	v40 =	vld.idx.msk [tilespmem:v36+s2+$0x0], $0xffff  }
0x28: {  	v44 =	vor.u32 s16, v58;
	v45 =	vld.idx.msk [tilespmem:v37+s2+$0x0], $0xffff  }
0x29: {  	s15 =	simm.s32 $0x200;
	v32 =	vor.u32 s16, v5;
	v38 =	vld.idx.msk [tilespmem:v38+s2+$0x0], $0xffff  }
0x2a: {  	v43 =	vor.u32 s15, v51;
	v46 =	vor.u32 s16, v61;
	v33 =	vor.u32 s16, v6;
	v41 =	vld.idx.msk [tilespmem:v35+s2+$0x0], $0xffff  }
0x2b: {  	v47 =	vor.u32 s16, v48;
	v20 =	vor.u32 s16, v7;
	v26 =	vor.u32 s16, v10;
	v39 =	vld.idx.msk [tilespmem:v39+s2+$0x0], $0xffff  }
0x2c: {  	v21 =	vor.u32 s16, v8;
	v24 =	vor.u32 s16, v9;
	v27 =	vor.u32 s16, v11;
	v18 =	vld.idx.msk [tilespmem:v42+s2+$0x0], $0xffff  }
0x2d: {  	v30 =	vor.u32 s16, v12;
	v36 =	vor.u32 s15, v53;
	v37 =	vand.u32 v50, v43;
	v44 =	vld.idx.msk [tilespmem:v44+s2+$0x0], $0xffff  }
0x2e: {  	v48 =	vld.idx.msk [tilespmem:v32+s2+$0x0], $0xffff;
	v32 =	vor.u32 s16, v13;
	v35 =	vor.u32 s15, v54;
	v43 =	vor.u32 s16, v1  }
0x2f: {  	vm1 =	vgt.f32 v40, $5.000000000e-01;
	v40 =	vld.idx.msk [tilespmem:v33+s2+$0x0], $0xffff;
	v33 =	vor.u32 s16, v15;
	vm0 =	vgt.f32 v41, $5.000000000e-01  }
0x30: {  	v49 =	vsel vm1, $0x2, v2;
	vm1 =	vgt.f32 v38, $5.000000000e-01;
	v41 =	vld.idx.msk [tilespmem:v26+s2+$0x0], $0xffff;
	v26 =	vor.u32 s16, v62  }
0x31: {  	v46 =	vld.idx.msk [tilespmem:v46+s2+$0x0], $0xffff;
	v19 =	vsel vm0, $0x1, v2;
	vm0 =	vgt.f32 v45, $5.000000000e-01;
	v23 =	vsel vm1, $0x8, v2  }
0x32: {  	v45 =	vld.idx.msk [tilespmem:v20+s2+$0x0], $0xffff;
	vm1 =	vgt.f32 v44, $5.000000000e-01;
	v20 =	vor.u32 s16, v16;
	v42 =	vor.u32 v19, v49  }
0x33: {  	v22 =	vsel vm0, $0x4, v2;
	vm0 =	vgt.f32 v39, $5.000000000e-01;
	v29 =	vsel vm1, $0x40, v2  }
0x34: {  	v38 =	vor.u32 v22, v42;
	v25 =	vsel vm0, $0x10, v2;
	vm0 =	vgt.f32 v18, $5.000000000e-01  }
0x35: {  	v49 =	vld.idx.msk [tilespmem:v21+s2+$0x0], $0xffff;
	v22 =	vor.u32 s16, v17;
	v38 =	vor.u32 v23, v38;
	v28 =	vsel vm0, $0x20, v2  }
0x36: {  	v39 =	vld.idx.msk [tilespmem:v24+s2+$0x0], $0xffff;
	vm0 =	vgt.f32 v46, $5.000000000e-01;
	vm1 =	vgt.f32 v40, $5.000000000e-01;
	v23 =	vor.u32 s16, v3  }
0x37: {  	v42 =	vld.idx.msk [tilespmem:v27+s2+$0x0], $0xffff;
	v38 =	vor.u32 v25, v38;
	v31 =	vsel vm0, $0x80, v2;
	vm0 =	vgt.f32 v48, $5.000000000e-01  }
0x38: {  	v19 =	vsel vm1, $0x200, v2;
	v48 =	vld.idx.msk [tilespmem:v32+s2+$0x0], $0xffff;
	v32 =	vor.u32 s16, v60;
	v38 =	vor.u32 v28, v38  }
0x39: {  	v46 =	vld.idx.msk [tilespmem:v30+s2+$0x0], $0xffff;
	v18 =	vsel vm0, $0x100, v2;
	vm0 =	vgt.f32 v45, $5.000000000e-01;
	v28 =	vor.u32 s16, v63  }
0x3a: {  	v38 =	vor.u32 v29, v38;
	v21 =	vsel vm0, $0x400, v2;
	vm0 =	vgt.f32 v49, $5.000000000e-01  }
0x3b: {  	v44 =	vld.idx.msk [tilespmem:v33+s2+$0x0], $0xffff;
	vm1 =	vgt.f32 v39, $5.000000000e-01;
	v29 =	vor.u32 s16, v59;
	v38 =	vor.u32 v31, v38  }
0x3c: {  	v45 =	vld.idx.msk [tilespmem:v20+s2+$0x0], $0xffff;
	v24 =	vsel vm0, $0x800, v2;
	v25 =	vsel vm1, $0x1000, v2;
	vm0 =	vgt.f32 v41, $5.000000000e-01  }
0x3d: {  	v49 =	vld.idx.msk [tilespmem:v22+s2+$0x0], $0xffff;
	v22 =	vor.u32 s16, v34;
	v38 =	vor.u32 v18, v38;
	v27 =	vsel vm0, $0x2000, v2  }
0x3e: {  	v1 =	vld [tilespmem:$0x1FEC0];
	vm0 =	vgt.f32 v42, $5.000000000e-01;
	vm1 =	vgt.f32 v46, $5.000000000e-01;
	v18 =	vor.u32 s16, v4  }
0x3f: {  	v41 =	vld.idx.msk [tilespmem:v26+s2+$0x0], $0xffff;
	v38 =	vor.u32 v19, v38;
	v30 =	vsel vm0, $0x4000, v2;
	v31 =	vsel vm1, $0x8000, v2  }
0x40: {  	v40 =	vld.idx.msk [tilespmem:v23+s2+$0x0], $0xffff;
	vm0 =	vgt.f32 v48, $5.000000000e-01;
	v19 =	vor.u32 s16, v0;
	v38 =	vor.u32 v21, v38  }
0x41: {  	v48 =	vld.idx.msk [tilespmem:v32+s2+$0x0], $0xffff;
	v33 =	vsel vm0, $0x10000, v2;
	vm0 =	vgt.f32 v44, $5.000000000e-01;
	vm1 =	vgt.f32 v45, $5.000000000e-01  }
0x42: {  	v42 =	vld.idx.msk [tilespmem:v28+s2+$0x0], $0xffff;
	v28 =	vor.u32 s15, v55;
	v38 =	vor.u32 v24, v38;
	v20 =	vsel vm0, $0x20000, v2  }
0x43: {  	v36 =	vld.idx.msk [tilespmem:v36+s2+$0x0], $0xffff;
	v21 =	vsel vm1, $0x40000, v2;
	v24 =	vor.u32 s16, v1;
	v38 =	vor.u32 v25, v38  }
0x44: {  	v1 =	vld [tilespmem:$0x1FED0];
	vm0 =	vgt.f32 v49, $5.000000000e-01;
	vm1 =	vgt.f32 v41, $5.000000000e-01;
	v38 =	vor.u32 v27, v38  }
0x45: {  	v39 =	vld.idx.msk [tilespmem:v29+s2+$0x0], $0xffff;
	v23 =	vsel vm0, $0x80000, v2;
	vm0 =	vgt.f32 v40, $5.000000000e-01;
	v27 =	vsel vm1, $0x200000, v2  }
0x46: {  	v44 =	vld.idx.msk [tilespmem:v18+s2+$0x0], $0xffff;
	v38 =	vor.u32 v30, v38;
	v26 =	vsel vm0, $0x100000, v2;
	v30 =	vor.u32 s15, v56  }
0x47: {  	v46 =	vld.idx.msk [tilespmem:v19+s2+$0x0], $0xffff;
	vm1 =	vgt.f32 v48, $5.000000000e-01;
	v38 =	vor.u32 v31, v38;
	vm0 =	vgt.f32 v42, $5.000000000e-01  }
0x48: {  	v31 =	vor.u32 s15, v57;
	v19 =	vsel vm1, $0x1000000, v2;
	vm1 =	vgt.f32 v36, $5.000000000e-01  }
0x49: {  	v47 =	vld.idx.msk [tilespmem:v47+s2+$0x0], $0xffff;
	v38 =	vor.u32 v33, v38;
	v25 =	vor.u32 s16, v1;
	v29 =	vsel vm0, $0x400000, v2  }
0x4a: {  	v37 =	vld.idx.msk [tilespmem:v37+s2+$0x0], $0xffff;
	vm0 =	vgt.f32 v39, $5.000000000e-01;
	v33 =	vor.u32 s15, v16;
	v38 =	vor.u32 v20, v38  }
0x4b: {  	v49 =	vld.idx.msk [tilespmem:v22+s2+$0x0], $0xffff;
	v18 =	vsel vm0, $0x800000, v2;
	v38 =	vor.u32 v21, v38;
	vm0 =	vgt.f32 v44, $5.000000000e-01  }
0x4c: {  	v40 =	vld.idx.msk [tilespmem:v24+s2+$0x0], $0xffff;
	v38 =	vor.u32 v23, v38;
	v44 =	vsel vm0, $0x2000000, v2;
	vm0 =	vgt.f32 v46, $5.000000000e-01  }
0x4d: {  	v35 =	vld.idx.msk [tilespmem:v35+s2+$0x0], $0xffff;
	v38 =	vor.u32 v26, v38;
	v20 =	vsel vm0, $0x4000000, v2;
	v26 =	vor.u32 s15, v61  }
0x4e: {  	vm0 =	vgt.f32 v47, $5.000000000e-01;
	v38 =	vor.u32 v27, v38;
	v45 =	vld.idx.msk [tilespmem:v25+s2+$0x0], $0xffff;
	v25 =	vor.u32 s15, v58  }
0x4f: {  	v21 =	vsel vm0, $0x8000000, v2;
	v27 =	vld.idx.msk [tilespmem:v31+s2+$0x0], $0xffff;
	v31 =	vor.u32 s15, v5;
	v38 =	vor.u32 v29, v38  }
0x50: {  	v43 =	vld.idx.msk [tilespmem:v43+s2+$0x0], $0xffff;
	vm0 =	vgt.f32 v49, $5.000000000e-01;
	v49 =	vor.u32 s15, v6;
	v38 =	vor.u32 v18, v38  }
0x51: {  	v42 =	vld.idx.msk [tilespmem:v28+s2+$0x0], $0xffff;
	v22 =	vsel vm0, $0x10000000, v2;
	vm0 =	vgt.f32 v40, $5.000000000e-01;
	v38 =	vor.u32 v19, v38  }
0x52: {  	v29 =	vsel vm1, $0x2, v2;
	v40 =	vsel vm0, $0x20000000, v2;
	v38 =	vor.u32 v44, v38;
	v36 =	vld.idx.msk [tilespmem:v26+s2+$0x0], $0xffff  }
0x53: {  	v26 =	vor.u32 s15, v10;
	v38 =	vor.u32 v20, v38;
	vm0 =	vgt.f32 v45, $5.000000000e-01;
	v19 =	vld.idx.msk [tilespmem:v25+s2+$0x0], $0xffff  }
0x54: {  	v20 =	vor.u32 s15, v7;
	v41 =	vld.idx.msk [tilespmem:v31+s2+$0x0], $0xffff;
	v25 =	vor.u32 s15, v9;
	v31 =	vor.u32 s15, v15  }
0x55: {  	v38 =	vor.u32 v21, v38;
	v23 =	vsel vm0, $0x40000000, v2;
	vm0 =	vgt.f32 v43, $5.000000000e-01  }
0x56: {  	v39 =	vld.idx.msk [tilespmem:v30+s2+$0x0], $0xffff;
	v38 =	vor.u32 v22, v38;
	v24 =	vsel vm0, $0x80000000, v2;
	vm0 =	vgt.f32 v37, $5.000000000e-01  }
0x57: {  	v43 =	vld.idx.msk [tilespmem:v33+s2+$0x0], $0xffff;
	v33 =	vor.u32 s15, v0;
	v38 =	vor.u32 v40, v38;
	v28 =	vsel vm0, $0x1, v2  }
0x58: {  	vm0 =	vgt.f32 v35, $5.000000000e-01;
	v38 =	vor.u32 v23, v38;
	v30 =	vor.u32 v28, v29  }
0x59: {  	v48 =	vsel vm0, $0x4, v2;
	vm0 =	vgt.f32 v42, $5.000000000e-01;
	v23 =	vor.u32 s15, v8  }
0x5a: {  	v1 =	vld [tilespmem:$0x1FEA0];
	v28 =	vor.u32 s15, v11;
	v29 =	vor.u32 s15, v12;
	v44 =	vor.u32 v48, v30  }
0x5b: {  	v18 =	vsel vm0, $0x8, v2;
	vm0 =	vgt.f32 v39, $5.000000000e-01;
	v35 =	vor.u32 v24, v38;
	v32 =	vld.idx.msk [tilespmem:v20+s2+$0x0], $0xffff  }
0x5c: {  	v30 =	vor.u32 s15, v13;
	v48 =	vld.idx.msk [tilespmem:v31+s2+$0x0], $0xffff;
	v31 =	vor.u32 s15, v4;
	v21 =	vor.u32 v18, v44  }
0x5d: {  	v22 =	vsel vm0, $0x10, v2;
	vm0 =	vgt.f32 v27, $5.000000000e-01;
	v44 =	vld.idx.msk [tilespmem:v25+s2+$0x0], $0xffff;
	v25 =	vor.u32 s15, v63  }
0x5e: {  	v27 =	vld.idx.msk [tilespmem:v49+s2+$0x0], $0xffff;
	v38 =	vor.u32 v22, v21;
	v24 =	vsel vm0, $0x20, v2;
	vm0 =	vgt.f32 v19, $5.000000000e-01  }
0x5f: {  	v19 =	vor.u32 s15, v17;
	v21 =	vor.u32 s15, v3;
	v22 =	vor.u32 s15, v62  }
0x60: {  	v38 =	vor.u32 v24, v38;
	v18 =	vsel vm0, $0x40, v2;
	vm0 =	vgt.f32 v36, $5.000000000e-01;
	v37 =	vld.idx.msk [tilespmem:v23+s2+$0x0], $0xffff  }
0x61: {  	v38 =	vor.u32 v18, v38;
	v20 =	vsel vm0, $0x80, v2;
	vm0 =	vgt.f32 v41, $5.000000000e-01;
	v42 =	vld.idx.msk [tilespmem:v28+s2+$0x0], $0xffff  }
0x62: {  	v46 =	vld.idx.msk [tilespmem:v29+s2+$0x0], $0xffff;
	v28 =	vor.u32 s15, v60;
	v18 =	vor.u32 s15, v1;
	v38 =	vor.u32 v20, v38  }
0x63: {  	v45 =	vld.idx.msk [tilespmem:v26+s2+$0x0], $0xffff;
	v23 =	vsel vm0, $0x100, v2;
	vm0 =	vgt.f32 v32, $5.000000000e-01;
	vm1 =	vgt.f32 v27, $5.000000000e-01  }
0x64: {  	v38 =	vor.u32 v23, v38;
	v27 =	vor.u32 s15, v59;
	v24 =	vsel vm1, $0x200, v2  }
0x65: {  	v47 =	vld.idx.msk [tilespmem:v30+s2+$0x0], $0xffff;
	v26 =	vsel vm0, $0x400, v2;
	vm1 =	vgt.f32 v44, $5.000000000e-01;
	v38 =	vor.u32 v24, v38  }
0x66: {  	s17 =	simm.s32 $0x400;
	v30 =	vsel vm1, $0x1000, v2;
	vm0 =	vgt.f32 v37, $5.000000000e-01;
	v38 =	vor.u32 v26, v38  }
0x67: {  	vm1 =	vgt.f32 v46, $5.000000000e-01;
	v40 =	vld.idx.msk [tilespmem:v28+s2+$0x0], $0xffff;
	v28 =	vor.u32 s17, v53;
	v29 =	vsel vm0, $0x800, v2  }
0x68: {  	v36 =	vld.idx.msk [tilespmem:v19+s2+$0x0], $0xffff;
	vm0 =	vgt.f32 v45, $5.000000000e-01;
	v20 =	vsel vm1, $0x8000, v2;
	v38 =	vor.u32 v29, v38  }
0x69: {  	v32 =	vsel vm0, $0x2000, v2;
	vm0 =	vgt.f32 v42, $5.000000000e-01;
	v23 =	vld.idx.msk [tilespmem:v27+s2+$0x0], $0xffff;
	v27 =	vor.u32 s17, v51  }
0x6a: {  	v41 =	vld.idx.msk [tilespmem:v21+s2+$0x0], $0xffff;
	v38 =	vor.u32 v30, v38;
	v19 =	vsel vm0, $0x4000, v2;
	vm0 =	vgt.f32 v47, $5.000000000e-01  }
0x6b: {  	v38 =	vor.u32 v32, v38;
	v21 =	vsel vm0, $0x10000, v2;
	vm0 =	vgt.f32 v48, $5.000000000e-01  }
0x6c: {  	v49 =	vld.idx.msk [tilespmem:v22+s2+$0x0], $0xffff;
	v48 =	vor.u32 s17, v54;
	v38 =	vor.u32 v19, v38;
	v22 =	vsel vm0, $0x20000, v2  }
0x6d: {  	v39 =	vld.idx.msk [tilespmem:v25+s2+$0x0], $0xffff;
	vm0 =	vgt.f32 v43, $5.000000000e-01;
	v19 =	vor.u32 s17, v56;
	v38 =	vor.u32 v20, v38  }
0x6e: {  	v43 =	vsel vm0, $0x40000, v2;
	vm0 =	vgt.f32 v36, $5.000000000e-01;
	v20 =	vor.u32 s17, v57  }
0x6f: {  	v38 =	vor.u32 v21, v38;
	v25 =	vsel vm0, $0x80000, v2;
	vm0 =	vgt.f32 v41, $5.000000000e-01  }
0x70: {  	v41 =	vld.idx.msk [tilespmem:v28+s2+$0x0], $0xffff;
	v28 =	vor.u32 s17, v7;
	v38 =	vor.u32 v22, v38;
	v26 =	vsel vm0, $0x100000, v2  }
0x71: {  	vm0 =	vgt.f32 v49, $5.000000000e-01;
	v49 =	vor.u32 s17, v55;
	v24 =	vor.u32 v43, v38  }
0x72: {  	v29 =	vld.idx.msk [tilespmem:v31+s2+$0x0], $0xffff;
	v30 =	vsel vm0, $0x200000, v2;
	vm0 =	vgt.f32 v39, $5.000000000e-01;
	v38 =	vand.u32 v52, v27  }
0x73: {  	v31 =	vld.idx.msk [tilespmem:v33+s2+$0x0], $0xffff;
	v27 =	vor.u32 s17, v6;
	v37 =	vor.u32 v25, v24;
	v33 =	vsel vm0, $0x400000, v2  }
0x74: {  	v1 =	vld [tilespmem:$0x1FEC0];
	vm0 =	vgt.f32 v23, $5.000000000e-01;
	v23 =	vor.u32 s17, v58;
	v25 =	vor.u32 s17, v61  }
0x75: {  	v44 =	vld.idx.msk [tilespmem:v18+s2+$0x0], $0xffff;
	v37 =	vor.u32 v26, v37;
	v18 =	vsel vm0, $0x800000, v2;
	vm0 =	vgt.f32 v40, $5.000000000e-01  }
0x76: {  	v46 =	vld.idx.msk [tilespmem:v48+s2+$0x0], $0xffff;
	v26 =	vor.u32 s17, v5;
	v32 =	vor.u32 v30, v37;
	v37 =	vor.u32 s15, v34  }
0x77: {  	v43 =	vld.idx.msk [tilespmem:v20+s2+$0x0], $0xffff;
	v40 =	vsel vm0, $0x1000000, v2;
	vm0 =	vgt.f32 v29, $5.000000000e-01;
	vm2 =	vgt.f32 v41, $5.000000000e-01  }
0x78: {  	v52 =	vor.u32 v33, v32;
	v22 =	vsel vm0, $0x2000000, v2;
	vm0 =	vgt.f32 v31, $5.000000000e-01;
	v47 =	vld.idx.msk [tilespmem:v49+s2+$0x0], $0xffff  }
0x79: {  	s31 =	simm.s32 $0x600;
	v30 =	vsel vm2, $0x2, v2;
	v32 =	vor.u32 s17, v8;
	v36 =	vor.u32 v18, v52;
	v21 =	vld.idx.msk [tilespmem:v38+s2+$0x0], $0xffff  }
0x7a: {  	v24 =	vsel vm0, $0x4000000, v2;
	vm0 =	vgt.f32 v44, $5.000000000e-01;
	v44 =	vor.u32 s31, v51;
	v49 =	vld.idx.msk [tilespmem:v27+s2+$0x0], $0xffff  }
0x7b: {  	v52 =	vor.u32 s17, v9;
	v18 =	vor.u32 s17, v10;
	v27 =	vor.u32 s17, v15;
	v39 =	vld.idx.msk [tilespmem:v23+s2+$0x0], $0xffff  }
0x7c: {  	v40 =	vor.u32 v40, v36;
	v36 =	vor.u32 s15, v1;
	v23 =	vor.u32 s17, v12;
	v48 =	vld.idx.msk [tilespmem:v26+s2+$0x0], $0xffff  }
0x7d: {  	v44 =	vand.u32 v50, v44;
	v38 =	vor.u32 v22, v40;
	vm2 =	vgt.f32 v43, $5.000000000e-01  }
0x7e: {  	v42 =	vld.idx.msk [tilespmem:v19+s2+$0x0], $0xffff;
	v38 =	vor.u32 v24, v38;
	v20 =	vsel vm2, $0x20, v2;
	vm1 =	vgt.f32 v21, $5.000000000e-01  }
0x7f: {  	v45 =	vld.idx.msk [tilespmem:v28+s2+$0x0], $0xffff;
	v24 =	vor.u32 s17, v13;
	v21 =	vor.u32 s17, v11;
	v29 =	vsel vm1, $0x1, v2  }
0x80: {  	vm1 =	vgt.f32 v46, $5.000000000e-01;
	v46 =	vld.idx.msk [tilespmem:v18+s2+$0x0], $0xffff;
	v18 =	vor.u32 s17, v62;
	v41 =	vor.u32 v29, v30  }
0x81: {  	v40 =	vld.idx.msk [tilespmem:v25+s2+$0x0], $0xffff;
	v31 =	vsel vm1, $0x4, v2;
	vm1 =	vgt.f32 v47, $5.000000000e-01;
	vm2 =	vgt.f32 v48, $5.000000000e-01  }
0x82: {  	v1 =	vld [tilespmem:$0x1FEA0];
	v29 =	vor.u32 s17, v16;
	v30 =	vor.u32 s17, v17;
	v41 =	vor.u32 v31, v41  }
0x83: {  	v47 =	vld.idx.msk [tilespmem:v32+s2+$0x0], $0xffff;
	v33 =	vsel vm1, $0x8, v2;
	vm1 =	vgt.f32 v42, $5.000000000e-01;
	v26 =	vsel vm2, $0x100, v2  }
0x84: {  	v43 =	vld.idx.msk [tilespmem:v24+s2+$0x0], $0xffff;
	v24 =	vor.u32 s17, v60;
	v41 =	vor.u32 v33, v41;
	v19 =	vsel vm1, $0x10, v2  }
0x85: {  	vm1 =	vgt.f32 v39, $5.000000000e-01;
	v33 =	vor.u32 s17, v3;
	v41 =	vor.u32 v19, v41  }
0x86: {  	v42 =	vld.idx.msk [tilespmem:v52+s2+$0x0], $0xffff;
	v22 =	vsel vm1, $0x40, v2;
	vm1 =	vgt.f32 v40, $5.000000000e-01;
	v19 =	vor.u32 s17, v63  }
0x87: {  	v39 =	vld.idx.msk [tilespmem:v21+s2+$0x0], $0xffff;
	v41 =	vor.u32 v20, v41;
	v25 =	vsel vm1, $0x80, v2;
	vm1 =	vgt.f32 v49, $5.000000000e-01  }
0x88: {  	v40 =	vld.idx.msk [tilespmem:v23+s2+$0x0], $0xffff;
	v41 =	vor.u32 v22, v41;
	v28 =	vsel vm1, $0x200, v2;
	vm1 =	vgt.f32 v45, $5.000000000e-01  }
0x89: {  	vm2 =	vgt.f32 v47, $5.000000000e-01;
	v22 =	vor.u32 s17, v59;
	v48 =	vld.idx.msk [tilespmem:v30+s2+$0x0], $0xffff;
	v30 =	vor.u32 s17, v1  }
0x8a: {  	v49 =	vld.idx.msk [tilespmem:v27+s2+$0x0], $0xffff;
	v41 =	vor.u32 v25, v41;
	v31 =	vsel vm1, $0x400, v2;
	v32 =	vsel vm2, $0x800, v2  }
0x8b: {  	v45 =	vld.idx.msk [tilespmem:v29+s2+$0x0], $0xffff;
	vm1 =	vgt.f32 v42, $5.000000000e-01;
	v25 =	vor.u32 s17, v4;
	v41 =	vor.u32 v26, v41  }
0x8c: {  	v1 =	vld [tilespmem:$0x1FEE0];
	v52 =	vsel vm1, $0x1000, v2;
	vm1 =	vgt.f32 v46, $5.000000000e-01;
	v41 =	vor.u32 v28, v41  }
0x8d: {  	vm2 =	vgt.f32 v39, $5.000000000e-01;
	v20 =	vsel vm1, $0x2000, v2;
	vm1 =	vgt.f32 v40, $5.000000000e-01  }
0x8e: {  	v42 =	vld.idx.msk [tilespmem:v33+s2+$0x0], $0xffff;
	v28 =	vor.u32 s17, v0;
	v41 =	vor.u32 v31, v41;
	v21 =	vsel vm2, $0x4000, v2  }
0x8f: {  	v46 =	vld.idx.msk [tilespmem:v18+s2+$0x0], $0xffff;
	v23 =	vsel vm1, $0x8000, v2;
	vm1 =	vgt.f32 v43, $5.000000000e-01;
	vm2 =	vgt.f32 v49, $5.000000000e-01  }
0x90: {  	v47 =	vld.idx.msk [tilespmem:v19+s2+$0x0], $0xffff;
	v31 =	vor.u32 s17, v34;
	v41 =	vor.u32 v32, v41;
	v26 =	vsel vm1, $0x10000, v2  }
0x91: {  	vm1 =	vgt.f32 v45, $5.000000000e-01;
	v41 =	vor.u32 v52, v41;
	v52 =	vor.u32 s17, v1;
	v1 =	vld [tilespmem:$0x1FEC0]  }
0x92: {  	v43 =	vld.idx.msk [tilespmem:v24+s2+$0x0], $0xffff;
	v27 =	vsel vm2, $0x20000, v2;
	v29 =	vsel vm1, $0x40000, v2;
	vm1 =	vgt.f32 v48, $5.000000000e-01  }
0x93: {  	v40 =	vld.idx.msk [tilespmem:v22+s2+$0x0], $0xffff;
	v39 =	vor.u32 v20, v41;
	vm2 =	vgt.f32 v42, $5.000000000e-01;
	v32 =	vsel vm1, $0x80000, v2  }
0x94: {  	vm1 =	vgt.f32 v46, $5.000000000e-01;
	v41 =	vld.idx.msk [tilespmem:v25+s2+$0x0], $0xffff;
	v25 =	vor.u32 s31, v54;
	v39 =	vor.u32 v21, v39  }
0x95: {  	v48 =	vld.idx.msk [tilespmem:v30+s2+$0x0], $0xffff;
	v33 =	vsel vm2, $0x100000, v2;
	v18 =	vsel vm1, $0x200000, v2;
	v39 =	vor.u32 v23, v39  }
0x96: {  	vm1 =	vgt.f32 v47, $5.000000000e-01;
	v39 =	vor.u32 v26, v39;
	v19 =	vor.u32 s17, v1;
	v1 =	vld [tilespmem:$0x1FED0]  }
0x97: {  	v45 =	vld.idx.msk [tilespmem:v28+s2+$0x0], $0xffff;
	v21 =	vsel vm1, $0x400000, v2;
	v23 =	vor.u32 s31, v53;
	v39 =	vor.u32 v27, v39  }
0x98: {  	vm1 =	vgt.f32 v43, $5.000000000e-01;
	v49 =	vld.idx.msk [tilespmem:v31+s2+$0x0], $0xffff;
	v31 =	vor.u32 s31, v55;
	v39 =	vor.u32 v29, v39  }
0x99: {  	v44 =	vld.idx.msk [tilespmem:v44+s2+$0x0], $0xffff;
	vm2 =	vgt.f32 v40, $5.000000000e-01;
	v26 =	vsel vm1, $0x1000000, v2;
	v39 =	vor.u32 v32, v39  }
0x9a: {  	v24 =	vld.idx.msk [tilespmem:v37+s2+$0x0], $0xffff;
	v22 =	vsel vm2, $0x800000, v2;
	vm2 =	vgt.f32 v41, $5.000000000e-01;
	v39 =	vor.u32 v33, v39  }
0x9b: {  	v46 =	vld.idx.msk [tilespmem:v52+s2+$0x0], $0xffff;
	v29 =	vsel vm0, $0x8000000, v2;
	v39 =	vor.u32 v18, v39;
	v20 =	vor.u32 s17, v1  }
0x9c: {  	vm0 =	vgt.f32 v48, $5.000000000e-01;
	v28 =	vsel vm2, $0x2000000, v2;
	v52 =	vld.idx.msk [tilespmem:v23+s2+$0x0], $0xffff;
	v39 =	vor.u32 v21, v39  }
0x9d: {  	vm1 =	vgt.f32 v45, $5.000000000e-01;
	v27 =	vld.idx.msk [tilespmem:v19+s2+$0x0], $0xffff;
	v19 =	vor.u32 s31, v57;
	v39 =	vor.u32 v22, v39  }
0x9e: {  	v32 =	vor.u32 s31, v56;
	vm2 =	vgt.f32 v44, $5.000000000e-01;
	v1 =	vld [tilespmem:$0x1FED0];
	v37 =	vor.u32 v26, v39  }
0x9f: {  	v30 =	vsel vm1, $0x4000000, v2;
	vm1 =	vgt.f32 v49, $5.000000000e-01;
	v22 =	vld.idx.msk [tilespmem:v31+s2+$0x0], $0xffff;
	v37 =	vor.u32 v28, v37  }
0xa0: {  	v39 =	vor.u32 v30, v37;
	v37 =	vor.u32 v29, v38;
	v29 =	vor.u32 s31, v6;
	v42 =	vld.idx.msk [tilespmem:v20+s2+$0x0], $0xffff  }
0xa1: {  	v33 =	vsel vm0, $0x8000000, v2;
	v21 =	vor.u32 s31, v58;
	v26 =	vsel vm2, $0x1, v2;
	v20 =	vld.idx.msk [tilespmem:v25+s2+$0x0], $0xffff  }
0xa2: {  	vm2 =	vgt.f32 v52, $5.000000000e-01;
	vm0 =	vgt.f32 v27, $5.000000000e-01;
	v27 =	vor.u32 s31, v5;
	v45 =	vld.idx.msk [tilespmem:v19+s2+$0x0], $0xffff  }
0xa3: {  	v39 =	vor.u32 v33, v39;
	v33 =	vor.u32 s31, v7;
	v49 =	vor.u32 s15, v1;
	v1 =	vld [tilespmem:$0x1FEA0]  }
0xa4: {  	v5 =	vor.u32 s31, v8;
	v41 =	vsel vm0, $0x20000000, v2;
	vm0 =	vgt.f32 v24, $5.000000000e-01;
	v24 =	vld.idx.msk [tilespmem:v32+s2+$0x0], $0xffff  }
0xa5: {  	v18 =	vsel vm1, $0x10000000, v2;
	v28 =	vsel vm2, $0x2, v2;
	v7 =	vor.u32 s31, v9;
	v8 =	vld.idx.msk [tilespmem:v29+s2+$0x0], $0xffff  }
0xa6: {  	v25 =	vor.u32 s31, v61;
	v30 =	vor.u32 v26, v28;
	vm1 =	vgt.f32 v42, $5.000000000e-01;
	v42 =	vld.idx.msk [tilespmem:v21+s2+$0x0], $0xffff  }
0xa7: {  	v19 =	vor.u32 s31, v11;
	v26 =	vor.u32 s31, v16;
	v39 =	vor.u32 v18, v39;
	v38 =	vld.idx.msk [tilespmem:v27+s2+$0x0], $0xffff  }
0xa8: {  	v18 =	vor.u32 s31, v10;
	v39 =	vor.u32 v41, v39;
	v29 =	vor.u32 s31, v3;
	v41 =	vld.idx.msk [tilespmem:v33+s2+$0x0], $0xffff  }
0xa9: {  	vm2 =	vgt.f32 v20, $5.000000000e-01;
	v21 =	vor.u32 s31, v12;
	v44 =	vld.idx.msk [tilespmem:v5+s2+$0x0], $0xffff;
	v27 =	vor.u32 s31, v17  }
0xaa: {  	v47 =	vld.idx.msk [tilespmem:v7+s2+$0x0], $0xffff;
	v33 =	vor.u32 s31, v63;
	v5 =	vor.u32 s31, v60;
	v7 =	vor.u32 s31, v4  }
0xab: {  	v11 =	vor.u32 s31, v1;
	v23 =	vsel vm1, $0x40000000, v2;
	vm1 =	vgt.f32 v46, $5.000000000e-01  }
0xac: {  	v58 =	vld.idx.msk [tilespmem:v25+s2+$0x0], $0xffff;
	v31 =	vsel vm2, $0x4, v2;
	vm2 =	vgt.f32 v22, $5.000000000e-01;
	v22 =	vor.u32 s31, v13  }
0xad: {  	v1 =	vld [tilespmem:$0x1FEE0];
	v39 =	vor.u32 v23, v39;
	v32 =	vor.u32 v31, v30;
	v52 =	vsel vm2, $0x8, v2  }
0xae: {  	vm2 =	vgt.f32 v24, $5.000000000e-01;
	v24 =	vor.u32 s31, v15;
	v31 =	vor.u32 s31, v62  }
0xaf: {  	v40 =	vor.u32 v52, v32;
	v6 =	vsel vm2, $0x10, v2;
	vm2 =	vgt.f32 v45, $5.000000000e-01  }
0xb0: {  	v52 =	vor.u32 s31, v59;
	v40 =	vor.u32 v6, v40;
	v9 =	vsel vm2, $0x20, v2  }
0xb1: {  	v48 =	vld.idx.msk [tilespmem:v18+s2+$0x0], $0xffff;
	vm2 =	vgt.f32 v42, $5.000000000e-01;
	v40 =	vor.u32 v9, v40;
	v9 =	vor.u32 s31, v0  }
0xb2: {  	v42 =	vld.idx.msk [tilespmem:v19+s2+$0x0], $0xffff;
	v17 =	vor.u32 s15, v1;
	v20 =	vsel vm2, $0x40, v2;
	vm2 =	vgt.f32 v58, $5.000000000e-01  }
0xb3: {  	v46 =	vld.idx.msk [tilespmem:v21+s2+$0x0], $0xffff;
	v40 =	vor.u32 v20, v40;
	v43 =	vsel vm2, $0x80, v2;
	vm2 =	vgt.f32 v38, $5.000000000e-01  }
0xb4: {  	v1 =	vld [tilespmem:$0x1FEC0];
	v40 =	vor.u32 v43, v40;
	v23 =	vsel vm2, $0x100, v2;
	vm2 =	vgt.f32 v8, $5.000000000e-01  }
0xb5: {  	v38 =	vld.idx.msk [tilespmem:v22+s2+$0x0], $0xffff;
	v40 =	vor.u32 v23, v40;
	v25 =	vsel vm2, $0x200, v2;
	vm2 =	vgt.f32 v41, $5.000000000e-01  }
0xb6: {  	v45 =	vld.idx.msk [tilespmem:v24+s2+$0x0], $0xffff;
	v40 =	vor.u32 v25, v40;
	v41 =	vsel vm2, $0x400, v2;
	vm2 =	vgt.f32 v44, $5.000000000e-01  }
0xb7: {  	v19 =	vsel vm1, $0x80000000, v2;
	v25 =	vld.idx.msk [tilespmem:v49+s2+$0x0], $0xffff;
	v40 =	vor.u32 v41, v40;
	v28 =	vsel vm2, $0x800, v2  }
0xb8: {  	v23 =	vor.u32 s31, v34;
	v49 =	vld [tilespmem:$0x1FED0];
	vm2 =	vgt.f32 v47, $5.000000000e-01;
	v40 =	vor.u32 v28, v40  }
0xb9: {  	v43 =	vld.idx.msk [tilespmem:v26+s2+$0x0], $0xffff;
	v30 =	vsel vm2, $0x1000, v2;
	vm2 =	vgt.f32 v48, $5.000000000e-01;
	v28 =	vor.u32 s31, v1  }
0xba: {  	v44 =	vld.idx.msk [tilespmem:v27+s2+$0x0], $0xffff;
	v40 =	vor.u32 v30, v40;
	v32 =	vsel vm2, $0x2000, v2;
	vm2 =	vgt.f32 v42, $5.000000000e-01  }
0xbb: {  	v14 =	vmovc v50;
	v1 =	vld [tilespmem:$0x1FEE0];
	v40 =	vor.u32 v32, v40;
	v50 =	vsel vm2, $0x4000, v2;
	vm2 =	vgt.f32 v46, $5.000000000e-01  }
0xbc: {  	v41 =	vsel vm0, $0x10000000, v2;
	v42 =	vld.idx.msk [tilespmem:v33+s2+$0x0], $0xffff;
	v40 =	vor.u32 v50, v40;
	v58 =	vsel vm2, $0x8000, v2  }
0xbd: {  	v47 =	vld.idx.msk [tilespmem:v29+s2+$0x0], $0xffff;
	vm2 =	vgt.f32 v38, $5.000000000e-01;
	v30 =	vor.u32 s31, v49;
	vm0 =	vgt.f32 v25, $5.000000000e-01  }
0xbe: {  	v46 =	vld.idx.msk [tilespmem:v52+s2+$0x0], $0xffff;
	v40 =	vor.u32 v58, v40;
	v6 =	vsel vm2, $0x10000, v2;
	vm2 =	vgt.f32 v45, $5.000000000e-01  }
0xbf: {  	v48 =	vld.idx.msk [tilespmem:v31+s2+$0x0], $0xffff;
	v50 =	vsel vm0, $0x40000000, v2;
	v40 =	vor.u32 v6, v40;
	v8 =	vsel vm2, $0x20000, v2  }
0xc0: {  	v38 =	vld.idx.msk [tilespmem:v5+s2+$0x0], $0xffff;
	vm2 =	vgt.f32 v43, $5.000000000e-01;
	v31 =	vor.u32 s31, v1;
	v40 =	vor.u32 v8, v40  }
0xc1: {  	v45 =	vld.idx.msk [tilespmem:v7+s2+$0x0], $0xffff;
	v10 =	vsel vm2, $0x40000, v2;
	vm2 =	vgt.f32 v44, $5.000000000e-01;
	vm1 =	vgt.f32 v42, $5.000000000e-01  }
0xc2: {  	v21 =	vld.idx.msk [tilespmem:v9+s2+$0x0], $0xffff;
	v40 =	vor.u32 v10, v40;
	v16 =	vsel vm2, $0x80000, v2;
	vm2 =	vgt.f32 v47, $5.000000000e-01  }
0xc3: {  	v22 =	vld.idx.msk [tilespmem:v11+s2+$0x0], $0xffff;
	v42 =	vsel vm1, $0x400000, v2;
	vm1 =	vgt.f32 v46, $5.000000000e-01;
	v40 =	vor.u32 v16, v40  }
0xc4: {  	v36 =	vld.idx.msk [tilespmem:v36+s2+$0x0], $0xffff;
	v18 =	vsel vm2, $0x100000, v2;
	vm2 =	vgt.f32 v48, $5.000000000e-01;
	v48 =	vor.u32 v19, v39  }
0xc5: {  	v24 =	vsel vm1, $0x800000, v2;
	v40 =	vor.u32 v18, v40;
	v20 =	vsel vm2, $0x200000, v2  }
0xc6: {  	v27 =	vld.idx.msk [tilespmem:v17+s2+$0x0], $0xffff;
	vm2 =	vgt.f32 v38, $5.000000000e-01;
	vm1 =	vgt.f32 v45, $5.000000000e-01;
	v40 =	vor.u32 v20, v40  }
0xc7: {  	s15 =	simm.s32 $0x4010;
	v26 =	vsel vm2, $0x1000000, v2;
	v29 =	vsel vm1, $0x2000000, v2;
	vm1 =	vgt.f32 v21, $5.000000000e-01  }
0xc8: {  	s16 =	simm.s32 $0x4030;
	[tilespmem:s15+$0xFFFFFFF0] =	vst v35;
	v43 =	vld.idx.msk [tilespmem:v23+s2+$0x0], $0xffff;
	vm2 =	vgt.f32 v22, $5.000000000e-01;
	v40 =	vor.u32 v42, v40;
	v39 =	vsel vm1, $0x4000000, v2  }
0xc9: {  	[tilespmem:s16+$0xFFFFFFF0] =	vst v48;
	vm1 =	vgt.f32 v36, $5.000000000e-01;
	v36 =	vor.u32 v41, v37;
	v38 =	vor.u32 v24, v40  }
0xca: {  	v48 =	vld [tilespmem:$0x1FEA0];
	v52 =	vsel vm2, $0x8000000, v2;
	v47 =	vsel vm1, $0x20000000, v2;
	v38 =	vor.u32 v26, v38  }
0xcb: {  	v35 =	vld.idx.msk [tilespmem:v31+s2+$0x0], $0xffff;
	vm1 =	vgt.f32 v27, $5.000000000e-01;
	v36 =	vor.u32 v47, v36;
	v38 =	vor.u32 v29, v38  }
0xcc: {  	v41 =	vld.idx.msk [tilespmem:v30+s2+$0x0], $0xffff;
	v58 =	vsel vm1, $0x80000000, v2;
	v37 =	vor.u32 v50, v36;
	v38 =	vor.u32 v39, v38  }
0xcd: {  	s18 =	simm.s32 $0xA00;
	s17 =	simm.s32 $0x2;
	vm0 =	vgt.f32 v43, $5.000000000e-01;
	v39 =	vld.idx.msk [tilespmem:v28+s2+$0x0], $0xffff;
	v37 =	vor.u32 v58, v37;
	v36 =	vor.u32 v52, v38  }
.LBB2_2:
0xce: {  	v19 =	vld [tilespmem:$0x1FF00]  }
0xcf: {  	v20 =	vld [tilespmem:$0x1FFE0]  }
0xd0: {  	v22 =	vld [tilespmem:$0x1FF10];
	v0 =	vor.u32 s18, v51  }
0xd1: {  	v44 =	vand.u32 v14, v0;
	v0 =	vld [tilespmem:$0x1FFD0]  }
0xd2: {  	v33 =	vld [tilespmem:$0x1FFC0]  }
0xd3: {  	v23 =	vld [tilespmem:$0x1FF20]  }
0xd4: {  	s19 =	sadd.s32 $0xFFFFFE00, s18;
	v31 =	vld [tilespmem:$0x1FFA0]  }
0xd5: {  	v32 =	vld [tilespmem:$0x1FFB0];
	v10 =	vor.u32 s19, v51;
	v11 =	vor.u32 s19, v53  }
0xd6: {  	v52 =	vand.u32 v0, v10;
	v0 =	vld [tilespmem:$0x1FEE0]  }
0xd7: {  	v29 =	vld [tilespmem:$0x1FF80];
	v24 =	vor.u32 s19, v54  }
0xd8: {  	v30 =	vld [tilespmem:$0x1FF90];
	v25 =	vor.u32 s19, v55  }
0xd9: {  	v28 =	vld [tilespmem:$0x1FF70];
	v26 =	vor.u32 s19, v56  }
0xda: {  	v27 =	vor.u32 s19, v57;
	v51 =	vld.idx.msk [tilespmem:v11+s2+$0x0], $0xffff  }
0xdb: {  	v45 =	vor.u32 s19, v0;
	v0 =	vld [tilespmem:$0x1FEC0]  }
0xdc: {  	v50 =	vor.u32 s18, v53;
	v53 =	vld.idx.msk [tilespmem:v24+s2+$0x0], $0xffff  }
0xdd: {  	v40 =	vor.u32 s18, v54;
	v54 =	vld.idx.msk [tilespmem:v25+s2+$0x0], $0xffff  }
0xde: {  	v43 =	vor.u32 s18, v55;
	v55 =	vld.idx.msk [tilespmem:v26+s2+$0x0], $0xffff  }
0xdf: {  	v46 =	vor.u32 s19, v49;
	v42 =	vor.u32 s18, v56;
	v56 =	vld.idx.msk [tilespmem:v27+s2+$0x0], $0xffff  }
0xe0: {  	v17 =	vmovc v59;
	v18 =	vmovc v60;
	v49 =	vor.u32 s19, v48;
	v48 =	vor.u32 s19, v34;
	v47 =	vor.u32 s19, v0;
	v0 =	vld [tilespmem:$0x1FFF0]  }
0xe1: {  	v21 =	vmovc v61;
	v15 =	vmovc v62;
	v59 =	vor.u32 s19, v59;
	v60 =	vor.u32 s19, v60;
	v61 =	vor.u32 s19, v61;
	v24 =	vld [tilespmem:$0x1FF30]  }
0xe2: {  	v16 =	vmovc v63;
	v38 =	vmovc v41;
	v62 =	vor.u32 s19, v62;
	v63 =	vor.u32 s19, v63;
	v41 =	vor.u32 s18, v57;
	v25 =	vld [tilespmem:$0x1FF40]  }
0xe3: {  	v57 =	vor.u32 s19, v19;
	v1 =	vor.u32 s19, v22;
	v34 =	vor.u32 s19, v33;
	v27 =	vld [tilespmem:$0x1FF60]  }
0xe4: {  	v3 =	vor.u32 s19, v23;
	v4 =	vor.u32 s19, v31;
	v5 =	vor.u32 s19, v32;
	v52 =	vld.idx.msk [tilespmem:v52+s2+$0x0], $0xffff  }
0xe5: {  	[tilespmem:s15+$0x0] =	vst v37;
	v7 =	vor.u32 s19, v29;
	v8 =	vor.u32 s19, v30;
	v26 =	vld [tilespmem:$0x1FF50];
	v58 =	vor.u32 s19, v0  }
0xe6: {  	v37 =	vmovc v39;
	v29 =	vor.u32 s18, v29;
	v31 =	vor.u32 s18, v31;
	v39 =	vld.idx.msk [tilespmem:v50+s2+$0x0], $0xffff;
	v50 =	vor.u32 s19, v20  }
0xe7: {  	v11 =	vor.u32 s19, v28;
	v28 =	vor.u32 s18, v28;
	v6 =	vor.u32 s19, v24  }
0xe8: {  	v13 =	vld [tilespmem:$0x1FEF0];
	v9 =	vor.u32 s19, v25;
	v10 =	vor.u32 s19, v27;
	vm2 =	vgt.f32 v51, $5.000000000e-01  }
0xe9: {  	v51 =	vld.idx.msk [tilespmem:v61+s2+$0x0], $0xffff;
	v27 =	vor.u32 s18, v27;
	v12 =	vsel vm2, $0x2, v2;
	vm1 =	vgt.f32 v52, $5.000000000e-01  }
0xea: {  	v52 =	vor.u32 s19, v26;
	v61 =	vsel vm1, $0x1, v2;
	vm1 =	vgt.f32 v53, $5.000000000e-01;
	v58 =	vld.idx.msk [tilespmem:v58+s2+$0x0], $0xffff  }
0xeb: {  	v1 =	vld.idx.msk [tilespmem:v1+s2+$0x0], $0xffff;
	v12 =	vor.u32 v61, v12;
	v53 =	vsel vm1, $0x4, v2;
	vm1 =	vgt.f32 v54, $5.000000000e-01  }
0xec: {  	v3 =	vld.idx.msk [tilespmem:v3+s2+$0x0], $0xffff;
	vm2 =	vgt.f32 v39, $5.000000000e-01;
	v12 =	vor.u32 v53, v12;
	v53 =	vsel vm1, $0x8, v2  }
0xed: {  	v4 =	vld.idx.msk [tilespmem:v4+s2+$0x0], $0xffff;
	v39 =	vor.u32 s18, v32;
	vm1 =	vgt.f32 v55, $5.000000000e-01;
	v12 =	vor.u32 v53, v12  }
0xee: {  	v6 =	vld.idx.msk [tilespmem:v6+s2+$0x0], $0xffff;
	v53 =	vsel vm1, $0x10, v2;
	vm1 =	vgt.f32 v56, $5.000000000e-01;
	v0 =	vor.u32 s19, v13  }
0xef: {  	v9 =	vld.idx.msk [tilespmem:v9+s2+$0x0], $0xffff;
	v12 =	vor.u32 v53, v12;
	v53 =	vsel vm1, $0x20, v2;
	vm1 =	vgt.f32 v58, $5.000000000e-01  }
0xf0: {  	v52 =	vld.idx.msk [tilespmem:v52+s2+$0x0], $0xffff;
	v12 =	vor.u32 v53, v12;
	v53 =	vsel vm1, $0x40, v2;
	vm1 =	vgt.f32 v51, $5.000000000e-01  }
0xf1: {  	v10 =	vld.idx.msk [tilespmem:v10+s2+$0x0], $0xffff;
	v12 =	vor.u32 v53, v12;
	v51 =	vsel vm1, $0x80, v2;
	vm1 =	vgt.f32 v1, $5.000000000e-01  }
0xf2: {  	v1 =	vld.idx.msk [tilespmem:v11+s2+$0x0], $0xffff;
	v11 =	vor.u32 v51, v12;
	v12 =	vsel vm1, $0x100, v2;
	vm1 =	vgt.f32 v3, $5.000000000e-01  }
0xf3: {  	v3 =	vld.idx.msk [tilespmem:v7+s2+$0x0], $0xffff;
	v7 =	vor.u32 v12, v11;
	v11 =	vsel vm1, $0x200, v2;
	vm1 =	vgt.f32 v6, $5.000000000e-01  }
0xf4: {  	v6 =	vld.idx.msk [tilespmem:v8+s2+$0x0], $0xffff;
	v7 =	vor.u32 v11, v7;
	v8 =	vsel vm1, $0x400, v2;
	vm1 =	vgt.f32 v9, $5.000000000e-01  }
0xf5: {  	v5 =	vld.idx.msk [tilespmem:v5+s2+$0x0], $0xffff;
	v7 =	vor.u32 v8, v7;
	v8 =	vsel vm1, $0x800, v2;
	vm1 =	vgt.f32 v52, $5.000000000e-01  }
0xf6: {  	v0 =	vld.idx.msk [tilespmem:v0+s2+$0x0], $0xffff;
	v7 =	vor.u32 v8, v7;
	v8 =	vsel vm1, $0x1000, v2;
	vm1 =	vgt.f32 v10, $5.000000000e-01  }
0xf7: {  	v9 =	vld.idx.msk [tilespmem:v34+s2+$0x0], $0xffff;
	v7 =	vor.u32 v8, v7;
	v34 =	vsel vm1, $0x2000, v2;
	vm1 =	vgt.f32 v1, $5.000000000e-01  }
0xf8: {  	v58 =	vld [tilespmem:$0x1FFF0];
	v1 =	vor.u32 v34, v7;
	v11 =	vsel vm1, $0x4000, v2;
	vm1 =	vgt.f32 v3, $5.000000000e-01  }
0xf9: {  	v3 =	vld.idx.msk [tilespmem:v62+s2+$0x0], $0xffff;
	v1 =	vor.u32 v11, v1;
	v34 =	vsel vm1, $0x8000, v2;
	vm1 =	vgt.f32 v6, $5.000000000e-01  }
0xfa: {  	v6 =	vld.idx.msk [tilespmem:v63+s2+$0x0], $0xffff;
	v1 =	vor.u32 v34, v1;
	v10 =	vsel vm1, $0x10000, v2;
	vm1 =	vgt.f32 v4, $5.000000000e-01  }
0xfb: {  	v4 =	vld.idx.msk [tilespmem:v59+s2+$0x0], $0xffff;
	v1 =	vor.u32 v10, v1;
	v11 =	vsel vm1, $0x20000, v2;
	vm1 =	vgt.f32 v5, $5.000000000e-01  }
0xfc: {  	v5 =	vld.idx.msk [tilespmem:v60+s2+$0x0], $0xffff;
	v1 =	vor.u32 v11, v1;
	v34 =	vsel vm1, $0x40000, v2;
	vm1 =	vgt.f32 v9, $5.000000000e-01  }
0xfd: {  	v8 =	vld.idx.msk [tilespmem:v57+s2+$0x0], $0xffff;
	v1 =	vor.u32 v34, v1;
	v34 =	vsel vm1, $0x80000, v2;
	vm1 =	vgt.f32 v0, $5.000000000e-01  }
0xfe: {  	v0 =	vld.idx.msk [tilespmem:v50+s2+$0x0], $0xffff;
	v1 =	vor.u32 v34, v1;
	v9 =	vsel vm1, $0x100000, v2;
	vm1 =	vgt.f32 v3, $5.000000000e-01  }
0xff: {  	v3 =	vld.idx.msk [tilespmem:v49+s2+$0x0], $0xffff;
	v1 =	vor.u32 v9, v1;
	v10 =	vsel vm1, $0x200000, v2;
	vm1 =	vgt.f32 v6, $5.000000000e-01  }
0x100: {  	v6 =	vld.idx.msk [tilespmem:v48+s2+$0x0], $0xffff;
	v1 =	vor.u32 v10, v1;
	v11 =	vsel vm1, $0x400000, v2;
	vm1 =	vgt.f32 v4, $5.000000000e-01  }
0x101: {  	v4 =	vld.idx.msk [tilespmem:v47+s2+$0x0], $0xffff;
	v1 =	vor.u32 v11, v1;
	v34 =	vsel vm1, $0x800000, v2;
	vm1 =	vgt.f32 v5, $5.000000000e-01  }
0x102: {  	v5 =	vld.idx.msk [tilespmem:v46+s2+$0x0], $0xffff;
	v1 =	vor.u32 v34, v1;
	v50 =	vsel vm1, $0x1000000, v2;
	vm1 =	vgt.f32 v8, $5.000000000e-01  }
0x103: {  	v8 =	vld.idx.msk [tilespmem:v45+s2+$0x0], $0xffff;
	v1 =	vor.u32 v50, v1;
	v11 =	vsel vm1, $0x2000000, v2;
	vm1 =	vgt.f32 v0, $5.000000000e-01  }
0x104: {  	v0 =	vld.idx.msk [tilespmem:v44+s2+$0x0], $0xffff;
	v1 =	vor.u32 v11, v1;
	v34 =	vsel vm1, $0x4000000, v2;
	vm1 =	vgt.f32 v3, $5.000000000e-01  }
0x105: {  	v3 =	vld.idx.msk [tilespmem:v40+s2+$0x0], $0xffff;
	v1 =	vor.u32 v34, v1;
	v40 =	vsel vm1, $0x8000000, v2;
	vm1 =	vgt.f32 v6, $5.000000000e-01  }
0x106: {  	v1 =	vor.u32 v40, v1;
	v46 =	vsel vm1, $0x10000000, v2;
	vm1 =	vgt.f32 v4, $5.000000000e-01  }
0x107: {  	v44 =	vld.idx.msk [tilespmem:v43+s2+$0x0], $0xffff;
	v1 =	vor.u32 v46, v1;
	v11 =	vsel vm1, $0x20000000, v2;
	vm1 =	vgt.f32 v5, $5.000000000e-01  }
0x108: {  	v50 =	vld.idx.msk [tilespmem:v42+s2+$0x0], $0xffff;
	v1 =	vor.u32 v11, v1;
	v40 =	vsel vm1, $0x40000000, v2;
	vm1 =	vgt.f32 v8, $5.000000000e-01  }
0x109: {  	v42 =	vor.u32 s18, v58;
	v34 =	vld.idx.msk [tilespmem:v41+s2+$0x0], $0xffff;
	v1 =	vor.u32 v40, v1;
	v41 =	vsel vm1, $0x80000000, v2  }
0x10a: {  	s15 =	smov.u32 s16;
	s16 =	sadd.s32 $0x20, s16;
	v31 =	vld.idx.msk [tilespmem:v31+s2+$0x0], $0xffff;
	v43 =	vor.u32 s18, v21;
	vm1 =	vgt.f32 v0, $5.000000000e-01;
	v1 =	vor.u32 v41, v1  }
0x10b: {  	v48 =	vld [tilespmem:$0x1FEA0];
	v0 =	vsel vm1, $0x1, v2;
	vm1 =	vgt.f32 v3, $5.000000000e-01;
	[tilespmem:s16+$0xFFFFFFF0] =	vst v1;
	v1 =	vsel vm2, $0x2, v2  }
0x10c: {  	v47 =	vld [tilespmem:$0x1FEC0];
	v3 =	vsel vm1, $0x4, v2;
	v0 =	vor.u32 v0, v1;
	v1 =	vor.u32 s18, v22  }
0x10d: {  	v45 =	vld [tilespmem:$0x1FEE0];
	vm1 =	vgt.f32 v44, $5.000000000e-01;
	v44 =	vor.u32 s18, v23;
	v0 =	vor.u32 v3, v0  }
0x10e: {  	v46 =	vld.idx.msk [tilespmem:v42+s2+$0x0], $0xffff;
	v3 =	vsel vm1, $0x8, v2;
	vm1 =	vgt.f32 v50, $5.000000000e-01;
	v50 =	vor.u32 s18, v24  }
0x10f: {  	v11 =	vld.idx.msk [tilespmem:v29+s2+$0x0], $0xffff;
	v24 =	vor.u32 s18, v25;
	v0 =	vor.u32 v3, v0;
	v3 =	vsel vm1, $0x10, v2  }
0x110: {  	v26 =	vor.u32 s18, v26;
	v12 =	vor.u32 s18, v30;
	v0 =	vor.u32 v3, v0;
	v3 =	vld.idx.msk [tilespmem:v43+s2+$0x0], $0xffff  }
0x111: {  	v30 =	vor.u32 s18, v20;
	v9 =	vor.u32 s18, v17;
	v10 =	vor.u32 s18, v18;
	v1 =	vld.idx.msk [tilespmem:v1+s2+$0x0], $0xffff  }
0x112: {  	v8 =	vor.u32 s18, v33;
	v40 =	vor.u32 s18, v13;
	vm1 =	vgt.f32 v34, $5.000000000e-01;
	v6 =	vld.idx.msk [tilespmem:v44+s2+$0x0], $0xffff  }
0x113: {  	v41 =	vor.u32 s18, v19;
	v25 =	vsel vm1, $0x20, v2;
	vm1 =	vgt.f32 v46, $5.000000000e-01;
	v32 =	vld.idx.msk [tilespmem:v50+s2+$0x0], $0xffff  }
0x114: {  	v34 =	vor.u32 s18, v48;
	v0 =	vor.u32 v25, v0;
	v46 =	vsel vm1, $0x40, v2;
	v5 =	vld.idx.msk [tilespmem:v24+s2+$0x0], $0xffff  }
0x115: {  	v0 =	vor.u32 v46, v0;
	v50 =	vor.u32 s18, v15;
	vm1 =	vgt.f32 v3, $5.000000000e-01;
	v3 =	vld.idx.msk [tilespmem:v26+s2+$0x0], $0xffff  }
0x116: {  	v24 =	vor.u32 s18, v16;
	v25 =	vsel vm1, $0x80, v2;
	vm1 =	vgt.f32 v1, $5.000000000e-01;
	v1 =	vld.idx.msk [tilespmem:v27+s2+$0x0], $0xffff  }
0x117: {  	v0 =	vor.u32 v25, v0;
	v27 =	vld.idx.msk [tilespmem:v28+s2+$0x0], $0xffff;
	v26 =	vsel vm1, $0x100, v2;
	vm1 =	vgt.f32 v6, $5.000000000e-01  }
0x118: {  	v29 =	vld.idx.msk [tilespmem:v12+s2+$0x0], $0xffff;
	v0 =	vor.u32 v26, v0;
	v28 =	vsel vm1, $0x200, v2;
	vm1 =	vgt.f32 v32, $5.000000000e-01  }
0x119: {  	v40 =	vld.idx.msk [tilespmem:v40+s2+$0x0], $0xffff;
	v0 =	vor.u32 v28, v0;
	v12 =	vsel vm1, $0x400, v2;
	vm1 =	vgt.f32 v5, $5.000000000e-01  }
0x11a: {  	v46 =	vld.idx.msk [tilespmem:v50+s2+$0x0], $0xffff;
	v0 =	vor.u32 v12, v0;
	v12 =	vsel vm1, $0x800, v2;
	vm1 =	vgt.f32 v3, $5.000000000e-01  }
0x11b: {  	v3 =	vld.idx.msk [tilespmem:v39+s2+$0x0], $0xffff;
	v0 =	vor.u32 v12, v0;
	v12 =	vsel vm1, $0x1000, v2;
	vm1 =	vgt.f32 v1, $5.000000000e-01  }
0x11c: {  	v1 =	vld.idx.msk [tilespmem:v8+s2+$0x0], $0xffff;
	v0 =	vor.u32 v12, v0;
	v39 =	vsel vm1, $0x2000, v2;
	vm1 =	vgt.f32 v27, $5.000000000e-01  }
0x11d: {  	v0 =	vor.u32 v39, v0;
	v44 =	vsel vm1, $0x4000, v2;
	vm1 =	vgt.f32 v11, $5.000000000e-01;
	v39 =	vld.idx.msk [tilespmem:v34+s2+$0x0], $0xffff  }
0x11e: {  	v34 =	vld [tilespmem:$0x1FEB0];
	v0 =	vor.u32 v44, v0;
	v50 =	vsel vm1, $0x8000, v2;
	vm1 =	vgt.f32 v29, $5.000000000e-01  }
0x11f: {  	v49 =	vld [tilespmem:$0x1FED0];
	v0 =	vor.u32 v50, v0;
	v25 =	vsel vm1, $0x10000, v2;
	vm1 =	vgt.f32 v31, $5.000000000e-01  }
0x120: {  	v24 =	vld.idx.msk [tilespmem:v24+s2+$0x0], $0xffff;
	v0 =	vor.u32 v25, v0;
	v27 =	vsel vm1, $0x20000, v2;
	vm1 =	vgt.f32 v3, $5.000000000e-01  }
0x121: {  	v42 =	vor.u32 s18, v47;
	v26 =	vld.idx.msk [tilespmem:v9+s2+$0x0], $0xffff;
	v0 =	vor.u32 v27, v0;
	v28 =	vsel vm1, $0x40000, v2  }
0x122: {  	v44 =	vor.u32 s18, v45;
	v3 =	vld.idx.msk [tilespmem:v10+s2+$0x0], $0xffff;
	vm1 =	vgt.f32 v1, $5.000000000e-01;
	v0 =	vor.u32 v28, v0  }
0x123: {  	v1 =	vld.idx.msk [tilespmem:v41+s2+$0x0], $0xffff;
	v29 =	vsel vm1, $0x80000, v2;
	vm1 =	vgt.f32 v40, $5.000000000e-01;
	v41 =	vor.u32 s18, v34  }
0x124: {  	v0 =	vor.u32 v29, v0;
	v31 =	vsel vm1, $0x100000, v2;
	vm1 =	vgt.f32 v46, $5.000000000e-01  }
0x125: {  	v30 =	vld.idx.msk [tilespmem:v30+s2+$0x0], $0xffff;
	v0 =	vor.u32 v31, v0;
	v40 =	vsel vm1, $0x200000, v2;
	vm1 =	vgt.f32 v24, $5.000000000e-01  }
0x126: {  	v54 =	vld [tilespmem:$0x1FE60];
	v0 =	vor.u32 v40, v0;
	v4 =	vsel vm1, $0x400000, v2;
	vm1 =	vgt.f32 v26, $5.000000000e-01  }
0x127: {  	v55 =	vld [tilespmem:$0x1FE70];
	v5 =	vsel vm1, $0x800000, v2;
	vm1 =	vgt.f32 v3, $5.000000000e-01;
	v3 =	vor.u32 s18, v49  }
0x128: {  	v56 =	vld [tilespmem:$0x1FE80];
	v50 =	vsel vm0, $0x10000000, v2;
	vm0 =	vgt.f32 v37, $5.000000000e-01;
	v0 =	vor.u32 v4, v0  }
0x129: {  	v53 =	vld [tilespmem:$0x1FE50];
	v0 =	vor.u32 v5, v0;
	v43 =	vsel vm1, $0x1000000, v2;
	vm1 =	vgt.f32 v1, $5.000000000e-01  }
0x12a: {  	s17 =	sadd.s32 $0x2, s17;
	v51 =	vld [tilespmem:$0x1FE40];
	v0 =	vor.u32 v43, v0;
	v1 =	vsel vm1, $0x2000000, v2;
	vm1 =	vgt.f32 v30, $5.000000000e-01  }
0x12b: {  	p0 =	slt.u32 s17, $0xE;
	vm2 =	vgt.f32 v39, $5.000000000e-01;
	v0 =	vor.u32 v1, v0;
	v1 =	vld.idx.msk [tilespmem:v41+s2+$0x0], $0xffff;
	v6 =	vsel vm1, $0x4000000, v2  }
.Ltmp0:
0x12c: {  	v46 =	vsel vm2, $0x8000000, v2;
	v0 =	vor.u32 v6, v0;
	v41 =	vld.idx.msk [tilespmem:v3+s2+$0x0], $0xffff;
	v3 =	vor.u32 v50, v36;
	(pc) =	sbr.rel @p0 .LBB2_2-.Ltmp0, $4  }
0x12d: {  	v52 =	vld [tilespmem:$0x1FFD0];
	v36 =	vor.u32 v46, v0;
	v0 =	vsel vm0, $0x20000000, v2;
	vm0 =	vgt.f32 v38, $5.000000000e-01  }
0x12e: {  	v57 =	vld [tilespmem:$0x1FE90];
	v0 =	vor.u32 v0, v3;
	v3 =	vsel vm0, $0x40000000, v2;
	vm0 =	vgt.f32 v35, $5.000000000e-01  }
0x12f: {  	v61 =	vmovc v21;
	v62 =	vmov v15;
	v39 =	vld.idx.msk [tilespmem:v42+s2+$0x0], $0xffff;
	v0 =	vor.u32 v3, v0;
	v3 =	vsel vm0, $0x80000000, v2  }
0x130: {  	v63 =	vmovc v16;
	v59 =	vmovc v17;
	v60 =	vmov v18;
	s18 =	sadd.s32 $0x400, s18;
	v35 =	vld.idx.msk [tilespmem:v44+s2+$0x0], $0xffff;
	vm0 =	vgt.f32 v1, $5.000000000e-01;
	v37 =	vor.u32 v3, v0  }
0x131: {  	_ =	sdelay $0x2  }
0x132: {  	v0 =	vsel vm0, $0x10000000, v2;
	vm0 =	vgt.f32 v39, $5.000000000e-01  }
0x133: {  	v0 =	vor.u32 v0, v36;
	v1 =	vsel vm0, $0x20000000, v2;
	vm0 =	vgt.f32 v41, $5.000000000e-01  }
0x134: {  	v0 =	vor.u32 v1, v0;
	v1 =	vsel vm0, $0x40000000, v2;
	vm0 =	vgt.f32 v35, $5.000000000e-01  }
0x135: {  	v0 =	vor.u32 v1, v0;
	v1 =	vsel vm0, $0x80000000, v2  }
0x136: {  	[tilespmem:s15+$0x0] =	vst v37;
	v0 =	vor.u32 v1, v0  }
0x137: {  	[tilespmem:s16+$0x0] =	vst v0  }
0x138: {  	[tilespmem:s2], [sflag:$0x1] =	stream.linear.gather [hbm4b:s5+s2], $0x2000, $0x38;
	[tilespmem:$0x4400] =	vst v63  }
0x139: {  	_ =	swait.ge [sflag:s11], $0x2000  }
0x13a: {  	v19 =	vld [tilespmem:$0x1FF10]  }
0x13b: {  	v22 =	vld [tilespmem:$0x1FF20]  }
0x13c: {  	v23 =	vld [tilespmem:$0x1FF30]  }
0x13d: {  	v24 =	vld [tilespmem:$0x1FF40]  }
0x13e: {  	s17 =	simm.s32 $0x0;
	v25 =	vld [tilespmem:$0x1FF50]  }
0x13f: {  	v1 =	vor.u32 s17, v53;
	v0 =	vor.u32 s17, v51;
	v26 =	vld [tilespmem:$0x1FF60]  }
0x140: {  	v0 =	vand.u32 v52, v0;
	v27 =	vld [tilespmem:$0x1FF70]  }
0x141: {  	v4 =	vor.u32 s17, v55;
	v28 =	vld [tilespmem:$0x1FF80]  }
0x142: {  	v3 =	vor.u32 s17, v54;
	[sflag:s11] =	ssyncset.done $0x0;
	v29 =	vld [tilespmem:$0x1FF90]  }
0x143: {  	v30 =	vld [tilespmem:$0x1FFA0];
	[sflag:s11] =	ssyncadd.s32 $0xFFFFE000  }
0x144: {  	v5 =	vor.u32 s17, v56;
	v1 =	vld.idx.msk [tilespmem:v1+s9+$0x0], $0xffff  }
0x145: {  	s24 =	simm.s32 $0x200;
	v8 =	vor.u32 s17, v58;
	v0 =	vld.idx.msk [tilespmem:v0+s9+$0x0], $0xffff  }
0x146: {  	v7 =	vor.u32 s24, v51;
	v6 =	vor.u32 s17, v57;
	v4 =	vld.idx.msk [tilespmem:v4+s9+$0x0], $0xffff  }
0x147: {  	v36 =	vor.u32 s24, v53;
	v9 =	vor.u32 s17, v61;
	v10 =	vor.u32 s17, v48;
	v3 =	vld.idx.msk [tilespmem:v3+s9+$0x0], $0xffff  }
0x148: {  	v37 =	vand.u32 v14, v7;
	v7 =	vor.u32 s17, v45;
	v31 =	vld [tilespmem:$0x1FFB0];
	v11 =	vor.u32 s17, v19  }
0x149: {  	v35 =	vor.u32 s24, v54;
	v5 =	vld.idx.msk [tilespmem:v5+s9+$0x0], $0xffff;
	v39 =	vor.u32 s17, v25;
	v41 =	vor.u32 s17, v27  }
0x14a: {  	v8 =	vld.idx.msk [tilespmem:v8+s9+$0x0], $0xffff;
	vm1 =	vgt.f32 v1, $5.000000000e-01;
	vm0 =	vgt.f32 v0, $5.000000000e-01;
	v0 =	vor.u32 s17, v22  }
0x14b: {  	v44 =	vor.u32 s17, v28;
	v1 =	vld.idx.msk [tilespmem:v6+s9+$0x0], $0xffff;
	v12 =	vsel vm1, $0x2, v2;
	vm1 =	vgt.f32 v4, $5.000000000e-01  }
0x14c: {  	v9 =	vld.idx.msk [tilespmem:v9+s9+$0x0], $0xffff;
	v32 =	vsel vm0, $0x1, v2;
	vm0 =	vgt.f32 v3, $5.000000000e-01;
	v3 =	vor.u32 s17, v23  }
0x14d: {  	v50 =	vor.u32 s17, v29;
	v38 =	vsel vm1, $0x8, v2;
	v6 =	vor.u32 v32, v12;
	v11 =	vld.idx.msk [tilespmem:v11+s9+$0x0], $0xffff  }
0x14e: {  	v12 =	vor.u32 s17, v24;
	v33 =	vsel vm0, $0x4, v2;
	vm0 =	vgt.f32 v5, $5.000000000e-01;
	v5 =	vld.idx.msk [tilespmem:v39+s9+$0x0], $0xffff  }
0x14f: {  	vm1 =	vgt.f32 v8, $5.000000000e-01;
	v4 =	vor.u32 v33, v6;
	v40 =	vsel vm0, $0x10, v2;
	v0 =	vld.idx.msk [tilespmem:v0+s9+$0x0], $0xffff  }
0x150: {  	v32 =	vld [tilespmem:$0x1FFC0];
	v4 =	vor.u32 v38, v4;
	vm0 =	vgt.f32 v1, $5.000000000e-01;
	v1 =	vor.u32 s17, v26  }
0x151: {  	v43 =	vsel vm1, $0x40, v2;
	v4 =	vor.u32 v40, v4;
	v42 =	vsel vm0, $0x20, v2;
	v3 =	vld.idx.msk [tilespmem:v3+s9+$0x0], $0xffff  }
0x152: {  	v39 =	vld [tilespmem:$0x1FEF0];
	vm0 =	vgt.f32 v9, $5.000000000e-01;
	v40 =	vor.u32 s17, v59;
	v4 =	vor.u32 v42, v4  }
0x153: {  	v46 =	vsel vm0, $0x80, v2;
	v12 =	vld.idx.msk [tilespmem:v12+s9+$0x0], $0xffff;
	v4 =	vor.u32 v43, v4;
	vm0 =	vgt.f32 v11, $5.000000000e-01  }
0x154: {  	v13 =	vld [tilespmem:$0x1FF00];
	v4 =	vor.u32 v46, v4;
	vm1 =	vgt.f32 v0, $5.000000000e-01;
	v0 =	vsel vm0, $0x100, v2  }
0x155: {  	v8 =	vor.u32 s17, v30;
	v38 =	vor.u32 s17, v63;
	v1 =	vld.idx.msk [tilespmem:v1+s9+$0x0], $0xffff;
	v0 =	vor.u32 v0, v4  }
0x156: {  	v6 =	vld.idx.msk [tilespmem:v41+s9+$0x0], $0xffff;
	v42 =	vsel vm1, $0x200, v2;
	vm0 =	vgt.f32 v3, $5.000000000e-01;
	v3 =	vor.u32 s17, v31  }
0x157: {  	v9 =	vld.idx.msk [tilespmem:v44+s9+$0x0], $0xffff;
	v44 =	vor.u32 s17, v39;
	vm1 =	vgt.f32 v5, $5.000000000e-01;
	v0 =	vor.u32 v42, v0  }
0x158: {  	v11 =	vld.idx.msk [tilespmem:v50+s9+$0x0], $0xffff;
	v43 =	vsel vm0, $0x400, v2;
	vm0 =	vgt.f32 v12, $5.000000000e-01;
	v12 =	vor.u32 s17, v32  }
0x159: {  	v5 =	vld.idx.msk [tilespmem:v40+s9+$0x0], $0xffff;
	v40 =	vor.u32 s24, v55;
	v0 =	vor.u32 v43, v0;
	v46 =	vsel vm0, $0x800, v2  }
0x15a: {  	v8 =	vld.idx.msk [tilespmem:v8+s9+$0x0], $0xffff;
	v50 =	vsel vm1, $0x1000, v2;
	v0 =	vor.u32 v46, v0;
	vm0 =	vgt.f32 v1, $5.000000000e-01  }
0x15b: {  	v1 =	vor.u32 s17, v62;
	v0 =	vor.u32 v50, v0;
	v33 =	vsel vm0, $0x2000, v2;
	v3 =	vld.idx.msk [tilespmem:v3+s9+$0x0], $0xffff  }
0x15c: {  	vm1 =	vgt.f32 v9, $5.000000000e-01;
	vm0 =	vgt.f32 v6, $5.000000000e-01;
	v0 =	vor.u32 v33, v0;
	v33 =	vld [tilespmem:$0x1FFE0]  }
0x15d: {  	v42 =	vsel vm1, $0x8000, v2;
	v43 =	vor.u32 s17, v60;
	v41 =	vsel vm0, $0x4000, v2;
	v12 =	vld.idx.msk [tilespmem:v12+s9+$0x0], $0xffff  }
0x15e: {  	v4 =	vld.idx.msk [tilespmem:v44+s9+$0x0], $0xffff;
	v46 =	vor.u32 s17, v13;
	vm0 =	vgt.f32 v11, $5.000000000e-01;
	v0 =	vor.u32 v41, v0  }
0x15f: {  	v6 =	vld.idx.msk [tilespmem:v38+s9+$0x0], $0xffff;
	v38 =	vor.u32 s17, v47;
	v44 =	vsel vm0, $0x10000, v2;
	v0 =	vor.u32 v42, v0  }
0x160: {  	vm0 =	vgt.f32 v8, $5.000000000e-01;
	v41 =	vor.u32 s24, v56;
	v1 =	vld.idx.msk [tilespmem:v1+s9+$0x0], $0xffff;
	v0 =	vor.u32 v44, v0  }
0x161: {  	v50 =	vor.u32 s17, v33;
	vm1 =	vgt.f32 v3, $5.000000000e-01;
	v3 =	vsel vm0, $0x20000, v2  }
0x162: {  	v11 =	vld.idx.msk [tilespmem:v43+s9+$0x0], $0xffff;
	v0 =	vor.u32 v3, v0;
	v3 =	vsel vm1, $0x40000, v2;
	vm0 =	vgt.f32 v12, $5.000000000e-01  }
0x163: {  	v44 =	vld.idx.msk [tilespmem:v36+s9+$0x0], $0xffff;
	v12 =	vor.u32 s17, v34;
	v0 =	vor.u32 v3, v0;
	v3 =	vsel vm0, $0x80000, v2  }
0x164: {  	v10 =	vld.idx.msk [tilespmem:v10+s9+$0x0], $0xffff;
	vm0 =	vgt.f32 v4, $5.000000000e-01;
	v0 =	vor.u32 v3, v0;
	v3 =	vor.u32 s17, v49  }
0x165: {  	v8 =	vld.idx.msk [tilespmem:v46+s9+$0x0], $0xffff;
	vm1 =	vgt.f32 v1, $5.000000000e-01;
	v1 =	vsel vm0, $0x100000, v2;
	vm0 =	vgt.f32 v6, $5.000000000e-01  }
0x166: {  	v6 =	vor.u32 s24, v31;
	v0 =	vor.u32 v1, v0;
	v1 =	vsel vm1, $0x200000, v2;
	v9 =	vld.idx.msk [tilespmem:v50+s9+$0x0], $0xffff  }
0x167: {  	v4 =	vld.idx.msk [tilespmem:v38+s9+$0x0], $0xffff;
	vm1 =	vgt.f32 v11, $5.000000000e-01;
	v0 =	vor.u32 v1, v0;
	v1 =	vsel vm0, $0x400000, v2  }
0x168: {  	vm0 =	vgt.f32 v5, $5.000000000e-01;
	v43 =	vsel vm1, $0x1000000, v2;
	vm1 =	vgt.f32 v44, $5.000000000e-01;
	v12 =	vld.idx.msk [tilespmem:v12+s9+$0x0], $0xffff  }
0x169: {  	v5 =	vld.idx.msk [tilespmem:v41+s9+$0x0], $0xffff;
	v41 =	vor.u32 s24, v61;
	v0 =	vor.u32 v1, v0;
	v42 =	vsel vm0, $0x800000, v2  }
0x16a: {  	v1 =	vor.u32 s24, v57;
	vm0 =	vgt.f32 v8, $5.000000000e-01;
	v0 =	vor.u32 v42, v0;
	v3 =	vld.idx.msk [tilespmem:v3+s9+$0x0], $0xffff  }
0x16b: {  	v8 =	vsel vm0, $0x2000000, v2;
	v0 =	vor.u32 v43, v0;
	vm0 =	vgt.f32 v9, $5.000000000e-01  }
0x16c: {  	v7 =	vld.idx.msk [tilespmem:v7+s9+$0x0], $0xffff;
	v43 =	vor.u32 s24, v19;
	v46 =	vsel vm0, $0x4000000, v2;
	vm0 =	vgt.f32 v10, $5.000000000e-01  }
0x16d: {  	v50 =	vld.idx.msk [tilespmem:v37+s9+$0x0], $0xffff;
	v0 =	vor.u32 v8, v0;
	v34 =	vsel vm0, $0x8000000, v2;
	vm0 =	vgt.f32 v12, $5.000000000e-01  }
0x16e: {  	v35 =	vld.idx.msk [tilespmem:v35+s9+$0x0], $0xffff;
	v0 =	vor.u32 v46, v0;
	v36 =	vsel vm0, $0x10000000, v2;
	vm0 =	vgt.f32 v4, $5.000000000e-01  }
0x16f: {  	v0 =	vor.u32 v34, v0;
	v4 =	vsel vm0, $0x20000000, v2;
	vm0 =	vgt.f32 v3, $5.000000000e-01;
	v3 =	vld.idx.msk [tilespmem:v40+s9+$0x0], $0xffff  }
0x170: {  	v9 =	vsel vm1, $0x2, v2;
	v12 =	vor.u32 s24, v29;
	v0 =	vor.u32 v36, v0  }
0x171: {  	v40 =	vor.u32 s24, v58;
	v37 =	vsel vm0, $0x40000000, v2;
	vm0 =	vgt.f32 v7, $5.000000000e-01  }
0x172: {  	v1 =	vld.idx.msk [tilespmem:v1+s9+$0x0], $0xffff;
	v36 =	vor.u32 s24, v23;
	v38 =	vsel vm0, $0x80000000, v2;
	vm0 =	vgt.f32 v50, $5.000000000e-01  }
0x173: {  	v0 =	vor.u32 v4, v0;
	v42 =	vsel vm0, $0x1, v2;
	vm0 =	vgt.f32 v35, $5.000000000e-01  }
0x174: {  	v44 =	vsel vm0, $0x4, v2;
	vm0 =	vgt.f32 v3, $5.000000000e-01;
	v3 =	vor.u32 s24, v22  }
0x175: {  	v7 =	vld.idx.msk [tilespmem:v41+s9+$0x0], $0xffff;
	v41 =	vor.u32 s24, v25;
	v0 =	vor.u32 v37, v0;
	v8 =	vor.u32 v42, v9  }
0x176: {  	v42 =	vor.u32 s24, v26;
	v50 =	vld.idx.msk [tilespmem:v40+s9+$0x0], $0xffff;
	v46 =	vsel vm0, $0x8, v2;
	vm0 =	vgt.f32 v5, $5.000000000e-01  }
0x177: {  	v40 =	vld.idx.msk [tilespmem:v43+s9+$0x0], $0xffff;
	v37 =	vsel vm0, $0x10, v2;
	vm0 =	vgt.f32 v1, $5.000000000e-01;
	v1 =	vor.u32 s24, v24  }
0x178: {  	v34 =	vor.u32 s24, v30;
	v8 =	vor.u32 v44, v8;
	v43 =	vor.u32 s24, v28;
	v44 =	vld.idx.msk [tilespmem:v36+s9+$0x0], $0xffff  }
0x179: {  	v4 =	vor.u32 s24, v27;
	v35 =	vor.u32 v38, v0;
	v0 =	vor.u32 v46, v8;
	v3 =	vld.idx.msk [tilespmem:v3+s9+$0x0], $0xffff  }
0x17a: {  	v9 =	vld.idx.msk [tilespmem:v41+s9+$0x0], $0xffff;
	v41 =	vor.u32 s24, v62;
	v0 =	vor.u32 v37, v0;
	v38 =	vsel vm0, $0x20, v2  }
0x17b: {  	v0 =	vor.u32 v38, v0;
	v10 =	vld.idx.msk [tilespmem:v42+s9+$0x0], $0xffff;
	v42 =	vor.u32 s24, v63;
	vm0 =	vgt.f32 v50, $5.000000000e-01  }
0x17c: {  	v46 =	vsel vm0, $0x40, v2;
	vm0 =	vgt.f32 v7, $5.000000000e-01;
	v7 =	vor.u32 s24, v32;
	v1 =	vld.idx.msk [tilespmem:v1+s9+$0x0], $0xffff  }
0x17d: {  	v11 =	vld.idx.msk [tilespmem:v43+s9+$0x0], $0xffff;
	v0 =	vor.u32 v46, v0;
	v50 =	vsel vm0, $0x80, v2;
	vm0 =	vgt.f32 v40, $5.000000000e-01  }
0x17e: {  	v0 =	vor.u32 v50, v0;
	vm1 =	vgt.f32 v3, $5.000000000e-01;
	v3 =	vsel vm0, $0x100, v2  }
0x17f: {  	v40 =	vor.u32 s24, v39;
	vm0 =	vgt.f32 v44, $5.000000000e-01;
	v0 =	vor.u32 v3, v0  }
0x180: {  	v4 =	vld.idx.msk [tilespmem:v4+s9+$0x0], $0xffff;
	v3 =	vsel vm1, $0x200, v2;
	vm1 =	vgt.f32 v9, $5.000000000e-01;
	v9 =	vor.u32 s24, v48  }
0x181: {  	v6 =	vld.idx.msk [tilespmem:v6+s9+$0x0], $0xffff;
	v0 =	vor.u32 v3, v0;
	v3 =	vsel vm0, $0x400, v2;
	vm0 =	vgt.f32 v1, $5.000000000e-01  }
0x182: {  	v12 =	vld.idx.msk [tilespmem:v12+s9+$0x0], $0xffff;
	v1 =	vor.u32 s24, v59;
	v44 =	vsel vm1, $0x1000, v2;
	vm1 =	vgt.f32 v11, $5.000000000e-01  }
0x183: {  	v34 =	vld.idx.msk [tilespmem:v34+s9+$0x0], $0xffff;
	v0 =	vor.u32 v3, v0;
	v3 =	vor.u32 s24, v60;
	v43 =	vsel vm0, $0x800, v2  }
0x184: {  	v8 =	vld.idx.msk [tilespmem:v40+s9+$0x0], $0xffff;
	vm0 =	vgt.f32 v10, $5.000000000e-01;
	v10 =	vor.u32 s24, v13;
	v40 =	vsel vm1, $0x8000, v2  }
0x185: {  	v7 =	vld.idx.msk [tilespmem:v7+s9+$0x0], $0xffff;
	v0 =	vor.u32 v43, v0;
	v46 =	vsel vm0, $0x2000, v2;
	vm0 =	vgt.f32 v4, $5.000000000e-01  }
0x186: {  	s26 =	simm.s32 $0x600;
	v4 =	vor.u32 s24, v33;
	v0 =	vor.u32 v44, v0;
	v50 =	vsel vm0, $0x4000, v2  }
0x187: {  	s25 =	simm.s32 $0x400;
	vm0 =	vgt.f32 v12, $5.000000000e-01;
	v12 =	vor.u32 s26, v54;
	v0 =	vor.u32 v46, v0  }
0x188: {  	v36 =	vld.idx.msk [tilespmem:v41+s9+$0x0], $0xffff;
	v41 =	vsel vm0, $0x10000, v2;
	vm0 =	vgt.f32 v34, $5.000000000e-01;
	v46 =	vor.u32 s25, v51  }
0x189: {  	v5 =	vld.idx.msk [tilespmem:v42+s9+$0x0], $0xffff;
	v0 =	vor.u32 v50, v0;
	v42 =	vsel vm0, $0x20000, v2;
	vm0 =	vgt.f32 v6, $5.000000000e-01  }
0x18a: {  	v0 =	vor.u32 v40, v0;
	v6 =	vsel vm0, $0x40000, v2;
	vm0 =	vgt.f32 v7, $5.000000000e-01  }
0x18b: {  	v1 =	vld.idx.msk [tilespmem:v1+s9+$0x0], $0xffff;
	v7 =	vor.u32 s25, v53;
	v0 =	vor.u32 v41, v0;
	v43 =	vsel vm0, $0x80000, v2  }
0x18c: {  	v3 =	vld.idx.msk [tilespmem:v3+s9+$0x0], $0xffff;
	vm0 =	vgt.f32 v8, $5.000000000e-01;
	v41 =	vand.u32 v52, v46;
	v46 =	vor.u32 s25, v56  }
0x18d: {  	v0 =	vor.u32 v42, v0;
	v44 =	vsel vm0, $0x100000, v2;
	vm0 =	vgt.f32 v36, $5.000000000e-01  }
0x18e: {  	v50 =	vld.idx.msk [tilespmem:v10+s9+$0x0], $0xffff;
	v0 =	vor.u32 v6, v0;
	v40 =	vsel vm0, $0x200000, v2;
	vm0 =	vgt.f32 v5, $5.000000000e-01  }
0x18f: {  	v34 =	vld [tilespmem:$0x1FEB0];
	v36 =	vor.u32 s24, v47;
	v0 =	vor.u32 v43, v0;
	v42 =	vsel vm0, $0x400000, v2  }
0x190: {  	v4 =	vld.idx.msk [tilespmem:v4+s9+$0x0], $0xffff;
	v43 =	vor.u32 s25, v54;
	vm0 =	vgt.f32 v1, $5.000000000e-01;
	v0 =	vor.u32 v44, v0  }
0x191: {  	v9 =	vld.idx.msk [tilespmem:v9+s9+$0x0], $0xffff;
	v44 =	vsel vm0, $0x800000, v2;
	vm0 =	vgt.f32 v3, $5.000000000e-01;
	v0 =	vor.u32 v40, v0  }
0x192: {  	v1 =	vor.u32 s25, v55;
	v7 =	vld.idx.msk [tilespmem:v7+s9+$0x0], $0xffff;
	v3 =	vsel vm0, $0x1000000, v2;
	v0 =	vor.u32 v42, v0  }
0x193: {  	vm0 =	vgt.f32 v50, $5.000000000e-01;
	v5 =	vld.idx.msk [tilespmem:v41+s9+$0x0], $0xffff;
	v50 =	vor.u32 s25, v58;
	v0 =	vor.u32 v44, v0  }
0x194: {  	v37 =	vor.u32 s24, v34;
	v0 =	vor.u32 v3, v0;
	v3 =	vor.u32 s25, v57  }
0x195: {  	v41 =	vor.u32 s25, v19;
	v6 =	vld.idx.msk [tilespmem:v46+s9+$0x0], $0xffff;
	v8 =	vsel vm0, $0x2000000, v2;
	vm0 =	vgt.f32 v4, $5.000000000e-01  }
0x196: {  	v42 =	vor.u32 s25, v22;
	v40 =	vsel vm0, $0x4000000, v2;
	v10 =	vld.idx.msk [tilespmem:v43+s9+$0x0], $0xffff;
	v0 =	vor.u32 v8, v0  }
0x197: {  	vm0 =	vgt.f32 v9, $5.000000000e-01;
	v1 =	vld.idx.msk [tilespmem:v1+s9+$0x0], $0xffff;
	v38 =	vor.u32 v40, v0;
	v0 =	vor.u32 s25, v61  }
0x198: {  	v8 =	vor.u32 s26, v51;
	vm2 =	vgt.f32 v7, $5.000000000e-01;
	vm1 =	vgt.f32 v5, $5.000000000e-01;
	v4 =	vld.idx.msk [tilespmem:v50+s9+$0x0], $0xffff  }
0x199: {  	v5 =	vor.u32 s25, v23;
	v44 =	vsel vm2, $0x2, v2;
	v40 =	vor.u32 s25, v25;
	v3 =	vld.idx.msk [tilespmem:v3+s9+$0x0], $0xffff  }
0x19a: {  	v9 =	vld.idx.msk [tilespmem:v41+s9+$0x0], $0xffff;
	v41 =	vor.u32 s25, v26;
	v8 =	vand.u32 v14, v8;
	v43 =	vsel vm1, $0x1, v2  }
0x19b: {  	v7 =	vor.u32 v43, v44;
	v43 =	vor.u32 s25, v27;
	vm1 =	vgt.f32 v10, $5.000000000e-01  }
0x19c: {  	v46 =	vsel vm1, $0x4, v2;
	vm1 =	vgt.f32 v1, $5.000000000e-01;
	v1 =	vor.u32 s25, v24;
	v0 =	vld.idx.msk [tilespmem:v0+s9+$0x0], $0xffff  }
0x19d: {  	v7 =	vor.u32 v46, v7;
	v50 =	vsel vm1, $0x8, v2;
	vm1 =	vgt.f32 v6, $5.000000000e-01  }
0x19e: {  	v11 =	vld.idx.msk [tilespmem:v42+s9+$0x0], $0xffff;
	v7 =	vor.u32 v50, v7;
	vm2 =	vgt.f32 v3, $5.000000000e-01;
	v3 =	vsel vm1, $0x10, v2  }
0x19f: {  	v6 =	vld.idx.msk [tilespmem:v40+s9+$0x0], $0xffff;
	v40 =	vor.u32 s25, v30;
	vm1 =	vgt.f32 v4, $5.000000000e-01;
	v3 =	vor.u32 v3, v7  }
0x1a0: {  	v5 =	vld.idx.msk [tilespmem:v5+s9+$0x0], $0xffff;
	v42 =	vsel vm2, $0x20, v2;
	v44 =	vsel vm1, $0x40, v2;
	v7 =	vor.u32 s25, v29  }
0x1a1: {  	v1 =	vld.idx.msk [tilespmem:v1+s9+$0x0], $0xffff;
	vm2 =	vgt.f32 v9, $5.000000000e-01;
	v3 =	vor.u32 v42, v3;
	vm1 =	vgt.f32 v0, $5.000000000e-01  }
0x1a2: {  	v0 =	vor.u32 s25, v28;
	v50 =	vsel vm2, $0x100, v2;
	v42 =	vor.u32 s25, v31  }
0x1a3: {  	v4 =	vld.idx.msk [tilespmem:v43+s9+$0x0], $0xffff;
	v3 =	vor.u32 v44, v3;
	v46 =	vsel vm1, $0x80, v2;
	vm1 =	vgt.f32 v11, $5.000000000e-01  }
0x1a4: {  	v10 =	vld.idx.msk [tilespmem:v41+s9+$0x0], $0xffff;
	v44 =	vor.u32 s25, v39;
	v3 =	vor.u32 v46, v3;
	v41 =	vsel vm1, $0x200, v2  }
0x1a5: {  	vm1 =	vgt.f32 v5, $5.000000000e-01;
	v46 =	vor.u32 s25, v62;
	v3 =	vor.u32 v50, v3  }
0x1a6: {  	v11 =	vld.idx.msk [tilespmem:v40+s9+$0x0], $0xffff;
	v3 =	vor.u32 v41, v3;
	vm2 =	vgt.f32 v1, $5.000000000e-01;
	v1 =	vsel vm1, $0x400, v2  }
0x1a7: {  	v43 =	vor.u32 s25, v32;
	vm1 =	vgt.f32 v6, $5.000000000e-01;
	v0 =	vld.idx.msk [tilespmem:v0+s9+$0x0], $0xffff;
	v1 =	vor.u32 v1, v3  }
0x1a8: {  	v3 =	vsel vm2, $0x800, v2;
	v5 =	vld.idx.msk [tilespmem:v42+s9+$0x0], $0xffff;
	vm2 =	vgt.f32 v4, $5.000000000e-01;
	v42 =	vor.u32 s25, v60  }
0x1a9: {  	v7 =	vld.idx.msk [tilespmem:v7+s9+$0x0], $0xffff;
	v1 =	vor.u32 v3, v1;
	v3 =	vsel vm1, $0x1000, v2;
	vm1 =	vgt.f32 v10, $5.000000000e-01  }
0x1aa: {  	v6 =	vld.idx.msk [tilespmem:v44+s9+$0x0], $0xffff;
	v1 =	vor.u32 v3, v1;
	v3 =	vor.u32 s25, v63;
	v50 =	vsel vm1, $0x2000, v2  }
0x1ab: {  	v40 =	vsel vm2, $0x4000, v2;
	v10 =	vld.idx.msk [tilespmem:v46+s9+$0x0], $0xffff;
	v46 =	vor.u32 s25, v33;
	v1 =	vor.u32 v50, v1  }
0x1ac: {  	v9 =	vld.idx.msk [tilespmem:v43+s9+$0x0], $0xffff;
	v4 =	vor.u32 s25, v13;
	v1 =	vor.u32 v40, v1;
	v40 =	vor.u32 s25, v48  }
0x1ad: {  	vm2 =	vgt.f32 v11, $5.000000000e-01;
	vm1 =	vgt.f32 v0, $5.000000000e-01;
	v0 =	vor.u32 s25, v59  }
0x1ae: {  	v44 =	vsel vm2, $0x20000, v2;
	v41 =	vsel vm1, $0x8000, v2;
	vm1 =	vgt.f32 v7, $5.000000000e-01;
	v7 =	vld.idx.msk [tilespmem:v42+s9+$0x0], $0xffff  }
0x1af: {  	vm2 =	vgt.f32 v6, $5.000000000e-01;
	v1 =	vor.u32 v41, v1;
	v43 =	vsel vm1, $0x10000, v2;
	v3 =	vld.idx.msk [tilespmem:v3+s9+$0x0], $0xffff  }
0x1b0: {  	vm1 =	vgt.f32 v5, $5.000000000e-01;
	v41 =	vor.u32 s25, v34;
	v5 =	vld.idx.msk [tilespmem:v46+s9+$0x0], $0xffff;
	v46 =	vor.u32 s25, v49  }
0x1b1: {  	v1 =	vor.u32 v43, v1;
	v50 =	vsel vm1, $0x40000, v2;
	vm1 =	vgt.f32 v9, $5.000000000e-01;
	v9 =	vld.idx.msk [tilespmem:v40+s9+$0x0], $0xffff  }
0x1b2: {  	v43 =	vsel vm2, $0x100000, v2;
	v1 =	vor.u32 v44, v1;
	v42 =	vsel vm1, $0x80000, v2;
	v0 =	vld.idx.msk [tilespmem:v0+s9+$0x0], $0xffff  }
0x1b3: {  	vm1 =	vgt.f32 v10, $5.000000000e-01;
	v10 =	vor.u32 s25, v45;
	v1 =	vor.u32 v50, v1  }
0x1b4: {  	v4 =	vld.idx.msk [tilespmem:v4+s9+$0x0], $0xffff;
	v44 =	vsel vm1, $0x200000, v2;
	v50 =	vor.u32 s26, v53;
	v1 =	vor.u32 v42, v1  }
0x1b5: {  	v8 =	vld.idx.msk [tilespmem:v8+s9+$0x0], $0xffff;
	v1 =	vor.u32 v43, v1;
	vm1 =	vgt.f32 v3, $5.000000000e-01;
	v3 =	vor.u32 s25, v47  }
0x1b6: {  	v11 =	vld.idx.msk [tilespmem:v41+s9+$0x0], $0xffff;
	v41 =	vsel vm0, $0x8000000, v2;
	v43 =	vor.u32 s26, v55;
	v1 =	vor.u32 v44, v1  }
0x1b7: {  	v44 =	vor.u32 s26, v56;
	vm0 =	vgt.f32 v9, $5.000000000e-01;
	vm2 =	vgt.f32 v0, $5.000000000e-01  }
0x1b8: {  	v6 =	vld.idx.msk [tilespmem:v46+s9+$0x0], $0xffff;
	v0 =	vsel vm1, $0x400000, v2;
	vm1 =	vgt.f32 v7, $5.000000000e-01;
	v46 =	vsel vm0, $0x8000000, v2  }
0x1b9: {  	v50 =	vld.idx.msk [tilespmem:v50+s9+$0x0], $0xffff;
	v0 =	vor.u32 v0, v1;
	v1 =	vsel vm2, $0x800000, v2;
	vm2 =	vgt.f32 v4, $5.000000000e-01  }
0x1ba: {  	v0 =	vor.u32 v1, v0;
	v1 =	vld.idx.msk [tilespmem:v37+s9+$0x0], $0xffff;
	v37 =	vsel vm1, $0x1000000, v2;
	v40 =	vsel vm2, $0x2000000, v2  }
0x1bb: {  	v3 =	vld.idx.msk [tilespmem:v3+s9+$0x0], $0xffff;
	vm1 =	vgt.f32 v5, $5.000000000e-01;
	vm2 =	vgt.f32 v8, $5.000000000e-01;
	v0 =	vor.u32 v37, v0  }
0x1bc: {  	v42 =	vsel vm1, $0x4000000, v2;
	vm1 =	vgt.f32 v11, $5.000000000e-01;
	v37 =	vor.u32 v41, v38  }
0x1bd: {  	v12 =	vld.idx.msk [tilespmem:v12+s9+$0x0], $0xffff;
	v41 =	vor.u32 s26, v58;
	v8 =	vsel vm2, $0x1, v2;
	v0 =	vor.u32 v40, v0  }
0x1be: {  	v38 =	vsel vm1, $0x10000000, v2;
	v40 =	vor.u32 s26, v57;
	vm1 =	vgt.f32 v6, $5.000000000e-01  }
0x1bf: {  	v10 =	vld.idx.msk [tilespmem:v10+s9+$0x0], $0xffff;
	v0 =	vor.u32 v42, v0;
	v42 =	vor.u32 s26, v61;
	vm2 =	vgt.f32 v50, $5.000000000e-01  }
0x1c0: {  	v4 =	vld.idx.msk [tilespmem:v44+s9+$0x0], $0xffff;
	v0 =	vor.u32 v46, v0;
	v46 =	vor.u32 s26, v22;
	vm0 =	vgt.f32 v3, $5.000000000e-01  }
0x1c1: {  	v44 =	vsel vm2, $0x2, v2;
	v3 =	vsel vm0, $0x20000000, v2;
	vm0 =	vgt.f32 v1, $5.000000000e-01;
	v1 =	vld.idx.msk [tilespmem:v43+s9+$0x0], $0xffff  }
0x1c2: {  	vm2 =	vgt.f32 v12, $5.000000000e-01;
	v12 =	vor.u32 s24, v49;
	v43 =	vor.u32 s26, v19  }
0x1c3: {  	v0 =	vor.u32 v38, v0;
	v50 =	vsel vm2, $0x4, v2;
	v6 =	vld.idx.msk [tilespmem:v41+s9+$0x0], $0xffff;
	v41 =	vor.u32 s26, v24  }
0x1c4: {  	v0 =	vor.u32 v3, v0;
	v3 =	vsel vm1, $0x40000000, v2;
	vm1 =	vgt.f32 v10, $5.000000000e-01  }
0x1c5: {  	v0 =	vor.u32 v3, v0;
	v3 =	vor.u32 v8, v44;
	v44 =	vld.idx.msk [tilespmem:v46+s9+$0x0], $0xffff;
	v46 =	vor.u32 s26, v26  }
0x1c6: {  	v9 =	vld.idx.msk [tilespmem:v40+s9+$0x0], $0xffff;
	v26 =	vor.u32 s26, v29;
	vm2 =	vgt.f32 v1, $5.000000000e-01;
	v1 =	vor.u32 v50, v3  }
0x1c7: {  	v3 =	vor.u32 s26, v23;
	v5 =	vld.idx.msk [tilespmem:v43+s9+$0x0], $0xffff;
	v43 =	vor.u32 s26, v25;
	v50 =	vor.u32 s26, v27  }
0x1c8: {  	v25 =	vor.u32 s26, v28;
	v28 =	vor.u32 s26, v30;
	v30 =	vor.u32 s26, v31  }
0x1c9: {  	v40 =	vld.idx.msk [tilespmem:v42+s9+$0x0], $0xffff;
	v31 =	vor.u32 s26, v32;
	v32 =	vor.u32 s26, v39;
	v39 =	vor.u32 s26, v63  }
0x1ca: {  	v7 =	vld.idx.msk [tilespmem:v41+s9+$0x0], $0xffff;
	v41 =	vor.u32 s26, v60;
	v38 =	vsel vm2, $0x8, v2;
	vm2 =	vgt.f32 v4, $5.000000000e-01  }
0x1cb: {  	v1 =	vor.u32 v38, v1;
	v42 =	vsel vm2, $0x10, v2;
	vm2 =	vgt.f32 v9, $5.000000000e-01  }
0x1cc: {  	v38 =	vor.u32 s26, v62;
	v1 =	vor.u32 v42, v1;
	v9 =	vsel vm2, $0x20, v2  }
0x1cd: {  	vm2 =	vgt.f32 v6, $5.000000000e-01;
	v11 =	vld.idx.msk [tilespmem:v46+s9+$0x0], $0xffff;
	v42 =	vor.u32 s26, v13;
	v46 =	vor.u32 s24, v45  }
0x1ce: {  	v1 =	vor.u32 v9, v1;
	v24 =	vsel vm2, $0x40, v2;
	vm2 =	vgt.f32 v40, $5.000000000e-01;
	v3 =	vld.idx.msk [tilespmem:v3+s9+$0x0], $0xffff  }
0x1cf: {  	v40 =	vor.u32 s26, v59;
	v1 =	vor.u32 v24, v1;
	v4 =	vsel vm2, $0x80, v2;
	v10 =	vld.idx.msk [tilespmem:v43+s9+$0x0], $0xffff  }
0x1d0: {  	vm2 =	vgt.f32 v5, $5.000000000e-01;
	v6 =	vld.idx.msk [tilespmem:v50+s9+$0x0], $0xffff;
	v43 =	vor.u32 s26, v33;
	v50 =	vsel vm1, $0x80000000, v2  }
0x1d1: {  	v24 =	vor.u32 s26, v34;
	v33 =	vor.u32 s26, v45;
	v1 =	vor.u32 v4, v1  }
0x1d2: {  	v9 =	vld.idx.msk [tilespmem:v25+s9+$0x0], $0xffff;
	v27 =	vsel vm2, $0x100, v2;
	vm2 =	vgt.f32 v44, $5.000000000e-01;
	v44 =	vor.u32 s26, v48  }
0x1d3: {  	v5 =	vld.idx.msk [tilespmem:v26+s9+$0x0], $0xffff;
	v1 =	vor.u32 v27, v1;
	v29 =	vsel vm2, $0x200, v2;
	vm2 =	vgt.f32 v3, $5.000000000e-01  }
0x1d4: {  	v8 =	vld.idx.msk [tilespmem:v28+s9+$0x0], $0xffff;
	v1 =	vor.u32 v29, v1;
	v3 =	vsel vm2, $0x400, v2;
	vm2 =	vgt.f32 v7, $5.000000000e-01  }
0x1d5: {  	v25 =	vld.idx.msk [tilespmem:v36+s9+$0x0], $0xffff;
	v1 =	vor.u32 v3, v1;
	v3 =	vsel vm2, $0x800, v2;
	vm2 =	vgt.f32 v10, $5.000000000e-01  }
0x1d6: {  	v4 =	vld.idx.msk [tilespmem:v30+s9+$0x0], $0xffff;
	v1 =	vor.u32 v3, v1;
	v3 =	vsel vm2, $0x1000, v2;
	vm2 =	vgt.f32 v11, $5.000000000e-01  }
0x1d7: {  	v7 =	vld.idx.msk [tilespmem:v31+s9+$0x0], $0xffff;
	v1 =	vor.u32 v3, v1;
	v3 =	vsel vm2, $0x2000, v2;
	vm2 =	vgt.f32 v6, $5.000000000e-01  }
0x1d8: {  	v10 =	vld.idx.msk [tilespmem:v32+s9+$0x0], $0xffff;
	v1 =	vor.u32 v3, v1;
	v3 =	vsel vm2, $0x4000, v2;
	vm2 =	vgt.f32 v9, $5.000000000e-01  }
0x1d9: {  	v11 =	vld.idx.msk [tilespmem:v38+s9+$0x0], $0xffff;
	v1 =	vor.u32 v3, v1;
	v3 =	vsel vm2, $0x8000, v2;
	vm2 =	vgt.f32 v5, $5.000000000e-01  }
0x1da: {  	v27 =	vld.idx.msk [tilespmem:v12+s9+$0x0], $0xffff;
	v1 =	vor.u32 v3, v1;
	v3 =	vsel vm2, $0x10000, v2;
	vm2 =	vgt.f32 v8, $5.000000000e-01  }
0x1db: {  	v6 =	vld.idx.msk [tilespmem:v39+s9+$0x0], $0xffff;
	v1 =	vor.u32 v3, v1;
	v3 =	vsel vm2, $0x20000, v2;
	vm2 =	vgt.f32 v4, $5.000000000e-01  }
0x1dc: {  	v9 =	vld.idx.msk [tilespmem:v40+s9+$0x0], $0xffff;
	v1 =	vor.u32 v3, v1;
	v3 =	vsel vm2, $0x40000, v2;
	vm2 =	vgt.f32 v7, $5.000000000e-01  }
0x1dd: {  	v5 =	vld.idx.msk [tilespmem:v41+s9+$0x0], $0xffff;
	v1 =	vor.u32 v3, v1;
	v3 =	vsel vm2, $0x80000, v2;
	vm2 =	vgt.f32 v10, $5.000000000e-01  }
0x1de: {  	v8 =	vld.idx.msk [tilespmem:v42+s9+$0x0], $0xffff;
	v1 =	vor.u32 v3, v1;
	v3 =	vsel vm2, $0x100000, v2;
	vm2 =	vgt.f32 v11, $5.000000000e-01  }
0x1df: {  	v0 =	vor.u32 v50, v0;
	v4 =	vld.idx.msk [tilespmem:v43+s9+$0x0], $0xffff;
	v1 =	vor.u32 v3, v1;
	v3 =	vsel vm2, $0x200000, v2  }
0x1e0: {  	v30 =	vor.u32 s26, v47;
	v32 =	vor.u32 s26, v49;
	v1 =	vor.u32 v3, v1;
	v3 =	vld.idx.msk [tilespmem:v44+s9+$0x0], $0xffff  }
0x1e1: {  	v29 =	vld.idx.msk [tilespmem:v46+s9+$0x0], $0xffff;
	v43 =	vsel vm0, $0x10000000, v2;
	vm0 =	vgt.f32 v27, $5.000000000e-01;
	vm1 =	vgt.f32 v6, $5.000000000e-01  }
0x1e2: {  	v6 =	vsel vm1, $0x400000, v2;
	vm1 =	vgt.f32 v9, $5.000000000e-01;
	vm2 =	vgt.f32 v5, $5.000000000e-01  }
0x1e3: {  	v26 =	vsel vm1, $0x800000, v2;
	vm1 =	vgt.f32 v8, $5.000000000e-01;
	v28 =	vsel vm2, $0x1000000, v2  }
0x1e4: {  	v31 =	vsel vm1, $0x2000000, v2;
	vm1 =	vgt.f32 v4, $5.000000000e-01;
	v1 =	vor.u32 v6, v1  }
0x1e5: {  	v42 =	vsel vm1, $0x4000000, v2;
	vm1 =	vgt.f32 v25, $5.000000000e-01;
	vm2 =	vgt.f32 v3, $5.000000000e-01;
	v3 =	vld.idx.msk [tilespmem:v24+s9+$0x0], $0xffff  }
0x1e6: {  	s28 =	simm.s32 $0x0;
	v1 =	vor.u32 v26, v1;
	v44 =	vsel vm1, $0x20000000, v2;
	vm1 =	vgt.f32 v29, $5.000000000e-01  }
0x1e7: {  	s18 =	simm.s32 $0x20;
	s30 =	sand.u32 $0xE0, s28;
	v6 =	vor.u32 v43, v37;
	v1 =	vor.u32 v28, v1;
	v50 =	vsel vm1, $0x80000000, v2  }
0x1e8: {  	s29 =	simm.s32 $0x10;
	s31 =	sand.u32 $0xE0, s18;
	[tilespmem:s30+$0x4100] =	vst v35;
	v35 =	vld.idx.msk [tilespmem:v33+s9+$0x0], $0xffff;
	v45 =	vsel vm0, $0x40000000, v2;
	v6 =	vor.u32 v44, v6;
	v1 =	vor.u32 v31, v1  }
0x1e9: {  	s15 =	sand.u32 $0xF0, s29;
	s16 =	simm.s32 $0x30;
	[tilespmem:s31+$0x4100] =	vst v0;
	v39 =	vld.idx.msk [tilespmem:v30+s9+$0x0], $0xffff;
	v47 =	vor.u32 v45, v6;
	v1 =	vor.u32 v42, v1;
	v46 =	vsel vm2, $0x8000000, v2  }
0x1ea: {  	s18 =	simm.s32 $0xA00;
	s19 =	sand.u32 $0xF0, s16;
	s17 =	simm.s32 $0x2;
	v41 =	vld.idx.msk [tilespmem:v32+s9+$0x0], $0xffff;
	v37 =	vor.u32 v50, v47;
	v50 =	vmovc v14;
	v36 =	vor.u32 v46, v1;
	vm0 =	vgt.f32 v3, $5.000000000e-01  }
.LBB2_4:
0x1eb: {  	v5 =	vld [tilespmem:$0x1FEE0]  }
0x1ec: {  	v6 =	vld [tilespmem:$0x1FEC0]  }
0x1ed: {  	v19 =	vld [tilespmem:$0x1FF00]  }
0x1ee: {  	v20 =	vld [tilespmem:$0x1FFE0]  }
0x1ef: {  	v22 =	vld [tilespmem:$0x1FF10]  }
0x1f0: {  	v33 =	vld [tilespmem:$0x1FFC0]  }
0x1f1: {  	v13 =	vld [tilespmem:$0x1FEF0]  }
0x1f2: {  	v23 =	vld [tilespmem:$0x1FF20]  }
0x1f3: {  	v31 =	vld [tilespmem:$0x1FFA0]  }
0x1f4: {  	s20 =	sadd.s32 $0xFFFFFE00, s18;
	v32 =	vld [tilespmem:$0x1FFB0];
	v1 =	vor.u32 s18, v53  }
0x1f5: {  	v24 =	vld [tilespmem:$0x1FF30];
	v4 =	vor.u32 s20, v53  }
0x1f6: {  	v29 =	vld [tilespmem:$0x1FF80];
	v25 =	vor.u32 s20, v55  }
0x1f7: {  	v30 =	vld [tilespmem:$0x1FF90];
	v26 =	vor.u32 s20, v56  }
0x1f8: {  	[tilespmem:s15+$0x4100] =	vst v37;
	v28 =	vld [tilespmem:$0x1FF70];
	v27 =	vor.u32 s20, v57  }
0x1f9: {  	v37 =	vmov v39;
	v39 =	vld.idx.msk [tilespmem:v1+s9+$0x0], $0xffff  }
0x1fa: {  	v46 =	vor.u32 s20, v49;
	v49 =	vor.u32 s20, v48;
	v1 =	vld.idx.msk [tilespmem:v4+s9+$0x0], $0xffff  }
0x1fb: {  	v0 =	vor.u32 s18, v51;
	v3 =	vor.u32 s20, v51;
	v45 =	vor.u32 s20, v5;
	v5 =	vld.idx.msk [tilespmem:v25+s9+$0x0], $0xffff  }
0x1fc: {  	v44 =	vand.u32 v50, v0;
	v0 =	vand.u32 v52, v3;
	v47 =	vor.u32 s20, v6;
	v6 =	vld.idx.msk [tilespmem:v26+s9+$0x0], $0xffff  }
0x1fd: {  	v48 =	vor.u32 s20, v34;
	v8 =	vor.u32 s20, v58;
	v3 =	vor.u32 s20, v54;
	v4 =	vld.idx.msk [tilespmem:v27+s9+$0x0], $0xffff  }
0x1fe: {  	v9 =	vor.u32 s20, v59;
	v10 =	vor.u32 s20, v60;
	v11 =	vor.u32 s20, v61;
	v25 =	vld [tilespmem:$0x1FF40]  }
0x1ff: {  	v12 =	vor.u32 s20, v62;
	v34 =	vor.u32 s20, v63;
	v40 =	vor.u32 s18, v54;
	v27 =	vld [tilespmem:$0x1FF60]  }
0x200: {  	v38 =	vmovc v41;
	v43 =	vor.u32 s18, v55;
	v42 =	vor.u32 s18, v56;
	v41 =	vor.u32 s18, v57;
	v26 =	vld [tilespmem:$0x1FF50]  }
0x201: {  	v14 =	vmovc v50;
	v7 =	vor.u32 s20, v19;
	v50 =	vor.u32 s20, v20;
	v51 =	vor.u32 s20, v22;
	v0 =	vld.idx.msk [tilespmem:v0+s9+$0x0], $0xffff  }
0x202: {  	v52 =	vor.u32 s20, v33;
	v53 =	vor.u32 s20, v13;
	v54 =	vor.u32 s20, v23;
	v3 =	vld.idx.msk [tilespmem:v3+s9+$0x0], $0xffff  }
0x203: {  	v55 =	vor.u32 s20, v31;
	v56 =	vor.u32 s20, v32;
	v57 =	vor.u32 s20, v24  }
0x204: {  	v58 =	vor.u32 s20, v29;
	v59 =	vor.u32 s20, v30;
	v62 =	vor.u32 s20, v28  }
0x205: {  	v60 =	vor.u32 s20, v25;
	v61 =	vor.u32 s20, v27;
	vm2 =	vgt.f32 v1, $5.000000000e-01  }
0x206: {  	v8 =	vld.idx.msk [tilespmem:v8+s9+$0x0], $0xffff;
	v1 =	vor.u32 s20, v26;
	vm1 =	vgt.f32 v0, $5.000000000e-01;
	v63 =	vsel vm2, $0x2, v2  }
0x207: {  	v0 =	vld.idx.msk [tilespmem:v11+s9+$0x0], $0xffff;
	vm2 =	vgt.f32 v39, $5.000000000e-01;
	v11 =	vsel vm1, $0x1, v2;
	vm1 =	vgt.f32 v3, $5.000000000e-01  }
0x208: {  	v3 =	vld.idx.msk [tilespmem:v51+s9+$0x0], $0xffff;
	v11 =	vor.u32 v11, v63;
	v51 =	vsel vm1, $0x4, v2;
	vm1 =	vgt.f32 v5, $5.000000000e-01  }
0x209: {  	v5 =	vld.idx.msk [tilespmem:v54+s9+$0x0], $0xffff;
	v11 =	vor.u32 v51, v11;
	v51 =	vsel vm1, $0x8, v2;
	vm1 =	vgt.f32 v6, $5.000000000e-01  }
0x20a: {  	v6 =	vld.idx.msk [tilespmem:v57+s9+$0x0], $0xffff;
	v11 =	vor.u32 v51, v11;
	v51 =	vsel vm1, $0x10, v2;
	vm1 =	vgt.f32 v4, $5.000000000e-01  }
0x20b: {  	v4 =	vld.idx.msk [tilespmem:v60+s9+$0x0], $0xffff;
	v11 =	vor.u32 v51, v11;
	v51 =	vsel vm1, $0x20, v2;
	vm1 =	vgt.f32 v8, $5.000000000e-01  }
0x20c: {  	v1 =	vld.idx.msk [tilespmem:v1+s9+$0x0], $0xffff;
	v8 =	vor.u32 v51, v11;
	v11 =	vsel vm1, $0x40, v2;
	vm1 =	vgt.f32 v0, $5.000000000e-01  }
0x20d: {  	v0 =	vld.idx.msk [tilespmem:v61+s9+$0x0], $0xffff;
	v8 =	vor.u32 v11, v8;
	v11 =	vsel vm1, $0x80, v2;
	vm1 =	vgt.f32 v3, $5.000000000e-01  }
0x20e: {  	v3 =	vld.idx.msk [tilespmem:v62+s9+$0x0], $0xffff;
	v8 =	vor.u32 v11, v8;
	v11 =	vsel vm1, $0x100, v2;
	vm1 =	vgt.f32 v5, $5.000000000e-01  }
0x20f: {  	v5 =	vld.idx.msk [tilespmem:v58+s9+$0x0], $0xffff;
	v8 =	vor.u32 v11, v8;
	v11 =	vsel vm1, $0x200, v2;
	vm1 =	vgt.f32 v6, $5.000000000e-01  }
0x210: {  	v6 =	vld.idx.msk [tilespmem:v59+s9+$0x0], $0xffff;
	v8 =	vor.u32 v11, v8;
	v11 =	vsel vm1, $0x400, v2;
	vm1 =	vgt.f32 v4, $5.000000000e-01  }
0x211: {  	v4 =	vld.idx.msk [tilespmem:v55+s9+$0x0], $0xffff;
	v8 =	vor.u32 v11, v8;
	v11 =	vsel vm1, $0x800, v2;
	vm1 =	vgt.f32 v1, $5.000000000e-01  }
0x212: {  	v1 =	vld.idx.msk [tilespmem:v56+s9+$0x0], $0xffff;
	v8 =	vor.u32 v11, v8;
	v11 =	vsel vm1, $0x1000, v2;
	vm1 =	vgt.f32 v0, $5.000000000e-01  }
0x213: {  	v0 =	vld.idx.msk [tilespmem:v52+s9+$0x0], $0xffff;
	v8 =	vor.u32 v11, v8;
	v11 =	vsel vm1, $0x2000, v2;
	vm1 =	vgt.f32 v3, $5.000000000e-01  }
0x214: {  	v3 =	vld.idx.msk [tilespmem:v53+s9+$0x0], $0xffff;
	v8 =	vor.u32 v11, v8;
	v11 =	vsel vm1, $0x4000, v2;
	vm1 =	vgt.f32 v5, $5.000000000e-01  }
0x215: {  	v5 =	vld.idx.msk [tilespmem:v12+s9+$0x0], $0xffff;
	v8 =	vor.u32 v11, v8;
	v11 =	vsel vm1, $0x8000, v2;
	vm1 =	vgt.f32 v6, $5.000000000e-01  }
0x216: {  	v6 =	vld.idx.msk [tilespmem:v34+s9+$0x0], $0xffff;
	v8 =	vor.u32 v11, v8;
	v34 =	vsel vm1, $0x10000, v2;
	vm1 =	vgt.f32 v4, $5.000000000e-01  }
0x217: {  	v4 =	vld.idx.msk [tilespmem:v9+s9+$0x0], $0xffff;
	v8 =	vor.u32 v34, v8;
	v34 =	vsel vm1, $0x20000, v2;
	vm1 =	vgt.f32 v1, $5.000000000e-01  }
0x218: {  	v1 =	vld.idx.msk [tilespmem:v10+s9+$0x0], $0xffff;
	v8 =	vor.u32 v34, v8;
	v34 =	vsel vm1, $0x40000, v2;
	vm1 =	vgt.f32 v0, $5.000000000e-01  }
0x219: {  	v0 =	vld.idx.msk [tilespmem:v7+s9+$0x0], $0xffff;
	v7 =	vor.u32 v34, v8;
	v34 =	vsel vm1, $0x80000, v2;
	vm1 =	vgt.f32 v3, $5.000000000e-01  }
0x21a: {  	v3 =	vld.idx.msk [tilespmem:v50+s9+$0x0], $0xffff;
	v7 =	vor.u32 v34, v7;
	v34 =	vsel vm1, $0x100000, v2;
	vm1 =	vgt.f32 v5, $5.000000000e-01  }
0x21b: {  	v5 =	vld.idx.msk [tilespmem:v49+s9+$0x0], $0xffff;
	v7 =	vor.u32 v34, v7;
	v34 =	vsel vm1, $0x200000, v2;
	vm1 =	vgt.f32 v6, $5.000000000e-01  }
0x21c: {  	v6 =	vld.idx.msk [tilespmem:v48+s9+$0x0], $0xffff;
	v7 =	vor.u32 v34, v7;
	v34 =	vsel vm1, $0x400000, v2;
	vm1 =	vgt.f32 v4, $5.000000000e-01  }
0x21d: {  	v58 =	vld [tilespmem:$0x1FFF0];
	v7 =	vor.u32 v34, v7;
	v34 =	vsel vm1, $0x800000, v2;
	vm1 =	vgt.f32 v1, $5.000000000e-01  }
0x21e: {  	v4 =	vld.idx.msk [tilespmem:v47+s9+$0x0], $0xffff;
	v7 =	vor.u32 v34, v7;
	v34 =	vsel vm1, $0x1000000, v2;
	vm1 =	vgt.f32 v0, $5.000000000e-01  }
0x21f: {  	v1 =	vld.idx.msk [tilespmem:v46+s9+$0x0], $0xffff;
	v7 =	vor.u32 v34, v7;
	v34 =	vsel vm1, $0x2000000, v2;
	vm1 =	vgt.f32 v3, $5.000000000e-01  }
0x220: {  	v0 =	vld.idx.msk [tilespmem:v45+s9+$0x0], $0xffff;
	v7 =	vor.u32 v34, v7;
	v46 =	vsel vm1, $0x4000000, v2;
	vm1 =	vgt.f32 v5, $5.000000000e-01  }
0x221: {  	v3 =	vld.idx.msk [tilespmem:v44+s9+$0x0], $0xffff;
	v7 =	vor.u32 v46, v7;
	v34 =	vsel vm1, $0x8000000, v2;
	vm1 =	vgt.f32 v6, $5.000000000e-01  }
0x222: {  	v39 =	vor.u32 s18, v21;
	v5 =	vld.idx.msk [tilespmem:v40+s9+$0x0], $0xffff;
	v7 =	vor.u32 v34, v7;
	v40 =	vsel vm1, $0x10000000, v2  }
0x223: {  	v42 =	vld.idx.msk [tilespmem:v42+s9+$0x0], $0xffff;
	v12 =	vor.u32 s18, v30;
	vm1 =	vgt.f32 v4, $5.000000000e-01;
	v7 =	vor.u32 v40, v7  }
0x224: {  	v6 =	vld.idx.msk [tilespmem:v43+s9+$0x0], $0xffff;
	v43 =	vsel vm1, $0x20000000, v2;
	vm1 =	vgt.f32 v1, $5.000000000e-01;
	v40 =	vor.u32 s18, v23  }
0x225: {  	s16 =	sadd.s32 $0x20, s16;
	v49 =	vld [tilespmem:$0x1FED0];
	v7 =	vor.u32 v43, v7;
	v44 =	vsel vm1, $0x40000000, v2;
	vm1 =	vgt.f32 v0, $5.000000000e-01  }
0x226: {  	s31 =	sadd.s32 $0xFFFFFFF0, s16;
	v48 =	vld [tilespmem:$0x1FEA0];
	v34 =	vor.u32 s18, v58;
	v0 =	vor.u32 v44, v7;
	v46 =	vsel vm1, $0x80000000, v2  }
0x227: {  	s20 =	sand.u32 $0xE0, s31;
	v9 =	vor.u32 s18, v17;
	v47 =	vld [tilespmem:$0x1FEC0];
	vm1 =	vgt.f32 v3, $5.000000000e-01;
	v0 =	vor.u32 v46, v0  }
0x228: {  	v1 =	vld.idx.msk [tilespmem:v41+s9+$0x0], $0xffff;
	v3 =	vsel vm2, $0x2, v2;
	v44 =	vor.u32 s18, v24;
	[tilespmem:s20+$0x4100] =	vst v0;
	v0 =	vsel vm1, $0x1, v2  }
0x229: {  	v45 =	vld [tilespmem:$0x1FEE0];
	vm1 =	vgt.f32 v5, $5.000000000e-01;
	v0 =	vor.u32 v0, v3;
	v3 =	vor.u32 s18, v22  }
0x22a: {  	v46 =	vor.u32 s18, v25;
	v5 =	vsel vm1, $0x4, v2;
	vm1 =	vgt.f32 v6, $5.000000000e-01;
	v6 =	vld.idx.msk [tilespmem:v40+s9+$0x0], $0xffff  }
0x22b: {  	v25 =	vor.u32 s18, v26;
	v41 =	vsel vm1, $0x8, v2;
	vm1 =	vgt.f32 v42, $5.000000000e-01;
	v42 =	vld.idx.msk [tilespmem:v34+s9+$0x0], $0xffff  }
0x22c: {  	v26 =	vor.u32 s18, v27;
	v27 =	vor.u32 s18, v28;
	v28 =	vor.u32 s18, v29;
	v34 =	vld [tilespmem:$0x1FEB0]  }
0x22d: {  	v10 =	vor.u32 s18, v18;
	v43 =	vsel vm1, $0x10, v2;
	vm1 =	vgt.f32 v1, $5.000000000e-01;
	v1 =	vld.idx.msk [tilespmem:v39+s9+$0x0], $0xffff  }
0x22e: {  	v29 =	vor.u32 s18, v31;
	v31 =	vor.u32 s18, v33;
	v0 =	vor.u32 v5, v0;
	v3 =	vld.idx.msk [tilespmem:v3+s9+$0x0], $0xffff  }
0x22f: {  	v40 =	vor.u32 s18, v13;
	v0 =	vor.u32 v41, v0;
	v39 =	vor.u32 s18, v32;
	v30 =	vld.idx.msk [tilespmem:v44+s9+$0x0], $0xffff  }
0x230: {  	v0 =	vor.u32 v43, v0;
	v24 =	vsel vm1, $0x20, v2;
	v5 =	vld.idx.msk [tilespmem:v46+s9+$0x0], $0xffff;
	v43 =	vor.u32 s18, v16  }
0x231: {  	v11 =	vld.idx.msk [tilespmem:v28+s9+$0x0], $0xffff;
	v28 =	vor.u32 s18, v20;
	v0 =	vor.u32 v24, v0;
	vm1 =	vgt.f32 v42, $5.000000000e-01  }
0x232: {  	v42 =	vor.u32 s18, v15;
	v33 =	vsel vm1, $0x40, v2;
	vm1 =	vgt.f32 v1, $5.000000000e-01;
	v1 =	vld.idx.msk [tilespmem:v25+s9+$0x0], $0xffff  }
0x233: {  	v0 =	vor.u32 v33, v0;
	v44 =	vsel vm1, $0x80, v2;
	vm1 =	vgt.f32 v3, $5.000000000e-01;
	v3 =	vld.idx.msk [tilespmem:v26+s9+$0x0], $0xffff  }
0x234: {  	v24 =	vld.idx.msk [tilespmem:v27+s9+$0x0], $0xffff;
	v0 =	vor.u32 v44, v0;
	v46 =	vsel vm1, $0x100, v2;
	vm1 =	vgt.f32 v6, $5.000000000e-01  }
0x235: {  	v29 =	vld.idx.msk [tilespmem:v29+s9+$0x0], $0xffff;
	v0 =	vor.u32 v46, v0;
	v25 =	vsel vm1, $0x200, v2;
	vm1 =	vgt.f32 v30, $5.000000000e-01  }
0x236: {  	v27 =	vld.idx.msk [tilespmem:v12+s9+$0x0], $0xffff;
	v0 =	vor.u32 v25, v0;
	v12 =	vsel vm1, $0x400, v2;
	vm1 =	vgt.f32 v5, $5.000000000e-01  }
0x237: {  	v32 =	vld.idx.msk [tilespmem:v40+s9+$0x0], $0xffff;
	v0 =	vor.u32 v12, v0;
	v12 =	vsel vm1, $0x800, v2;
	vm1 =	vgt.f32 v1, $5.000000000e-01  }
0x238: {  	v1 =	vld.idx.msk [tilespmem:v39+s9+$0x0], $0xffff;
	v0 =	vor.u32 v12, v0;
	v12 =	vsel vm1, $0x1000, v2;
	vm1 =	vgt.f32 v3, $5.000000000e-01  }
0x239: {  	v26 =	vor.u32 s18, v19;
	v3 =	vld.idx.msk [tilespmem:v31+s9+$0x0], $0xffff;
	v31 =	vsel vm1, $0x2000, v2;
	vm1 =	vgt.f32 v24, $5.000000000e-01  }
0x23a: {  	v44 =	vld.idx.msk [tilespmem:v9+s9+$0x0], $0xffff;
	v30 =	vor.u32 s18, v48;
	v33 =	vsel vm1, $0x4000, v2;
	vm1 =	vgt.f32 v11, $5.000000000e-01  }
0x23b: {  	v39 =	vld.idx.msk [tilespmem:v42+s9+$0x0], $0xffff;
	v0 =	vor.u32 v12, v0;
	v40 =	vsel vm1, $0x8000, v2;
	vm1 =	vgt.f32 v27, $5.000000000e-01  }
0x23c: {  	v42 =	vld.idx.msk [tilespmem:v43+s9+$0x0], $0xffff;
	v0 =	vor.u32 v31, v0;
	v43 =	vsel vm1, $0x10000, v2;
	vm1 =	vgt.f32 v29, $5.000000000e-01  }
0x23d: {  	v0 =	vor.u32 v33, v0;
	v46 =	vsel vm1, $0x20000, v2;
	vm1 =	vgt.f32 v1, $5.000000000e-01;
	v1 =	vld.idx.msk [tilespmem:v10+s9+$0x0], $0xffff  }
0x23e: {  	v0 =	vor.u32 v40, v0;
	v24 =	vsel vm1, $0x40000, v2;
	vm1 =	vgt.f32 v3, $5.000000000e-01;
	v3 =	vld.idx.msk [tilespmem:v26+s9+$0x0], $0xffff  }
0x23f: {  	v31 =	vor.u32 s18, v47;
	v0 =	vor.u32 v43, v0;
	v26 =	vld.idx.msk [tilespmem:v28+s9+$0x0], $0xffff  }
0x240: {  	v33 =	vor.u32 s18, v45;
	v0 =	vor.u32 v46, v0;
	v28 =	vld.idx.msk [tilespmem:v30+s9+$0x0], $0xffff;
	v30 =	vor.u32 s18, v34  }
0x241: {  	v0 =	vor.u32 v24, v0;
	v25 =	vsel vm1, $0x80000, v2;
	vm1 =	vgt.f32 v32, $5.000000000e-01  }
0x242: {  	v0 =	vor.u32 v25, v0;
	v27 =	vsel vm1, $0x100000, v2;
	vm1 =	vgt.f32 v39, $5.000000000e-01  }
0x243: {  	v0 =	vor.u32 v27, v0;
	v29 =	vsel vm1, $0x200000, v2;
	vm1 =	vgt.f32 v42, $5.000000000e-01  }
0x244: {  	v54 =	vld [tilespmem:$0x1FE60];
	v0 =	vor.u32 v29, v0;
	v4 =	vsel vm1, $0x400000, v2;
	vm1 =	vgt.f32 v44, $5.000000000e-01  }
0x245: {  	v57 =	vld [tilespmem:$0x1FE90];
	v5 =	vsel vm1, $0x800000, v2;
	vm1 =	vgt.f32 v1, $5.000000000e-01;
	v1 =	vor.u32 s18, v49  }
0x246: {  	v51 =	vld [tilespmem:$0x1FE40];
	v46 =	vsel vm0, $0x10000000, v2;
	vm0 =	vgt.f32 v37, $5.000000000e-01;
	v0 =	vor.u32 v4, v0  }
0x247: {  	v55 =	vld [tilespmem:$0x1FE70];
	v0 =	vor.u32 v5, v0;
	v32 =	vsel vm1, $0x1000000, v2;
	vm1 =	vgt.f32 v3, $5.000000000e-01  }
0x248: {  	s17 =	sadd.s32 $0x2, s17;
	v56 =	vld [tilespmem:$0x1FE80];
	v0 =	vor.u32 v32, v0;
	v3 =	vsel vm1, $0x2000000, v2;
	vm1 =	vgt.f32 v26, $5.000000000e-01  }
0x249: {  	p0 =	slt.u32 s17, $0xE;
	vm2 =	vgt.f32 v28, $5.000000000e-01;
	v0 =	vor.u32 v3, v0;
	v3 =	vld.idx.msk [tilespmem:v30+s9+$0x0], $0xffff;
	v6 =	vsel vm1, $0x4000000, v2  }
.Ltmp1:
0x24a: {  	v44 =	vsel vm2, $0x8000000, v2;
	v0 =	vor.u32 v6, v0;
	v41 =	vld.idx.msk [tilespmem:v1+s9+$0x0], $0xffff;
	v1 =	vor.u32 v46, v36;
	(pc) =	sbr.rel @p0 .LBB2_4-.Ltmp1, $4  }
0x24b: {  	v52 =	vld [tilespmem:$0x1FFD0];
	v36 =	vor.u32 v44, v0;
	v0 =	vsel vm0, $0x20000000, v2;
	vm0 =	vgt.f32 v38, $5.000000000e-01  }
0x24c: {  	v53 =	vld [tilespmem:$0x1FE50];
	v0 =	vor.u32 v0, v1;
	v1 =	vsel vm0, $0x40000000, v2;
	vm0 =	vgt.f32 v35, $5.000000000e-01  }
0x24d: {  	v63 =	vmovc v16;
	v60 =	vmovc v18;
	v61 =	vmov v21;
	v39 =	vld.idx.msk [tilespmem:v31+s9+$0x0], $0xffff;
	v0 =	vor.u32 v1, v0;
	v1 =	vsel vm0, $0x80000000, v2  }
0x24e: {  	s15 =	smov.u32 s19;
	s19 =	sand.u32 $0xF0, s16;
	v62 =	vmovc v15;
	v59 =	vmovc v17;
	v50 =	vmov v14;
	s18 =	sadd.s32 $0x400, s18;
	v35 =	vld.idx.msk [tilespmem:v33+s9+$0x0], $0xffff;
	vm0 =	vgt.f32 v3, $5.000000000e-01;
	v37 =	vor.u32 v1, v0  }
0x24f: {  	_ =	sdelay $0x2  }
0x250: {  	v0 =	vsel vm0, $0x10000000, v2;
	vm0 =	vgt.f32 v39, $5.000000000e-01  }
0x251: {  	v0 =	vor.u32 v0, v36;
	v1 =	vsel vm0, $0x20000000, v2;
	vm0 =	vgt.f32 v41, $5.000000000e-01  }
0x252: {  	v0 =	vor.u32 v1, v0;
	v1 =	vsel vm0, $0x40000000, v2;
	vm0 =	vgt.f32 v35, $5.000000000e-01  }
0x253: {  	v0 =	vor.u32 v1, v0;
	v1 =	vsel vm0, $0x80000000, v2  }
0x254: {  	[tilespmem:s15+$0x4100] =	vst v37;
	v0 =	vor.u32 v1, v0  }
0x255: {  	[tilespmem:s19+$0x4100] =	vst v0  }
0x256: {  	[tilespmem:s9], [sflag:$0x2] =	stream.linear.gather [hbm4b:s6+s2], $0x2000, $0x38;
	[tilespmem:$0x4400] =	vst v63  }
0x257: {  	_ =	swait.ge [sflag:s10], $0x2000  }
0x258: {  	v19 =	vld [tilespmem:$0x1FF10]  }
0x259: {  	v22 =	vld [tilespmem:$0x1FF20]  }
0x25a: {  	v23 =	vld [tilespmem:$0x1FF30]  }
0x25b: {  	v24 =	vld [tilespmem:$0x1FF40]  }
0x25c: {  	s16 =	simm.s32 $0x0;
	v25 =	vld [tilespmem:$0x1FF50]  }
0x25d: {  	v1 =	vor.u32 s16, v53;
	v0 =	vor.u32 s16, v51;
	v26 =	vld [tilespmem:$0x1FF60]  }
0x25e: {  	v0 =	vand.u32 v52, v0;
	v27 =	vld [tilespmem:$0x1FF70]  }
0x25f: {  	v4 =	vor.u32 s16, v55;
	v28 =	vld [tilespmem:$0x1FF80]  }
0x260: {  	v3 =	vor.u32 s16, v54;
	[sflag:s10] =	ssyncset.done $0x0;
	v29 =	vld [tilespmem:$0x1FF90]  }
0x261: {  	v5 =	vor.u32 s16, v56;
	v30 =	vld [tilespmem:$0x1FFA0];
	[sflag:s10] =	ssyncadd.s32 $0xFFFFE000  }
0x262: {  	v8 =	vor.u32 s16, v58;
	v1 =	vld.idx.msk [tilespmem:v1+s2+$0x0], $0xffff  }
0x263: {  	v9 =	vor.u32 s16, v61;
	v0 =	vld.idx.msk [tilespmem:v0+s2+$0x0], $0xffff  }
0x264: {  	s25 =	simm.s32 $0x200;
	v6 =	vor.u32 s16, v57;
	v4 =	vld.idx.msk [tilespmem:v4+s2+$0x0], $0xffff  }
0x265: {  	v7 =	vor.u32 s25, v51;
	v10 =	vor.u32 s16, v48;
	v3 =	vld.idx.msk [tilespmem:v3+s2+$0x0], $0xffff;
	v11 =	vor.u32 s16, v19  }
0x266: {  	v36 =	vor.u32 s25, v53;
	v37 =	vand.u32 v50, v7;
	v5 =	vld.idx.msk [tilespmem:v5+s2+$0x0], $0xffff;
	v38 =	vor.u32 s16, v25  }
0x267: {  	v7 =	vor.u32 s16, v45;
	v35 =	vor.u32 s25, v54;
	v8 =	vld.idx.msk [tilespmem:v8+s2+$0x0], $0xffff;
	v40 =	vor.u32 s16, v27  }
0x268: {  	v9 =	vld.idx.msk [tilespmem:v9+s2+$0x0], $0xffff;
	vm1 =	vgt.f32 v1, $5.000000000e-01;
	vm0 =	vgt.f32 v0, $5.000000000e-01;
	v0 =	vor.u32 s16, v22  }
0x269: {  	v43 =	vor.u32 s16, v28;
	v1 =	vld.idx.msk [tilespmem:v6+s2+$0x0], $0xffff;
	v12 =	vsel vm1, $0x2, v2;
	vm1 =	vgt.f32 v4, $5.000000000e-01  }
0x26a: {  	v31 =	vsel vm0, $0x1, v2;
	vm0 =	vgt.f32 v3, $5.000000000e-01;
	v3 =	vor.u32 s16, v23;
	v11 =	vld.idx.msk [tilespmem:v11+s2+$0x0], $0xffff  }
0x26b: {  	v6 =	vor.u32 v31, v12;
	v32 =	vsel vm0, $0x4, v2;
	vm0 =	vgt.f32 v5, $5.000000000e-01;
	v5 =	vld.idx.msk [tilespmem:v38+s2+$0x0], $0xffff  }
0x26c: {  	v33 =	vsel vm1, $0x8, v2;
	v12 =	vor.u32 s16, v24;
	v31 =	vld [tilespmem:$0x1FFB0];
	v4 =	vor.u32 v32, v6  }
0x26d: {  	vm1 =	vgt.f32 v8, $5.000000000e-01;
	v39 =	vsel vm0, $0x10, v2;
	v4 =	vor.u32 v33, v4;
	v0 =	vld.idx.msk [tilespmem:v0+s2+$0x0], $0xffff  }
0x26e: {  	vm0 =	vgt.f32 v1, $5.000000000e-01;
	v1 =	vor.u32 s16, v26;
	v4 =	vor.u32 v39, v4;
	v39 =	vld [tilespmem:$0x1FEF0]  }
0x26f: {  	v46 =	vor.u32 s16, v29;
	v42 =	vsel vm1, $0x40, v2;
	v41 =	vsel vm0, $0x20, v2;
	v3 =	vld.idx.msk [tilespmem:v3+s2+$0x0], $0xffff  }
0x270: {  	v38 =	vor.u32 s16, v59;
	v32 =	vld [tilespmem:$0x1FFC0];
	vm0 =	vgt.f32 v9, $5.000000000e-01;
	v4 =	vor.u32 v41, v4  }
0x271: {  	v44 =	vsel vm0, $0x80, v2;
	v12 =	vld.idx.msk [tilespmem:v12+s2+$0x0], $0xffff;
	v4 =	vor.u32 v42, v4;
	vm0 =	vgt.f32 v11, $5.000000000e-01  }
0x272: {  	v9 =	vld.idx.msk [tilespmem:v43+s2+$0x0], $0xffff;
	v4 =	vor.u32 v44, v4;
	vm1 =	vgt.f32 v0, $5.000000000e-01;
	v0 =	vsel vm0, $0x100, v2  }
0x273: {  	v8 =	vor.u32 s16, v30;
	v1 =	vld.idx.msk [tilespmem:v1+s2+$0x0], $0xffff;
	v43 =	vor.u32 s16, v39;
	v0 =	vor.u32 v0, v4  }
0x274: {  	v6 =	vld.idx.msk [tilespmem:v40+s2+$0x0], $0xffff;
	v41 =	vsel vm1, $0x200, v2;
	vm0 =	vgt.f32 v3, $5.000000000e-01;
	v3 =	vor.u32 s16, v31  }
0x275: {  	vm1 =	vgt.f32 v5, $5.000000000e-01;
	v5 =	vld.idx.msk [tilespmem:v38+s2+$0x0], $0xffff;
	v38 =	vor.u32 s16, v47;
	v0 =	vor.u32 v41, v0  }
0x276: {  	v13 =	vld [tilespmem:$0x1FF00];
	v42 =	vsel vm0, $0x400, v2;
	vm0 =	vgt.f32 v12, $5.000000000e-01;
	v12 =	vor.u32 s16, v32  }
0x277: {  	v11 =	vld.idx.msk [tilespmem:v46+s2+$0x0], $0xffff;
	v46 =	vsel vm1, $0x1000, v2;
	v0 =	vor.u32 v42, v0;
	v44 =	vsel vm0, $0x800, v2  }
0x278: {  	v8 =	vld.idx.msk [tilespmem:v8+s2+$0x0], $0xffff;
	v0 =	vor.u32 v44, v0;
	vm0 =	vgt.f32 v1, $5.000000000e-01;
	v1 =	vor.u32 s16, v62  }
0x279: {  	v42 =	vor.u32 s16, v60;
	v0 =	vor.u32 v46, v0;
	v33 =	vsel vm0, $0x2000, v2;
	v3 =	vld.idx.msk [tilespmem:v3+s2+$0x0], $0xffff  }
0x27a: {  	vm0 =	vgt.f32 v6, $5.000000000e-01;
	v6 =	vor.u32 s16, v63;
	v0 =	vor.u32 v33, v0;
	v33 =	vld [tilespmem:$0x1FFE0]  }
0x27b: {  	vm1 =	vgt.f32 v9, $5.000000000e-01;
	v44 =	vor.u32 s16, v13;
	v40 =	vsel vm0, $0x4000, v2;
	v12 =	vld.idx.msk [tilespmem:v12+s2+$0x0], $0xffff  }
0x27c: {  	v41 =	vsel vm1, $0x8000, v2;
	v4 =	vld.idx.msk [tilespmem:v43+s2+$0x0], $0xffff;
	vm0 =	vgt.f32 v11, $5.000000000e-01;
	v0 =	vor.u32 v40, v0  }
0x27d: {  	v43 =	vsel vm0, $0x10000, v2;
	vm0 =	vgt.f32 v8, $5.000000000e-01;
	v0 =	vor.u32 v41, v0;
	v1 =	vld.idx.msk [tilespmem:v1+s2+$0x0], $0xffff  }
0x27e: {  	v11 =	vld.idx.msk [tilespmem:v42+s2+$0x0], $0xffff;
	v0 =	vor.u32 v43, v0;
	vm1 =	vgt.f32 v3, $5.000000000e-01;
	v3 =	vsel vm0, $0x20000, v2  }
0x27f: {  	v40 =	vor.u32 s25, v55;
	v6 =	vld.idx.msk [tilespmem:v6+s2+$0x0], $0xffff;
	v46 =	vor.u32 s16, v33;
	v0 =	vor.u32 v3, v0  }
0x280: {  	v8 =	vld.idx.msk [tilespmem:v44+s2+$0x0], $0xffff;
	v3 =	vsel vm1, $0x40000, v2;
	vm0 =	vgt.f32 v12, $5.000000000e-01;
	v12 =	vor.u32 s16, v34  }
0x281: {  	v44 =	vld.idx.msk [tilespmem:v36+s2+$0x0], $0xffff;
	v0 =	vor.u32 v3, v0;
	v3 =	vsel vm0, $0x80000, v2;
	vm0 =	vgt.f32 v4, $5.000000000e-01  }
0x282: {  	v0 =	vor.u32 v3, v0;
	vm1 =	vgt.f32 v1, $5.000000000e-01;
	v1 =	vsel vm0, $0x100000, v2  }
0x283: {  	v41 =	vor.u32 s25, v56;
	v3 =	vor.u32 s16, v49;
	v0 =	vor.u32 v1, v0  }
0x284: {  	v1 =	vsel vm1, $0x200000, v2;
	vm0 =	vgt.f32 v6, $5.000000000e-01;
	vm1 =	vgt.f32 v11, $5.000000000e-01;
	v9 =	vld.idx.msk [tilespmem:v46+s2+$0x0], $0xffff  }
0x285: {  	v10 =	vld.idx.msk [tilespmem:v10+s2+$0x0], $0xffff;
	v11 =	vor.u32 s25, v28;
	v0 =	vor.u32 v1, v0;
	v1 =	vsel vm0, $0x400000, v2  }
0x286: {  	vm0 =	vgt.f32 v5, $5.000000000e-01;
	v43 =	vsel vm1, $0x1000000, v2;
	vm1 =	vgt.f32 v44, $5.000000000e-01;
	v12 =	vld.idx.msk [tilespmem:v12+s2+$0x0], $0xffff  }
0x287: {  	v4 =	vld.idx.msk [tilespmem:v38+s2+$0x0], $0xffff;
	v0 =	vor.u32 v1, v0;
	v42 =	vsel vm0, $0x800000, v2;
	vm0 =	vgt.f32 v8, $5.000000000e-01  }
0x288: {  	v1 =	vor.u32 s25, v57;
	v0 =	vor.u32 v42, v0;
	v8 =	vsel vm0, $0x2000000, v2;
	v3 =	vld.idx.msk [tilespmem:v3+s2+$0x0], $0xffff  }
0x289: {  	v42 =	vor.u32 s25, v58;
	v0 =	vor.u32 v43, v0;
	vm0 =	vgt.f32 v9, $5.000000000e-01  }
0x28a: {  	v7 =	vld.idx.msk [tilespmem:v7+s2+$0x0], $0xffff;
	v43 =	vor.u32 s25, v61;
	v46 =	vsel vm0, $0x4000000, v2;
	vm0 =	vgt.f32 v10, $5.000000000e-01  }
0x28b: {  	v34 =	vld.idx.msk [tilespmem:v37+s2+$0x0], $0xffff;
	v0 =	vor.u32 v8, v0;
	v36 =	vsel vm0, $0x8000000, v2;
	vm0 =	vgt.f32 v12, $5.000000000e-01  }
0x28c: {  	v37 =	vld.idx.msk [tilespmem:v35+s2+$0x0], $0xffff;
	v0 =	vor.u32 v46, v0;
	v38 =	vsel vm0, $0x10000000, v2;
	vm0 =	vgt.f32 v4, $5.000000000e-01  }
0x28d: {  	v0 =	vor.u32 v36, v0;
	v4 =	vsel vm0, $0x20000000, v2;
	vm0 =	vgt.f32 v3, $5.000000000e-01;
	v3 =	vld.idx.msk [tilespmem:v40+s2+$0x0], $0xffff  }
0x28e: {  	v9 =	vsel vm1, $0x2, v2;
	v46 =	vor.u32 s25, v19;
	v0 =	vor.u32 v38, v0  }
0x28f: {  	v5 =	vld.idx.msk [tilespmem:v41+s2+$0x0], $0xffff;
	v0 =	vor.u32 v4, v0;
	v40 =	vsel vm0, $0x40000000, v2;
	vm0 =	vgt.f32 v7, $5.000000000e-01  }
0x290: {  	v1 =	vld.idx.msk [tilespmem:v1+s2+$0x0], $0xffff;
	v0 =	vor.u32 v40, v0;
	v41 =	vsel vm0, $0x80000000, v2;
	vm0 =	vgt.f32 v34, $5.000000000e-01  }
0x291: {  	v38 =	vld.idx.msk [tilespmem:v42+s2+$0x0], $0xffff;
	v40 =	vor.u32 s25, v23;
	v44 =	vsel vm0, $0x1, v2;
	vm0 =	vgt.f32 v37, $5.000000000e-01  }
0x292: {  	v7 =	vld.idx.msk [tilespmem:v43+s2+$0x0], $0xffff;
	v36 =	vsel vm0, $0x4, v2;
	vm0 =	vgt.f32 v3, $5.000000000e-01;
	v3 =	vor.u32 s25, v22  }
0x293: {  	v35 =	vor.u32 v41, v0;
	v43 =	vld.idx.msk [tilespmem:v46+s2+$0x0], $0xffff;
	v46 =	vor.u32 s25, v26;
	v8 =	vor.u32 v44, v9  }
0x294: {  	v44 =	vor.u32 s25, v25;
	v37 =	vsel vm0, $0x8, v2;
	vm0 =	vgt.f32 v5, $5.000000000e-01  }
0x295: {  	v41 =	vsel vm0, $0x10, v2;
	vm0 =	vgt.f32 v1, $5.000000000e-01;
	v1 =	vor.u32 s25, v24  }
0x296: {  	v6 =	vor.u32 s25, v31;
	v12 =	vor.u32 s25, v29;
	v8 =	vor.u32 v36, v8;
	v40 =	vld.idx.msk [tilespmem:v40+s2+$0x0], $0xffff  }
0x297: {  	v4 =	vor.u32 s25, v27;
	v34 =	vor.u32 s25, v30;
	v0 =	vor.u32 v37, v8;
	v3 =	vld.idx.msk [tilespmem:v3+s2+$0x0], $0xffff  }
0x298: {  	v0 =	vor.u32 v41, v0;
	v42 =	vsel vm0, $0x20, v2;
	vm0 =	vgt.f32 v38, $5.000000000e-01;
	v10 =	vld.idx.msk [tilespmem:v46+s2+$0x0], $0xffff  }
0x299: {  	v46 =	vor.u32 s25, v63;
	v0 =	vor.u32 v42, v0;
	v41 =	vsel vm0, $0x40, v2;
	v9 =	vld.idx.msk [tilespmem:v44+s2+$0x0], $0xffff  }
0x29a: {  	vm0 =	vgt.f32 v7, $5.000000000e-01;
	v7 =	vor.u32 s25, v32;
	v44 =	vor.u32 s25, v62;
	v1 =	vld.idx.msk [tilespmem:v1+s2+$0x0], $0xffff  }
0x29b: {  	v11 =	vld.idx.msk [tilespmem:v11+s2+$0x0], $0xffff;
	v0 =	vor.u32 v41, v0;
	v42 =	vsel vm0, $0x80, v2;
	vm0 =	vgt.f32 v43, $5.000000000e-01  }
0x29c: {  	v0 =	vor.u32 v42, v0;
	vm1 =	vgt.f32 v3, $5.000000000e-01;
	v3 =	vsel vm0, $0x100, v2  }
0x29d: {  	v43 =	vor.u32 s25, v39;
	vm0 =	vgt.f32 v40, $5.000000000e-01;
	v0 =	vor.u32 v3, v0  }
0x29e: {  	v3 =	vsel vm1, $0x200, v2;
	vm1 =	vgt.f32 v9, $5.000000000e-01;
	v9 =	vor.u32 s25, v48  }
0x29f: {  	v4 =	vld.idx.msk [tilespmem:v4+s2+$0x0], $0xffff;
	v0 =	vor.u32 v3, v0;
	v3 =	vsel vm0, $0x400, v2;
	vm0 =	vgt.f32 v1, $5.000000000e-01  }
0x2a0: {  	s17 =	simm.s32 $0x400;
	v12 =	vld.idx.msk [tilespmem:v12+s2+$0x0], $0xffff;
	v1 =	vor.u32 s25, v59;
	v40 =	vsel vm1, $0x1000, v2;
	vm1 =	vgt.f32 v11, $5.000000000e-01  }
0x2a1: {  	v34 =	vld.idx.msk [tilespmem:v34+s2+$0x0], $0xffff;
	v11 =	vor.u32 s17, v22;
	v0 =	vor.u32 v3, v0;
	v3 =	vor.u32 s25, v60  }
0x2a2: {  	v6 =	vld.idx.msk [tilespmem:v6+s2+$0x0], $0xffff;
	v38 =	vsel vm0, $0x800, v2;
	vm0 =	vgt.f32 v10, $5.000000000e-01;
	v10 =	vor.u32 s25, v13  }
0x2a3: {  	v8 =	vld.idx.msk [tilespmem:v43+s2+$0x0], $0xffff;
	v43 =	vsel vm1, $0x8000, v2;
	v0 =	vor.u32 v38, v0;
	v41 =	vsel vm0, $0x2000, v2  }
0x2a4: {  	v7 =	vld.idx.msk [tilespmem:v7+s2+$0x0], $0xffff;
	vm0 =	vgt.f32 v4, $5.000000000e-01;
	v4 =	vor.u32 s25, v33;
	v0 =	vor.u32 v40, v0  }
0x2a5: {  	v42 =	vsel vm0, $0x4000, v2;
	vm0 =	vgt.f32 v12, $5.000000000e-01;
	v40 =	vor.u32 s17, v51  }
0x2a6: {  	v36 =	vld.idx.msk [tilespmem:v44+s2+$0x0], $0xffff;
	v0 =	vor.u32 v41, v0;
	v44 =	vsel vm0, $0x10000, v2;
	vm0 =	vgt.f32 v34, $5.000000000e-01  }
0x2a7: {  	s26 =	simm.s32 $0x600;
	v5 =	vld.idx.msk [tilespmem:v46+s2+$0x0], $0xffff;
	v0 =	vor.u32 v42, v0;
	v46 =	vsel vm0, $0x20000, v2;
	vm0 =	vgt.f32 v6, $5.000000000e-01  }
0x2a8: {  	v12 =	vor.u32 s26, v54;
	v0 =	vor.u32 v43, v0;
	v6 =	vsel vm0, $0x40000, v2  }
0x2a9: {  	vm0 =	vgt.f32 v7, $5.000000000e-01;
	v7 =	vor.u32 s17, v53;
	v43 =	vand.u32 v52, v40  }
0x2aa: {  	v1 =	vld.idx.msk [tilespmem:v1+s2+$0x0], $0xffff;
	v0 =	vor.u32 v44, v0;
	v37 =	vsel vm0, $0x80000, v2;
	vm0 =	vgt.f32 v8, $5.000000000e-01  }
0x2ab: {  	v3 =	vld.idx.msk [tilespmem:v3+s2+$0x0], $0xffff;
	v40 =	vor.u32 s17, v56;
	v0 =	vor.u32 v46, v0;
	v38 =	vsel vm0, $0x100000, v2  }
0x2ac: {  	vm0 =	vgt.f32 v36, $5.000000000e-01;
	v46 =	vor.u32 s17, v54;
	v0 =	vor.u32 v6, v0  }
0x2ad: {  	v41 =	vld.idx.msk [tilespmem:v10+s2+$0x0], $0xffff;
	v42 =	vsel vm0, $0x200000, v2;
	vm0 =	vgt.f32 v5, $5.000000000e-01;
	v0 =	vor.u32 v37, v0  }
0x2ae: {  	v4 =	vld.idx.msk [tilespmem:v4+s2+$0x0], $0xffff;
	v36 =	vor.u32 s25, v47;
	v44 =	vsel vm0, $0x400000, v2;
	v0 =	vor.u32 v38, v0  }
0x2af: {  	v34 =	vld [tilespmem:$0x1FEB0];
	vm0 =	vgt.f32 v1, $5.000000000e-01;
	v1 =	vor.u32 s17, v55;
	v0 =	vor.u32 v42, v0  }
0x2b0: {  	v9 =	vld.idx.msk [tilespmem:v9+s2+$0x0], $0xffff;
	v38 =	vsel vm0, $0x800000, v2;
	vm0 =	vgt.f32 v3, $5.000000000e-01;
	v0 =	vor.u32 v44, v0  }
0x2b1: {  	v5 =	vld.idx.msk [tilespmem:v43+s2+$0x0], $0xffff;
	v43 =	vor.u32 s17, v19;
	v3 =	vsel vm0, $0x1000000, v2;
	v0 =	vor.u32 v38, v0  }
0x2b2: {  	v7 =	vld.idx.msk [tilespmem:v7+s2+$0x0], $0xffff;
	vm0 =	vgt.f32 v41, $5.000000000e-01;
	v0 =	vor.u32 v3, v0;
	v3 =	vor.u32 s17, v57  }
0x2b3: {  	v41 =	vor.u32 s17, v58;
	v8 =	vsel vm0, $0x2000000, v2;
	vm0 =	vgt.f32 v4, $5.000000000e-01;
	v10 =	vld.idx.msk [tilespmem:v46+s2+$0x0], $0xffff  }
0x2b4: {  	v37 =	vor.u32 s25, v34;
	v42 =	vsel vm0, $0x4000000, v2;
	v1 =	vld.idx.msk [tilespmem:v1+s2+$0x0], $0xffff;
	v0 =	vor.u32 v8, v0  }
0x2b5: {  	v6 =	vld.idx.msk [tilespmem:v40+s2+$0x0], $0xffff;
	vm0 =	vgt.f32 v9, $5.000000000e-01;
	v38 =	vor.u32 v42, v0;
	v0 =	vor.u32 s17, v61  }
0x2b6: {  	v8 =	vor.u32 s26, v51;
	vm1 =	vgt.f32 v5, $5.000000000e-01;
	v5 =	vor.u32 s17, v23;
	v9 =	vld.idx.msk [tilespmem:v43+s2+$0x0], $0xffff  }
0x2b7: {  	vm2 =	vgt.f32 v7, $5.000000000e-01;
	v43 =	vor.u32 s17, v26;
	v42 =	vor.u32 s17, v25;
	v3 =	vld.idx.msk [tilespmem:v3+s2+$0x0], $0xffff  }
0x2b8: {  	v4 =	vld.idx.msk [tilespmem:v41+s2+$0x0], $0xffff;
	v44 =	vsel vm1, $0x1, v2;
	v46 =	vsel vm2, $0x2, v2;
	vm1 =	vgt.f32 v10, $5.000000000e-01  }
0x2b9: {  	v7 =	vor.u32 v44, v46;
	v40 =	vsel vm1, $0x4, v2;
	vm1 =	vgt.f32 v1, $5.000000000e-01  }
0x2ba: {  	v1 =	vor.u32 s17, v24;
	v7 =	vor.u32 v40, v7;
	v41 =	vsel vm1, $0x8, v2;
	v0 =	vld.idx.msk [tilespmem:v0+s2+$0x0], $0xffff  }
0x2bb: {  	v11 =	vld.idx.msk [tilespmem:v11+s2+$0x0], $0xffff;
	v8 =	vand.u32 v50, v8;
	vm1 =	vgt.f32 v6, $5.000000000e-01;
	v7 =	vor.u32 v41, v7  }
0x2bc: {  	v6 =	vld.idx.msk [tilespmem:v42+s2+$0x0], $0xffff;
	v42 =	vor.u32 s17, v30;
	vm2 =	vgt.f32 v3, $5.000000000e-01;
	v3 =	vsel vm1, $0x10, v2  }
0x2bd: {  	vm1 =	vgt.f32 v4, $5.000000000e-01;
	v4 =	vor.u32 s17, v27;
	v3 =	vor.u32 v3, v7  }
0x2be: {  	v5 =	vld.idx.msk [tilespmem:v5+s2+$0x0], $0xffff;
	v44 =	vsel vm2, $0x20, v2;
	v46 =	vsel vm1, $0x40, v2;
	v7 =	vor.u32 s17, v29  }
0x2bf: {  	v1 =	vld.idx.msk [tilespmem:v1+s2+$0x0], $0xffff;
	vm2 =	vgt.f32 v9, $5.000000000e-01;
	v3 =	vor.u32 v44, v3;
	vm1 =	vgt.f32 v0, $5.000000000e-01  }
0x2c0: {  	v0 =	vor.u32 s17, v28;
	v41 =	vsel vm2, $0x100, v2;
	v44 =	vor.u32 s17, v31  }
0x2c1: {  	v3 =	vor.u32 v46, v3;
	v40 =	vsel vm1, $0x80, v2;
	vm1 =	vgt.f32 v11, $5.000000000e-01  }
0x2c2: {  	v10 =	vld.idx.msk [tilespmem:v43+s2+$0x0], $0xffff;
	v46 =	vor.u32 s17, v32;
	v3 =	vor.u32 v40, v3;
	v43 =	vsel vm1, $0x200, v2  }
0x2c3: {  	vm1 =	vgt.f32 v5, $5.000000000e-01;
	v40 =	vor.u32 s17, v39;
	v3 =	vor.u32 v41, v3;
	v4 =	vld.idx.msk [tilespmem:v4+s2+$0x0], $0xffff  }
0x2c4: {  	v11 =	vld.idx.msk [tilespmem:v42+s2+$0x0], $0xffff;
	vm2 =	vgt.f32 v1, $5.000000000e-01;
	v1 =	vsel vm1, $0x400, v2;
	v3 =	vor.u32 v43, v3  }
0x2c5: {  	vm1 =	vgt.f32 v6, $5.000000000e-01;
	v0 =	vld.idx.msk [tilespmem:v0+s2+$0x0], $0xffff;
	v1 =	vor.u32 v1, v3;
	v3 =	vsel vm2, $0x800, v2  }
0x2c6: {  	v41 =	vor.u32 s17, v62;
	v7 =	vld.idx.msk [tilespmem:v7+s2+$0x0], $0xffff;
	v1 =	vor.u32 v3, v1;
	v3 =	vsel vm1, $0x1000, v2  }
0x2c7: {  	vm1 =	vgt.f32 v10, $5.000000000e-01;
	v9 =	vld.idx.msk [tilespmem:v46+s2+$0x0], $0xffff;
	v46 =	vor.u32 s17, v60;
	v1 =	vor.u32 v3, v1  }
0x2c8: {  	v5 =	vld.idx.msk [tilespmem:v44+s2+$0x0], $0xffff;
	v3 =	vor.u32 s17, v63;
	v42 =	vsel vm1, $0x2000, v2;
	vm2 =	vgt.f32 v4, $5.000000000e-01  }
0x2c9: {  	v6 =	vld.idx.msk [tilespmem:v40+s2+$0x0], $0xffff;
	v1 =	vor.u32 v42, v1;
	v4 =	vor.u32 s17, v13;
	v43 =	vsel vm2, $0x4000, v2  }
0x2ca: {  	vm2 =	vgt.f32 v11, $5.000000000e-01;
	vm1 =	vgt.f32 v0, $5.000000000e-01;
	v0 =	vor.u32 s17, v59  }
0x2cb: {  	v10 =	vld.idx.msk [tilespmem:v41+s2+$0x0], $0xffff;
	v1 =	vor.u32 v43, v1;
	v41 =	vsel vm2, $0x20000, v2;
	v44 =	vsel vm1, $0x8000, v2  }
0x2cc: {  	v43 =	vor.u32 s17, v48;
	vm1 =	vgt.f32 v7, $5.000000000e-01;
	v1 =	vor.u32 v44, v1  }
0x2cd: {  	v40 =	vsel vm1, $0x10000, v2;
	vm1 =	vgt.f32 v5, $5.000000000e-01;
	v5 =	vor.u32 s17, v33  }
0x2ce: {  	v3 =	vld.idx.msk [tilespmem:v3+s2+$0x0], $0xffff;
	v44 =	vor.u32 s17, v34;
	vm2 =	vgt.f32 v6, $5.000000000e-01;
	v1 =	vor.u32 v40, v1  }
0x2cf: {  	v7 =	vld.idx.msk [tilespmem:v46+s2+$0x0], $0xffff;
	v42 =	vsel vm1, $0x40000, v2;
	vm1 =	vgt.f32 v9, $5.000000000e-01;
	v40 =	vsel vm2, $0x100000, v2  }
0x2d0: {  	v1 =	vor.u32 v41, v1;
	v46 =	vsel vm1, $0x80000, v2;
	vm1 =	vgt.f32 v10, $5.000000000e-01;
	v0 =	vld.idx.msk [tilespmem:v0+s2+$0x0], $0xffff  }
0x2d1: {  	v10 =	vor.u32 s17, v45;
	v1 =	vor.u32 v42, v1;
	v41 =	vsel vm1, $0x200000, v2;
	v9 =	vld.idx.msk [tilespmem:v43+s2+$0x0], $0xffff  }
0x2d2: {  	v4 =	vld.idx.msk [tilespmem:v4+s2+$0x0], $0xffff;
	v42 =	vor.u32 s17, v49;
	v1 =	vor.u32 v46, v1;
	v46 =	vsel vm0, $0x8000000, v2  }
0x2d3: {  	v8 =	vld.idx.msk [tilespmem:v8+s2+$0x0], $0xffff;
	v1 =	vor.u32 v40, v1;
	vm1 =	vgt.f32 v3, $5.000000000e-01;
	v3 =	vor.u32 s17, v47  }
0x2d4: {  	v5 =	vld.idx.msk [tilespmem:v5+s2+$0x0], $0xffff;
	v40 =	vor.u32 s26, v55;
	v1 =	vor.u32 v41, v1;
	v41 =	vor.u32 s26, v56  }
0x2d5: {  	v11 =	vld.idx.msk [tilespmem:v44+s2+$0x0], $0xffff;
	vm2 =	vgt.f32 v0, $5.000000000e-01;
	v0 =	vsel vm1, $0x400000, v2;
	vm1 =	vgt.f32 v7, $5.000000000e-01  }
0x2d6: {  	v7 =	vor.u32 s26, v53;
	vm0 =	vgt.f32 v9, $5.000000000e-01;
	v0 =	vor.u32 v0, v1  }
0x2d7: {  	v6 =	vld.idx.msk [tilespmem:v42+s2+$0x0], $0xffff;
	v1 =	vsel vm2, $0x800000, v2;
	vm2 =	vgt.f32 v4, $5.000000000e-01;
	v43 =	vsel vm1, $0x1000000, v2  }
0x2d8: {  	v42 =	vsel vm0, $0x8000000, v2;
	v0 =	vor.u32 v1, v0;
	v3 =	vld.idx.msk [tilespmem:v3+s2+$0x0], $0xffff;
	v44 =	vsel vm2, $0x2000000, v2  }
0x2d9: {  	v1 =	vld.idx.msk [tilespmem:v37+s2+$0x0], $0xffff;
	vm1 =	vgt.f32 v5, $5.000000000e-01;
	vm2 =	vgt.f32 v8, $5.000000000e-01;
	v0 =	vor.u32 v43, v0  }
0x2da: {  	v37 =	vsel vm1, $0x4000000, v2;
	vm1 =	vgt.f32 v11, $5.000000000e-01;
	v4 =	vld.idx.msk [tilespmem:v41+s2+$0x0], $0xffff;
	v41 =	vor.u32 s26, v19  }
0x2db: {  	v12 =	vld.idx.msk [tilespmem:v12+s2+$0x0], $0xffff;
	v8 =	vsel vm2, $0x1, v2;
	v0 =	vor.u32 v44, v0;
	v44 =	vsel vm1, $0x10000000, v2  }
0x2dc: {  	v10 =	vld.idx.msk [tilespmem:v10+s2+$0x0], $0xffff;
	v0 =	vor.u32 v37, v0;
	v37 =	vor.u32 v46, v38;
	v46 =	vor.u32 s26, v57  }
0x2dd: {  	v43 =	vld.idx.msk [tilespmem:v7+s2+$0x0], $0xffff;
	vm1 =	vgt.f32 v6, $5.000000000e-01;
	v38 =	vor.u32 s26, v58;
	vm0 =	vgt.f32 v3, $5.000000000e-01  }
0x2de: {  	v0 =	vor.u32 v42, v0;
	v3 =	vsel vm0, $0x20000000, v2;
	vm0 =	vgt.f32 v1, $5.000000000e-01;
	v1 =	vld.idx.msk [tilespmem:v40+s2+$0x0], $0xffff  }
0x2df: {  	v0 =	vor.u32 v44, v0;
	v40 =	vor.u32 s26, v61;
	v5 =	vld.idx.msk [tilespmem:v41+s2+$0x0], $0xffff;
	v41 =	vor.u32 s26, v25  }
0x2e0: {  	v25 =	vor.u32 s26, v29;
	v29 =	vor.u32 s26, v31;
	v31 =	vor.u32 s26, v39  }
0x2e1: {  	v39 =	vor.u32 s26, v59;
	v0 =	vor.u32 v3, v0;
	v3 =	vsel vm1, $0x40000000, v2  }
0x2e2: {  	vm1 =	vgt.f32 v10, $5.000000000e-01;
	vm2 =	vgt.f32 v43, $5.000000000e-01;
	v43 =	vor.u32 s26, v22  }
0x2e3: {  	v0 =	vor.u32 v3, v0;
	v6 =	vld.idx.msk [tilespmem:v38+s2+$0x0], $0xffff;
	v38 =	vor.u32 s26, v24;
	v24 =	vor.u32 s26, v28  }
0x2e4: {  	v9 =	vld.idx.msk [tilespmem:v46+s2+$0x0], $0xffff;
	v42 =	vsel vm2, $0x2, v2;
	vm2 =	vgt.f32 v12, $5.000000000e-01;
	v12 =	vor.u32 s25, v49  }
0x2e5: {  	v3 =	vor.u32 v8, v42;
	v44 =	vsel vm2, $0x4, v2;
	vm2 =	vgt.f32 v1, $5.000000000e-01  }
0x2e6: {  	v1 =	vor.u32 v44, v3;
	v3 =	vor.u32 s26, v23;
	v44 =	vor.u32 s26, v27  }
0x2e7: {  	v10 =	vld.idx.msk [tilespmem:v41+s2+$0x0], $0xffff;
	v27 =	vor.u32 s26, v30;
	v30 =	vor.u32 s26, v32;
	v32 =	vor.u32 s26, v62  }
0x2e8: {  	v41 =	vor.u32 s26, v13;
	v46 =	vsel vm2, $0x8, v2;
	vm2 =	vgt.f32 v4, $5.000000000e-01;
	v4 =	vld.idx.msk [tilespmem:v40+s2+$0x0], $0xffff  }
0x2e9: {  	v1 =	vor.u32 v46, v1;
	v40 =	vsel vm2, $0x10, v2;
	vm2 =	vgt.f32 v9, $5.000000000e-01;
	v42 =	vld.idx.msk [tilespmem:v43+s2+$0x0], $0xffff  }
0x2ea: {  	v43 =	vor.u32 s26, v26;
	v7 =	vld.idx.msk [tilespmem:v38+s2+$0x0], $0xffff;
	v1 =	vor.u32 v40, v1;
	v9 =	vsel vm2, $0x20, v2  }
0x2eb: {  	v38 =	vor.u32 s26, v63;
	vm2 =	vgt.f32 v6, $5.000000000e-01;
	v1 =	vor.u32 v9, v1;
	v9 =	vld.idx.msk [tilespmem:v24+s2+$0x0], $0xffff  }
0x2ec: {  	v40 =	vor.u32 s26, v60;
	v46 =	vsel vm2, $0x40, v2;
	v24 =	vor.u32 s26, v34;
	v3 =	vld.idx.msk [tilespmem:v3+s2+$0x0], $0xffff  }
0x2ed: {  	v1 =	vor.u32 v46, v1;
	v46 =	vsel vm1, $0x80000000, v2;
	vm2 =	vgt.f32 v4, $5.000000000e-01  }
0x2ee: {  	v6 =	vld.idx.msk [tilespmem:v44+s2+$0x0], $0xffff;
	v44 =	vor.u32 s25, v45;
	v0 =	vor.u32 v46, v0;
	v4 =	vsel vm2, $0x80, v2  }
0x2ef: {  	vm2 =	vgt.f32 v5, $5.000000000e-01;
	v11 =	vld.idx.msk [tilespmem:v43+s2+$0x0], $0xffff;
	v43 =	vor.u32 s26, v48;
	v1 =	vor.u32 v4, v1  }
0x2f0: {  	v26 =	vsel vm2, $0x100, v2;
	vm2 =	vgt.f32 v42, $5.000000000e-01;
	v42 =	vor.u32 s26, v33  }
0x2f1: {  	v1 =	vor.u32 v26, v1;
	v28 =	vsel vm2, $0x200, v2;
	vm2 =	vgt.f32 v3, $5.000000000e-01  }
0x2f2: {  	v5 =	vld.idx.msk [tilespmem:v25+s2+$0x0], $0xffff;
	v1 =	vor.u32 v28, v1;
	v3 =	vsel vm2, $0x400, v2;
	vm2 =	vgt.f32 v7, $5.000000000e-01  }
0x2f3: {  	v8 =	vld.idx.msk [tilespmem:v27+s2+$0x0], $0xffff;
	v1 =	vor.u32 v3, v1;
	v3 =	vsel vm2, $0x800, v2;
	vm2 =	vgt.f32 v10, $5.000000000e-01  }
0x2f4: {  	v4 =	vld.idx.msk [tilespmem:v29+s2+$0x0], $0xffff;
	v1 =	vor.u32 v3, v1;
	v3 =	vsel vm2, $0x1000, v2;
	vm2 =	vgt.f32 v11, $5.000000000e-01  }
0x2f5: {  	v7 =	vld.idx.msk [tilespmem:v30+s2+$0x0], $0xffff;
	v1 =	vor.u32 v3, v1;
	v3 =	vsel vm2, $0x2000, v2;
	vm2 =	vgt.f32 v6, $5.000000000e-01  }
0x2f6: {  	v10 =	vld.idx.msk [tilespmem:v31+s2+$0x0], $0xffff;
	v1 =	vor.u32 v3, v1;
	v3 =	vsel vm2, $0x4000, v2;
	vm2 =	vgt.f32 v9, $5.000000000e-01  }
0x2f7: {  	v11 =	vld.idx.msk [tilespmem:v32+s2+$0x0], $0xffff;
	v1 =	vor.u32 v3, v1;
	v3 =	vsel vm2, $0x8000, v2;
	vm2 =	vgt.f32 v5, $5.000000000e-01  }
0x2f8: {  	v27 =	vld.idx.msk [tilespmem:v12+s2+$0x0], $0xffff;
	v1 =	vor.u32 v3, v1;
	v3 =	vsel vm2, $0x10000, v2;
	vm2 =	vgt.f32 v8, $5.000000000e-01  }
0x2f9: {  	v6 =	vld.idx.msk [tilespmem:v38+s2+$0x0], $0xffff;
	v1 =	vor.u32 v3, v1;
	v3 =	vsel vm2, $0x20000, v2;
	vm2 =	vgt.f32 v4, $5.000000000e-01  }
0x2fa: {  	v9 =	vld.idx.msk [tilespmem:v39+s2+$0x0], $0xffff;
	v1 =	vor.u32 v3, v1;
	v3 =	vsel vm2, $0x40000, v2;
	vm2 =	vgt.f32 v7, $5.000000000e-01  }
0x2fb: {  	v5 =	vld.idx.msk [tilespmem:v40+s2+$0x0], $0xffff;
	v1 =	vor.u32 v3, v1;
	v3 =	vsel vm2, $0x80000, v2;
	vm2 =	vgt.f32 v10, $5.000000000e-01  }
0x2fc: {  	v8 =	vld.idx.msk [tilespmem:v41+s2+$0x0], $0xffff;
	v1 =	vor.u32 v3, v1;
	v3 =	vsel vm2, $0x100000, v2;
	vm2 =	vgt.f32 v11, $5.000000000e-01  }
0x2fd: {  	v33 =	vor.u32 s26, v45;
	v4 =	vld.idx.msk [tilespmem:v42+s2+$0x0], $0xffff;
	v1 =	vor.u32 v3, v1;
	v3 =	vsel vm2, $0x200000, v2  }
0x2fe: {  	v30 =	vor.u32 s26, v47;
	v32 =	vor.u32 s26, v49;
	v1 =	vor.u32 v3, v1;
	v3 =	vld.idx.msk [tilespmem:v43+s2+$0x0], $0xffff  }
0x2ff: {  	v25 =	vld.idx.msk [tilespmem:v36+s2+$0x0], $0xffff;
	v42 =	vsel vm0, $0x10000000, v2;
	vm0 =	vgt.f32 v27, $5.000000000e-01;
	vm1 =	vgt.f32 v6, $5.000000000e-01  }
0x300: {  	v29 =	vld.idx.msk [tilespmem:v44+s2+$0x0], $0xffff;
	v44 =	vsel vm0, $0x40000000, v2;
	v6 =	vsel vm1, $0x400000, v2;
	vm1 =	vgt.f32 v9, $5.000000000e-01  }
0x301: {  	v26 =	vsel vm1, $0x800000, v2;
	vm2 =	vgt.f32 v5, $5.000000000e-01;
	vm1 =	vgt.f32 v8, $5.000000000e-01  }
0x302: {  	v28 =	vsel vm2, $0x1000000, v2;
	v31 =	vsel vm1, $0x2000000, v2;
	vm1 =	vgt.f32 v4, $5.000000000e-01  }
0x303: {  	v1 =	vor.u32 v6, v1;
	v41 =	vsel vm1, $0x4000000, v2;
	vm2 =	vgt.f32 v3, $5.000000000e-01;
	v3 =	vld.idx.msk [tilespmem:v24+s2+$0x0], $0xffff  }
0x304: {  	s28 =	simm.s32 $0x0;
	vm1 =	vgt.f32 v25, $5.000000000e-01;
	v6 =	vor.u32 v42, v37;
	v1 =	vor.u32 v26, v1  }
0x305: {  	s30 =	sand.u32 $0xE0, s28;
	v43 =	vsel vm1, $0x20000000, v2;
	vm1 =	vgt.f32 v29, $5.000000000e-01;
	v1 =	vor.u32 v28, v1  }
0x306: {  	s29 =	simm.s32 $0x10;
	s18 =	simm.s32 $0x20;
	[tilespmem:s30+$0x4200] =	vst v35;
	v35 =	vld.idx.msk [tilespmem:v33+s2+$0x0], $0xffff;
	v6 =	vor.u32 v43, v6;
	v47 =	vsel vm1, $0x80000000, v2;
	v1 =	vor.u32 v31, v1  }
0x307: {  	s15 =	sand.u32 $0xF0, s29;
	s31 =	sand.u32 $0xE0, s18;
	s16 =	simm.s32 $0x30;
	v39 =	vld.idx.msk [tilespmem:v30+s2+$0x0], $0xffff;
	v46 =	vor.u32 v44, v6;
	v1 =	vor.u32 v41, v1;
	v45 =	vsel vm2, $0x8000000, v2  }
0x308: {  	s18 =	simm.s32 $0xA00;
	s19 =	sand.u32 $0xF0, s16;
	s17 =	simm.s32 $0x2;
	[tilespmem:s31+$0x4200] =	vst v0;
	v41 =	vld.idx.msk [tilespmem:v32+s2+$0x0], $0xffff;
	v37 =	vor.u32 v47, v46;
	v36 =	vor.u32 v45, v1;
	vm0 =	vgt.f32 v3, $5.000000000e-01  }
.LBB2_6:
0x309: {  	v5 =	vld [tilespmem:$0x1FEE0]  }
0x30a: {  	v6 =	vld [tilespmem:$0x1FEC0]  }
0x30b: {  	v19 =	vld [tilespmem:$0x1FF00]  }
0x30c: {  	v20 =	vld [tilespmem:$0x1FFE0]  }
0x30d: {  	v22 =	vld [tilespmem:$0x1FF10]  }
0x30e: {  	v33 =	vld [tilespmem:$0x1FFC0]  }
0x30f: {  	v13 =	vld [tilespmem:$0x1FEF0]  }
0x310: {  	v23 =	vld [tilespmem:$0x1FF20]  }
0x311: {  	v31 =	vld [tilespmem:$0x1FFA0]  }
0x312: {  	s20 =	sadd.s32 $0xFFFFFE00, s18;
	v32 =	vld [tilespmem:$0x1FFB0];
	v1 =	vor.u32 s18, v53  }
0x313: {  	v24 =	vld [tilespmem:$0x1FF30];
	v4 =	vor.u32 s20, v53  }
0x314: {  	v29 =	vld [tilespmem:$0x1FF80];
	v25 =	vor.u32 s20, v55  }
0x315: {  	v30 =	vld [tilespmem:$0x1FF90];
	v26 =	vor.u32 s20, v56  }
0x316: {  	[tilespmem:s15+$0x4200] =	vst v37;
	v28 =	vld [tilespmem:$0x1FF70];
	v27 =	vor.u32 s20, v57  }
0x317: {  	v37 =	vmov v39;
	v39 =	vld.idx.msk [tilespmem:v1+s2+$0x0], $0xffff  }
0x318: {  	v46 =	vor.u32 s20, v49;
	v49 =	vor.u32 s20, v48;
	v1 =	vld.idx.msk [tilespmem:v4+s2+$0x0], $0xffff  }
0x319: {  	v0 =	vor.u32 s18, v51;
	v3 =	vor.u32 s20, v51;
	v45 =	vor.u32 s20, v5;
	v5 =	vld.idx.msk [tilespmem:v25+s2+$0x0], $0xffff  }
0x31a: {  	v44 =	vand.u32 v50, v0;
	v0 =	vand.u32 v52, v3;
	v47 =	vor.u32 s20, v6;
	v6 =	vld.idx.msk [tilespmem:v26+s2+$0x0], $0xffff  }
0x31b: {  	v48 =	vor.u32 s20, v34;
	v8 =	vor.u32 s20, v58;
	v3 =	vor.u32 s20, v54;
	v4 =	vld.idx.msk [tilespmem:v27+s2+$0x0], $0xffff  }
0x31c: {  	v9 =	vor.u32 s20, v59;
	v10 =	vor.u32 s20, v60;
	v11 =	vor.u32 s20, v61;
	v25 =	vld [tilespmem:$0x1FF40]  }
0x31d: {  	v12 =	vor.u32 s20, v62;
	v34 =	vor.u32 s20, v63;
	v40 =	vor.u32 s18, v54;
	v27 =	vld [tilespmem:$0x1FF60]  }
0x31e: {  	v38 =	vmovc v41;
	v43 =	vor.u32 s18, v55;
	v42 =	vor.u32 s18, v56;
	v41 =	vor.u32 s18, v57;
	v26 =	vld [tilespmem:$0x1FF50]  }
0x31f: {  	v7 =	vor.u32 s20, v19;
	v50 =	vor.u32 s20, v20;
	v51 =	vor.u32 s20, v22;
	v0 =	vld.idx.msk [tilespmem:v0+s2+$0x0], $0xffff  }
0x320: {  	v52 =	vor.u32 s20, v33;
	v53 =	vor.u32 s20, v13;
	v54 =	vor.u32 s20, v23;
	v3 =	vld.idx.msk [tilespmem:v3+s2+$0x0], $0xffff  }
0x321: {  	v55 =	vor.u32 s20, v31;
	v56 =	vor.u32 s20, v32;
	v57 =	vor.u32 s20, v24  }
0x322: {  	v58 =	vor.u32 s20, v29;
	v59 =	vor.u32 s20, v30;
	v62 =	vor.u32 s20, v28  }
0x323: {  	v60 =	vor.u32 s20, v25;
	v61 =	vor.u32 s20, v27;
	vm2 =	vgt.f32 v1, $5.000000000e-01  }
0x324: {  	v8 =	vld.idx.msk [tilespmem:v8+s2+$0x0], $0xffff;
	v1 =	vor.u32 s20, v26;
	vm1 =	vgt.f32 v0, $5.000000000e-01;
	v63 =	vsel vm2, $0x2, v2  }
0x325: {  	v0 =	vld.idx.msk [tilespmem:v11+s2+$0x0], $0xffff;
	vm2 =	vgt.f32 v39, $5.000000000e-01;
	v11 =	vsel vm1, $0x1, v2;
	vm1 =	vgt.f32 v3, $5.000000000e-01  }
0x326: {  	v3 =	vld.idx.msk [tilespmem:v51+s2+$0x0], $0xffff;
	v11 =	vor.u32 v11, v63;
	v51 =	vsel vm1, $0x4, v2;
	vm1 =	vgt.f32 v5, $5.000000000e-01  }
0x327: {  	v5 =	vld.idx.msk [tilespmem:v54+s2+$0x0], $0xffff;
	v11 =	vor.u32 v51, v11;
	v51 =	vsel vm1, $0x8, v2;
	vm1 =	vgt.f32 v6, $5.000000000e-01  }
0x328: {  	v6 =	vld.idx.msk [tilespmem:v57+s2+$0x0], $0xffff;
	v11 =	vor.u32 v51, v11;
	v51 =	vsel vm1, $0x10, v2;
	vm1 =	vgt.f32 v4, $5.000000000e-01  }
0x329: {  	v4 =	vld.idx.msk [tilespmem:v60+s2+$0x0], $0xffff;
	v11 =	vor.u32 v51, v11;
	v51 =	vsel vm1, $0x20, v2;
	vm1 =	vgt.f32 v8, $5.000000000e-01  }
0x32a: {  	v1 =	vld.idx.msk [tilespmem:v1+s2+$0x0], $0xffff;
	v8 =	vor.u32 v51, v11;
	v11 =	vsel vm1, $0x40, v2;
	vm1 =	vgt.f32 v0, $5.000000000e-01  }
0x32b: {  	v0 =	vld.idx.msk [tilespmem:v61+s2+$0x0], $0xffff;
	v8 =	vor.u32 v11, v8;
	v11 =	vsel vm1, $0x80, v2;
	vm1 =	vgt.f32 v3, $5.000000000e-01  }
0x32c: {  	v3 =	vld.idx.msk [tilespmem:v62+s2+$0x0], $0xffff;
	v8 =	vor.u32 v11, v8;
	v11 =	vsel vm1, $0x100, v2;
	vm1 =	vgt.f32 v5, $5.000000000e-01  }
0x32d: {  	v5 =	vld.idx.msk [tilespmem:v58+s2+$0x0], $0xffff;
	v8 =	vor.u32 v11, v8;
	v11 =	vsel vm1, $0x200, v2;
	vm1 =	vgt.f32 v6, $5.000000000e-01  }
0x32e: {  	v6 =	vld.idx.msk [tilespmem:v59+s2+$0x0], $0xffff;
	v8 =	vor.u32 v11, v8;
	v11 =	vsel vm1, $0x400, v2;
	vm1 =	vgt.f32 v4, $5.000000000e-01  }
0x32f: {  	v4 =	vld.idx.msk [tilespmem:v55+s2+$0x0], $0xffff;
	v8 =	vor.u32 v11, v8;
	v11 =	vsel vm1, $0x800, v2;
	vm1 =	vgt.f32 v1, $5.000000000e-01  }
0x330: {  	v1 =	vld.idx.msk [tilespmem:v56+s2+$0x0], $0xffff;
	v8 =	vor.u32 v11, v8;
	v11 =	vsel vm1, $0x1000, v2;
	vm1 =	vgt.f32 v0, $5.000000000e-01  }
0x331: {  	v0 =	vld.idx.msk [tilespmem:v52+s2+$0x0], $0xffff;
	v8 =	vor.u32 v11, v8;
	v11 =	vsel vm1, $0x2000, v2;
	vm1 =	vgt.f32 v3, $5.000000000e-01  }
0x332: {  	v3 =	vld.idx.msk [tilespmem:v53+s2+$0x0], $0xffff;
	v8 =	vor.u32 v11, v8;
	v11 =	vsel vm1, $0x4000, v2;
	vm1 =	vgt.f32 v5, $5.000000000e-01  }
0x333: {  	v5 =	vld.idx.msk [tilespmem:v12+s2+$0x0], $0xffff;
	v8 =	vor.u32 v11, v8;
	v11 =	vsel vm1, $0x8000, v2;
	vm1 =	vgt.f32 v6, $5.000000000e-01  }
0x334: {  	v6 =	vld.idx.msk [tilespmem:v34+s2+$0x0], $0xffff;
	v8 =	vor.u32 v11, v8;
	v34 =	vsel vm1, $0x10000, v2;
	vm1 =	vgt.f32 v4, $5.000000000e-01  }
0x335: {  	v4 =	vld.idx.msk [tilespmem:v9+s2+$0x0], $0xffff;
	v8 =	vor.u32 v34, v8;
	v34 =	vsel vm1, $0x20000, v2;
	vm1 =	vgt.f32 v1, $5.000000000e-01  }
0x336: {  	v1 =	vld.idx.msk [tilespmem:v10+s2+$0x0], $0xffff;
	v8 =	vor.u32 v34, v8;
	v34 =	vsel vm1, $0x40000, v2;
	vm1 =	vgt.f32 v0, $5.000000000e-01  }
0x337: {  	v0 =	vld.idx.msk [tilespmem:v7+s2+$0x0], $0xffff;
	v7 =	vor.u32 v34, v8;
	v34 =	vsel vm1, $0x80000, v2;
	vm1 =	vgt.f32 v3, $5.000000000e-01  }
0x338: {  	v3 =	vld.idx.msk [tilespmem:v50+s2+$0x0], $0xffff;
	v7 =	vor.u32 v34, v7;
	v34 =	vsel vm1, $0x100000, v2;
	vm1 =	vgt.f32 v5, $5.000000000e-01  }
0x339: {  	v5 =	vld.idx.msk [tilespmem:v49+s2+$0x0], $0xffff;
	v7 =	vor.u32 v34, v7;
	v34 =	vsel vm1, $0x200000, v2;
	vm1 =	vgt.f32 v6, $5.000000000e-01  }
0x33a: {  	v6 =	vld.idx.msk [tilespmem:v48+s2+$0x0], $0xffff;
	v7 =	vor.u32 v34, v7;
	v34 =	vsel vm1, $0x400000, v2;
	vm1 =	vgt.f32 v4, $5.000000000e-01  }
0x33b: {  	v58 =	vld [tilespmem:$0x1FFF0];
	v7 =	vor.u32 v34, v7;
	v34 =	vsel vm1, $0x800000, v2;
	vm1 =	vgt.f32 v1, $5.000000000e-01  }
0x33c: {  	v4 =	vld.idx.msk [tilespmem:v47+s2+$0x0], $0xffff;
	v7 =	vor.u32 v34, v7;
	v34 =	vsel vm1, $0x1000000, v2;
	vm1 =	vgt.f32 v0, $5.000000000e-01  }
0x33d: {  	v1 =	vld.idx.msk [tilespmem:v46+s2+$0x0], $0xffff;
	v7 =	vor.u32 v34, v7;
	v34 =	vsel vm1, $0x2000000, v2;
	vm1 =	vgt.f32 v3, $5.000000000e-01  }
0x33e: {  	v0 =	vld.idx.msk [tilespmem:v45+s2+$0x0], $0xffff;
	v7 =	vor.u32 v34, v7;
	v46 =	vsel vm1, $0x4000000, v2;
	vm1 =	vgt.f32 v5, $5.000000000e-01  }
0x33f: {  	v3 =	vld.idx.msk [tilespmem:v44+s2+$0x0], $0xffff;
	v7 =	vor.u32 v46, v7;
	v34 =	vsel vm1, $0x8000000, v2;
	vm1 =	vgt.f32 v6, $5.000000000e-01  }
0x340: {  	v39 =	vor.u32 s18, v21;
	v5 =	vld.idx.msk [tilespmem:v40+s2+$0x0], $0xffff;
	v7 =	vor.u32 v34, v7;
	v40 =	vsel vm1, $0x10000000, v2  }
0x341: {  	v42 =	vld.idx.msk [tilespmem:v42+s2+$0x0], $0xffff;
	v12 =	vor.u32 s18, v30;
	vm1 =	vgt.f32 v4, $5.000000000e-01;
	v7 =	vor.u32 v40, v7  }
0x342: {  	v6 =	vld.idx.msk [tilespmem:v43+s2+$0x0], $0xffff;
	v43 =	vsel vm1, $0x20000000, v2;
	vm1 =	vgt.f32 v1, $5.000000000e-01;
	v40 =	vor.u32 s18, v23  }
0x343: {  	s16 =	sadd.s32 $0x20, s16;
	v49 =	vld [tilespmem:$0x1FED0];
	v7 =	vor.u32 v43, v7;
	v44 =	vsel vm1, $0x40000000, v2;
	vm1 =	vgt.f32 v0, $5.000000000e-01  }
0x344: {  	s31 =	sadd.s32 $0xFFFFFFF0, s16;
	v48 =	vld [tilespmem:$0x1FEA0];
	v34 =	vor.u32 s18, v58;
	v0 =	vor.u32 v44, v7;
	v46 =	vsel vm1, $0x80000000, v2  }
0x345: {  	s20 =	sand.u32 $0xE0, s31;
	v9 =	vor.u32 s18, v17;
	v47 =	vld [tilespmem:$0x1FEC0];
	vm1 =	vgt.f32 v3, $5.000000000e-01;
	v0 =	vor.u32 v46, v0  }
0x346: {  	v1 =	vld.idx.msk [tilespmem:v41+s2+$0x0], $0xffff;
	v3 =	vsel vm2, $0x2, v2;
	v44 =	vor.u32 s18, v24;
	[tilespmem:s20+$0x4200] =	vst v0;
	v0 =	vsel vm1, $0x1, v2  }
0x347: {  	v45 =	vld [tilespmem:$0x1FEE0];
	vm1 =	vgt.f32 v5, $5.000000000e-01;
	v0 =	vor.u32 v0, v3;
	v3 =	vor.u32 s18, v22  }
0x348: {  	v46 =	vor.u32 s18, v25;
	v5 =	vsel vm1, $0x4, v2;
	vm1 =	vgt.f32 v6, $5.000000000e-01;
	v6 =	vld.idx.msk [tilespmem:v40+s2+$0x0], $0xffff  }
0x349: {  	v25 =	vor.u32 s18, v26;
	v41 =	vsel vm1, $0x8, v2;
	vm1 =	vgt.f32 v42, $5.000000000e-01;
	v42 =	vld.idx.msk [tilespmem:v34+s2+$0x0], $0xffff  }
0x34a: {  	v26 =	vor.u32 s18, v27;
	v27 =	vor.u32 s18, v28;
	v28 =	vor.u32 s18, v29;
	v34 =	vld [tilespmem:$0x1FEB0]  }
0x34b: {  	v10 =	vor.u32 s18, v18;
	v43 =	vsel vm1, $0x10, v2;
	vm1 =	vgt.f32 v1, $5.000000000e-01;
	v1 =	vld.idx.msk [tilespmem:v39+s2+$0x0], $0xffff  }
0x34c: {  	v29 =	vor.u32 s18, v31;
	v31 =	vor.u32 s18, v33;
	v0 =	vor.u32 v5, v0;
	v3 =	vld.idx.msk [tilespmem:v3+s2+$0x0], $0xffff  }
0x34d: {  	v40 =	vor.u32 s18, v13;
	v0 =	vor.u32 v41, v0;
	v39 =	vor.u32 s18, v32;
	v30 =	vld.idx.msk [tilespmem:v44+s2+$0x0], $0xffff  }
0x34e: {  	v0 =	vor.u32 v43, v0;
	v24 =	vsel vm1, $0x20, v2;
	v5 =	vld.idx.msk [tilespmem:v46+s2+$0x0], $0xffff;
	v43 =	vor.u32 s18, v16  }
0x34f: {  	v11 =	vld.idx.msk [tilespmem:v28+s2+$0x0], $0xffff;
	v28 =	vor.u32 s18, v20;
	v0 =	vor.u32 v24, v0;
	vm1 =	vgt.f32 v42, $5.000000000e-01  }
0x350: {  	v42 =	vor.u32 s18, v15;
	v33 =	vsel vm1, $0x40, v2;
	vm1 =	vgt.f32 v1, $5.000000000e-01;
	v1 =	vld.idx.msk [tilespmem:v25+s2+$0x0], $0xffff  }
0x351: {  	v0 =	vor.u32 v33, v0;
	v44 =	vsel vm1, $0x80, v2;
	vm1 =	vgt.f32 v3, $5.000000000e-01;
	v3 =	vld.idx.msk [tilespmem:v26+s2+$0x0], $0xffff  }
0x352: {  	v24 =	vld.idx.msk [tilespmem:v27+s2+$0x0], $0xffff;
	v0 =	vor.u32 v44, v0;
	v46 =	vsel vm1, $0x100, v2;
	vm1 =	vgt.f32 v6, $5.000000000e-01  }
0x353: {  	v29 =	vld.idx.msk [tilespmem:v29+s2+$0x0], $0xffff;
	v0 =	vor.u32 v46, v0;
	v25 =	vsel vm1, $0x200, v2;
	vm1 =	vgt.f32 v30, $5.000000000e-01  }
0x354: {  	v27 =	vld.idx.msk [tilespmem:v12+s2+$0x0], $0xffff;
	v0 =	vor.u32 v25, v0;
	v12 =	vsel vm1, $0x400, v2;
	vm1 =	vgt.f32 v5, $5.000000000e-01  }
0x355: {  	v32 =	vld.idx.msk [tilespmem:v40+s2+$0x0], $0xffff;
	v0 =	vor.u32 v12, v0;
	v12 =	vsel vm1, $0x800, v2;
	vm1 =	vgt.f32 v1, $5.000000000e-01  }
0x356: {  	v1 =	vld.idx.msk [tilespmem:v39+s2+$0x0], $0xffff;
	v0 =	vor.u32 v12, v0;
	v12 =	vsel vm1, $0x1000, v2;
	vm1 =	vgt.f32 v3, $5.000000000e-01  }
0x357: {  	v26 =	vor.u32 s18, v19;
	v3 =	vld.idx.msk [tilespmem:v31+s2+$0x0], $0xffff;
	v31 =	vsel vm1, $0x2000, v2;
	vm1 =	vgt.f32 v24, $5.000000000e-01  }
0x358: {  	v44 =	vld.idx.msk [tilespmem:v9+s2+$0x0], $0xffff;
	v30 =	vor.u32 s18, v48;
	v33 =	vsel vm1, $0x4000, v2;
	vm1 =	vgt.f32 v11, $5.000000000e-01  }
0x359: {  	v39 =	vld.idx.msk [tilespmem:v42+s2+$0x0], $0xffff;
	v0 =	vor.u32 v12, v0;
	v40 =	vsel vm1, $0x8000, v2;
	vm1 =	vgt.f32 v27, $5.000000000e-01  }
0x35a: {  	v42 =	vld.idx.msk [tilespmem:v43+s2+$0x0], $0xffff;
	v0 =	vor.u32 v31, v0;
	v43 =	vsel vm1, $0x10000, v2;
	vm1 =	vgt.f32 v29, $5.000000000e-01  }
0x35b: {  	v0 =	vor.u32 v33, v0;
	v46 =	vsel vm1, $0x20000, v2;
	vm1 =	vgt.f32 v1, $5.000000000e-01;
	v1 =	vld.idx.msk [tilespmem:v10+s2+$0x0], $0xffff  }
0x35c: {  	v0 =	vor.u32 v40, v0;
	v24 =	vsel vm1, $0x40000, v2;
	vm1 =	vgt.f32 v3, $5.000000000e-01;
	v3 =	vld.idx.msk [tilespmem:v26+s2+$0x0], $0xffff  }
0x35d: {  	v31 =	vor.u32 s18, v47;
	v0 =	vor.u32 v43, v0;
	v26 =	vld.idx.msk [tilespmem:v28+s2+$0x0], $0xffff  }
0x35e: {  	v33 =	vor.u32 s18, v45;
	v0 =	vor.u32 v46, v0;
	v28 =	vld.idx.msk [tilespmem:v30+s2+$0x0], $0xffff;
	v30 =	vor.u32 s18, v34  }
0x35f: {  	v0 =	vor.u32 v24, v0;
	v25 =	vsel vm1, $0x80000, v2;
	vm1 =	vgt.f32 v32, $5.000000000e-01  }
0x360: {  	v0 =	vor.u32 v25, v0;
	v27 =	vsel vm1, $0x100000, v2;
	vm1 =	vgt.f32 v39, $5.000000000e-01  }
0x361: {  	v0 =	vor.u32 v27, v0;
	v29 =	vsel vm1, $0x200000, v2;
	vm1 =	vgt.f32 v42, $5.000000000e-01  }
0x362: {  	v54 =	vld [tilespmem:$0x1FE60];
	v0 =	vor.u32 v29, v0;
	v4 =	vsel vm1, $0x400000, v2;
	vm1 =	vgt.f32 v44, $5.000000000e-01  }
0x363: {  	v57 =	vld [tilespmem:$0x1FE90];
	v5 =	vsel vm1, $0x800000, v2;
	vm1 =	vgt.f32 v1, $5.000000000e-01;
	v1 =	vor.u32 s18, v49  }
0x364: {  	v51 =	vld [tilespmem:$0x1FE40];
	v46 =	vsel vm0, $0x10000000, v2;
	vm0 =	vgt.f32 v37, $5.000000000e-01;
	v0 =	vor.u32 v4, v0  }
0x365: {  	v55 =	vld [tilespmem:$0x1FE70];
	v0 =	vor.u32 v5, v0;
	v32 =	vsel vm1, $0x1000000, v2;
	vm1 =	vgt.f32 v3, $5.000000000e-01  }
0x366: {  	s17 =	sadd.s32 $0x2, s17;
	v56 =	vld [tilespmem:$0x1FE80];
	v0 =	vor.u32 v32, v0;
	v3 =	vsel vm1, $0x2000000, v2;
	vm1 =	vgt.f32 v26, $5.000000000e-01  }
0x367: {  	p0 =	slt.u32 s17, $0xE;
	vm2 =	vgt.f32 v28, $5.000000000e-01;
	v0 =	vor.u32 v3, v0;
	v3 =	vld.idx.msk [tilespmem:v30+s2+$0x0], $0xffff;
	v6 =	vsel vm1, $0x4000000, v2  }
.Ltmp2:
0x368: {  	v44 =	vsel vm2, $0x8000000, v2;
	v0 =	vor.u32 v6, v0;
	v41 =	vld.idx.msk [tilespmem:v1+s2+$0x0], $0xffff;
	v1 =	vor.u32 v46, v36;
	(pc) =	sbr.rel @p0 .LBB2_6-.Ltmp2, $4  }
0x369: {  	v52 =	vld [tilespmem:$0x1FFD0];
	v36 =	vor.u32 v44, v0;
	v0 =	vsel vm0, $0x20000000, v2;
	vm0 =	vgt.f32 v38, $5.000000000e-01  }
0x36a: {  	v53 =	vld [tilespmem:$0x1FE50];
	v0 =	vor.u32 v0, v1;
	v1 =	vsel vm0, $0x40000000, v2;
	vm0 =	vgt.f32 v35, $5.000000000e-01  }
0x36b: {  	v63 =	vmovc v16;
	v60 =	vmovc v18;
	v61 =	vmov v21;
	v39 =	vld.idx.msk [tilespmem:v31+s2+$0x0], $0xffff;
	v0 =	vor.u32 v1, v0;
	v1 =	vsel vm0, $0x80000000, v2  }
0x36c: {  	s15 =	smov.u32 s19;
	s19 =	sand.u32 $0xF0, s16;
	v62 =	vmovc v15;
	v59 =	vmovc v17;
	v50 =	vmov v14;
	s18 =	sadd.s32 $0x400, s18;
	v35 =	vld.idx.msk [tilespmem:v33+s2+$0x0], $0xffff;
	vm0 =	vgt.f32 v3, $5.000000000e-01;
	v37 =	vor.u32 v1, v0  }
0x36d: {  	_ =	sdelay $0x2  }
0x36e: {  	v0 =	vsel vm0, $0x10000000, v2;
	vm0 =	vgt.f32 v39, $5.000000000e-01  }
0x36f: {  	v0 =	vor.u32 v0, v36;
	v1 =	vsel vm0, $0x20000000, v2;
	vm0 =	vgt.f32 v41, $5.000000000e-01  }
0x370: {  	v0 =	vor.u32 v1, v0;
	v1 =	vsel vm0, $0x40000000, v2;
	vm0 =	vgt.f32 v35, $5.000000000e-01  }
0x371: {  	v0 =	vor.u32 v1, v0;
	v1 =	vsel vm0, $0x80000000, v2  }
0x372: {  	[tilespmem:s15+$0x4200] =	vst v37;
	v0 =	vor.u32 v1, v0  }
0x373: {  	[tilespmem:s19+$0x4200] =	vst v0  }
0x374: {  	_ =	swait.ge [sflag:s11], $0x2000  }
0x375: {  	v19 =	vld [tilespmem:$0x1FF10]  }
0x376: {  	v22 =	vld [tilespmem:$0x1FF20]  }
0x377: {  	v23 =	vld [tilespmem:$0x1FF30]  }
0x378: {  	v24 =	vld [tilespmem:$0x1FF40]  }
0x379: {  	s16 =	simm.s32 $0x0;
	v25 =	vld [tilespmem:$0x1FF50]  }
0x37a: {  	v3 =	vor.u32 s16, v53;
	v1 =	vor.u32 s16, v51;
	v26 =	vld [tilespmem:$0x1FF60]  }
0x37b: {  	v0 =	vand.u32 v52, v1;
	v27 =	vld [tilespmem:$0x1FF70]  }
0x37c: {  	v4 =	vor.u32 s16, v55;
	v28 =	vld [tilespmem:$0x1FF80]  }
0x37d: {  	v1 =	vor.u32 s16, v54;
	[sflag:s11] =	ssyncset.done $0x0;
	v29 =	vld [tilespmem:$0x1FF90]  }
0x37e: {  	v5 =	vor.u32 s16, v56;
	v30 =	vld [tilespmem:$0x1FFA0];
	[sflag:s11] =	ssyncadd.s32 $0xFFFFE000  }
0x37f: {  	v8 =	vor.u32 s16, v58;
	v3 =	vld.idx.msk [tilespmem:v3+s9+$0x0], $0xffff  }
0x380: {  	v9 =	vor.u32 s16, v61;
	v0 =	vld.idx.msk [tilespmem:v0+s9+$0x0], $0xffff  }
0x381: {  	s25 =	simm.s32 $0x200;
	v6 =	vor.u32 s16, v57;
	v4 =	vld.idx.msk [tilespmem:v4+s9+$0x0], $0xffff  }
0x382: {  	v7 =	vor.u32 s25, v51;
	v10 =	vor.u32 s16, v48;
	v1 =	vld.idx.msk [tilespmem:v1+s9+$0x0], $0xffff;
	v11 =	vor.u32 s16, v19  }
0x383: {  	v36 =	vor.u32 s25, v53;
	v37 =	vand.u32 v50, v7;
	v5 =	vld.idx.msk [tilespmem:v5+s9+$0x0], $0xffff;
	v38 =	vor.u32 s16, v25  }
0x384: {  	v7 =	vor.u32 s16, v45;
	v35 =	vor.u32 s25, v54;
	v8 =	vld.idx.msk [tilespmem:v8+s9+$0x0], $0xffff;
	v40 =	vor.u32 s16, v27  }
0x385: {  	v9 =	vld.idx.msk [tilespmem:v9+s9+$0x0], $0xffff;
	vm1 =	vgt.f32 v3, $5.000000000e-01;
	vm0 =	vgt.f32 v0, $5.000000000e-01;
	v0 =	vor.u32 s16, v22  }
0x386: {  	v43 =	vor.u32 s16, v28;
	v3 =	vld.idx.msk [tilespmem:v6+s9+$0x0], $0xffff;
	v12 =	vsel vm1, $0x2, v2;
	vm1 =	vgt.f32 v4, $5.000000000e-01  }
0x387: {  	v31 =	vsel vm0, $0x1, v2;
	vm0 =	vgt.f32 v1, $5.000000000e-01;
	v1 =	vor.u32 s16, v23;
	v11 =	vld.idx.msk [tilespmem:v11+s9+$0x0], $0xffff  }
0x388: {  	v6 =	vor.u32 v31, v12;
	v32 =	vsel vm0, $0x4, v2;
	vm0 =	vgt.f32 v5, $5.000000000e-01;
	v5 =	vld.idx.msk [tilespmem:v38+s9+$0x0], $0xffff  }
0x389: {  	v33 =	vsel vm1, $0x8, v2;
	v12 =	vor.u32 s16, v24;
	v31 =	vld [tilespmem:$0x1FFB0];
	v4 =	vor.u32 v32, v6  }
0x38a: {  	vm1 =	vgt.f32 v8, $5.000000000e-01;
	v39 =	vsel vm0, $0x10, v2;
	v4 =	vor.u32 v33, v4;
	v0 =	vld.idx.msk [tilespmem:v0+s9+$0x0], $0xffff  }
0x38b: {  	vm0 =	vgt.f32 v3, $5.000000000e-01;
	v3 =	vor.u32 s16, v26;
	v4 =	vor.u32 v39, v4;
	v39 =	vld [tilespmem:$0x1FEF0]  }
0x38c: {  	v46 =	vor.u32 s16, v29;
	v42 =	vsel vm1, $0x40, v2;
	v41 =	vsel vm0, $0x20, v2;
	v1 =	vld.idx.msk [tilespmem:v1+s9+$0x0], $0xffff  }
0x38d: {  	v38 =	vor.u32 s16, v59;
	v32 =	vld [tilespmem:$0x1FFC0];
	vm0 =	vgt.f32 v9, $5.000000000e-01;
	v4 =	vor.u32 v41, v4  }
0x38e: {  	v44 =	vsel vm0, $0x80, v2;
	v12 =	vld.idx.msk [tilespmem:v12+s9+$0x0], $0xffff;
	v4 =	vor.u32 v42, v4;
	vm0 =	vgt.f32 v11, $5.000000000e-01  }
0x38f: {  	v9 =	vld.idx.msk [tilespmem:v43+s9+$0x0], $0xffff;
	v4 =	vor.u32 v44, v4;
	vm1 =	vgt.f32 v0, $5.000000000e-01;
	v0 =	vsel vm0, $0x100, v2  }
0x390: {  	v8 =	vor.u32 s16, v30;
	v3 =	vld.idx.msk [tilespmem:v3+s9+$0x0], $0xffff;
	v43 =	vor.u32 s16, v39;
	v0 =	vor.u32 v0, v4  }
0x391: {  	v6 =	vld.idx.msk [tilespmem:v40+s9+$0x0], $0xffff;
	v41 =	vsel vm1, $0x200, v2;
	vm0 =	vgt.f32 v1, $5.000000000e-01;
	v1 =	vor.u32 s16, v31  }
0x392: {  	vm1 =	vgt.f32 v5, $5.000000000e-01;
	v5 =	vld.idx.msk [tilespmem:v38+s9+$0x0], $0xffff;
	v38 =	vor.u32 s16, v47;
	v0 =	vor.u32 v41, v0  }
0x393: {  	v13 =	vld [tilespmem:$0x1FF00];
	v42 =	vsel vm0, $0x400, v2;
	vm0 =	vgt.f32 v12, $5.000000000e-01;
	v12 =	vor.u32 s16, v32  }
0x394: {  	v11 =	vld.idx.msk [tilespmem:v46+s9+$0x0], $0xffff;
	v46 =	vsel vm1, $0x1000, v2;
	v0 =	vor.u32 v42, v0;
	v44 =	vsel vm0, $0x800, v2  }
0x395: {  	v8 =	vld.idx.msk [tilespmem:v8+s9+$0x0], $0xffff;
	v0 =	vor.u32 v44, v0;
	vm0 =	vgt.f32 v3, $5.000000000e-01;
	v3 =	vor.u32 s16, v62  }
0x396: {  	v42 =	vor.u32 s16, v60;
	v0 =	vor.u32 v46, v0;
	v33 =	vsel vm0, $0x2000, v2;
	v1 =	vld.idx.msk [tilespmem:v1+s9+$0x0], $0xffff  }
0x397: {  	vm0 =	vgt.f32 v6, $5.000000000e-01;
	v6 =	vor.u32 s16, v63;
	v0 =	vor.u32 v33, v0;
	v33 =	vld [tilespmem:$0x1FFE0]  }
0x398: {  	vm1 =	vgt.f32 v9, $5.000000000e-01;
	v44 =	vor.u32 s16, v13;
	v40 =	vsel vm0, $0x4000, v2;
	v12 =	vld.idx.msk [tilespmem:v12+s9+$0x0], $0xffff  }
0x399: {  	v41 =	vsel vm1, $0x8000, v2;
	v4 =	vld.idx.msk [tilespmem:v43+s9+$0x0], $0xffff;
	vm0 =	vgt.f32 v11, $5.000000000e-01;
	v0 =	vor.u32 v40, v0  }
0x39a: {  	v43 =	vsel vm0, $0x10000, v2;
	vm0 =	vgt.f32 v8, $5.000000000e-01;
	v0 =	vor.u32 v41, v0;
	v3 =	vld.idx.msk [tilespmem:v3+s9+$0x0], $0xffff  }
0x39b: {  	v11 =	vld.idx.msk [tilespmem:v42+s9+$0x0], $0xffff;
	v0 =	vor.u32 v43, v0;
	vm1 =	vgt.f32 v1, $5.000000000e-01;
	v1 =	vsel vm0, $0x20000, v2  }
0x39c: {  	v40 =	vor.u32 s25, v55;
	v6 =	vld.idx.msk [tilespmem:v6+s9+$0x0], $0xffff;
	v46 =	vor.u32 s16, v33;
	v0 =	vor.u32 v1, v0  }
0x39d: {  	v8 =	vld.idx.msk [tilespmem:v44+s9+$0x0], $0xffff;
	v1 =	vsel vm1, $0x40000, v2;
	vm0 =	vgt.f32 v12, $5.000000000e-01;
	v12 =	vor.u32 s16, v34  }
0x39e: {  	v44 =	vld.idx.msk [tilespmem:v36+s9+$0x0], $0xffff;
	v0 =	vor.u32 v1, v0;
	v1 =	vsel vm0, $0x80000, v2;
	vm0 =	vgt.f32 v4, $5.000000000e-01  }
0x39f: {  	v0 =	vor.u32 v1, v0;
	vm1 =	vgt.f32 v3, $5.000000000e-01;
	v3 =	vsel vm0, $0x100000, v2  }
0x3a0: {  	v41 =	vor.u32 s25, v56;
	v1 =	vor.u32 s16, v49;
	v0 =	vor.u32 v3, v0  }
0x3a1: {  	v3 =	vsel vm1, $0x200000, v2;
	vm0 =	vgt.f32 v6, $5.000000000e-01;
	vm1 =	vgt.f32 v11, $5.000000000e-01;
	v9 =	vld.idx.msk [tilespmem:v46+s9+$0x0], $0xffff  }
0x3a2: {  	v10 =	vld.idx.msk [tilespmem:v10+s9+$0x0], $0xffff;
	v11 =	vor.u32 s25, v28;
	v0 =	vor.u32 v3, v0;
	v3 =	vsel vm0, $0x400000, v2  }
0x3a3: {  	vm0 =	vgt.f32 v5, $5.000000000e-01;
	v43 =	vsel vm1, $0x1000000, v2;
	vm1 =	vgt.f32 v44, $5.000000000e-01;
	v12 =	vld.idx.msk [tilespmem:v12+s9+$0x0], $0xffff  }
0x3a4: {  	v4 =	vld.idx.msk [tilespmem:v38+s9+$0x0], $0xffff;
	v0 =	vor.u32 v3, v0;
	v42 =	vsel vm0, $0x800000, v2;
	vm0 =	vgt.f32 v8, $5.000000000e-01  }
0x3a5: {  	v3 =	vor.u32 s25, v57;
	v0 =	vor.u32 v42, v0;
	v8 =	vsel vm0, $0x2000000, v2;
	v1 =	vld.idx.msk [tilespmem:v1+s9+$0x0], $0xffff  }
0x3a6: {  	v42 =	vor.u32 s25, v58;
	v0 =	vor.u32 v43, v0;
	vm0 =	vgt.f32 v9, $5.000000000e-01  }
0x3a7: {  	v7 =	vld.idx.msk [tilespmem:v7+s9+$0x0], $0xffff;
	v43 =	vor.u32 s25, v61;
	v46 =	vsel vm0, $0x4000000, v2;
	vm0 =	vgt.f32 v10, $5.000000000e-01  }
0x3a8: {  	v34 =	vld.idx.msk [tilespmem:v37+s9+$0x0], $0xffff;
	v0 =	vor.u32 v8, v0;
	v36 =	vsel vm0, $0x8000000, v2;
	vm0 =	vgt.f32 v12, $5.000000000e-01  }
0x3a9: {  	v37 =	vld.idx.msk [tilespmem:v35+s9+$0x0], $0xffff;
	v0 =	vor.u32 v46, v0;
	v38 =	vsel vm0, $0x10000000, v2;
	vm0 =	vgt.f32 v4, $5.000000000e-01  }
0x3aa: {  	v0 =	vor.u32 v36, v0;
	v4 =	vsel vm0, $0x20000000, v2;
	vm0 =	vgt.f32 v1, $5.000000000e-01;
	v1 =	vld.idx.msk [tilespmem:v40+s9+$0x0], $0xffff  }
0x3ab: {  	v9 =	vsel vm1, $0x2, v2;
	v46 =	vor.u32 s25, v19;
	v0 =	vor.u32 v38, v0  }
0x3ac: {  	v5 =	vld.idx.msk [tilespmem:v41+s9+$0x0], $0xffff;
	v0 =	vor.u32 v4, v0;
	v40 =	vsel vm0, $0x40000000, v2;
	vm0 =	vgt.f32 v7, $5.000000000e-01  }
0x3ad: {  	v3 =	vld.idx.msk [tilespmem:v3+s9+$0x0], $0xffff;
	v0 =	vor.u32 v40, v0;
	v41 =	vsel vm0, $0x80000000, v2;
	vm0 =	vgt.f32 v34, $5.000000000e-01  }
0x3ae: {  	v38 =	vld.idx.msk [tilespmem:v42+s9+$0x0], $0xffff;
	v40 =	vor.u32 s25, v23;
	v44 =	vsel vm0, $0x1, v2;
	vm0 =	vgt.f32 v37, $5.000000000e-01  }
0x3af: {  	v7 =	vld.idx.msk [tilespmem:v43+s9+$0x0], $0xffff;
	v36 =	vsel vm0, $0x4, v2;
	vm0 =	vgt.f32 v1, $5.000000000e-01;
	v1 =	vor.u32 s25, v22  }
0x3b0: {  	v35 =	vor.u32 v41, v0;
	v43 =	vld.idx.msk [tilespmem:v46+s9+$0x0], $0xffff;
	v46 =	vor.u32 s25, v26;
	v8 =	vor.u32 v44, v9  }
0x3b1: {  	v44 =	vor.u32 s25, v25;
	v37 =	vsel vm0, $0x8, v2;
	vm0 =	vgt.f32 v5, $5.000000000e-01  }
0x3b2: {  	v41 =	vsel vm0, $0x10, v2;
	vm0 =	vgt.f32 v3, $5.000000000e-01;
	v3 =	vor.u32 s25, v24  }
0x3b3: {  	v6 =	vor.u32 s25, v31;
	v12 =	vor.u32 s25, v29;
	v8 =	vor.u32 v36, v8;
	v40 =	vld.idx.msk [tilespmem:v40+s9+$0x0], $0xffff  }
0x3b4: {  	v4 =	vor.u32 s25, v27;
	v34 =	vor.u32 s25, v30;
	v0 =	vor.u32 v37, v8;
	v1 =	vld.idx.msk [tilespmem:v1+s9+$0x0], $0xffff  }
0x3b5: {  	v0 =	vor.u32 v41, v0;
	v42 =	vsel vm0, $0x20, v2;
	vm0 =	vgt.f32 v38, $5.000000000e-01;
	v10 =	vld.idx.msk [tilespmem:v46+s9+$0x0], $0xffff  }
0x3b6: {  	v46 =	vor.u32 s25, v63;
	v0 =	vor.u32 v42, v0;
	v41 =	vsel vm0, $0x40, v2;
	v9 =	vld.idx.msk [tilespmem:v44+s9+$0x0], $0xffff  }
0x3b7: {  	vm0 =	vgt.f32 v7, $5.000000000e-01;
	v7 =	vor.u32 s25, v32;
	v44 =	vor.u32 s25, v62;
	v3 =	vld.idx.msk [tilespmem:v3+s9+$0x0], $0xffff  }
0x3b8: {  	v11 =	vld.idx.msk [tilespmem:v11+s9+$0x0], $0xffff;
	v0 =	vor.u32 v41, v0;
	v42 =	vsel vm0, $0x80, v2;
	vm0 =	vgt.f32 v43, $5.000000000e-01  }
0x3b9: {  	v0 =	vor.u32 v42, v0;
	vm1 =	vgt.f32 v1, $5.000000000e-01;
	v1 =	vsel vm0, $0x100, v2  }
0x3ba: {  	v43 =	vor.u32 s25, v39;
	vm0 =	vgt.f32 v40, $5.000000000e-01;
	v0 =	vor.u32 v1, v0  }
0x3bb: {  	v1 =	vsel vm1, $0x200, v2;
	vm1 =	vgt.f32 v9, $5.000000000e-01;
	v9 =	vor.u32 s25, v48  }
0x3bc: {  	v4 =	vld.idx.msk [tilespmem:v4+s9+$0x0], $0xffff;
	v0 =	vor.u32 v1, v0;
	v1 =	vsel vm0, $0x400, v2;
	vm0 =	vgt.f32 v3, $5.000000000e-01  }
0x3bd: {  	s17 =	simm.s32 $0x400;
	v12 =	vld.idx.msk [tilespmem:v12+s9+$0x0], $0xffff;
	v3 =	vor.u32 s25, v59;
	v40 =	vsel vm1, $0x1000, v2;
	vm1 =	vgt.f32 v11, $5.000000000e-01  }
0x3be: {  	v34 =	vld.idx.msk [tilespmem:v34+s9+$0x0], $0xffff;
	v11 =	vor.u32 s17, v22;
	v0 =	vor.u32 v1, v0;
	v1 =	vor.u32 s25, v60  }
0x3bf: {  	v6 =	vld.idx.msk [tilespmem:v6+s9+$0x0], $0xffff;
	v38 =	vsel vm0, $0x800, v2;
	vm0 =	vgt.f32 v10, $5.000000000e-01;
	v10 =	vor.u32 s25, v13  }
0x3c0: {  	v8 =	vld.idx.msk [tilespmem:v43+s9+$0x0], $0xffff;
	v43 =	vsel vm1, $0x8000, v2;
	v0 =	vor.u32 v38, v0;
	v41 =	vsel vm0, $0x2000, v2  }
0x3c1: {  	v7 =	vld.idx.msk [tilespmem:v7+s9+$0x0], $0xffff;
	vm0 =	vgt.f32 v4, $5.000000000e-01;
	v4 =	vor.u32 s25, v33;
	v0 =	vor.u32 v40, v0  }
0x3c2: {  	v42 =	vsel vm0, $0x4000, v2;
	vm0 =	vgt.f32 v12, $5.000000000e-01;
	v40 =	vor.u32 s17, v51  }
0x3c3: {  	v36 =	vld.idx.msk [tilespmem:v44+s9+$0x0], $0xffff;
	v0 =	vor.u32 v41, v0;
	v44 =	vsel vm0, $0x10000, v2;
	vm0 =	vgt.f32 v34, $5.000000000e-01  }
0x3c4: {  	s26 =	simm.s32 $0x600;
	v5 =	vld.idx.msk [tilespmem:v46+s9+$0x0], $0xffff;
	v0 =	vor.u32 v42, v0;
	v46 =	vsel vm0, $0x20000, v2;
	vm0 =	vgt.f32 v6, $5.000000000e-01  }
0x3c5: {  	v12 =	vor.u32 s26, v54;
	v0 =	vor.u32 v43, v0;
	v6 =	vsel vm0, $0x40000, v2  }
0x3c6: {  	vm0 =	vgt.f32 v7, $5.000000000e-01;
	v7 =	vor.u32 s17, v53;
	v43 =	vand.u32 v52, v40  }
0x3c7: {  	v3 =	vld.idx.msk [tilespmem:v3+s9+$0x0], $0xffff;
	v0 =	vor.u32 v44, v0;
	v37 =	vsel vm0, $0x80000, v2;
	vm0 =	vgt.f32 v8, $5.000000000e-01  }
0x3c8: {  	v1 =	vld.idx.msk [tilespmem:v1+s9+$0x0], $0xffff;
	v40 =	vor.u32 s17, v56;
	v0 =	vor.u32 v46, v0;
	v38 =	vsel vm0, $0x100000, v2  }
0x3c9: {  	vm0 =	vgt.f32 v36, $5.000000000e-01;
	v46 =	vor.u32 s17, v54;
	v0 =	vor.u32 v6, v0  }
0x3ca: {  	v41 =	vld.idx.msk [tilespmem:v10+s9+$0x0], $0xffff;
	v42 =	vsel vm0, $0x200000, v2;
	vm0 =	vgt.f32 v5, $5.000000000e-01;
	v0 =	vor.u32 v37, v0  }
0x3cb: {  	v4 =	vld.idx.msk [tilespmem:v4+s9+$0x0], $0xffff;
	v36 =	vor.u32 s25, v47;
	v44 =	vsel vm0, $0x400000, v2;
	v0 =	vor.u32 v38, v0  }
0x3cc: {  	v34 =	vld [tilespmem:$0x1FEB0];
	vm0 =	vgt.f32 v3, $5.000000000e-01;
	v3 =	vor.u32 s17, v55;
	v0 =	vor.u32 v42, v0  }
0x3cd: {  	v9 =	vld.idx.msk [tilespmem:v9+s9+$0x0], $0xffff;
	v38 =	vsel vm0, $0x800000, v2;
	vm0 =	vgt.f32 v1, $5.000000000e-01;
	v0 =	vor.u32 v44, v0  }
0x3ce: {  	v5 =	vld.idx.msk [tilespmem:v43+s9+$0x0], $0xffff;
	v43 =	vor.u32 s17, v19;
	v1 =	vsel vm0, $0x1000000, v2;
	v0 =	vor.u32 v38, v0  }
0x3cf: {  	v7 =	vld.idx.msk [tilespmem:v7+s9+$0x0], $0xffff;
	vm0 =	vgt.f32 v41, $5.000000000e-01;
	v0 =	vor.u32 v1, v0;
	v1 =	vor.u32 s17, v57  }
0x3d0: {  	v41 =	vor.u32 s17, v58;
	v8 =	vsel vm0, $0x2000000, v2;
	vm0 =	vgt.f32 v4, $5.000000000e-01;
	v10 =	vld.idx.msk [tilespmem:v46+s9+$0x0], $0xffff  }
0x3d1: {  	v37 =	vor.u32 s25, v34;
	v42 =	vsel vm0, $0x4000000, v2;
	v3 =	vld.idx.msk [tilespmem:v3+s9+$0x0], $0xffff;
	v0 =	vor.u32 v8, v0  }
0x3d2: {  	v6 =	vld.idx.msk [tilespmem:v40+s9+$0x0], $0xffff;
	vm0 =	vgt.f32 v9, $5.000000000e-01;
	v38 =	vor.u32 v42, v0;
	v0 =	vor.u32 s17, v61  }
0x3d3: {  	v8 =	vor.u32 s26, v51;
	vm1 =	vgt.f32 v5, $5.000000000e-01;
	v5 =	vor.u32 s17, v23;
	v9 =	vld.idx.msk [tilespmem:v43+s9+$0x0], $0xffff  }
0x3d4: {  	vm2 =	vgt.f32 v7, $5.000000000e-01;
	v43 =	vor.u32 s17, v26;
	v42 =	vor.u32 s17, v25;
	v1 =	vld.idx.msk [tilespmem:v1+s9+$0x0], $0xffff  }
0x3d5: {  	v4 =	vld.idx.msk [tilespmem:v41+s9+$0x0], $0xffff;
	v44 =	vsel vm1, $0x1, v2;
	v46 =	vsel vm2, $0x2, v2;
	vm1 =	vgt.f32 v10, $5.000000000e-01  }
0x3d6: {  	v7 =	vor.u32 v44, v46;
	v40 =	vsel vm1, $0x4, v2;
	vm1 =	vgt.f32 v3, $5.000000000e-01  }
0x3d7: {  	v3 =	vor.u32 s17, v24;
	v7 =	vor.u32 v40, v7;
	v41 =	vsel vm1, $0x8, v2;
	v0 =	vld.idx.msk [tilespmem:v0+s9+$0x0], $0xffff  }
0x3d8: {  	v11 =	vld.idx.msk [tilespmem:v11+s9+$0x0], $0xffff;
	v8 =	vand.u32 v50, v8;
	vm1 =	vgt.f32 v6, $5.000000000e-01;
	v7 =	vor.u32 v41, v7  }
0x3d9: {  	v6 =	vld.idx.msk [tilespmem:v42+s9+$0x0], $0xffff;
	v42 =	vor.u32 s17, v30;
	vm2 =	vgt.f32 v1, $5.000000000e-01;
	v1 =	vsel vm1, $0x10, v2  }
0x3da: {  	vm1 =	vgt.f32 v4, $5.000000000e-01;
	v4 =	vor.u32 s17, v27;
	v1 =	vor.u32 v1, v7  }
0x3db: {  	v5 =	vld.idx.msk [tilespmem:v5+s9+$0x0], $0xffff;
	v44 =	vsel vm2, $0x20, v2;
	v46 =	vsel vm1, $0x40, v2;
	v7 =	vor.u32 s17, v29  }
0x3dc: {  	v3 =	vld.idx.msk [tilespmem:v3+s9+$0x0], $0xffff;
	vm2 =	vgt.f32 v9, $5.000000000e-01;
	v1 =	vor.u32 v44, v1;
	vm1 =	vgt.f32 v0, $5.000000000e-01  }
0x3dd: {  	v0 =	vor.u32 s17, v28;
	v41 =	vsel vm2, $0x100, v2;
	v44 =	vor.u32 s17, v31  }
0x3de: {  	v1 =	vor.u32 v46, v1;
	v40 =	vsel vm1, $0x80, v2;
	vm1 =	vgt.f32 v11, $5.000000000e-01  }
0x3df: {  	v10 =	vld.idx.msk [tilespmem:v43+s9+$0x0], $0xffff;
	v46 =	vor.u32 s17, v32;
	v1 =	vor.u32 v40, v1;
	v43 =	vsel vm1, $0x200, v2  }
0x3e0: {  	vm1 =	vgt.f32 v5, $5.000000000e-01;
	v40 =	vor.u32 s17, v39;
	v1 =	vor.u32 v41, v1;
	v4 =	vld.idx.msk [tilespmem:v4+s9+$0x0], $0xffff  }
0x3e1: {  	v11 =	vld.idx.msk [tilespmem:v42+s9+$0x0], $0xffff;
	vm2 =	vgt.f32 v3, $5.000000000e-01;
	v3 =	vsel vm1, $0x400, v2;
	v1 =	vor.u32 v43, v1  }
0x3e2: {  	vm1 =	vgt.f32 v6, $5.000000000e-01;
	v0 =	vld.idx.msk [tilespmem:v0+s9+$0x0], $0xffff;
	v1 =	vor.u32 v3, v1;
	v3 =	vsel vm2, $0x800, v2  }
0x3e3: {  	v41 =	vor.u32 s17, v62;
	v7 =	vld.idx.msk [tilespmem:v7+s9+$0x0], $0xffff;
	v1 =	vor.u32 v3, v1;
	v3 =	vsel vm1, $0x1000, v2  }
0x3e4: {  	vm1 =	vgt.f32 v10, $5.000000000e-01;
	v9 =	vld.idx.msk [tilespmem:v46+s9+$0x0], $0xffff;
	v46 =	vor.u32 s17, v60;
	v1 =	vor.u32 v3, v1  }
0x3e5: {  	v5 =	vld.idx.msk [tilespmem:v44+s9+$0x0], $0xffff;
	v3 =	vor.u32 s17, v63;
	v42 =	vsel vm1, $0x2000, v2;
	vm2 =	vgt.f32 v4, $5.000000000e-01  }
0x3e6: {  	v6 =	vld.idx.msk [tilespmem:v40+s9+$0x0], $0xffff;
	v1 =	vor.u32 v42, v1;
	v4 =	vor.u32 s17, v13;
	v43 =	vsel vm2, $0x4000, v2  }
0x3e7: {  	vm2 =	vgt.f32 v11, $5.000000000e-01;
	vm1 =	vgt.f32 v0, $5.000000000e-01;
	v0 =	vor.u32 s17, v59  }
0x3e8: {  	v10 =	vld.idx.msk [tilespmem:v41+s9+$0x0], $0xffff;
	v1 =	vor.u32 v43, v1;
	v41 =	vsel vm2, $0x20000, v2;
	v44 =	vsel vm1, $0x8000, v2  }
0x3e9: {  	v43 =	vor.u32 s17, v48;
	vm1 =	vgt.f32 v7, $5.000000000e-01;
	v1 =	vor.u32 v44, v1  }
0x3ea: {  	v40 =	vsel vm1, $0x10000, v2;
	vm1 =	vgt.f32 v5, $5.000000000e-01;
	v5 =	vor.u32 s17, v33  }
0x3eb: {  	v3 =	vld.idx.msk [tilespmem:v3+s9+$0x0], $0xffff;
	v44 =	vor.u32 s17, v34;
	vm2 =	vgt.f32 v6, $5.000000000e-01;
	v1 =	vor.u32 v40, v1  }
0x3ec: {  	v7 =	vld.idx.msk [tilespmem:v46+s9+$0x0], $0xffff;
	v42 =	vsel vm1, $0x40000, v2;
	vm1 =	vgt.f32 v9, $5.000000000e-01;
	v40 =	vsel vm2, $0x100000, v2  }
0x3ed: {  	v1 =	vor.u32 v41, v1;
	v46 =	vsel vm1, $0x80000, v2;
	vm1 =	vgt.f32 v10, $5.000000000e-01;
	v0 =	vld.idx.msk [tilespmem:v0+s9+$0x0], $0xffff  }
0x3ee: {  	v10 =	vor.u32 s17, v45;
	v1 =	vor.u32 v42, v1;
	v41 =	vsel vm1, $0x200000, v2;
	v9 =	vld.idx.msk [tilespmem:v43+s9+$0x0], $0xffff  }
0x3ef: {  	v4 =	vld.idx.msk [tilespmem:v4+s9+$0x0], $0xffff;
	v42 =	vor.u32 s17, v49;
	v1 =	vor.u32 v46, v1;
	v46 =	vsel vm0, $0x8000000, v2  }
0x3f0: {  	v8 =	vld.idx.msk [tilespmem:v8+s9+$0x0], $0xffff;
	v1 =	vor.u32 v40, v1;
	vm1 =	vgt.f32 v3, $5.000000000e-01;
	v3 =	vor.u32 s17, v47  }
0x3f1: {  	v5 =	vld.idx.msk [tilespmem:v5+s9+$0x0], $0xffff;
	v40 =	vor.u32 s26, v55;
	v1 =	vor.u32 v41, v1;
	v41 =	vor.u32 s26, v56  }
0x3f2: {  	v11 =	vld.idx.msk [tilespmem:v44+s9+$0x0], $0xffff;
	vm2 =	vgt.f32 v0, $5.000000000e-01;
	v0 =	vsel vm1, $0x400000, v2;
	vm1 =	vgt.f32 v7, $5.000000000e-01  }
0x3f3: {  	v7 =	vor.u32 s26, v53;
	vm0 =	vgt.f32 v9, $5.000000000e-01;
	v0 =	vor.u32 v0, v1  }
0x3f4: {  	v6 =	vld.idx.msk [tilespmem:v42+s9+$0x0], $0xffff;
	v1 =	vsel vm2, $0x800000, v2;
	vm2 =	vgt.f32 v4, $5.000000000e-01;
	v43 =	vsel vm1, $0x1000000, v2  }
0x3f5: {  	v42 =	vsel vm0, $0x8000000, v2;
	v0 =	vor.u32 v1, v0;
	v3 =	vld.idx.msk [tilespmem:v3+s9+$0x0], $0xffff;
	v44 =	vsel vm2, $0x2000000, v2  }
0x3f6: {  	v1 =	vld.idx.msk [tilespmem:v37+s9+$0x0], $0xffff;
	vm1 =	vgt.f32 v5, $5.000000000e-01;
	vm2 =	vgt.f32 v8, $5.000000000e-01;
	v0 =	vor.u32 v43, v0  }
0x3f7: {  	v37 =	vsel vm1, $0x4000000, v2;
	vm1 =	vgt.f32 v11, $5.000000000e-01;
	v4 =	vld.idx.msk [tilespmem:v41+s9+$0x0], $0xffff;
	v41 =	vor.u32 s26, v19  }
0x3f8: {  	v12 =	vld.idx.msk [tilespmem:v12+s9+$0x0], $0xffff;
	v8 =	vsel vm2, $0x1, v2;
	v0 =	vor.u32 v44, v0;
	v44 =	vsel vm1, $0x10000000, v2  }
0x3f9: {  	v10 =	vld.idx.msk [tilespmem:v10+s9+$0x0], $0xffff;
	v0 =	vor.u32 v37, v0;
	v37 =	vor.u32 v46, v38;
	v46 =	vor.u32 s26, v57  }
0x3fa: {  	v43 =	vld.idx.msk [tilespmem:v7+s9+$0x0], $0xffff;
	vm1 =	vgt.f32 v6, $5.000000000e-01;
	v38 =	vor.u32 s26, v58;
	vm0 =	vgt.f32 v3, $5.000000000e-01  }
0x3fb: {  	v0 =	vor.u32 v42, v0;
	v3 =	vsel vm0, $0x20000000, v2;
	vm0 =	vgt.f32 v1, $5.000000000e-01;
	v1 =	vld.idx.msk [tilespmem:v40+s9+$0x0], $0xffff  }
0x3fc: {  	v0 =	vor.u32 v44, v0;
	v40 =	vor.u32 s26, v61;
	v5 =	vld.idx.msk [tilespmem:v41+s9+$0x0], $0xffff;
	v41 =	vor.u32 s26, v25  }
0x3fd: {  	v25 =	vor.u32 s26, v29;
	v29 =	vor.u32 s26, v31;
	v31 =	vor.u32 s26, v39  }
0x3fe: {  	v39 =	vor.u32 s26, v59;
	v0 =	vor.u32 v3, v0;
	v3 =	vsel vm1, $0x40000000, v2  }
0x3ff: {  	vm1 =	vgt.f32 v10, $5.000000000e-01;
	vm2 =	vgt.f32 v43, $5.000000000e-01;
	v43 =	vor.u32 s26, v22  }
0x400: {  	v0 =	vor.u32 v3, v0;
	v6 =	vld.idx.msk [tilespmem:v38+s9+$0x0], $0xffff;
	v38 =	vor.u32 s26, v24;
	v24 =	vor.u32 s26, v28  }
0x401: {  	v9 =	vld.idx.msk [tilespmem:v46+s9+$0x0], $0xffff;
	v42 =	vsel vm2, $0x2, v2;
	vm2 =	vgt.f32 v12, $5.000000000e-01;
	v12 =	vor.u32 s25, v49  }
0x402: {  	v3 =	vor.u32 v8, v42;
	v44 =	vsel vm2, $0x4, v2;
	vm2 =	vgt.f32 v1, $5.000000000e-01  }
0x403: {  	v1 =	vor.u32 v44, v3;
	v3 =	vor.u32 s26, v23;
	v44 =	vor.u32 s26, v27  }
0x404: {  	v10 =	vld.idx.msk [tilespmem:v41+s9+$0x0], $0xffff;
	v27 =	vor.u32 s26, v30;
	v30 =	vor.u32 s26, v32;
	v32 =	vor.u32 s26, v62  }
0x405: {  	v41 =	vor.u32 s26, v13;
	v46 =	vsel vm2, $0x8, v2;
	vm2 =	vgt.f32 v4, $5.000000000e-01;
	v4 =	vld.idx.msk [tilespmem:v40+s9+$0x0], $0xffff  }
0x406: {  	v1 =	vor.u32 v46, v1;
	v40 =	vsel vm2, $0x10, v2;
	vm2 =	vgt.f32 v9, $5.000000000e-01;
	v42 =	vld.idx.msk [tilespmem:v43+s9+$0x0], $0xffff  }
0x407: {  	v43 =	vor.u32 s26, v26;
	v7 =	vld.idx.msk [tilespmem:v38+s9+$0x0], $0xffff;
	v1 =	vor.u32 v40, v1;
	v9 =	vsel vm2, $0x20, v2  }
0x408: {  	v38 =	vor.u32 s26, v63;
	vm2 =	vgt.f32 v6, $5.000000000e-01;
	v1 =	vor.u32 v9, v1;
	v9 =	vld.idx.msk [tilespmem:v24+s9+$0x0], $0xffff  }
0x409: {  	v40 =	vor.u32 s26, v60;
	v46 =	vsel vm2, $0x40, v2;
	v24 =	vor.u32 s26, v34;
	v3 =	vld.idx.msk [tilespmem:v3+s9+$0x0], $0xffff  }
0x40a: {  	v1 =	vor.u32 v46, v1;
	v46 =	vsel vm1, $0x80000000, v2;
	vm2 =	vgt.f32 v4, $5.000000000e-01  }
0x40b: {  	v6 =	vld.idx.msk [tilespmem:v44+s9+$0x0], $0xffff;
	v44 =	vor.u32 s25, v45;
	v0 =	vor.u32 v46, v0;
	v4 =	vsel vm2, $0x80, v2  }
0x40c: {  	vm2 =	vgt.f32 v5, $5.000000000e-01;
	v11 =	vld.idx.msk [tilespmem:v43+s9+$0x0], $0xffff;
	v43 =	vor.u32 s26, v48;
	v1 =	vor.u32 v4, v1  }
0x40d: {  	v26 =	vsel vm2, $0x100, v2;
	vm2 =	vgt.f32 v42, $5.000000000e-01;
	v42 =	vor.u32 s26, v33  }
0x40e: {  	v1 =	vor.u32 v26, v1;
	v28 =	vsel vm2, $0x200, v2;
	vm2 =	vgt.f32 v3, $5.000000000e-01  }
0x40f: {  	v5 =	vld.idx.msk [tilespmem:v25+s9+$0x0], $0xffff;
	v1 =	vor.u32 v28, v1;
	v3 =	vsel vm2, $0x400, v2;
	vm2 =	vgt.f32 v7, $5.000000000e-01  }
0x410: {  	v8 =	vld.idx.msk [tilespmem:v27+s9+$0x0], $0xffff;
	v1 =	vor.u32 v3, v1;
	v3 =	vsel vm2, $0x800, v2;
	vm2 =	vgt.f32 v10, $5.000000000e-01  }
0x411: {  	v4 =	vld.idx.msk [tilespmem:v29+s9+$0x0], $0xffff;
	v1 =	vor.u32 v3, v1;
	v3 =	vsel vm2, $0x1000, v2;
	vm2 =	vgt.f32 v11, $5.000000000e-01  }
0x412: {  	v7 =	vld.idx.msk [tilespmem:v30+s9+$0x0], $0xffff;
	v1 =	vor.u32 v3, v1;
	v3 =	vsel vm2, $0x2000, v2;
	vm2 =	vgt.f32 v6, $5.000000000e-01  }
0x413: {  	v10 =	vld.idx.msk [tilespmem:v31+s9+$0x0], $0xffff;
	v1 =	vor.u32 v3, v1;
	v3 =	vsel vm2, $0x4000, v2;
	vm2 =	vgt.f32 v9, $5.000000000e-01  }
0x414: {  	v11 =	vld.idx.msk [tilespmem:v32+s9+$0x0], $0xffff;
	v1 =	vor.u32 v3, v1;
	v3 =	vsel vm2, $0x8000, v2;
	vm2 =	vgt.f32 v5, $5.000000000e-01  }
0x415: {  	v27 =	vld.idx.msk [tilespmem:v12+s9+$0x0], $0xffff;
	v1 =	vor.u32 v3, v1;
	v3 =	vsel vm2, $0x10000, v2;
	vm2 =	vgt.f32 v8, $5.000000000e-01  }
0x416: {  	v6 =	vld.idx.msk [tilespmem:v38+s9+$0x0], $0xffff;
	v1 =	vor.u32 v3, v1;
	v3 =	vsel vm2, $0x20000, v2;
	vm2 =	vgt.f32 v4, $5.000000000e-01  }
0x417: {  	v9 =	vld.idx.msk [tilespmem:v39+s9+$0x0], $0xffff;
	v1 =	vor.u32 v3, v1;
	v3 =	vsel vm2, $0x40000, v2;
	vm2 =	vgt.f32 v7, $5.000000000e-01  }
0x418: {  	v5 =	vld.idx.msk [tilespmem:v40+s9+$0x0], $0xffff;
	v1 =	vor.u32 v3, v1;
	v3 =	vsel vm2, $0x80000, v2;
	vm2 =	vgt.f32 v10, $5.000000000e-01  }
0x419: {  	v8 =	vld.idx.msk [tilespmem:v41+s9+$0x0], $0xffff;
	v1 =	vor.u32 v3, v1;
	v3 =	vsel vm2, $0x100000, v2;
	vm2 =	vgt.f32 v11, $5.000000000e-01  }
0x41a: {  	v33 =	vor.u32 s26, v45;
	v4 =	vld.idx.msk [tilespmem:v42+s9+$0x0], $0xffff;
	v1 =	vor.u32 v3, v1;
	v3 =	vsel vm2, $0x200000, v2  }
0x41b: {  	v30 =	vor.u32 s26, v47;
	v32 =	vor.u32 s26, v49;
	v1 =	vor.u32 v3, v1;
	v3 =	vld.idx.msk [tilespmem:v43+s9+$0x0], $0xffff  }
0x41c: {  	v25 =	vld.idx.msk [tilespmem:v36+s9+$0x0], $0xffff;
	v42 =	vsel vm0, $0x10000000, v2;
	vm0 =	vgt.f32 v27, $5.000000000e-01;
	vm1 =	vgt.f32 v6, $5.000000000e-01  }
0x41d: {  	v29 =	vld.idx.msk [tilespmem:v44+s9+$0x0], $0xffff;
	v44 =	vsel vm0, $0x40000000, v2;
	v6 =	vsel vm1, $0x400000, v2;
	vm1 =	vgt.f32 v9, $5.000000000e-01  }
0x41e: {  	v26 =	vsel vm1, $0x800000, v2;
	vm2 =	vgt.f32 v5, $5.000000000e-01;
	vm1 =	vgt.f32 v8, $5.000000000e-01  }
0x41f: {  	v28 =	vsel vm2, $0x1000000, v2;
	v31 =	vsel vm1, $0x2000000, v2;
	vm1 =	vgt.f32 v4, $5.000000000e-01  }
0x420: {  	v1 =	vor.u32 v6, v1;
	v41 =	vsel vm1, $0x4000000, v2;
	vm2 =	vgt.f32 v3, $5.000000000e-01;
	v3 =	vld.idx.msk [tilespmem:v24+s9+$0x0], $0xffff  }
0x421: {  	s28 =	simm.s32 $0x0;
	vm1 =	vgt.f32 v25, $5.000000000e-01;
	v6 =	vor.u32 v42, v37;
	v1 =	vor.u32 v26, v1  }
0x422: {  	s30 =	sand.u32 $0xE0, s28;
	v43 =	vsel vm1, $0x20000000, v2;
	vm1 =	vgt.f32 v29, $5.000000000e-01;
	v1 =	vor.u32 v28, v1  }
0x423: {  	s29 =	simm.s32 $0x10;
	s18 =	simm.s32 $0x20;
	[tilespmem:s30+$0x4300] =	vst v35;
	v35 =	vld.idx.msk [tilespmem:v33+s9+$0x0], $0xffff;
	v6 =	vor.u32 v43, v6;
	v47 =	vsel vm1, $0x80000000, v2;
	v1 =	vor.u32 v31, v1  }
0x424: {  	s15 =	sand.u32 $0xF0, s29;
	s31 =	sand.u32 $0xE0, s18;
	s16 =	simm.s32 $0x30;
	v39 =	vld.idx.msk [tilespmem:v30+s9+$0x0], $0xffff;
	v46 =	vor.u32 v44, v6;
	v1 =	vor.u32 v41, v1;
	v45 =	vsel vm2, $0x8000000, v2  }
0x425: {  	s18 =	simm.s32 $0xA00;
	s19 =	sand.u32 $0xF0, s16;
	s17 =	simm.s32 $0x2;
	[tilespmem:s31+$0x4300] =	vst v0;
	v41 =	vld.idx.msk [tilespmem:v32+s9+$0x0], $0xffff;
	v37 =	vor.u32 v47, v46;
	v36 =	vor.u32 v45, v1;
	vm0 =	vgt.f32 v3, $5.000000000e-01  }
.LBB2_8:
0x426: {  	v5 =	vld [tilespmem:$0x1FEE0]  }
0x427: {  	v6 =	vld [tilespmem:$0x1FEC0]  }
0x428: {  	v19 =	vld [tilespmem:$0x1FF00]  }
0x429: {  	v20 =	vld [tilespmem:$0x1FFE0]  }
0x42a: {  	v22 =	vld [tilespmem:$0x1FF10]  }
0x42b: {  	v33 =	vld [tilespmem:$0x1FFC0]  }
0x42c: {  	v13 =	vld [tilespmem:$0x1FEF0]  }
0x42d: {  	v23 =	vld [tilespmem:$0x1FF20]  }
0x42e: {  	v31 =	vld [tilespmem:$0x1FFA0]  }
0x42f: {  	s20 =	sadd.s32 $0xFFFFFE00, s18;
	v32 =	vld [tilespmem:$0x1FFB0];
	v1 =	vor.u32 s18, v53  }
0x430: {  	v24 =	vld [tilespmem:$0x1FF30];
	v4 =	vor.u32 s20, v53  }
0x431: {  	v29 =	vld [tilespmem:$0x1FF80];
	v25 =	vor.u32 s20, v55  }
0x432: {  	v30 =	vld [tilespmem:$0x1FF90];
	v26 =	vor.u32 s20, v56  }
0x433: {  	[tilespmem:s15+$0x4300] =	vst v37;
	v28 =	vld [tilespmem:$0x1FF70];
	v27 =	vor.u32 s20, v57  }
0x434: {  	v46 =	vor.u32 s20, v49;
	v49 =	vor.u32 s20, v48;
	v37 =	vmov v39;
	v39 =	vld.idx.msk [tilespmem:v1+s9+$0x0], $0xffff  }
0x435: {  	v48 =	vor.u32 s20, v34;
	v8 =	vor.u32 s20, v58;
	v9 =	vor.u32 s20, v59;
	v1 =	vld.idx.msk [tilespmem:v4+s9+$0x0], $0xffff  }
0x436: {  	v0 =	vor.u32 s18, v51;
	v3 =	vor.u32 s20, v51;
	v45 =	vor.u32 s20, v5;
	v5 =	vld.idx.msk [tilespmem:v25+s9+$0x0], $0xffff  }
0x437: {  	v44 =	vand.u32 v50, v0;
	v0 =	vand.u32 v52, v3;
	v47 =	vor.u32 s20, v6;
	v6 =	vld.idx.msk [tilespmem:v26+s9+$0x0], $0xffff  }
0x438: {  	v10 =	vor.u32 s20, v60;
	v11 =	vor.u32 s20, v61;
	v3 =	vor.u32 s20, v54;
	v4 =	vld.idx.msk [tilespmem:v27+s9+$0x0], $0xffff  }
0x439: {  	v12 =	vor.u32 s20, v62;
	v34 =	vor.u32 s20, v63;
	v40 =	vor.u32 s18, v54;
	v25 =	vld [tilespmem:$0x1FF40]  }
0x43a: {  	v38 =	vmovc v41;
	v43 =	vor.u32 s18, v55;
	v42 =	vor.u32 s18, v56;
	v41 =	vor.u32 s18, v57;
	v27 =	vld [tilespmem:$0x1FF60]  }
0x43b: {  	v7 =	vor.u32 s20, v19;
	v50 =	vor.u32 s20, v20;
	v51 =	vor.u32 s20, v22;
	v26 =	vld [tilespmem:$0x1FF50]  }
0x43c: {  	v52 =	vor.u32 s20, v33;
	v53 =	vor.u32 s20, v13;
	v54 =	vor.u32 s20, v23;
	v0 =	vld.idx.msk [tilespmem:v0+s9+$0x0], $0xffff  }
0x43d: {  	v55 =	vor.u32 s20, v31;
	v56 =	vor.u32 s20, v32;
	v57 =	vor.u32 s20, v24;
	v3 =	vld.idx.msk [tilespmem:v3+s9+$0x0], $0xffff  }
0x43e: {  	v58 =	vor.u32 s20, v29;
	v59 =	vor.u32 s20, v30;
	v62 =	vor.u32 s20, v28  }
0x43f: {  	v28 =	vor.u32 s18, v28;
	v31 =	vor.u32 s18, v31;
	v60 =	vor.u32 s20, v25  }
0x440: {  	v61 =	vor.u32 s20, v27;
	vm2 =	vgt.f32 v1, $5.000000000e-01;
	v1 =	vor.u32 s20, v26  }
0x441: {  	v8 =	vld.idx.msk [tilespmem:v8+s9+$0x0], $0xffff;
	v26 =	vor.u32 s18, v26;
	vm1 =	vgt.f32 v0, $5.000000000e-01;
	v63 =	vsel vm2, $0x2, v2  }
0x442: {  	v0 =	vld.idx.msk [tilespmem:v11+s9+$0x0], $0xffff;
	vm2 =	vgt.f32 v39, $5.000000000e-01;
	v11 =	vsel vm1, $0x1, v2;
	vm1 =	vgt.f32 v3, $5.000000000e-01  }
0x443: {  	v3 =	vld.idx.msk [tilespmem:v51+s9+$0x0], $0xffff;
	v11 =	vor.u32 v11, v63;
	v51 =	vsel vm1, $0x4, v2;
	vm1 =	vgt.f32 v5, $5.000000000e-01  }
0x444: {  	v5 =	vld.idx.msk [tilespmem:v54+s9+$0x0], $0xffff;
	v11 =	vor.u32 v51, v11;
	v51 =	vsel vm1, $0x8, v2;
	vm1 =	vgt.f32 v6, $5.000000000e-01  }
0x445: {  	v6 =	vld.idx.msk [tilespmem:v57+s9+$0x0], $0xffff;
	v11 =	vor.u32 v51, v11;
	v51 =	vsel vm1, $0x10, v2;
	vm1 =	vgt.f32 v4, $5.000000000e-01  }
0x446: {  	v4 =	vld.idx.msk [tilespmem:v60+s9+$0x0], $0xffff;
	v11 =	vor.u32 v51, v11;
	v51 =	vsel vm1, $0x20, v2;
	vm1 =	vgt.f32 v8, $5.000000000e-01  }
0x447: {  	v1 =	vld.idx.msk [tilespmem:v1+s9+$0x0], $0xffff;
	v8 =	vor.u32 v51, v11;
	v11 =	vsel vm1, $0x40, v2;
	vm1 =	vgt.f32 v0, $5.000000000e-01  }
0x448: {  	v0 =	vld.idx.msk [tilespmem:v61+s9+$0x0], $0xffff;
	v8 =	vor.u32 v11, v8;
	v11 =	vsel vm1, $0x80, v2;
	vm1 =	vgt.f32 v3, $5.000000000e-01  }
0x449: {  	v3 =	vld.idx.msk [tilespmem:v62+s9+$0x0], $0xffff;
	v8 =	vor.u32 v11, v8;
	v11 =	vsel vm1, $0x100, v2;
	vm1 =	vgt.f32 v5, $5.000000000e-01  }
0x44a: {  	v5 =	vld.idx.msk [tilespmem:v58+s9+$0x0], $0xffff;
	v8 =	vor.u32 v11, v8;
	v11 =	vsel vm1, $0x200, v2;
	vm1 =	vgt.f32 v6, $5.000000000e-01  }
0x44b: {  	v6 =	vld.idx.msk [tilespmem:v59+s9+$0x0], $0xffff;
	v8 =	vor.u32 v11, v8;
	v11 =	vsel vm1, $0x400, v2;
	vm1 =	vgt.f32 v4, $5.000000000e-01  }
0x44c: {  	v4 =	vld.idx.msk [tilespmem:v55+s9+$0x0], $0xffff;
	v8 =	vor.u32 v11, v8;
	v11 =	vsel vm1, $0x800, v2;
	vm1 =	vgt.f32 v1, $5.000000000e-01  }
0x44d: {  	v1 =	vld.idx.msk [tilespmem:v56+s9+$0x0], $0xffff;
	v8 =	vor.u32 v11, v8;
	v11 =	vsel vm1, $0x1000, v2;
	vm1 =	vgt.f32 v0, $5.000000000e-01  }
0x44e: {  	v0 =	vld.idx.msk [tilespmem:v52+s9+$0x0], $0xffff;
	v8 =	vor.u32 v11, v8;
	v11 =	vsel vm1, $0x2000, v2;
	vm1 =	vgt.f32 v3, $5.000000000e-01  }
0x44f: {  	v3 =	vld.idx.msk [tilespmem:v53+s9+$0x0], $0xffff;
	v8 =	vor.u32 v11, v8;
	v11 =	vsel vm1, $0x4000, v2;
	vm1 =	vgt.f32 v5, $5.000000000e-01  }
0x450: {  	v5 =	vld.idx.msk [tilespmem:v12+s9+$0x0], $0xffff;
	v8 =	vor.u32 v11, v8;
	v11 =	vsel vm1, $0x8000, v2;
	vm1 =	vgt.f32 v6, $5.000000000e-01  }
0x451: {  	v6 =	vld.idx.msk [tilespmem:v34+s9+$0x0], $0xffff;
	v8 =	vor.u32 v11, v8;
	v34 =	vsel vm1, $0x10000, v2;
	vm1 =	vgt.f32 v4, $5.000000000e-01  }
0x452: {  	v4 =	vld.idx.msk [tilespmem:v9+s9+$0x0], $0xffff;
	v8 =	vor.u32 v34, v8;
	v34 =	vsel vm1, $0x20000, v2;
	vm1 =	vgt.f32 v1, $5.000000000e-01  }
0x453: {  	v1 =	vld.idx.msk [tilespmem:v10+s9+$0x0], $0xffff;
	v8 =	vor.u32 v34, v8;
	v34 =	vsel vm1, $0x40000, v2;
	vm1 =	vgt.f32 v0, $5.000000000e-01  }
0x454: {  	v0 =	vld.idx.msk [tilespmem:v7+s9+$0x0], $0xffff;
	v7 =	vor.u32 v34, v8;
	v34 =	vsel vm1, $0x80000, v2;
	vm1 =	vgt.f32 v3, $5.000000000e-01  }
0x455: {  	v3 =	vld.idx.msk [tilespmem:v50+s9+$0x0], $0xffff;
	v7 =	vor.u32 v34, v7;
	v34 =	vsel vm1, $0x100000, v2;
	vm1 =	vgt.f32 v5, $5.000000000e-01  }
0x456: {  	v5 =	vld.idx.msk [tilespmem:v49+s9+$0x0], $0xffff;
	v7 =	vor.u32 v34, v7;
	v34 =	vsel vm1, $0x200000, v2;
	vm1 =	vgt.f32 v6, $5.000000000e-01  }
0x457: {  	v6 =	vld.idx.msk [tilespmem:v48+s9+$0x0], $0xffff;
	v7 =	vor.u32 v34, v7;
	v34 =	vsel vm1, $0x400000, v2;
	vm1 =	vgt.f32 v4, $5.000000000e-01  }
0x458: {  	v4 =	vld.idx.msk [tilespmem:v47+s9+$0x0], $0xffff;
	v7 =	vor.u32 v34, v7;
	v34 =	vsel vm1, $0x800000, v2;
	vm1 =	vgt.f32 v1, $5.000000000e-01  }
0x459: {  	v1 =	vld.idx.msk [tilespmem:v46+s9+$0x0], $0xffff;
	v7 =	vor.u32 v34, v7;
	v34 =	vsel vm1, $0x1000000, v2;
	vm1 =	vgt.f32 v0, $5.000000000e-01  }
0x45a: {  	v0 =	vld.idx.msk [tilespmem:v45+s9+$0x0], $0xffff;
	v7 =	vor.u32 v34, v7;
	v34 =	vsel vm1, $0x2000000, v2;
	vm1 =	vgt.f32 v3, $5.000000000e-01  }
0x45b: {  	v58 =	vld [tilespmem:$0x1FFF0];
	v7 =	vor.u32 v34, v7;
	v46 =	vsel vm1, $0x4000000, v2;
	vm1 =	vgt.f32 v5, $5.000000000e-01  }
0x45c: {  	v3 =	vld.idx.msk [tilespmem:v44+s9+$0x0], $0xffff;
	v7 =	vor.u32 v46, v7;
	v34 =	vsel vm1, $0x8000000, v2;
	vm1 =	vgt.f32 v6, $5.000000000e-01  }
0x45d: {  	v5 =	vld.idx.msk [tilespmem:v40+s9+$0x0], $0xffff;
	v7 =	vor.u32 v34, v7;
	v40 =	vsel vm1, $0x10000000, v2;
	vm1 =	vgt.f32 v4, $5.000000000e-01  }
0x45e: {  	v6 =	vld.idx.msk [tilespmem:v43+s9+$0x0], $0xffff;
	v7 =	vor.u32 v40, v7;
	v43 =	vsel vm1, $0x20000000, v2;
	vm1 =	vgt.f32 v1, $5.000000000e-01  }
0x45f: {  	s16 =	sadd.s32 $0x20, s16;
	v7 =	vor.u32 v43, v7;
	v44 =	vsel vm1, $0x40000000, v2;
	vm1 =	vgt.f32 v0, $5.000000000e-01  }
0x460: {  	s31 =	sadd.s32 $0xFFFFFFF0, s16;
	v12 =	vor.u32 s18, v30;
	v0 =	vor.u32 v44, v7;
	v46 =	vsel vm1, $0x80000000, v2  }
0x461: {  	s20 =	sand.u32 $0xE0, s31;
	v4 =	vld.idx.msk [tilespmem:v42+s9+$0x0], $0xffff;
	v34 =	vor.u32 s18, v58;
	vm1 =	vgt.f32 v3, $5.000000000e-01;
	v0 =	vor.u32 v46, v0  }
0x462: {  	v1 =	vld.idx.msk [tilespmem:v41+s9+$0x0], $0xffff;
	v40 =	vor.u32 s18, v21;
	v3 =	vsel vm2, $0x2, v2;
	[tilespmem:s20+$0x4300] =	vst v0;
	v0 =	vsel vm1, $0x1, v2  }
0x463: {  	v28 =	vld.idx.msk [tilespmem:v28+s9+$0x0], $0xffff;
	v27 =	vor.u32 s18, v27;
	v0 =	vor.u32 v0, v3;
	v3 =	vor.u32 s18, v22  }
0x464: {  	v31 =	vld.idx.msk [tilespmem:v31+s9+$0x0], $0xffff;
	v39 =	vor.u32 s18, v32;
	v41 =	vor.u32 s18, v23;
	vm1 =	vgt.f32 v5, $5.000000000e-01  }
0x465: {  	v30 =	vld.idx.msk [tilespmem:v12+s9+$0x0], $0xffff;
	v46 =	vor.u32 s18, v24;
	v5 =	vsel vm1, $0x4, v2;
	vm1 =	vgt.f32 v6, $5.000000000e-01  }
0x466: {  	v24 =	vor.u32 s18, v25;
	v43 =	vld.idx.msk [tilespmem:v34+s9+$0x0], $0xffff;
	v42 =	vsel vm1, $0x8, v2;
	vm1 =	vgt.f32 v4, $5.000000000e-01  }
0x467: {  	v11 =	vor.u32 s18, v29;
	v44 =	vsel vm1, $0x10, v2;
	vm1 =	vgt.f32 v1, $5.000000000e-01;
	v1 =	vld.idx.msk [tilespmem:v40+s9+$0x0], $0xffff  }
0x468: {  	v9 =	vor.u32 s18, v17;
	v10 =	vor.u32 s18, v18;
	v0 =	vor.u32 v5, v0;
	v3 =	vld.idx.msk [tilespmem:v3+s9+$0x0], $0xffff  }
0x469: {  	v8 =	vor.u32 s18, v33;
	v7 =	vor.u32 s18, v20;
	v6 =	vld.idx.msk [tilespmem:v41+s9+$0x0], $0xffff;
	v0 =	vor.u32 v42, v0  }
0x46a: {  	v40 =	vor.u32 s18, v13;
	v0 =	vor.u32 v44, v0;
	v25 =	vsel vm1, $0x20, v2;
	v32 =	vld.idx.msk [tilespmem:v46+s9+$0x0], $0xffff  }
0x46b: {  	v5 =	vld.idx.msk [tilespmem:v24+s9+$0x0], $0xffff;
	v24 =	vor.u32 s18, v15;
	v0 =	vor.u32 v25, v0;
	vm1 =	vgt.f32 v43, $5.000000000e-01  }
0x46c: {  	v25 =	vor.u32 s18, v16;
	v46 =	vsel vm1, $0x40, v2;
	vm1 =	vgt.f32 v1, $5.000000000e-01;
	v1 =	vld.idx.msk [tilespmem:v26+s9+$0x0], $0xffff  }
0x46d: {  	v0 =	vor.u32 v46, v0;
	v26 =	vsel vm1, $0x80, v2;
	vm1 =	vgt.f32 v3, $5.000000000e-01;
	v3 =	vld.idx.msk [tilespmem:v27+s9+$0x0], $0xffff  }
0x46e: {  	v48 =	vld [tilespmem:$0x1FEA0];
	v0 =	vor.u32 v26, v0;
	v27 =	vsel vm1, $0x100, v2;
	vm1 =	vgt.f32 v6, $5.000000000e-01  }
0x46f: {  	v11 =	vld.idx.msk [tilespmem:v11+s9+$0x0], $0xffff;
	v0 =	vor.u32 v27, v0;
	v29 =	vsel vm1, $0x200, v2;
	vm1 =	vgt.f32 v32, $5.000000000e-01  }
0x470: {  	v49 =	vld [tilespmem:$0x1FED0];
	v0 =	vor.u32 v29, v0;
	v12 =	vsel vm1, $0x400, v2;
	vm1 =	vgt.f32 v5, $5.000000000e-01  }
0x471: {  	v47 =	vld [tilespmem:$0x1FEC0];
	v0 =	vor.u32 v12, v0;
	v12 =	vsel vm1, $0x800, v2;
	vm1 =	vgt.f32 v1, $5.000000000e-01  }
0x472: {  	v1 =	vld.idx.msk [tilespmem:v39+s9+$0x0], $0xffff;
	v0 =	vor.u32 v12, v0;
	v12 =	vsel vm1, $0x1000, v2;
	vm1 =	vgt.f32 v3, $5.000000000e-01  }
0x473: {  	v34 =	vor.u32 s18, v48;
	v3 =	vld.idx.msk [tilespmem:v8+s9+$0x0], $0xffff;
	v39 =	vsel vm1, $0x2000, v2;
	vm1 =	vgt.f32 v28, $5.000000000e-01  }
0x474: {  	v41 =	vor.u32 s18, v19;
	v40 =	vld.idx.msk [tilespmem:v40+s9+$0x0], $0xffff;
	v44 =	vsel vm1, $0x4000, v2;
	vm1 =	vgt.f32 v11, $5.000000000e-01  }
0x475: {  	v46 =	vld.idx.msk [tilespmem:v24+s9+$0x0], $0xffff;
	v0 =	vor.u32 v12, v0;
	v24 =	vsel vm1, $0x8000, v2;
	vm1 =	vgt.f32 v30, $5.000000000e-01  }
0x476: {  	v45 =	vld [tilespmem:$0x1FEE0];
	v0 =	vor.u32 v39, v0;
	v26 =	vsel vm1, $0x10000, v2;
	vm1 =	vgt.f32 v31, $5.000000000e-01  }
0x477: {  	v25 =	vld.idx.msk [tilespmem:v25+s9+$0x0], $0xffff;
	v0 =	vor.u32 v44, v0;
	v28 =	vsel vm1, $0x20000, v2;
	vm1 =	vgt.f32 v1, $5.000000000e-01  }
0x478: {  	v27 =	vld.idx.msk [tilespmem:v9+s9+$0x0], $0xffff;
	v0 =	vor.u32 v24, v0;
	v29 =	vsel vm1, $0x40000, v2;
	vm1 =	vgt.f32 v3, $5.000000000e-01  }
0x479: {  	v0 =	vor.u32 v26, v0;
	v30 =	vsel vm1, $0x80000, v2;
	vm1 =	vgt.f32 v40, $5.000000000e-01;
	v40 =	vld.idx.msk [tilespmem:v34+s9+$0x0], $0xffff  }
0x47a: {  	v0 =	vor.u32 v28, v0;
	v34 =	vld [tilespmem:$0x1FEB0]  }
0x47b: {  	v1 =	vld.idx.msk [tilespmem:v10+s9+$0x0], $0xffff;
	v0 =	vor.u32 v29, v0  }
0x47c: {  	v0 =	vor.u32 v30, v0;
	v39 =	vsel vm1, $0x100000, v2;
	vm1 =	vgt.f32 v46, $5.000000000e-01  }
0x47d: {  	v45 =	vor.u32 s18, v45;
	v3 =	vld.idx.msk [tilespmem:v41+s9+$0x0], $0xffff;
	v0 =	vor.u32 v39, v0;
	v41 =	vsel vm1, $0x200000, v2  }
0x47e: {  	v43 =	vor.u32 s18, v47;
	v31 =	vld.idx.msk [tilespmem:v7+s9+$0x0], $0xffff;
	vm1 =	vgt.f32 v25, $5.000000000e-01;
	v0 =	vor.u32 v41, v0  }
0x47f: {  	v54 =	vld [tilespmem:$0x1FE60];
	v4 =	vsel vm1, $0x400000, v2;
	vm1 =	vgt.f32 v27, $5.000000000e-01;
	v42 =	vor.u32 s18, v34  }
0x480: {  	v57 =	vld [tilespmem:$0x1FE90];
	v5 =	vsel vm1, $0x800000, v2;
	vm1 =	vgt.f32 v1, $5.000000000e-01;
	v1 =	vor.u32 s18, v49  }
0x481: {  	v51 =	vld [tilespmem:$0x1FE40];
	v47 =	vsel vm0, $0x10000000, v2;
	vm0 =	vgt.f32 v37, $5.000000000e-01;
	v0 =	vor.u32 v4, v0  }
0x482: {  	v55 =	vld [tilespmem:$0x1FE70];
	v0 =	vor.u32 v5, v0;
	v44 =	vsel vm1, $0x1000000, v2;
	vm1 =	vgt.f32 v3, $5.000000000e-01  }
0x483: {  	s17 =	sadd.s32 $0x2, s17;
	v56 =	vld [tilespmem:$0x1FE80];
	v0 =	vor.u32 v44, v0;
	v3 =	vsel vm1, $0x2000000, v2;
	vm1 =	vgt.f32 v31, $5.000000000e-01  }
0x484: {  	p0 =	slt.u32 s17, $0xE;
	vm2 =	vgt.f32 v40, $5.000000000e-01;
	v0 =	vor.u32 v3, v0;
	v6 =	vsel vm1, $0x4000000, v2;
	v3 =	vld.idx.msk [tilespmem:v42+s9+$0x0], $0xffff  }
.Ltmp3:
0x485: {  	v46 =	vsel vm2, $0x8000000, v2;
	v0 =	vor.u32 v6, v0;
	v41 =	vld.idx.msk [tilespmem:v1+s9+$0x0], $0xffff;
	v1 =	vor.u32 v47, v36;
	(pc) =	sbr.rel @p0 .LBB2_8-.Ltmp3, $4  }
0x486: {  	v52 =	vld [tilespmem:$0x1FFD0];
	v36 =	vor.u32 v46, v0;
	v0 =	vsel vm0, $0x20000000, v2;
	vm0 =	vgt.f32 v38, $5.000000000e-01  }
0x487: {  	v53 =	vld [tilespmem:$0x1FE50];
	v0 =	vor.u32 v0, v1;
	v1 =	vsel vm0, $0x40000000, v2;
	vm0 =	vgt.f32 v35, $5.000000000e-01  }
0x488: {  	v63 =	vmovc v16;
	v60 =	vmovc v18;
	v61 =	vmov v21;
	v39 =	vld.idx.msk [tilespmem:v43+s9+$0x0], $0xffff;
	v0 =	vor.u32 v1, v0;
	v1 =	vsel vm0, $0x80000000, v2  }
0x489: {  	s15 =	smov.u32 s19;
	s19 =	sand.u32 $0xF0, s16;
	v62 =	vmovc v15;
	v59 =	vmovc v17;
	v50 =	vmov v14;
	s18 =	sadd.s32 $0x400, s18;
	v35 =	vld.idx.msk [tilespmem:v45+s9+$0x0], $0xffff;
	v37 =	vor.u32 v1, v0;
	vm0 =	vgt.f32 v3, $5.000000000e-01  }
0x48a: {  	_ =	sdelay $0x2  }
0x48b: {  	v0 =	vsel vm0, $0x10000000, v2;
	vm13 =	vgt.f32 v39, $5.000000000e-01  }
0x48c: {  	vm14 =	vgt.f32 v41, $5.000000000e-01;
	v0 =	vor.u32 v0, v36;
	v1 =	vsel vm13, $0x20000000, v2  }
0x48d: {  	vm15 =	vgt.f32 v35, $5.000000000e-01;
	v0 =	vor.u32 v1, v0;
	v1 =	vsel vm14, $0x40000000, v2  }
0x48e: {  	v0 =	vor.u32 v1, v0;
	v1 =	vsel vm15, $0x80000000, v2  }
0x48f: {  	[tilespmem:s15+$0x4300] =	vst v37;
	v0 =	vor.u32 v1, v0  }
0x490: {  	[tilespmem:s19+$0x4300] =	vst v0  }
0x491: {  	[hbm4b:s7+s2] =	stream.linear.scatter [tilespmem:s12], [sflag:$0x3], $0x400, $0x38;
	[tilespmem:$0x4400] =	vst v63  }
0x492: {  	_ =	swait.ge [sflag:s13], $0x400  }
0x493: {  	v5 =	vld [tilespmem:$0x1FF10]  }
0x494: {  	v6 =	vld [tilespmem:$0x1FF20]  }
0x495: {  	v7 =	vld [tilespmem:$0x1FF30]  }
0x496: {  	v8 =	vld [tilespmem:$0x1FF40]  }
0x497: {  	v9 =	vld [tilespmem:$0x1FF50]  }
0x498: {  	v10 =	vld [tilespmem:$0x1FF60]  }
0x499: {  	v11 =	vld [tilespmem:$0x1FF70]  }
0x49a: {  	v12 =	vld [tilespmem:$0x1FF80]  }
0x49b: {  	s14 =	sadd.s32 $0x1, s14;
	v13 =	vld [tilespmem:$0x1FF90]  }
0x49c: {  	p0 =	sne.s32 s14, s8;
	v15 =	vld [tilespmem:$0x1FFA0]  }
.Ltmp4:
0x49d: {  	v16 =	vld [tilespmem:$0x1FFB0];
	(pc) =	sbr.rel @p0 .LBB2_1-.Ltmp4, $4  }
0x49e: {  	v17 =	vld [tilespmem:$0x1FFC0]  }
0x49f: {  	v3 =	vld [tilespmem:$0x1FEF0]  }
0x4a0: {  	[sflag:s13] =	ssyncset.done $0x0;
	v4 =	vld [tilespmem:$0x1FF00]  }
0x4a1: {  	v0 =	vld [tilespmem:$0x1FFE0];
	[sflag:s13] =	ssyncadd.s32 $0xFFFFFC00  }
0x4a2: {  	_ =	sfence.sel $0x180000  }
0x4a3: {  	[bflag:$0x0] =	sbarrier.arrive $0xFFFF  }
0x4a4: {  	p0 =	sne.s32 s1, $0x0;
	_ =	strace $0x90000047  }
0x4a5: {  	s0 =	sadd.s32 @!p0 $0x100000, s0;
	[bflag:$0x2] =	sbarrier.arrive $0xFFFF  }
0x4a6: {  	[sflag:s0] =	ssyncadd.tile.s32 @!p0 $0x1;
	_ =	shalt  }
.Lfunc_end2:
_tile_overlayer_lowered:
.L_overlay_start_2:
0x4a7: {  	(tag) =	ssettag $0x2  }
0x4a8: {  	s0 =	rddreg [dreg:$0x0];
	s2 =	stileid.u32  }
0x4a9: {  	s1 =	rddreg [dreg:$0x1];
	p0 =	sne.s32 s2, $0x0  }
0x4aa: {  	s3 =	rddreg [dreg:$0x2];
	[bflag:$0x3] =	sbarrier.arrive $0xFFFF;
	s2 =	simm.s32 @!p0 $0x1C03  }
0x4ab: {  	[timem:s3], [sflag:s2] =	dma.local @!p0 [hbm:s0], s1  }
0x4ac: {  	s0 =	simm.s32 @!p0 $0x3  }
0x4ad: {  	_ =	swait.ge @!p0 [sflag:s0], s1  }
0x4ae: {  	s1 =	ssub.s32 @!p0 $0x0, s1;
	[sflag:s0] =	ssyncset.done @!p0 $0x0  }
0x4af: {  	[sflag:s0] =	ssyncadd.s32 @!p0 s1  }
0x4b0: {  	[bflag:$0x3] =	sbarrier.arrive $0xFFFF  }
0x4b1: {  	_ =	shalt  }

// kernel: kernel.7.cloned.1.call-start
scs
__scs_entry_jumppad:
0x0: {  	(pc) =	sbr.rel $0x88, $3  }
0x1: {  	(tag) =	ssettag $0x0;
	lr =	simm.s32 $0x1  }
0x2: {  	[smem:$0x3F9E] =	sst lr;
	_ =	strace $0xD0000000  }
0x3: {  	_ = 	snop  }
0x4: {  	_ = 	snop  }
0x5: {  	_ = 	snop  }
0x6: {  	_ = 	snop  }
0x7: {  	_ = 	snop  }
__scs_overlays_trampoline_lowered:
0x8: {  	[smem:$0x3FAD] =	sst s0  }
0x9: {  	[smem:$0x3FAE] =	sst s1  }
0xa: {  	[smem:$0x3FAF] =	sst s2  }
0xb: {  	[smem:$0x3FB0] =	sst s3  }
0xc: {  	[smem:$0x3FB1] =	sst s4  }
0xd: {  	[smem:$0x3FB2] =	sst s5  }
0xe: {  	[smem:$0x3FB3] =	sst s6  }
0xf: {  	[smem:$0x3FB4] =	sst s7  }
0x10: {  	[smem:$0x3FB5] =	sst s8  }
0x11: {  	[smem:$0x3FB6] =	sst s9;
	s0 =	simm.s32 @!p0 $0x0  }
0x12: {  	s1 =	sld [smem:$0x3F9C];
	s0 =	simm.s32 @p0 $0x1  }
0x13: {  	[smem:$0x3FB7] =	sst s0;
	s0 =	simm.s32 @!p1 $0x0  }
0x14: {  	s2 =	sld [smem:$0x3F9B];
	s0 =	simm.s32 @p1 $0x1  }
0x15: {  	[smem:$0x3FB8] =	sst s0;
	s0 =	simm.s32 @!p2 $0x0  }
0x16: {  	s3 =	sld [smem:$0x3FDB];
	s0 =	simm.s32 @p2 $0x1  }
0x17: {  	s4 =	simm.s32 $0x1BF5;
	[smem:$0x3FBA] =	sst s0  }
0x18: {  	s0 =	sld [smem:$0x3F9D];
	_ =	swait.ge [sflag:s4], $0x0  }
0x19: {  	s7 =	sld [smem:$0x3F9E]  }
0x1a: {  	s8 =	sadd.s32 $0xFFFFE003, lr  }
0x1b: {  	s9 =	sadd.s32 $0xFFFFFEF7, lr;
	s5 =	simm.s32 $0xFFFFFFFF;
	p2 =	slt.u32 s8, $0xFFFFF086  }
0x1c: {  	p1 =	slt.u32 s9, $0xF7A;
	s5 =	simm.s32 @!p2 $0x0  }
0x1d: {  	s5 =	simm.s32 @p1 $0x1;
	p0 =	seq.s32 s7, s2  }
0x1e: {  	s7 =	smul.u32 @!p0 $0xF7A, s2;
	p2 =	seq.s32 @!p0 s5, $0x0  }
0x1f: {  	s9 =	smul.u32 $0xF7A, s1;
	s8 =	simm.s32 @!p0 $0x1BF5;
	p2 =	por !p2, p0  }
0x20: {  	[sflag:s8] =	ssyncset.s32 @!p0 $0xFFFFF086;
	s6 =	sadd.s32 @!p0 s3, s7;
	s7 =	simm.s32 @!p0 $0x108  }
0x21: {  	s3 =	sadd.s32 s3, s9;
	s6 =	sadd.s32 @!p0 $0x88, s6;
	s7 =	simm.s32 @p2 $0x1082  }
0x22: {  	[simem:s7], [sflag:s8] =	dma.local @!p0 [hbm:s6], $0xF7A  }
0x23: {  	s9 =	sor.u32 $0xD0000000, s2;
	s6 =	simm.s32 $0x108;
	_ =	swait.ge @!p0 [sflag:s8], $0x0  }
0x24: {  	s3 =	sadd.s32 $0x88, s3;
	s6 =	simm.s32 @!p1 $0x1082;
	[sflag:s4] =	ssyncset.s32 $0xFFFFF086  }
0x25: {  	[simem:s6], [sflag:s4] =	dma.local [hbm:s3], $0xF7A  }
0x26: {  	[smem:$0x3F9E] =	sst s1;
	(tag) =	ssettag s2;
	_ =	strace s9  }
0x27: {  	s1 =	sld [smem:$0x3FAE]  }
0x28: {  	s2 =	sld [smem:$0x3FAF]  }
0x29: {  	s4 =	sld [smem:$0x3FB1]  }
0x2a: {  	p0 =	seq.s32 s5, $0x0;
	s5 =	sld [smem:$0x3FB2]  }
0x2b: {  	s6 =	sld [smem:$0x3FB3]  }
0x2c: {  	s7 =	sld [smem:$0x3FB4]  }
0x2d: {  	s3 =	simm.s32 $0x108;
	s8 =	sld [smem:$0x3FB5]  }
0x2e: {  	s3 =	simm.s32 @!p0 $0x1082;
	s9 =	sld [smem:$0x3FB6]  }
0x2f: {  	lr =	sadd.s32 s0, s3;
	s0 =	sld [smem:$0x3FAD]  }
0x30: {  	s3 =	sld [smem:$0x3FB0]  }
0x31: {  	[smem:$0x3FB9] =	sst s10  }
0x32: {  	s10 =	sld [smem:$0x3FB7];
	_ =	sdelay $0x3  }
0x33: {  	p0 =	seq.s32 s10, $0x1;
	s10 =	sld [smem:$0x3FB9];
	_ =	sdelay $0x3  }
0x34: {  	[smem:$0x3FB9] =	sst s10  }
0x35: {  	s10 =	sld [smem:$0x3FB8];
	_ =	sdelay $0x3  }
0x36: {  	p1 =	seq.s32 s10, $0x1;
	s10 =	sld [smem:$0x3FB9];
	_ =	sdelay $0x3  }
0x37: {  	[smem:$0x3FB9] =	sst s10  }
0x38: {  	s10 =	sld [smem:$0x3FBA]  }
0x39: {  	_ = 	snop;
	(pc) =	sbr.ind lr, $3  }
0x3a: {  	_ = 	snop  }
0x3b: {  	_ = 	snop  }
0x3c: {  	p2 =	seq.s32 s10, $0x1;
	s10 =	sld [smem:$0x3FB9]  }
0x3d: {  	_ =	shalt  }
0x3e: {  	_ =	shalt  }
0x3f: {  	_ =	shalt  }
0x40: {  	_ =	shalt  }
0x41: {  	_ =	shalt  }
0x42: {  	_ =	shalt  }
0x43: {  	_ =	shalt  }
0x44: {  	_ =	shalt  }
0x45: {  	_ =	shalt  }
0x46: {  	_ =	shalt  }
0x47: {  	_ =	shalt  }
0x48: {  	_ =	shalt  }
0x49: {  	_ =	shalt  }
0x4a: {  	_ =	shalt  }
0x4b: {  	_ =	shalt  }
0x4c: {  	_ =	shalt  }
0x4d: {  	_ =	shalt  }
0x4e: {  	_ =	shalt  }
0x4f: {  	_ =	shalt  }
0x50: {  	_ =	shalt  }
0x51: {  	_ =	shalt  }
0x52: {  	_ =	shalt  }
0x53: {  	_ =	shalt  }
0x54: {  	_ =	shalt  }
0x55: {  	_ =	shalt  }
0x56: {  	_ =	shalt  }
0x57: {  	_ =	shalt  }
0x58: {  	_ =	shalt  }
0x59: {  	_ =	shalt  }
0x5a: {  	_ =	shalt  }
0x5b: {  	_ =	shalt  }
0x5c: {  	_ =	shalt  }
0x5d: {  	_ =	shalt  }
0x5e: {  	_ =	shalt  }
0x5f: {  	_ =	shalt  }
0x60: {  	_ =	shalt  }
0x61: {  	_ =	shalt  }
0x62: {  	_ =	shalt  }
0x63: {  	_ =	shalt  }
0x64: {  	_ =	shalt  }
0x65: {  	_ =	shalt  }
0x66: {  	_ =	shalt  }
0x67: {  	_ =	shalt  }
0x68: {  	_ =	shalt  }
0x69: {  	_ =	shalt  }
0x6a: {  	_ =	shalt  }
0x6b: {  	_ =	shalt  }
0x6c: {  	_ =	shalt  }
0x6d: {  	_ =	shalt  }
0x6e: {  	_ =	shalt  }
0x6f: {  	_ =	shalt  }
0x70: {  	_ =	shalt  }
0x71: {  	_ =	shalt  }
0x72: {  	_ =	shalt  }
0x73: {  	_ =	shalt  }
0x74: {  	_ =	shalt  }
0x75: {  	_ =	shalt  }
0x76: {  	_ =	shalt  }
0x77: {  	_ =	shalt  }
0x78: {  	_ =	shalt  }
0x79: {  	_ =	shalt  }
0x7a: {  	_ =	shalt  }
0x7b: {  	_ =	shalt  }
0x7c: {  	_ =	shalt  }
0x7d: {  	_ =	shalt  }
0x7e: {  	_ =	shalt  }
0x7f: {  	_ =	shalt  }
0x80: {  	_ =	shalt  }
0x81: {  	_ =	shalt  }
0x82: {  	_ =	shalt  }
0x83: {  	_ =	shalt  }
0x84: {  	_ =	shalt  }
0x85: {  	_ =	shalt  }
0x86: {  	_ =	shalt  }
0x87: {  	_ =	shalt  }
.Lfunc_end0:
.L_simem_size_0:
called_computation.1_lowered:
.L_overlay_start_0:
0x88: {  	s2 =	sld [smem:$0x3FD9]  }
0x89: {  	s3 =	sld [smem:$0x3FFE];
	_ =	sdelay $0x1  }
0x8a: {  	s1 =	srdreg.scid  }
0x8b: {  	s0 =	sand.u32 $0x1, s1  }
0x8c: {  	s17 =	sshll.u32 s0, $0xA;
	s2 =	sadd.s32 s3, s2  }
0x8d: {  	s2 =	sadd.s32 s2, s17  }
0x8e: {  	[smem:$0x3FC5] =	sst s2  }
0x8f: {  	_ = 	snop  }
0x90: {  	s2 =	sld [smem:$0x3FD0];
	(tm) =	ssettm $0x1  }
0x91: {  	s18 =	sld [smem:$0x3FFB];
	_ =	sdelay $0x3  }
0x92: {  	_ =	strace s18  }
0x93: {  	s3 =	sld [smem:$0x3FFC];
	_ =	sdelay $0x3  }
0x94: {  	_ =	strace s3  }
0x95: {  	s3 =	sld [smem:$0x3FFD];
	_ =	sdelay $0x3  }
0x96: {  	_ =	strace s3  }
0x97: {  	_ =	strace $0x8FFFFFFF  }
0x98: {  	s19 =	sld [smem:$0x3FDB];
	_ =	sdelay $0x1  }
0x99: {  	s4 =	simm.s32 $_scs_section_size  }
0x9a: {  	s5 =	simm.s32 $_size__tile_overlayer_lowered;
	s6 =	simm.s32 $_tile_overlayer_lowered  }
0x9b: {  	s22 =	simm.s32 $0x1BFF;
	s21 =	sshll.u32 s6, $0x1;
	s3 =	sadd.s32 s4, s19  }
0x9c: {  	s7 =	simm.s32 $0x0;
	s20 =	sshll.u32 s5, $0x1;
	s5 =	sadd.s32 s21, s3  }
0x9d: {  	[timem:s7], [sflag:s22] =	dma.local [hbm:s5], s20  }
0x9e: {  	_ =	swait.ge [sflag:s22], s20  }
0x9f: {  	s4 =	ssub.s32 $0x0, s20;
	[sflag:s22] =	ssyncset.done $0x0  }
0xa0: {  	[sflag:s22] =	ssyncadd.s32 s4;
	_ =	sdelay $0x1  }
0xa1: {  	s23 =	simm.s32 $0x1B8B  }
0xa2: {  	_ =	swait.ge [sflag:s23], $0x1  }
0xa3: {  	[sflag:s23] =	ssyncset.done $0x0  }
0xa4: {  	s25 =	simm.s32 $0x1B8E;
	s24 =	sld [smem:$0x3FFE];
	[sflag:s23] =	ssyncadd.s32 $0xFFFFFFFF  }
0xa5: {  	s26 =	simm.s32 $execute0_lowered;
	[smem:$0x3FD2] =	sst s25  }
0xa6: {  	s5 =	sshll.u32 s26, $0x1;
	_ =	strace $0x80000049;
	[dreg:$0x1] =	wrdreg $0xFFFFFFFF  }
0xa7: {  	s28 =	simm.s32 $_size_execute0_lowered;
	s3 =	sadd.s32 s3, s5;
	[dreg:$0x0] =	wrdreg $0x0  }
0xa8: {  	s5 =	sshll.u32 s28, $0x1;
	[dreg:$0x2] =	wrdreg s3  }
0xa9: {  	[dreg:$0x3] =	wrdreg s5  }
0xaa: {  	[dreg:$0x4] =	wrdreg $0xC0  }
0xab: {  	_ =	task [dreg:s7], $0x5FFFF  }
0xac: {  	[dreg:$0x1] =	wrdreg $0xFFFFFFFF  }
0xad: {  	[dreg:$0x0] =	wrdreg $0x60  }
0xae: {  	[dreg:$0x2] =	wrdreg s2  }
0xaf: {  	[dreg:$0x3] =	wrdreg s24  }
0xb0: {  	[dreg:$0x4] =	wrdreg $0x9  }
0xb1: {  	_ =	task.clear_ibuf [dreg:s7], $0x5FFFF;
	_ =	strace $0x90000049  }
0xb2: {  	s29 =	simm.s32 $0x9;
	_ =	strace $0x8000004B  }
0xb3: {  	_ =	swait.ge [sflag:s29], $0x1  }
0xb4: {  	[sflag:s29] =	ssyncadd.s32 $0xFFFFFFFF  }
0xb5: {  	_ =	strace $0x9000004B  }
0xb6: {  	_ =	sfence  }
0xb7: {  	s30 =	sld [smem:$0x0];
	_ =	sdelay $0x2  }
0xb8: {  	s31 =	sshll.u32 s1, $0xD;
	s1 =	sshrl.u32 s1, $0x2  }
0xb9: {  	s3 =	sand.u32 $0x4000, s31;
	s1 =	sadd.s32 s1, s30  }
0xba: {  	s0 =	sor.u32 s3, s0;
	s1 =	sshll.u32 s1, $0x11  }
0xbb: {  	s0 =	sor.u32 s1, s0  }
0xbc: {  	s0 =	sadd.s32 $0x8F2B, s0  }
0xbd: {  	[sflag:s0] =	ssyncadd.remote.s32 $0x1  }
0xbe: {  	_ =	sfence.sel $0xFFFF  }
0xbf: {  	[dreg:$0x0] =	wrdreg $0xFFFFFFFF;
	(pc) =	sbr.abs _section_cstart, $3  }
0xc0: {  	[dreg:$0x1] =	wrdreg $0xFFFFFFFF  }
0xc1: {  	_ =	task.clear_ibuf [dreg:s7], $0x2FFFF;
	_ =	strace $0x9FFFFFFF  }
0xc2: {  	(tm) =	ssettm $0x7FFFFFFF  }
0xc3: {  	_ =	shalt  }
tec
execute0_lowered:
.L_overlay_start_1:
0x0: {  	(tag) =	ssettag $0x1  }
0x1: {  	s0 =	srdreg.scid;
	s1 =	stileid.u32  }
0x2: {  	s2 =	rddreg [dreg:$0x0];
	s0 =	sand.u32 $0x1, s0;
	s1 =	sshll.u32 s1, $0x1  }
0x3: {  	s4 =	rddreg [dreg:$0x1];
	s30 =	simm.s32 $0x6400;
	s3 =	sor.u32 s0, s1  }
0x4: {  	s31 =	simm.s32 $0x12C00;
	s5 =	sadd.s32 $0x21A00, s4;
	s3 =	smul.u32 $0x19000, s3  }
0x5: {  	s6 =	sadd.s32 $0x85A00, s4;
	s28 =	sadd.s32 $0x20A00, s4;
	s4 =	simm.s32 $0xC800  }
0x6: {  	s1 =	simm.s32 $0x0;
	s0 =	ssub.s32 $0x2, s0;
	s3 =	sshrl.u32 s3, $0x3  }
0x7: {  	[smem:$0x7FF] =	sst s1;
	s7 =	sshrl.u32 s0, $0x1;
	s13 =	sadd.s32 s5, s3  }
0x8: {  	s14 =	sadd.s32 $0x640, s3;
	s8 =	sadd.s32 s2, s3;
	[dreg:$0x3] =	wrdreg s13  }
0x9: {  	s0 =	ssub.s32 s0, s7;
	[dreg:$0x4] =	wrdreg s8;
	s15 =	sadd.s32 s5, s14  }
0xa: {  	s16 =	sadd.s32 $0xC80, s3;
	s9 =	sadd.s32 s2, s14;
	[dreg:$0x5] =	wrdreg s15  }
0xb: {  	s29 =	smax.u32 s0, $0x1;
	s17 =	sadd.s32 s5, s16;
	[dreg:$0x6] =	wrdreg s9  }
0xc: {  	s0 =	simm.s32 $0x9600;
	s10 =	sadd.s32 s2, s16;
	[dreg:$0x7] =	wrdreg s17  }
0xd: {  	s18 =	sadd.s32 $0x12C0, s3;
	s7 =	sadd.s32 s6, s14;
	[dreg:$0x8] =	wrdreg s10  }
0xe: {  	s22 =	sadd.s32 $0x1900, s3;
	s19 =	sadd.s32 s5, s18;
	[dreg:$0x9] =	wrdreg s7  }
0xf: {  	s25 =	sadd.s32 $0x1F40, s3;
	s20 =	sadd.s32 s2, s18;
	[dreg:$0xa] =	wrdreg s19  }
0x10: {  	s26 =	sadd.s32 $0x2580, s3;
	s21 =	sadd.s32 s6, s16;
	[dreg:$0xb] =	wrdreg s20  }
0x11: {  	s23 =	sadd.s32 s5, s22;
	s24 =	sadd.s32 s2, s22;
	[dreg:$0xc] =	wrdreg s21  }
0x12: {  	s14 =	sadd.s32 s6, s18;
	s16 =	sadd.s32 s2, s25;
	[dreg:$0xd] =	wrdreg s23  }
0x13: {  	s18 =	sadd.s32 s6, s25;
	s8 =	simm.s32 $0x4;
	[dreg:$0xe] =	wrdreg s24  }
0x14: {  	s15 =	sadd.s32 s5, s25;
	s17 =	sadd.s32 s6, s22;
	s19 =	sadd.s32 s6, s3  }
0x15: {  	s3 =	sadd.s32 $0x2BC0, s3;
	s21 =	sadd.s32 s5, s26;
	s23 =	sadd.s32 s2, s26  }
0x16: {  	s25 =	sadd.s32 s6, s26;
	s20 =	simm.s32 $0x3200;
	s7 =	simm.s32 $0x3  }
0x17: {  	s9 =	simm.s32 $0x0;
	s22 =	sadd.s32 s5, s3;
	s24 =	sadd.s32 s2, s3  }
0x18: {  	s26 =	sadd.s32 s6, s3;
	_ =	strace $0x8000004A;
	s2 =	simm.s32 $0x5  }
0x19: {  	s3 =	simm.s32 $0x1;
	s5 =	simm.s32 $0x2;
	s6 =	simm.s32 $0xFA00  }
.LBB2_1:
0x1a: {  	s10 =	rddreg [dreg:$0x3]  }
0x1b: {  	[tilespmem:s1], [sflag:$0x1] =	stream.linear.gather [hbm4b:s10+s1], $0x3200, $0x38;
	[tilespmem:$0x1AC00] =	vst v63  }
0x1c: {  	s13 =	rddreg [dreg:$0x4]  }
0x1d: {  	[tilespmem:s30], [sflag:$0x1] =	stream.linear.gather [hbm4b:s13+s1], $0x3200, $0x38;
	[tilespmem:$0x1AC00] =	vst v63  }
0x1e: {  	_ = 	snop  }
0x1f: {  	[tilespmem:s31], [sflag:$0x5] =	stream.linear.gather [hbm4b:s28+s1], $0x8000, $0x38;
	[tilespmem:$0x1AC00] =	vst v63  }
0x20: {  	s11 =	rddreg [dreg:$0x5]  }
0x21: {  	[tilespmem:s20], [sflag:$0x2] =	stream.linear.gather [hbm4b:s11+s1], $0x3200, $0x38;
	[tilespmem:$0x1AC00] =	vst v63  }
0x22: {  	s12 =	rddreg [dreg:$0x6]  }
0x23: {  	[tilespmem:s0], [sflag:$0x2] =	stream.linear.gather [hbm4b:s12+s1], $0x3200, $0x38;
	[tilespmem:$0x1AC00] =	vst v63  }
0x24: {  	_ =	swait.ge [sflag:s2], $0x8000  }
0x25: {  	[sflag:s2] =	ssyncset.done $0x0  }
0x26: {  	[sflag:s2] =	ssyncadd.s32 $0xFFFF8000  }
0x27: {  	_ =	swait.ge [sflag:s3], $0x3200  }
0x28: {  	[sflag:s3] =	ssyncset.done $0x0  }
0x29: {  	[sflag:s3] =	ssyncadd.s32 $0xFFFFCE00  }
0x2a: {  	_ =	swait.ge [sflag:s3], $0x3200  }
0x2b: {  	[sflag:s3] =	ssyncset.done $0x0  }
0x2c: {  	s13 =	simm.s32 $0x40;
	[sflag:s3] =	ssyncadd.s32 $0xFFFFCE00  }
0x2d: {  	v1 =	vld [tilespmem:s13+$0x30]  }
0x2e: {  	v0 =	vld [tilespmem:s13+$0xFFFFFFD0]  }
0x2f: {  	v2 =	vld [tilespmem:s13+$0xFFFFFFE0]  }
0x30: {  	v3 =	vld [tilespmem:s13+$0xFFFFFFF0]  }
0x31: {  	v4 =	vld [tilespmem:s13+$0x0]  }
0x32: {  	v6 =	vld [tilespmem:s13+$0x10];
	v5 =	vshrl.u32 v1, $0x5  }
0x33: {  	v8 =	vld [tilespmem:s13+$0xFFFFFFC0];
	v7 =	vshrl.u32 v0, $0x5  }
0x34: {  	v10 =	vld [tilespmem:s13+$0x20];
	v9 =	vshrl.u32 v2, $0x5  }
0x35: {  	s10 =	simm.s32 $0x6440;
	v11 =	vshrl.u32 v3, $0x5  }
0x36: {  	v16 =	vld [tilespmem:s10+$0x30];
	v12 =	vshrl.u32 v4, $0x5  }
0x37: {  	v13 =	vshrl.u32 v6, $0x5;
	v5 =	vld.idx.msk [tilespmem:v5+s31+$0x0], $0xffff  }
0x38: {  	v14 =	vshrl.u32 v8, $0x5;
	v7 =	vld.idx.msk [tilespmem:v7+s31+$0x0], $0xffff  }
0x39: {  	v15 =	vshrl.u32 v10, $0x5;
	v9 =	vld.idx.msk [tilespmem:v9+s31+$0x0], $0xffff  }
0x3a: {  	v11 =	vld.idx.msk [tilespmem:v11+s31+$0x0], $0xffff  }
0x3b: {  	v12 =	vld.idx.msk [tilespmem:v12+s31+$0x0], $0xffff  }
0x3c: {  	v17 =	vandn.u32 $0x1F, v0;
	v13 =	vld.idx.msk [tilespmem:v13+s31+$0x0], $0xffff  }
0x3d: {  	v18 =	vandn.u32 $0x1F, v2;
	v3 =	vandn.u32 $0x1F, v3;
	v19 =	vandn.u32 $0x1F, v4;
	v14 =	vld.idx.msk [tilespmem:v14+s31+$0x0], $0xffff  }
0x3e: {  	v6 =	vandn.u32 $0x1F, v6;
	v0 =	vandn.u32 $0x1F, v10;
	v2 =	vandn.u32 $0x1F, v1;
	v1 =	vld.idx.msk [tilespmem:v15+s31+$0x0], $0xffff  }
0x3f: {  	v8 =	vandn.u32 $0x1F, v8;
	v4 =	vshll.u32 v5, v2;
	v5 =	vshll.u32 v7, v17;
	v2 =	vld [tilespmem:s10+$0xFFFFFFC0]  }
0x40: {  	vm0 =	vlt.s32 v4, $0x0;
	vm1 =	vlt.s32 v5, $0x0;
	v5 =	vshll.u32 v9, v18;
	v4 =	vld [tilespmem:s10+$0xFFFFFFD0]  }
0x41: {  	v62 =	vshll.u32 v12, v19;
	vm2 =	vlt.s32 v5, $0x0;
	v5 =	vshll.u32 v11, v3;
	v3 =	vld [tilespmem:s10+$0xFFFFFFE0]  }
0x42: {  	s11 =	simm.s32 $0xC840;
	v63 =	vshll.u32 v13, v6;
	v7 =	vnsel vm0, $0x0, v16;
	vm3 =	vlt.s32 v5, $0x0;
	v5 =	vld [tilespmem:s10+$0xFFFFFFF0]  }
0x43: {  	s12 =	simm.s32 $0x0;
	s13 =	simm.s32 $0xC0;
	v6 =	vld [tilespmem:s10+$0x0];
	vm4 =	vlt.s32 v62, $0x0;
	vm0 =	vlt.s32 v63, $0x0;
	[tilespmem:s11+$0x30] =	vst v7;
	v7 =	vshll.u32 v14, v8  }
.LBB2_2:
0x44: {  	v8 =	vld [tilespmem:s13+$0x30];
	s12 =	sadd.s32 $0x8, s12;
	vm5 =	vlt.s32 v7, $0x0;
	v0 =	vshll.u32 v1, v0  }
0x45: {  	v1 =	vld [tilespmem:s13+$0xFFFFFFD0];
	p0 =	slt.u32 s12, $0x318;
	v2 =	vnsel vm5, $0x0, v2;
	v4 =	vnsel vm1, $0x0, v4;
	vm1 =	vlt.s32 v0, $0x0  }
0x46: {  	v0 =	vld [tilespmem:s13+$0xFFFFFFE0];
	[tilespmem:s11+$0xFFFFFFC0] =	vst v2;
	v2 =	vnsel vm2, $0x0, v3  }
0x47: {  	v3 =	vld [tilespmem:s13+$0xFFFFFFF0];
	[tilespmem:s11+$0xFFFFFFD0] =	vst v4;
	v4 =	vnsel vm3, $0x0, v5  }
0x48: {  	v5 =	vld [tilespmem:s13+$0x0];
	[tilespmem:s11+$0xFFFFFFE0] =	vst v2;
	v2 =	vnsel vm4, $0x0, v6  }
0x49: {  	v6 =	vld [tilespmem:s13+$0x10];
	v7 =	vshrl.u32 v8, $0x5;
	[tilespmem:s11+$0xFFFFFFF0] =	vst v4  }
0x4a: {  	v4 =	vshrl.u32 v1, $0x5;
	v1 =	vandn.u32 $0x1F, v1;
	v9 =	vld [tilespmem:s13+$0x20];
	[tilespmem:s11+$0x0] =	vst v2  }
0x4b: {  	v2 =	vld [tilespmem:s13+$0xFFFFFFC0];
	v10 =	vshrl.u32 v0, $0x5;
	v11 =	vandn.u32 $0x1F, v0  }
0x4c: {  	v12 =	vshrl.u32 v3, $0x5;
	v3 =	vandn.u32 $0x1F, v3;
	v13 =	vld [tilespmem:s10+$0x10]  }
0x4d: {  	v14 =	vshrl.u32 v5, $0x5;
	v5 =	vandn.u32 $0x1F, v5;
	v15 =	vld [tilespmem:s10+$0x20]  }
0x4e: {  	v16 =	vshrl.u32 v6, $0x5;
	v6 =	vandn.u32 $0x1F, v6;
	v7 =	vld.idx.msk [tilespmem:v7+s31+$0x0], $0xffff  }
0x4f: {  	v4 =	vld.idx.msk [tilespmem:v4+s31+$0x0], $0xffff;
	v17 =	vshrl.u32 v9, $0x5;
	v0 =	vandn.u32 $0x1F, v9  }
0x50: {  	s10 =	sadd.s32 $0x80, s10;
	v9 =	vshrl.u32 v2, $0x5;
	v18 =	vandn.u32 $0x1F, v2;
	v2 =	vld.idx.msk [tilespmem:v10+s31+$0x0], $0xffff  }
0x51: {  	v10 =	vld [tilespmem:s10+$0x30];
	v13 =	vnsel vm0, $0x0, v13  }
0x52: {  	v12 =	vld.idx.msk [tilespmem:v12+s31+$0x0], $0xffff;
	[tilespmem:s11+$0x10] =	vst v13;
	v13 =	vnsel vm1, $0x0, v15  }
0x53: {  	v8 =	vandn.u32 $0x1F, v8;
	v14 =	vld.idx.msk [tilespmem:v14+s31+$0x0], $0xffff;
	[tilespmem:s11+$0x20] =	vst v13  }
0x54: {  	v7 =	vshll.u32 v7, v8;
	v13 =	vld.idx.msk [tilespmem:v16+s31+$0x0], $0xffff  }
0x55: {  	v1 =	vshll.u32 v4, v1;
	vm0 =	vlt.s32 v7, $0x0;
	v8 =	vld.idx.msk [tilespmem:v9+s31+$0x0], $0xffff  }
0x56: {  	s11 =	sadd.s32 $0x80, s11;
	vm1 =	vlt.s32 v1, $0x0;
	v4 =	vshll.u32 v2, v11;
	v1 =	vld.idx.msk [tilespmem:v17+s31+$0x0], $0xffff;
	v7 =	vnsel vm0, $0x0, v10  }
.Ltmp0:
0x57: {  	vm2 =	vlt.s32 v4, $0x0;
	v2 =	vld [tilespmem:s10+$0xFFFFFFC0];
	[tilespmem:s11+$0x30] =	vst v7;
	(pc) =	sbr.rel @p0 .LBB2_2-.Ltmp0, $4  }
0x58: {  	v7 =	vshll.u32 v12, v3;
	v4 =	vld [tilespmem:s10+$0xFFFFFFD0]  }
0x59: {  	vm3 =	vlt.s32 v7, $0x0;
	v7 =	vshll.u32 v14, v5;
	v3 =	vld [tilespmem:s10+$0xFFFFFFE0]  }
0x5a: {  	vm4 =	vlt.s32 v7, $0x0;
	v9 =	vshll.u32 v13, v6;
	v5 =	vld [tilespmem:s10+$0xFFFFFFF0]  }
0x5b: {  	s13 =	sadd.s32 $0x80, s13;
	v7 =	vshll.u32 v8, v18;
	vm0 =	vlt.s32 v9, $0x0;
	v6 =	vld [tilespmem:s10+$0x0]  }
0x5c: {  	vm5 =	vlt.s32 v7, $0x0  }
0x5d: {  	v7 =	vld [tilespmem:s10+$0x10];
	v2 =	vnsel vm5, $0x0, v2  }
0x5e: {  	v4 =	vnsel vm1, $0x0, v4;
	[tilespmem:s11+$0xFFFFFFC0] =	vst v2;
	v2 =	vld [tilespmem:s10+$0x20]  }
0x5f: {  	v3 =	vnsel vm2, $0x0, v3;
	[tilespmem:s11+$0xFFFFFFD0] =	vst v4  }
0x60: {  	v4 =	vnsel vm3, $0x0, v5;
	[tilespmem:s11+$0xFFFFFFE0] =	vst v3  }
0x61: {  	v0 =	vshll.u32 v1, v0;
	v1 =	vnsel vm4, $0x0, v6;
	[tilespmem:s11+$0xFFFFFFF0] =	vst v4  }
0x62: {  	vm1 =	vlt.s32 v0, $0x0;
	[tilespmem:s11+$0x0] =	vst v1;
	v0 =	vnsel vm0, $0x0, v7  }
0x63: {  	[tilespmem:s11+$0x10] =	vst v0;
	v0 =	vnsel vm1, $0x0, v2  }
0x64: {  	[tilespmem:s11+$0x20] =	vst v0  }
0x65: {  	[hbm4b:s19+s1] =	stream.linear.scatter [tilespmem:s4], [sflag:$0x3], $0x3200, $0x38;
	[tilespmem:$0x1AC00] =	vst v63  }
0x66: {  	s11 =	rddreg [dreg:$0x7]  }
0x67: {  	[tilespmem:s1], [sflag:$0x1] =	stream.linear.gather [hbm4b:s11+s1], $0x3200, $0x38;
	[tilespmem:$0x1AC00] =	vst v63  }
0x68: {  	s12 =	rddreg [dreg:$0x8]  }
0x69: {  	[tilespmem:s30], [sflag:$0x1] =	stream.linear.gather [hbm4b:s12+s1], $0x3200, $0x38;
	[tilespmem:$0x1AC00] =	vst v63  }
0x6a: {  	_ =	swait.ge [sflag:s5], $0x3200  }
0x6b: {  	[sflag:s5] =	ssyncset.done $0x0  }
0x6c: {  	[sflag:s5] =	ssyncadd.s32 $0xFFFFCE00  }
0x6d: {  	_ =	swait.ge [sflag:s5], $0x3200  }
0x6e: {  	[sflag:s5] =	ssyncset.done $0x0  }
0x6f: {  	s13 =	simm.s32 $0x3240;
	[sflag:s5] =	ssyncadd.s32 $0xFFFFCE00  }
0x70: {  	v1 =	vld [tilespmem:s13+$0x30]  }
0x71: {  	v0 =	vld [tilespmem:s13+$0xFFFFFFD0]  }
0x72: {  	v2 =	vld [tilespmem:s13+$0xFFFFFFE0]  }
0x73: {  	v3 =	vld [tilespmem:s13+$0xFFFFFFF0]  }
0x74: {  	v4 =	vld [tilespmem:s13+$0x0]  }
0x75: {  	v6 =	vld [tilespmem:s13+$0x10];
	v5 =	vshrl.u32 v1, $0x5  }
0x76: {  	v8 =	vld [tilespmem:s13+$0xFFFFFFC0];
	v7 =	vshrl.u32 v0, $0x5  }
0x77: {  	v10 =	vld [tilespmem:s13+$0x20];
	v9 =	vshrl.u32 v2, $0x5  }
0x78: {  	s10 =	simm.s32 $0x9640;
	v11 =	vshrl.u32 v3, $0x5  }
0x79: {  	v16 =	vld [tilespmem:s10+$0x30];
	v12 =	vshrl.u32 v4, $0x5  }
0x7a: {  	v13 =	vshrl.u32 v6, $0x5;
	v5 =	vld.idx.msk [tilespmem:v5+s31+$0x0], $0xffff  }
0x7b: {  	v14 =	vshrl.u32 v8, $0x5;
	v7 =	vld.idx.msk [tilespmem:v7+s31+$0x0], $0xffff  }
0x7c: {  	v15 =	vshrl.u32 v10, $0x5;
	v9 =	vld.idx.msk [tilespmem:v9+s31+$0x0], $0xffff  }
0x7d: {  	v11 =	vld.idx.msk [tilespmem:v11+s31+$0x0], $0xffff  }
0x7e: {  	v12 =	vld.idx.msk [tilespmem:v12+s31+$0x0], $0xffff  }
0x7f: {  	v17 =	vandn.u32 $0x1F, v0;
	v13 =	vld.idx.msk [tilespmem:v13+s31+$0x0], $0xffff  }
0x80: {  	v18 =	vandn.u32 $0x1F, v2;
	v3 =	vandn.u32 $0x1F, v3;
	v19 =	vandn.u32 $0x1F, v4;
	v14 =	vld.idx.msk [tilespmem:v14+s31+$0x0], $0xffff  }
0x81: {  	v6 =	vandn.u32 $0x1F, v6;
	v0 =	vandn.u32 $0x1F, v10;
	v2 =	vandn.u32 $0x1F, v1;
	v1 =	vld.idx.msk [tilespmem:v15+s31+$0x0], $0xffff  }
0x82: {  	v8 =	vandn.u32 $0x1F, v8;
	v4 =	vshll.u32 v5, v2;
	v5 =	vshll.u32 v7, v17;
	v2 =	vld [tilespmem:s10+$0xFFFFFFC0]  }
0x83: {  	vm0 =	vlt.s32 v4, $0x0;
	vm1 =	vlt.s32 v5, $0x0;
	v5 =	vshll.u32 v9, v18;
	v4 =	vld [tilespmem:s10+$0xFFFFFFD0]  }
0x84: {  	v62 =	vshll.u32 v12, v19;
	vm2 =	vlt.s32 v5, $0x0;
	v5 =	vshll.u32 v11, v3;
	v3 =	vld [tilespmem:s10+$0xFFFFFFE0]  }
0x85: {  	s11 =	simm.s32 $0xFA40;
	v63 =	vshll.u32 v13, v6;
	v7 =	vnsel vm0, $0x0, v16;
	vm3 =	vlt.s32 v5, $0x0;
	v5 =	vld [tilespmem:s10+$0xFFFFFFF0]  }
0x86: {  	s12 =	simm.s32 $0x0;
	s13 =	simm.s32 $0x32C0;
	v6 =	vld [tilespmem:s10+$0x0];
	vm4 =	vlt.s32 v62, $0x0;
	vm0 =	vlt.s32 v63, $0x0;
	[tilespmem:s11+$0x30] =	vst v7;
	v7 =	vshll.u32 v14, v8  }
.LBB2_4:
0x87: {  	v8 =	vld [tilespmem:s13+$0x30];
	s12 =	sadd.s32 $0x8, s12;
	vm5 =	vlt.s32 v7, $0x0;
	v0 =	vshll.u32 v1, v0  }
0x88: {  	v1 =	vld [tilespmem:s13+$0xFFFFFFD0];
	p0 =	slt.u32 s12, $0x318;
	v2 =	vnsel vm5, $0x0, v2;
	v4 =	vnsel vm1, $0x0, v4;
	vm1 =	vlt.s32 v0, $0x0  }
0x89: {  	v0 =	vld [tilespmem:s13+$0xFFFFFFE0];
	[tilespmem:s11+$0xFFFFFFC0] =	vst v2;
	v2 =	vnsel vm2, $0x0, v3  }
0x8a: {  	v3 =	vld [tilespmem:s13+$0xFFFFFFF0];
	[tilespmem:s11+$0xFFFFFFD0] =	vst v4;
	v4 =	vnsel vm3, $0x0, v5  }
0x8b: {  	v5 =	vld [tilespmem:s13+$0x0];
	[tilespmem:s11+$0xFFFFFFE0] =	vst v2;
	v2 =	vnsel vm4, $0x0, v6  }
0x8c: {  	v6 =	vld [tilespmem:s13+$0x10];
	v7 =	vshrl.u32 v8, $0x5;
	[tilespmem:s11+$0xFFFFFFF0] =	vst v4  }
0x8d: {  	v4 =	vshrl.u32 v1, $0x5;
	v1 =	vandn.u32 $0x1F, v1;
	v9 =	vld [tilespmem:s13+$0x20];
	[tilespmem:s11+$0x0] =	vst v2  }
0x8e: {  	v2 =	vld [tilespmem:s13+$0xFFFFFFC0];
	v10 =	vshrl.u32 v0, $0x5;
	v11 =	vandn.u32 $0x1F, v0  }
0x8f: {  	v12 =	vshrl.u32 v3, $0x5;
	v3 =	vandn.u32 $0x1F, v3;
	v13 =	vld [tilespmem:s10+$0x10]  }
0x90: {  	v14 =	vshrl.u32 v5, $0x5;
	v5 =	vandn.u32 $0x1F, v5;
	v15 =	vld [tilespmem:s10+$0x20]  }
0x91: {  	v16 =	vshrl.u32 v6, $0x5;
	v6 =	vandn.u32 $0x1F, v6;
	v7 =	vld.idx.msk [tilespmem:v7+s31+$0x0], $0xffff  }
0x92: {  	v4 =	vld.idx.msk [tilespmem:v4+s31+$0x0], $0xffff;
	v17 =	vshrl.u32 v9, $0x5;
	v0 =	vandn.u32 $0x1F, v9  }
0x93: {  	s10 =	sadd.s32 $0x80, s10;
	v9 =	vshrl.u32 v2, $0x5;
	v18 =	vandn.u32 $0x1F, v2;
	v2 =	vld.idx.msk [tilespmem:v10+s31+$0x0], $0xffff  }
0x94: {  	v10 =	vld [tilespmem:s10+$0x30];
	v13 =	vnsel vm0, $0x0, v13  }
0x95: {  	v12 =	vld.idx.msk [tilespmem:v12+s31+$0x0], $0xffff;
	[tilespmem:s11+$0x10] =	vst v13;
	v13 =	vnsel vm1, $0x0, v15  }
0x96: {  	v8 =	vandn.u32 $0x1F, v8;
	v14 =	vld.idx.msk [tilespmem:v14+s31+$0x0], $0xffff;
	[tilespmem:s11+$0x20] =	vst v13  }
0x97: {  	v7 =	vshll.u32 v7, v8;
	v13 =	vld.idx.msk [tilespmem:v16+s31+$0x0], $0xffff  }
0x98: {  	v1 =	vshll.u32 v4, v1;
	vm0 =	vlt.s32 v7, $0x0;
	v8 =	vld.idx.msk [tilespmem:v9+s31+$0x0], $0xffff  }
0x99: {  	s11 =	sadd.s32 $0x80, s11;
	vm1 =	vlt.s32 v1, $0x0;
	v4 =	vshll.u32 v2, v11;
	v1 =	vld.idx.msk [tilespmem:v17+s31+$0x0], $0xffff;
	v7 =	vnsel vm0, $0x0, v10  }
.Ltmp1:
0x9a: {  	vm2 =	vlt.s32 v4, $0x0;
	v2 =	vld [tilespmem:s10+$0xFFFFFFC0];
	[tilespmem:s11+$0x30] =	vst v7;
	(pc) =	sbr.rel @p0 .LBB2_4-.Ltmp1, $4  }
0x9b: {  	v7 =	vshll.u32 v12, v3;
	v4 =	vld [tilespmem:s10+$0xFFFFFFD0]  }
0x9c: {  	vm3 =	vlt.s32 v7, $0x0;
	v7 =	vshll.u32 v14, v5;
	v3 =	vld [tilespmem:s10+$0xFFFFFFE0]  }
0x9d: {  	vm4 =	vlt.s32 v7, $0x0;
	v9 =	vshll.u32 v13, v6;
	v5 =	vld [tilespmem:s10+$0xFFFFFFF0]  }
0x9e: {  	s13 =	sadd.s32 $0x80, s13;
	v7 =	vshll.u32 v8, v18;
	vm0 =	vlt.s32 v9, $0x0;
	v6 =	vld [tilespmem:s10+$0x0]  }
0x9f: {  	vm5 =	vlt.s32 v7, $0x0  }
0xa0: {  	v7 =	vld [tilespmem:s10+$0x10];
	v2 =	vnsel vm5, $0x0, v2  }
0xa1: {  	v4 =	vnsel vm1, $0x0, v4;
	[tilespmem:s11+$0xFFFFFFC0] =	vst v2;
	v2 =	vld [tilespmem:s10+$0x20]  }
0xa2: {  	v3 =	vnsel vm2, $0x0, v3;
	[tilespmem:s11+$0xFFFFFFD0] =	vst v4  }
0xa3: {  	v4 =	vnsel vm3, $0x0, v5;
	[tilespmem:s11+$0xFFFFFFE0] =	vst v3  }
0xa4: {  	v0 =	vshll.u32 v1, v0;
	v1 =	vnsel vm4, $0x0, v6;
	[tilespmem:s11+$0xFFFFFFF0] =	vst v4  }
0xa5: {  	vm1 =	vlt.s32 v0, $0x0;
	[tilespmem:s11+$0x0] =	vst v1;
	v0 =	vnsel vm0, $0x0, v7  }
0xa6: {  	[tilespmem:s11+$0x10] =	vst v0;
	v0 =	vnsel vm1, $0x0, v2  }
0xa7: {  	[tilespmem:s11+$0x20] =	vst v0  }
0xa8: {  	s13 =	rddreg [dreg:$0x9]  }
0xa9: {  	[hbm4b:s13+s1] =	stream.linear.scatter [tilespmem:s6], [sflag:$0x4], $0x3200, $0x38;
	[tilespmem:$0x1AC00] =	vst v63  }
0xaa: {  	s11 =	rddreg [dreg:$0xa]  }
0xab: {  	[tilespmem:s20], [sflag:$0x2] =	stream.linear.gather [hbm4b:s11+s1], $0x3200, $0x38;
	[tilespmem:$0x1AC00] =	vst v63  }
0xac: {  	s12 =	rddreg [dreg:$0xb]  }
0xad: {  	[tilespmem:s0], [sflag:$0x2] =	stream.linear.gather [hbm4b:s12+s1], $0x3200, $0x38;
	[tilespmem:$0x1AC00] =	vst v63  }
0xae: {  	_ =	swait.ge [sflag:s3], $0x3200  }
0xaf: {  	[sflag:s3] =	ssyncset.done $0x0  }
0xb0: {  	[sflag:s3] =	ssyncadd.s32 $0xFFFFCE00  }
0xb1: {  	_ =	swait.ge [sflag:s3], $0x3200  }
0xb2: {  	[sflag:s3] =	ssyncset.done $0x0  }
0xb3: {  	[sflag:s3] =	ssyncadd.s32 $0xFFFFCE00  }
0xb4: {  	_ =	swait.ge [sflag:s7], $0x3200  }
0xb5: {  	[sflag:s7] =	ssyncset.done $0x0  }
0xb6: {  	s13 =	simm.s32 $0x40;
	[sflag:s7] =	ssyncadd.s32 $0xFFFFCE00  }
0xb7: {  	v1 =	vld [tilespmem:s13+$0x30]  }
0xb8: {  	v0 =	vld [tilespmem:s13+$0xFFFFFFD0]  }
0xb9: {  	v2 =	vld [tilespmem:s13+$0xFFFFFFE0]  }
0xba: {  	v3 =	vld [tilespmem:s13+$0xFFFFFFF0]  }
0xbb: {  	v4 =	vld [tilespmem:s13+$0x0]  }
0xbc: {  	v6 =	vld [tilespmem:s13+$0x10];
	v5 =	vshrl.u32 v1, $0x5  }
0xbd: {  	v8 =	vld [tilespmem:s13+$0xFFFFFFC0];
	v7 =	vshrl.u32 v0, $0x5  }
0xbe: {  	v10 =	vld [tilespmem:s13+$0x20];
	v9 =	vshrl.u32 v2, $0x5  }
0xbf: {  	s10 =	simm.s32 $0x6440;
	v11 =	vshrl.u32 v3, $0x5  }
0xc0: {  	v16 =	vld [tilespmem:s10+$0x30];
	v12 =	vshrl.u32 v4, $0x5  }
0xc1: {  	v13 =	vshrl.u32 v6, $0x5;
	v5 =	vld.idx.msk [tilespmem:v5+s31+$0x0], $0xffff  }
0xc2: {  	v14 =	vshrl.u32 v8, $0x5;
	v7 =	vld.idx.msk [tilespmem:v7+s31+$0x0], $0xffff  }
0xc3: {  	v15 =	vshrl.u32 v10, $0x5;
	v9 =	vld.idx.msk [tilespmem:v9+s31+$0x0], $0xffff  }
0xc4: {  	v11 =	vld.idx.msk [tilespmem:v11+s31+$0x0], $0xffff  }
0xc5: {  	v12 =	vld.idx.msk [tilespmem:v12+s31+$0x0], $0xffff  }
0xc6: {  	v17 =	vandn.u32 $0x1F, v0;
	v13 =	vld.idx.msk [tilespmem:v13+s31+$0x0], $0xffff  }
0xc7: {  	v18 =	vandn.u32 $0x1F, v2;
	v3 =	vandn.u32 $0x1F, v3;
	v19 =	vandn.u32 $0x1F, v4;
	v14 =	vld.idx.msk [tilespmem:v14+s31+$0x0], $0xffff  }
0xc8: {  	v6 =	vandn.u32 $0x1F, v6;
	v0 =	vandn.u32 $0x1F, v10;
	v2 =	vandn.u32 $0x1F, v1;
	v1 =	vld.idx.msk [tilespmem:v15+s31+$0x0], $0xffff  }
0xc9: {  	v8 =	vandn.u32 $0x1F, v8;
	v4 =	vshll.u32 v5, v2;
	v5 =	vshll.u32 v7, v17;
	v2 =	vld [tilespmem:s10+$0xFFFFFFC0]  }
0xca: {  	vm0 =	vlt.s32 v4, $0x0;
	vm1 =	vlt.s32 v5, $0x0;
	v5 =	vshll.u32 v9, v18;
	v4 =	vld [tilespmem:s10+$0xFFFFFFD0]  }
0xcb: {  	v62 =	vshll.u32 v12, v19;
	vm2 =	vlt.s32 v5, $0x0;
	v5 =	vshll.u32 v11, v3;
	v3 =	vld [tilespmem:s10+$0xFFFFFFE0]  }
0xcc: {  	s11 =	simm.s32 $0xC840;
	v63 =	vshll.u32 v13, v6;
	v7 =	vnsel vm0, $0x0, v16;
	vm3 =	vlt.s32 v5, $0x0;
	v5 =	vld [tilespmem:s10+$0xFFFFFFF0]  }
0xcd: {  	s12 =	simm.s32 $0x0;
	s13 =	simm.s32 $0xC0;
	v6 =	vld [tilespmem:s10+$0x0];
	vm4 =	vlt.s32 v62, $0x0;
	vm0 =	vlt.s32 v63, $0x0;
	[tilespmem:s11+$0x30] =	vst v7;
	v7 =	vshll.u32 v14, v8  }
.LBB2_6:
0xce: {  	v8 =	vld [tilespmem:s13+$0x30];
	s12 =	sadd.s32 $0x8, s12;
	vm5 =	vlt.s32 v7, $0x0;
	v0 =	vshll.u32 v1, v0  }
0xcf: {  	v1 =	vld [tilespmem:s13+$0xFFFFFFD0];
	p0 =	slt.u32 s12, $0x318;
	v2 =	vnsel vm5, $0x0, v2;
	v4 =	vnsel vm1, $0x0, v4;
	vm1 =	vlt.s32 v0, $0x0  }
0xd0: {  	v0 =	vld [tilespmem:s13+$0xFFFFFFE0];
	[tilespmem:s11+$0xFFFFFFC0] =	vst v2;
	v2 =	vnsel vm2, $0x0, v3  }
0xd1: {  	v3 =	vld [tilespmem:s13+$0xFFFFFFF0];
	[tilespmem:s11+$0xFFFFFFD0] =	vst v4;
	v4 =	vnsel vm3, $0x0, v5  }
0xd2: {  	v5 =	vld [tilespmem:s13+$0x0];
	[tilespmem:s11+$0xFFFFFFE0] =	vst v2;
	v2 =	vnsel vm4, $0x0, v6  }
0xd3: {  	v6 =	vld [tilespmem:s13+$0x10];
	v7 =	vshrl.u32 v8, $0x5;
	[tilespmem:s11+$0xFFFFFFF0] =	vst v4  }
0xd4: {  	v4 =	vshrl.u32 v1, $0x5;
	v1 =	vandn.u32 $0x1F, v1;
	v9 =	vld [tilespmem:s13+$0x20];
	[tilespmem:s11+$0x0] =	vst v2  }
0xd5: {  	v2 =	vld [tilespmem:s13+$0xFFFFFFC0];
	v10 =	vshrl.u32 v0, $0x5;
	v11 =	vandn.u32 $0x1F, v0  }
0xd6: {  	v12 =	vshrl.u32 v3, $0x5;
	v3 =	vandn.u32 $0x1F, v3;
	v13 =	vld [tilespmem:s10+$0x10]  }
0xd7: {  	v14 =	vshrl.u32 v5, $0x5;
	v5 =	vandn.u32 $0x1F, v5;
	v15 =	vld [tilespmem:s10+$0x20]  }
0xd8: {  	v16 =	vshrl.u32 v6, $0x5;
	v6 =	vandn.u32 $0x1F, v6;
	v7 =	vld.idx.msk [tilespmem:v7+s31+$0x0], $0xffff  }
0xd9: {  	v4 =	vld.idx.msk [tilespmem:v4+s31+$0x0], $0xffff;
	v17 =	vshrl.u32 v9, $0x5;
	v0 =	vandn.u32 $0x1F, v9  }
0xda: {  	s10 =	sadd.s32 $0x80, s10;
	v9 =	vshrl.u32 v2, $0x5;
	v18 =	vandn.u32 $0x1F, v2;
	v2 =	vld.idx.msk [tilespmem:v10+s31+$0x0], $0xffff  }
0xdb: {  	v10 =	vld [tilespmem:s10+$0x30];
	v13 =	vnsel vm0, $0x0, v13  }
0xdc: {  	v12 =	vld.idx.msk [tilespmem:v12+s31+$0x0], $0xffff;
	[tilespmem:s11+$0x10] =	vst v13;
	v13 =	vnsel vm1, $0x0, v15  }
0xdd: {  	v8 =	vandn.u32 $0x1F, v8;
	v14 =	vld.idx.msk [tilespmem:v14+s31+$0x0], $0xffff;
	[tilespmem:s11+$0x20] =	vst v13  }
0xde: {  	v7 =	vshll.u32 v7, v8;
	v13 =	vld.idx.msk [tilespmem:v16+s31+$0x0], $0xffff  }
0xdf: {  	v1 =	vshll.u32 v4, v1;
	vm0 =	vlt.s32 v7, $0x0;
	v8 =	vld.idx.msk [tilespmem:v9+s31+$0x0], $0xffff  }
0xe0: {  	s11 =	sadd.s32 $0x80, s11;
	vm1 =	vlt.s32 v1, $0x0;
	v4 =	vshll.u32 v2, v11;
	v1 =	vld.idx.msk [tilespmem:v17+s31+$0x0], $0xffff;
	v7 =	vnsel vm0, $0x0, v10  }
.Ltmp2:
0xe1: {  	vm2 =	vlt.s32 v4, $0x0;
	v2 =	vld [tilespmem:s10+$0xFFFFFFC0];
	[tilespmem:s11+$0x30] =	vst v7;
	(pc) =	sbr.rel @p0 .LBB2_6-.Ltmp2, $4  }
0xe2: {  	v7 =	vshll.u32 v12, v3;
	v4 =	vld [tilespmem:s10+$0xFFFFFFD0]  }
0xe3: {  	vm3 =	vlt.s32 v7, $0x0;
	v7 =	vshll.u32 v14, v5;
	v3 =	vld [tilespmem:s10+$0xFFFFFFE0]  }
0xe4: {  	vm4 =	vlt.s32 v7, $0x0;
	v9 =	vshll.u32 v13, v6;
	v5 =	vld [tilespmem:s10+$0xFFFFFFF0]  }
0xe5: {  	s13 =	sadd.s32 $0x80, s13;
	v7 =	vshll.u32 v8, v18;
	vm0 =	vlt.s32 v9, $0x0;
	v6 =	vld [tilespmem:s10+$0x0]  }
0xe6: {  	vm5 =	vlt.s32 v7, $0x0  }
0xe7: {  	v7 =	vld [tilespmem:s10+$0x10];
	v2 =	vnsel vm5, $0x0, v2  }
0xe8: {  	v4 =	vnsel vm1, $0x0, v4;
	[tilespmem:s11+$0xFFFFFFC0] =	vst v2;
	v2 =	vld [tilespmem:s10+$0x20]  }
0xe9: {  	v3 =	vnsel vm2, $0x0, v3;
	[tilespmem:s11+$0xFFFFFFD0] =	vst v4  }
0xea: {  	v4 =	vnsel vm3, $0x0, v5;
	[tilespmem:s11+$0xFFFFFFE0] =	vst v3  }
0xeb: {  	v0 =	vshll.u32 v1, v0;
	v1 =	vnsel vm4, $0x0, v6;
	[tilespmem:s11+$0xFFFFFFF0] =	vst v4  }
0xec: {  	vm1 =	vlt.s32 v0, $0x0;
	[tilespmem:s11+$0x0] =	vst v1;
	v0 =	vnsel vm0, $0x0, v7  }
0xed: {  	[tilespmem:s11+$0x10] =	vst v0;
	v0 =	vnsel vm1, $0x0, v2  }
0xee: {  	[tilespmem:s11+$0x20] =	vst v0  }
0xef: {  	s13 =	rddreg [dreg:$0xc]  }
0xf0: {  	[hbm4b:s13+s1] =	stream.linear.scatter [tilespmem:s4], [sflag:$0x3], $0x3200, $0x38;
	[tilespmem:$0x1AC00] =	vst v63  }
0xf1: {  	s11 =	rddreg [dreg:$0xd]  }
0xf2: {  	[tilespmem:s1], [sflag:$0x1] =	stream.linear.gather [hbm4b:s11+s1], $0x3200, $0x38;
	[tilespmem:$0x1AC00] =	vst v63  }
0xf3: {  	s12 =	rddreg [dreg:$0xe]  }
0xf4: {  	[tilespmem:s30], [sflag:$0x1] =	stream.linear.gather [hbm4b:s12+s1], $0x3200, $0x38;
	[tilespmem:$0x1AC00] =	vst v63  }
0xf5: {  	_ =	swait.ge [sflag:s5], $0x3200  }
0xf6: {  	[sflag:s5] =	ssyncset.done $0x0  }
0xf7: {  	[sflag:s5] =	ssyncadd.s32 $0xFFFFCE00  }
0xf8: {  	_ =	swait.ge [sflag:s5], $0x3200  }
0xf9: {  	[sflag:s5] =	ssyncset.done $0x0  }
0xfa: {  	[sflag:s5] =	ssyncadd.s32 $0xFFFFCE00  }
0xfb: {  	_ =	swait.ge [sflag:s8], $0x3200  }
0xfc: {  	[sflag:s8] =	ssyncset.done $0x0  }
0xfd: {  	s13 =	simm.s32 $0x3240;
	[sflag:s8] =	ssyncadd.s32 $0xFFFFCE00  }
0xfe: {  	v1 =	vld [tilespmem:s13+$0x30]  }
0xff: {  	v0 =	vld [tilespmem:s13+$0xFFFFFFD0]  }
0x100: {  	v2 =	vld [tilespmem:s13+$0xFFFFFFE0]  }
0x101: {  	v3 =	vld [tilespmem:s13+$0xFFFFFFF0]  }
0x102: {  	v4 =	vld [tilespmem:s13+$0x0]  }
0x103: {  	v6 =	vld [tilespmem:s13+$0x10];
	v5 =	vshrl.u32 v1, $0x5  }
0x104: {  	v8 =	vld [tilespmem:s13+$0xFFFFFFC0];
	v7 =	vshrl.u32 v0, $0x5  }
0x105: {  	v10 =	vld [tilespmem:s13+$0x20];
	v9 =	vshrl.u32 v2, $0x5  }
0x106: {  	s10 =	simm.s32 $0x9640;
	v11 =	vshrl.u32 v3, $0x5  }
0x107: {  	v16 =	vld [tilespmem:s10+$0x30];
	v12 =	vshrl.u32 v4, $0x5  }
0x108: {  	v13 =	vshrl.u32 v6, $0x5;
	v5 =	vld.idx.msk [tilespmem:v5+s31+$0x0], $0xffff  }
0x109: {  	v14 =	vshrl.u32 v8, $0x5;
	v7 =	vld.idx.msk [tilespmem:v7+s31+$0x0], $0xffff  }
0x10a: {  	v15 =	vshrl.u32 v10, $0x5;
	v9 =	vld.idx.msk [tilespmem:v9+s31+$0x0], $0xffff  }
0x10b: {  	v11 =	vld.idx.msk [tilespmem:v11+s31+$0x0], $0xffff  }
0x10c: {  	v12 =	vld.idx.msk [tilespmem:v12+s31+$0x0], $0xffff  }
0x10d: {  	v17 =	vandn.u32 $0x1F, v0;
	v13 =	vld.idx.msk [tilespmem:v13+s31+$0x0], $0xffff  }
0x10e: {  	v18 =	vandn.u32 $0x1F, v2;
	v3 =	vandn.u32 $0x1F, v3;
	v19 =	vandn.u32 $0x1F, v4;
	v14 =	vld.idx.msk [tilespmem:v14+s31+$0x0], $0xffff  }
0x10f: {  	v6 =	vandn.u32 $0x1F, v6;
	v0 =	vandn.u32 $0x1F, v10;
	v2 =	vandn.u32 $0x1F, v1;
	v1 =	vld.idx.msk [tilespmem:v15+s31+$0x0], $0xffff  }
0x110: {  	v8 =	vandn.u32 $0x1F, v8;
	v4 =	vshll.u32 v5, v2;
	v5 =	vshll.u32 v7, v17;
	v2 =	vld [tilespmem:s10+$0xFFFFFFC0]  }
0x111: {  	vm0 =	vlt.s32 v4, $0x0;
	vm1 =	vlt.s32 v5, $0x0;
	v5 =	vshll.u32 v9, v18;
	v4 =	vld [tilespmem:s10+$0xFFFFFFD0]  }
0x112: {  	v62 =	vshll.u32 v12, v19;
	vm2 =	vlt.s32 v5, $0x0;
	v5 =	vshll.u32 v11, v3;
	v3 =	vld [tilespmem:s10+$0xFFFFFFE0]  }
0x113: {  	s11 =	simm.s32 $0xFA40;
	v63 =	vshll.u32 v13, v6;
	v7 =	vnsel vm0, $0x0, v16;
	vm3 =	vlt.s32 v5, $0x0;
	v5 =	vld [tilespmem:s10+$0xFFFFFFF0]  }
0x114: {  	s12 =	simm.s32 $0x0;
	s13 =	simm.s32 $0x32C0;
	v6 =	vld [tilespmem:s10+$0x0];
	vm4 =	vlt.s32 v62, $0x0;
	vm0 =	vlt.s32 v63, $0x0;
	[tilespmem:s11+$0x30] =	vst v7;
	v7 =	vshll.u32 v14, v8  }
.LBB2_8:
0x115: {  	v8 =	vld [tilespmem:s13+$0x30];
	s12 =	sadd.s32 $0x8, s12;
	vm5 =	vlt.s32 v7, $0x0;
	v0 =	vshll.u32 v1, v0  }
0x116: {  	v1 =	vld [tilespmem:s13+$0xFFFFFFD0];
	p0 =	slt.u32 s12, $0x318;
	v2 =	vnsel vm5, $0x0, v2;
	v4 =	vnsel vm1, $0x0, v4;
	vm1 =	vlt.s32 v0, $0x0  }
0x117: {  	v0 =	vld [tilespmem:s13+$0xFFFFFFE0];
	[tilespmem:s11+$0xFFFFFFC0] =	vst v2;
	v2 =	vnsel vm2, $0x0, v3  }
0x118: {  	v3 =	vld [tilespmem:s13+$0xFFFFFFF0];
	[tilespmem:s11+$0xFFFFFFD0] =	vst v4;
	v4 =	vnsel vm3, $0x0, v5  }
0x119: {  	v5 =	vld [tilespmem:s13+$0x0];
	[tilespmem:s11+$0xFFFFFFE0] =	vst v2;
	v2 =	vnsel vm4, $0x0, v6  }
0x11a: {  	v6 =	vld [tilespmem:s13+$0x10];
	v7 =	vshrl.u32 v8, $0x5;
	[tilespmem:s11+$0xFFFFFFF0] =	vst v4  }
0x11b: {  	v4 =	vshrl.u32 v1, $0x5;
	v1 =	vandn.u32 $0x1F, v1;
	v9 =	vld [tilespmem:s13+$0x20];
	[tilespmem:s11+$0x0] =	vst v2  }
0x11c: {  	v2 =	vld [tilespmem:s13+$0xFFFFFFC0];
	v10 =	vshrl.u32 v0, $0x5;
	v11 =	vandn.u32 $0x1F, v0  }
0x11d: {  	v12 =	vshrl.u32 v3, $0x5;
	v3 =	vandn.u32 $0x1F, v3;
	v13 =	vld [tilespmem:s10+$0x10]  }
0x11e: {  	v14 =	vshrl.u32 v5, $0x5;
	v5 =	vandn.u32 $0x1F, v5;
	v15 =	vld [tilespmem:s10+$0x20]  }
0x11f: {  	v16 =	vshrl.u32 v6, $0x5;
	v6 =	vandn.u32 $0x1F, v6;
	v7 =	vld.idx.msk [tilespmem:v7+s31+$0x0], $0xffff  }
0x120: {  	v4 =	vld.idx.msk [tilespmem:v4+s31+$0x0], $0xffff;
	v17 =	vshrl.u32 v9, $0x5;
	v0 =	vandn.u32 $0x1F, v9  }
0x121: {  	s10 =	sadd.s32 $0x80, s10;
	v9 =	vshrl.u32 v2, $0x5;
	v18 =	vandn.u32 $0x1F, v2;
	v2 =	vld.idx.msk [tilespmem:v10+s31+$0x0], $0xffff  }
0x122: {  	v10 =	vld [tilespmem:s10+$0x30];
	v13 =	vnsel vm0, $0x0, v13  }
0x123: {  	v12 =	vld.idx.msk [tilespmem:v12+s31+$0x0], $0xffff;
	[tilespmem:s11+$0x10] =	vst v13;
	v13 =	vnsel vm1, $0x0, v15  }
0x124: {  	v8 =	vandn.u32 $0x1F, v8;
	v14 =	vld.idx.msk [tilespmem:v14+s31+$0x0], $0xffff;
	[tilespmem:s11+$0x20] =	vst v13  }
0x125: {  	v7 =	vshll.u32 v7, v8;
	v13 =	vld.idx.msk [tilespmem:v16+s31+$0x0], $0xffff  }
0x126: {  	v1 =	vshll.u32 v4, v1;
	vm0 =	vlt.s32 v7, $0x0;
	v8 =	vld.idx.msk [tilespmem:v9+s31+$0x0], $0xffff  }
0x127: {  	s11 =	sadd.s32 $0x80, s11;
	vm1 =	vlt.s32 v1, $0x0;
	v4 =	vshll.u32 v2, v11;
	v1 =	vld.idx.msk [tilespmem:v17+s31+$0x0], $0xffff;
	v7 =	vnsel vm0, $0x0, v10  }
.Ltmp3:
0x128: {  	vm2 =	vlt.s32 v4, $0x0;
	v2 =	vld [tilespmem:s10+$0xFFFFFFC0];
	[tilespmem:s11+$0x30] =	vst v7;
	(pc) =	sbr.rel @p0 .LBB2_8-.Ltmp3, $4  }
0x129: {  	v7 =	vshll.u32 v12, v3;
	v4 =	vld [tilespmem:s10+$0xFFFFFFD0]  }
0x12a: {  	vm3 =	vlt.s32 v7, $0x0;
	v7 =	vshll.u32 v14, v5;
	v3 =	vld [tilespmem:s10+$0xFFFFFFE0]  }
0x12b: {  	vm4 =	vlt.s32 v7, $0x0;
	v9 =	vshll.u32 v13, v6;
	v5 =	vld [tilespmem:s10+$0xFFFFFFF0]  }
0x12c: {  	s13 =	sadd.s32 $0x80, s13;
	v7 =	vshll.u32 v8, v18;
	vm0 =	vlt.s32 v9, $0x0;
	v6 =	vld [tilespmem:s10+$0x0]  }
0x12d: {  	vm5 =	vlt.s32 v7, $0x0  }
0x12e: {  	v7 =	vld [tilespmem:s10+$0x10];
	v2 =	vnsel vm5, $0x0, v2  }
0x12f: {  	v4 =	vnsel vm1, $0x0, v4;
	[tilespmem:s11+$0xFFFFFFC0] =	vst v2;
	v2 =	vld [tilespmem:s10+$0x20]  }
0x130: {  	v3 =	vnsel vm2, $0x0, v3;
	[tilespmem:s11+$0xFFFFFFD0] =	vst v4  }
0x131: {  	v4 =	vnsel vm3, $0x0, v5;
	[tilespmem:s11+$0xFFFFFFE0] =	vst v3  }
0x132: {  	v0 =	vshll.u32 v1, v0;
	v1 =	vnsel vm4, $0x0, v6;
	[tilespmem:s11+$0xFFFFFFF0] =	vst v4  }
0x133: {  	vm1 =	vlt.s32 v0, $0x0;
	[tilespmem:s11+$0x0] =	vst v1;
	v0 =	vnsel vm0, $0x0, v7  }
0x134: {  	[tilespmem:s11+$0x10] =	vst v0;
	v0 =	vnsel vm1, $0x0, v2  }
0x135: {  	[tilespmem:s11+$0x20] =	vst v0  }
0x136: {  	[hbm4b:s14+s1] =	stream.linear.scatter [tilespmem:s6], [sflag:$0x4], $0x3200, $0x38;
	[tilespmem:$0x1AC00] =	vst v63  }
0x137: {  	_ = 	snop  }
0x138: {  	[tilespmem:s20], [sflag:$0x2] =	stream.linear.gather [hbm4b:s15+s1], $0x3200, $0x38;
	[tilespmem:$0x1AC00] =	vst v63  }
0x139: {  	_ = 	snop  }
0x13a: {  	[tilespmem:s0], [sflag:$0x2] =	stream.linear.gather [hbm4b:s16+s1], $0x3200, $0x38;
	[tilespmem:$0x1AC00] =	vst v63  }
0x13b: {  	_ =	swait.ge [sflag:s3], $0x3200  }
0x13c: {  	[sflag:s3] =	ssyncset.done $0x0  }
0x13d: {  	[sflag:s3] =	ssyncadd.s32 $0xFFFFCE00  }
0x13e: {  	_ =	swait.ge [sflag:s3], $0x3200  }
0x13f: {  	[sflag:s3] =	ssyncset.done $0x0  }
0x140: {  	[sflag:s3] =	ssyncadd.s32 $0xFFFFCE00  }
0x141: {  	_ =	swait.ge [sflag:s7], $0x3200  }
0x142: {  	[sflag:s7] =	ssyncset.done $0x0  }
0x143: {  	s13 =	simm.s32 $0x40;
	[sflag:s7] =	ssyncadd.s32 $0xFFFFCE00  }
0x144: {  	v1 =	vld [tilespmem:s13+$0x30]  }
0x145: {  	v0 =	vld [tilespmem:s13+$0xFFFFFFD0]  }
0x146: {  	v2 =	vld [tilespmem:s13+$0xFFFFFFE0]  }
0x147: {  	v3 =	vld [tilespmem:s13+$0xFFFFFFF0]  }
0x148: {  	v4 =	vld [tilespmem:s13+$0x0]  }
0x149: {  	v6 =	vld [tilespmem:s13+$0x10];
	v5 =	vshrl.u32 v1, $0x5  }
0x14a: {  	v8 =	vld [tilespmem:s13+$0xFFFFFFC0];
	v7 =	vshrl.u32 v0, $0x5  }
0x14b: {  	v10 =	vld [tilespmem:s13+$0x20];
	v9 =	vshrl.u32 v2, $0x5  }
0x14c: {  	s10 =	simm.s32 $0x6440;
	v11 =	vshrl.u32 v3, $0x5  }
0x14d: {  	v16 =	vld [tilespmem:s10+$0x30];
	v12 =	vshrl.u32 v4, $0x5  }
0x14e: {  	v13 =	vshrl.u32 v6, $0x5;
	v5 =	vld.idx.msk [tilespmem:v5+s31+$0x0], $0xffff  }
0x14f: {  	v14 =	vshrl.u32 v8, $0x5;
	v7 =	vld.idx.msk [tilespmem:v7+s31+$0x0], $0xffff  }
0x150: {  	v15 =	vshrl.u32 v10, $0x5;
	v9 =	vld.idx.msk [tilespmem:v9+s31+$0x0], $0xffff  }
0x151: {  	v11 =	vld.idx.msk [tilespmem:v11+s31+$0x0], $0xffff  }
0x152: {  	v12 =	vld.idx.msk [tilespmem:v12+s31+$0x0], $0xffff  }
0x153: {  	v17 =	vandn.u32 $0x1F, v0;
	v13 =	vld.idx.msk [tilespmem:v13+s31+$0x0], $0xffff  }
0x154: {  	v18 =	vandn.u32 $0x1F, v2;
	v3 =	vandn.u32 $0x1F, v3;
	v19 =	vandn.u32 $0x1F, v4;
	v14 =	vld.idx.msk [tilespmem:v14+s31+$0x0], $0xffff  }
0x155: {  	v6 =	vandn.u32 $0x1F, v6;
	v0 =	vandn.u32 $0x1F, v10;
	v2 =	vandn.u32 $0x1F, v1;
	v1 =	vld.idx.msk [tilespmem:v15+s31+$0x0], $0xffff  }
0x156: {  	v8 =	vandn.u32 $0x1F, v8;
	v4 =	vshll.u32 v5, v2;
	v5 =	vshll.u32 v7, v17;
	v2 =	vld [tilespmem:s10+$0xFFFFFFC0]  }
0x157: {  	vm0 =	vlt.s32 v4, $0x0;
	vm1 =	vlt.s32 v5, $0x0;
	v5 =	vshll.u32 v9, v18;
	v4 =	vld [tilespmem:s10+$0xFFFFFFD0]  }
0x158: {  	v62 =	vshll.u32 v12, v19;
	vm2 =	vlt.s32 v5, $0x0;
	v5 =	vshll.u32 v11, v3;
	v3 =	vld [tilespmem:s10+$0xFFFFFFE0]  }
0x159: {  	s11 =	simm.s32 $0xC840;
	v63 =	vshll.u32 v13, v6;
	v7 =	vnsel vm0, $0x0, v16;
	vm3 =	vlt.s32 v5, $0x0;
	v5 =	vld [tilespmem:s10+$0xFFFFFFF0]  }
0x15a: {  	s12 =	simm.s32 $0x0;
	s13 =	simm.s32 $0xC0;
	v6 =	vld [tilespmem:s10+$0x0];
	vm4 =	vlt.s32 v62, $0x0;
	vm0 =	vlt.s32 v63, $0x0;
	[tilespmem:s11+$0x30] =	vst v7;
	v7 =	vshll.u32 v14, v8  }
.LBB2_10:
0x15b: {  	v8 =	vld [tilespmem:s13+$0x30];
	s12 =	sadd.s32 $0x8, s12;
	vm5 =	vlt.s32 v7, $0x0;
	v0 =	vshll.u32 v1, v0  }
0x15c: {  	v1 =	vld [tilespmem:s13+$0xFFFFFFD0];
	p0 =	slt.u32 s12, $0x318;
	v2 =	vnsel vm5, $0x0, v2;
	v4 =	vnsel vm1, $0x0, v4;
	vm1 =	vlt.s32 v0, $0x0  }
0x15d: {  	v0 =	vld [tilespmem:s13+$0xFFFFFFE0];
	[tilespmem:s11+$0xFFFFFFC0] =	vst v2;
	v2 =	vnsel vm2, $0x0, v3  }
0x15e: {  	v3 =	vld [tilespmem:s13+$0xFFFFFFF0];
	[tilespmem:s11+$0xFFFFFFD0] =	vst v4;
	v4 =	vnsel vm3, $0x0, v5  }
0x15f: {  	v5 =	vld [tilespmem:s13+$0x0];
	[tilespmem:s11+$0xFFFFFFE0] =	vst v2;
	v2 =	vnsel vm4, $0x0, v6  }
0x160: {  	v6 =	vld [tilespmem:s13+$0x10];
	v7 =	vshrl.u32 v8, $0x5;
	[tilespmem:s11+$0xFFFFFFF0] =	vst v4  }
0x161: {  	v4 =	vshrl.u32 v1, $0x5;
	v1 =	vandn.u32 $0x1F, v1;
	v9 =	vld [tilespmem:s13+$0x20];
	[tilespmem:s11+$0x0] =	vst v2  }
0x162: {  	v2 =	vld [tilespmem:s13+$0xFFFFFFC0];
	v10 =	vshrl.u32 v0, $0x5;
	v11 =	vandn.u32 $0x1F, v0  }
0x163: {  	v12 =	vshrl.u32 v3, $0x5;
	v3 =	vandn.u32 $0x1F, v3;
	v13 =	vld [tilespmem:s10+$0x10]  }
0x164: {  	v14 =	vshrl.u32 v5, $0x5;
	v5 =	vandn.u32 $0x1F, v5;
	v15 =	vld [tilespmem:s10+$0x20]  }
0x165: {  	v16 =	vshrl.u32 v6, $0x5;
	v6 =	vandn.u32 $0x1F, v6;
	v7 =	vld.idx.msk [tilespmem:v7+s31+$0x0], $0xffff  }
0x166: {  	v4 =	vld.idx.msk [tilespmem:v4+s31+$0x0], $0xffff;
	v17 =	vshrl.u32 v9, $0x5;
	v0 =	vandn.u32 $0x1F, v9  }
0x167: {  	s10 =	sadd.s32 $0x80, s10;
	v9 =	vshrl.u32 v2, $0x5;
	v18 =	vandn.u32 $0x1F, v2;
	v2 =	vld.idx.msk [tilespmem:v10+s31+$0x0], $0xffff  }
0x168: {  	v10 =	vld [tilespmem:s10+$0x30];
	v13 =	vnsel vm0, $0x0, v13  }
0x169: {  	v12 =	vld.idx.msk [tilespmem:v12+s31+$0x0], $0xffff;
	[tilespmem:s11+$0x10] =	vst v13;
	v13 =	vnsel vm1, $0x0, v15  }
0x16a: {  	v8 =	vandn.u32 $0x1F, v8;
	v14 =	vld.idx.msk [tilespmem:v14+s31+$0x0], $0xffff;
	[tilespmem:s11+$0x20] =	vst v13  }
0x16b: {  	v7 =	vshll.u32 v7, v8;
	v13 =	vld.idx.msk [tilespmem:v16+s31+$0x0], $0xffff  }
0x16c: {  	v1 =	vshll.u32 v4, v1;
	vm0 =	vlt.s32 v7, $0x0;
	v8 =	vld.idx.msk [tilespmem:v9+s31+$0x0], $0xffff  }
0x16d: {  	s11 =	sadd.s32 $0x80, s11;
	vm1 =	vlt.s32 v1, $0x0;
	v4 =	vshll.u32 v2, v11;
	v1 =	vld.idx.msk [tilespmem:v17+s31+$0x0], $0xffff;
	v7 =	vnsel vm0, $0x0, v10  }
.Ltmp4:
0x16e: {  	vm2 =	vlt.s32 v4, $0x0;
	v2 =	vld [tilespmem:s10+$0xFFFFFFC0];
	[tilespmem:s11+$0x30] =	vst v7;
	(pc) =	sbr.rel @p0 .LBB2_10-.Ltmp4, $4  }
0x16f: {  	v7 =	vshll.u32 v12, v3;
	v4 =	vld [tilespmem:s10+$0xFFFFFFD0]  }
0x170: {  	vm3 =	vlt.s32 v7, $0x0;
	v7 =	vshll.u32 v14, v5;
	v3 =	vld [tilespmem:s10+$0xFFFFFFE0]  }
0x171: {  	vm4 =	vlt.s32 v7, $0x0;
	v9 =	vshll.u32 v13, v6;
	v5 =	vld [tilespmem:s10+$0xFFFFFFF0]  }
0x172: {  	s13 =	sadd.s32 $0x80, s13;
	v7 =	vshll.u32 v8, v18;
	vm0 =	vlt.s32 v9, $0x0;
	v6 =	vld [tilespmem:s10+$0x0]  }
0x173: {  	vm5 =	vlt.s32 v7, $0x0  }
0x174: {  	v7 =	vld [tilespmem:s10+$0x10];
	v2 =	vnsel vm5, $0x0, v2  }
0x175: {  	v4 =	vnsel vm1, $0x0, v4;
	[tilespmem:s11+$0xFFFFFFC0] =	vst v2;
	v2 =	vld [tilespmem:s10+$0x20]  }
0x176: {  	v3 =	vnsel vm2, $0x0, v3;
	[tilespmem:s11+$0xFFFFFFD0] =	vst v4  }
0x177: {  	v4 =	vnsel vm3, $0x0, v5;
	[tilespmem:s11+$0xFFFFFFE0] =	vst v3  }
0x178: {  	v0 =	vshll.u32 v1, v0;
	v1 =	vnsel vm4, $0x0, v6;
	[tilespmem:s11+$0xFFFFFFF0] =	vst v4  }
0x179: {  	vm1 =	vlt.s32 v0, $0x0;
	[tilespmem:s11+$0x0] =	vst v1;
	v0 =	vnsel vm0, $0x0, v7  }
0x17a: {  	[tilespmem:s11+$0x10] =	vst v0;
	v0 =	vnsel vm1, $0x0, v2  }
0x17b: {  	[tilespmem:s11+$0x20] =	vst v0  }
0x17c: {  	[hbm4b:s17+s1] =	stream.linear.scatter [tilespmem:s4], [sflag:$0x3], $0x3200, $0x38;
	[tilespmem:$0x1AC00] =	vst v63  }
0x17d: {  	_ = 	snop  }
0x17e: {  	[tilespmem:s1], [sflag:$0x1] =	stream.linear.gather [hbm4b:s21+s1], $0x3200, $0x38;
	[tilespmem:$0x1AC00] =	vst v63  }
0x17f: {  	_ = 	snop  }
0x180: {  	[tilespmem:s30], [sflag:$0x1] =	stream.linear.gather [hbm4b:s23+s1], $0x3200, $0x38;
	[tilespmem:$0x1AC00] =	vst v63  }
0x181: {  	_ =	swait.ge [sflag:s5], $0x3200  }
0x182: {  	[sflag:s5] =	ssyncset.done $0x0  }
0x183: {  	[sflag:s5] =	ssyncadd.s32 $0xFFFFCE00  }
0x184: {  	_ =	swait.ge [sflag:s5], $0x3200  }
0x185: {  	[sflag:s5] =	ssyncset.done $0x0  }
0x186: {  	[sflag:s5] =	ssyncadd.s32 $0xFFFFCE00  }
0x187: {  	_ =	swait.ge [sflag:s8], $0x3200  }
0x188: {  	[sflag:s8] =	ssyncset.done $0x0  }
0x189: {  	s13 =	simm.s32 $0x3240;
	[sflag:s8] =	ssyncadd.s32 $0xFFFFCE00  }
0x18a: {  	v1 =	vld [tilespmem:s13+$0x30]  }
0x18b: {  	v0 =	vld [tilespmem:s13+$0xFFFFFFD0]  }
0x18c: {  	v2 =	vld [tilespmem:s13+$0xFFFFFFE0]  }
0x18d: {  	v3 =	vld [tilespmem:s13+$0xFFFFFFF0]  }
0x18e: {  	v4 =	vld [tilespmem:s13+$0x0]  }
0x18f: {  	v6 =	vld [tilespmem:s13+$0x10];
	v5 =	vshrl.u32 v1, $0x5  }
0x190: {  	v8 =	vld [tilespmem:s13+$0xFFFFFFC0];
	v7 =	vshrl.u32 v0, $0x5  }
0x191: {  	v10 =	vld [tilespmem:s13+$0x20];
	v9 =	vshrl.u32 v2, $0x5  }
0x192: {  	s10 =	simm.s32 $0x9640;
	v11 =	vshrl.u32 v3, $0x5  }
0x193: {  	v16 =	vld [tilespmem:s10+$0x30];
	v12 =	vshrl.u32 v4, $0x5  }
0x194: {  	v13 =	vshrl.u32 v6, $0x5;
	v5 =	vld.idx.msk [tilespmem:v5+s31+$0x0], $0xffff  }
0x195: {  	v14 =	vshrl.u32 v8, $0x5;
	v7 =	vld.idx.msk [tilespmem:v7+s31+$0x0], $0xffff  }
0x196: {  	v15 =	vshrl.u32 v10, $0x5;
	v9 =	vld.idx.msk [tilespmem:v9+s31+$0x0], $0xffff  }
0x197: {  	v11 =	vld.idx.msk [tilespmem:v11+s31+$0x0], $0xffff  }
0x198: {  	v12 =	vld.idx.msk [tilespmem:v12+s31+$0x0], $0xffff  }
0x199: {  	v17 =	vandn.u32 $0x1F, v0;
	v13 =	vld.idx.msk [tilespmem:v13+s31+$0x0], $0xffff  }
0x19a: {  	v18 =	vandn.u32 $0x1F, v2;
	v3 =	vandn.u32 $0x1F, v3;
	v19 =	vandn.u32 $0x1F, v4;
	v14 =	vld.idx.msk [tilespmem:v14+s31+$0x0], $0xffff  }
0x19b: {  	v6 =	vandn.u32 $0x1F, v6;
	v0 =	vandn.u32 $0x1F, v10;
	v2 =	vandn.u32 $0x1F, v1;
	v1 =	vld.idx.msk [tilespmem:v15+s31+$0x0], $0xffff  }
0x19c: {  	v8 =	vandn.u32 $0x1F, v8;
	v4 =	vshll.u32 v5, v2;
	v5 =	vshll.u32 v7, v17;
	v2 =	vld [tilespmem:s10+$0xFFFFFFC0]  }
0x19d: {  	vm0 =	vlt.s32 v4, $0x0;
	vm1 =	vlt.s32 v5, $0x0;
	v5 =	vshll.u32 v9, v18;
	v4 =	vld [tilespmem:s10+$0xFFFFFFD0]  }
0x19e: {  	v62 =	vshll.u32 v12, v19;
	vm2 =	vlt.s32 v5, $0x0;
	v5 =	vshll.u32 v11, v3;
	v3 =	vld [tilespmem:s10+$0xFFFFFFE0]  }
0x19f: {  	s11 =	simm.s32 $0xFA40;
	v63 =	vshll.u32 v13, v6;
	v7 =	vnsel vm0, $0x0, v16;
	vm3 =	vlt.s32 v5, $0x0;
	v5 =	vld [tilespmem:s10+$0xFFFFFFF0]  }
0x1a0: {  	s12 =	simm.s32 $0x0;
	s13 =	simm.s32 $0x32C0;
	v6 =	vld [tilespmem:s10+$0x0];
	vm4 =	vlt.s32 v62, $0x0;
	vm0 =	vlt.s32 v63, $0x0;
	[tilespmem:s11+$0x30] =	vst v7;
	v7 =	vshll.u32 v14, v8  }
.LBB2_12:
0x1a1: {  	v8 =	vld [tilespmem:s13+$0x30];
	s12 =	sadd.s32 $0x8, s12;
	vm5 =	vlt.s32 v7, $0x0;
	v0 =	vshll.u32 v1, v0  }
0x1a2: {  	v1 =	vld [tilespmem:s13+$0xFFFFFFD0];
	p0 =	slt.u32 s12, $0x318;
	v2 =	vnsel vm5, $0x0, v2;
	v4 =	vnsel vm1, $0x0, v4;
	vm1 =	vlt.s32 v0, $0x0  }
0x1a3: {  	v0 =	vld [tilespmem:s13+$0xFFFFFFE0];
	[tilespmem:s11+$0xFFFFFFC0] =	vst v2;
	v2 =	vnsel vm2, $0x0, v3  }
0x1a4: {  	v3 =	vld [tilespmem:s13+$0xFFFFFFF0];
	[tilespmem:s11+$0xFFFFFFD0] =	vst v4;
	v4 =	vnsel vm3, $0x0, v5  }
0x1a5: {  	v5 =	vld [tilespmem:s13+$0x0];
	[tilespmem:s11+$0xFFFFFFE0] =	vst v2;
	v2 =	vnsel vm4, $0x0, v6  }
0x1a6: {  	v6 =	vld [tilespmem:s13+$0x10];
	v7 =	vshrl.u32 v8, $0x5;
	[tilespmem:s11+$0xFFFFFFF0] =	vst v4  }
0x1a7: {  	v4 =	vshrl.u32 v1, $0x5;
	v1 =	vandn.u32 $0x1F, v1;
	v9 =	vld [tilespmem:s13+$0x20];
	[tilespmem:s11+$0x0] =	vst v2  }
0x1a8: {  	v2 =	vld [tilespmem:s13+$0xFFFFFFC0];
	v10 =	vshrl.u32 v0, $0x5;
	v11 =	vandn.u32 $0x1F, v0  }
0x1a9: {  	v12 =	vshrl.u32 v3, $0x5;
	v3 =	vandn.u32 $0x1F, v3;
	v13 =	vld [tilespmem:s10+$0x10]  }
0x1aa: {  	v14 =	vshrl.u32 v5, $0x5;
	v5 =	vandn.u32 $0x1F, v5;
	v15 =	vld [tilespmem:s10+$0x20]  }
0x1ab: {  	v16 =	vshrl.u32 v6, $0x5;
	v6 =	vandn.u32 $0x1F, v6;
	v7 =	vld.idx.msk [tilespmem:v7+s31+$0x0], $0xffff  }
0x1ac: {  	v4 =	vld.idx.msk [tilespmem:v4+s31+$0x0], $0xffff;
	v17 =	vshrl.u32 v9, $0x5;
	v0 =	vandn.u32 $0x1F, v9  }
0x1ad: {  	s10 =	sadd.s32 $0x80, s10;
	v9 =	vshrl.u32 v2, $0x5;
	v18 =	vandn.u32 $0x1F, v2;
	v2 =	vld.idx.msk [tilespmem:v10+s31+$0x0], $0xffff  }
0x1ae: {  	v10 =	vld [tilespmem:s10+$0x30];
	v13 =	vnsel vm0, $0x0, v13  }
0x1af: {  	v12 =	vld.idx.msk [tilespmem:v12+s31+$0x0], $0xffff;
	[tilespmem:s11+$0x10] =	vst v13;
	v13 =	vnsel vm1, $0x0, v15  }
0x1b0: {  	v8 =	vandn.u32 $0x1F, v8;
	v14 =	vld.idx.msk [tilespmem:v14+s31+$0x0], $0xffff;
	[tilespmem:s11+$0x20] =	vst v13  }
0x1b1: {  	v7 =	vshll.u32 v7, v8;
	v13 =	vld.idx.msk [tilespmem:v16+s31+$0x0], $0xffff  }
0x1b2: {  	v1 =	vshll.u32 v4, v1;
	vm0 =	vlt.s32 v7, $0x0;
	v8 =	vld.idx.msk [tilespmem:v9+s31+$0x0], $0xffff  }
0x1b3: {  	s11 =	sadd.s32 $0x80, s11;
	vm1 =	vlt.s32 v1, $0x0;
	v4 =	vshll.u32 v2, v11;
	v1 =	vld.idx.msk [tilespmem:v17+s31+$0x0], $0xffff;
	v7 =	vnsel vm0, $0x0, v10  }
.Ltmp5:
0x1b4: {  	vm2 =	vlt.s32 v4, $0x0;
	v2 =	vld [tilespmem:s10+$0xFFFFFFC0];
	[tilespmem:s11+$0x30] =	vst v7;
	(pc) =	sbr.rel @p0 .LBB2_12-.Ltmp5, $4  }
0x1b5: {  	v7 =	vshll.u32 v12, v3;
	v4 =	vld [tilespmem:s10+$0xFFFFFFD0]  }
0x1b6: {  	vm3 =	vlt.s32 v7, $0x0;
	v7 =	vshll.u32 v14, v5;
	v3 =	vld [tilespmem:s10+$0xFFFFFFE0]  }
0x1b7: {  	vm4 =	vlt.s32 v7, $0x0;
	v9 =	vshll.u32 v13, v6;
	v5 =	vld [tilespmem:s10+$0xFFFFFFF0]  }
0x1b8: {  	s13 =	sadd.s32 $0x80, s13;
	v7 =	vshll.u32 v8, v18;
	vm0 =	vlt.s32 v9, $0x0;
	v6 =	vld [tilespmem:s10+$0x0]  }
0x1b9: {  	vm5 =	vlt.s32 v7, $0x0  }
0x1ba: {  	v7 =	vld [tilespmem:s10+$0x10];
	v2 =	vnsel vm5, $0x0, v2  }
0x1bb: {  	v4 =	vnsel vm1, $0x0, v4;
	[tilespmem:s11+$0xFFFFFFC0] =	vst v2;
	v2 =	vld [tilespmem:s10+$0x20]  }
0x1bc: {  	v3 =	vnsel vm2, $0x0, v3;
	[tilespmem:s11+$0xFFFFFFD0] =	vst v4  }
0x1bd: {  	v4 =	vnsel vm3, $0x0, v5;
	[tilespmem:s11+$0xFFFFFFE0] =	vst v3  }
0x1be: {  	v0 =	vshll.u32 v1, v0;
	v1 =	vnsel vm4, $0x0, v6;
	[tilespmem:s11+$0xFFFFFFF0] =	vst v4  }
0x1bf: {  	vm1 =	vlt.s32 v0, $0x0;
	[tilespmem:s11+$0x0] =	vst v1;
	v0 =	vnsel vm0, $0x0, v7  }
0x1c0: {  	[tilespmem:s11+$0x10] =	vst v0;
	v0 =	vnsel vm1, $0x0, v2  }
0x1c1: {  	[tilespmem:s11+$0x20] =	vst v0  }
0x1c2: {  	[hbm4b:s18+s1] =	stream.linear.scatter [tilespmem:s6], [sflag:$0x4], $0x3200, $0x38;
	[tilespmem:$0x1AC00] =	vst v63  }
0x1c3: {  	_ = 	snop  }
0x1c4: {  	[tilespmem:s20], [sflag:$0x2] =	stream.linear.gather [hbm4b:s22+s1], $0x3200, $0x38;
	[tilespmem:$0x1AC00] =	vst v63  }
0x1c5: {  	_ = 	snop  }
0x1c6: {  	[tilespmem:s0], [sflag:$0x2] =	stream.linear.gather [hbm4b:s24+s1], $0x3200, $0x38;
	[tilespmem:$0x1AC00] =	vst v63  }
0x1c7: {  	_ =	swait.ge [sflag:s3], $0x3200  }
0x1c8: {  	[sflag:s3] =	ssyncset.done $0x0  }
0x1c9: {  	[sflag:s3] =	ssyncadd.s32 $0xFFFFCE00  }
0x1ca: {  	_ =	swait.ge [sflag:s3], $0x3200  }
0x1cb: {  	[sflag:s3] =	ssyncset.done $0x0  }
0x1cc: {  	[sflag:s3] =	ssyncadd.s32 $0xFFFFCE00  }
0x1cd: {  	_ =	swait.ge [sflag:s7], $0x3200  }
0x1ce: {  	[sflag:s7] =	ssyncset.done $0x0  }
0x1cf: {  	s13 =	simm.s32 $0x40;
	[sflag:s7] =	ssyncadd.s32 $0xFFFFCE00  }
0x1d0: {  	v1 =	vld [tilespmem:s13+$0x30]  }
0x1d1: {  	v0 =	vld [tilespmem:s13+$0xFFFFFFD0]  }
0x1d2: {  	v2 =	vld [tilespmem:s13+$0xFFFFFFE0]  }
0x1d3: {  	v3 =	vld [tilespmem:s13+$0xFFFFFFF0]  }
0x1d4: {  	v4 =	vld [tilespmem:s13+$0x0]  }
0x1d5: {  	v6 =	vld [tilespmem:s13+$0x10];
	v5 =	vshrl.u32 v1, $0x5  }
0x1d6: {  	v8 =	vld [tilespmem:s13+$0xFFFFFFC0];
	v7 =	vshrl.u32 v0, $0x5  }
0x1d7: {  	v10 =	vld [tilespmem:s13+$0x20];
	v9 =	vshrl.u32 v2, $0x5  }
0x1d8: {  	s10 =	simm.s32 $0x6440;
	v11 =	vshrl.u32 v3, $0x5  }
0x1d9: {  	v16 =	vld [tilespmem:s10+$0x30];
	v12 =	vshrl.u32 v4, $0x5  }
0x1da: {  	v13 =	vshrl.u32 v6, $0x5;
	v5 =	vld.idx.msk [tilespmem:v5+s31+$0x0], $0xffff  }
0x1db: {  	v14 =	vshrl.u32 v8, $0x5;
	v7 =	vld.idx.msk [tilespmem:v7+s31+$0x0], $0xffff  }
0x1dc: {  	v15 =	vshrl.u32 v10, $0x5;
	v9 =	vld.idx.msk [tilespmem:v9+s31+$0x0], $0xffff  }
0x1dd: {  	v11 =	vld.idx.msk [tilespmem:v11+s31+$0x0], $0xffff  }
0x1de: {  	v12 =	vld.idx.msk [tilespmem:v12+s31+$0x0], $0xffff  }
0x1df: {  	v17 =	vandn.u32 $0x1F, v0;
	v13 =	vld.idx.msk [tilespmem:v13+s31+$0x0], $0xffff  }
0x1e0: {  	v18 =	vandn.u32 $0x1F, v2;
	v3 =	vandn.u32 $0x1F, v3;
	v19 =	vandn.u32 $0x1F, v4;
	v14 =	vld.idx.msk [tilespmem:v14+s31+$0x0], $0xffff  }
0x1e1: {  	v6 =	vandn.u32 $0x1F, v6;
	v0 =	vandn.u32 $0x1F, v10;
	v2 =	vandn.u32 $0x1F, v1;
	v1 =	vld.idx.msk [tilespmem:v15+s31+$0x0], $0xffff  }
0x1e2: {  	v8 =	vandn.u32 $0x1F, v8;
	v4 =	vshll.u32 v5, v2;
	v5 =	vshll.u32 v7, v17;
	v2 =	vld [tilespmem:s10+$0xFFFFFFC0]  }
0x1e3: {  	vm0 =	vlt.s32 v4, $0x0;
	vm1 =	vlt.s32 v5, $0x0;
	v5 =	vshll.u32 v9, v18;
	v4 =	vld [tilespmem:s10+$0xFFFFFFD0]  }
0x1e4: {  	v62 =	vshll.u32 v12, v19;
	vm2 =	vlt.s32 v5, $0x0;
	v5 =	vshll.u32 v11, v3;
	v3 =	vld [tilespmem:s10+$0xFFFFFFE0]  }
0x1e5: {  	s11 =	simm.s32 $0xC840;
	v63 =	vshll.u32 v13, v6;
	v7 =	vnsel vm0, $0x0, v16;
	vm3 =	vlt.s32 v5, $0x0;
	v5 =	vld [tilespmem:s10+$0xFFFFFFF0]  }
0x1e6: {  	s12 =	simm.s32 $0x0;
	s13 =	simm.s32 $0xC0;
	v6 =	vld [tilespmem:s10+$0x0];
	vm4 =	vlt.s32 v62, $0x0;
	vm0 =	vlt.s32 v63, $0x0;
	[tilespmem:s11+$0x30] =	vst v7;
	v7 =	vshll.u32 v14, v8  }
.LBB2_14:
0x1e7: {  	v8 =	vld [tilespmem:s13+$0x30];
	s12 =	sadd.s32 $0x8, s12;
	vm5 =	vlt.s32 v7, $0x0;
	v0 =	vshll.u32 v1, v0  }
0x1e8: {  	v1 =	vld [tilespmem:s13+$0xFFFFFFD0];
	p0 =	slt.u32 s12, $0x318;
	v2 =	vnsel vm5, $0x0, v2;
	v4 =	vnsel vm1, $0x0, v4;
	vm1 =	vlt.s32 v0, $0x0  }
0x1e9: {  	v0 =	vld [tilespmem:s13+$0xFFFFFFE0];
	[tilespmem:s11+$0xFFFFFFC0] =	vst v2;
	v2 =	vnsel vm2, $0x0, v3  }
0x1ea: {  	v3 =	vld [tilespmem:s13+$0xFFFFFFF0];
	[tilespmem:s11+$0xFFFFFFD0] =	vst v4;
	v4 =	vnsel vm3, $0x0, v5  }
0x1eb: {  	v5 =	vld [tilespmem:s13+$0x0];
	[tilespmem:s11+$0xFFFFFFE0] =	vst v2;
	v2 =	vnsel vm4, $0x0, v6  }
0x1ec: {  	v6 =	vld [tilespmem:s13+$0x10];
	v7 =	vshrl.u32 v8, $0x5;
	[tilespmem:s11+$0xFFFFFFF0] =	vst v4  }
0x1ed: {  	v4 =	vshrl.u32 v1, $0x5;
	v1 =	vandn.u32 $0x1F, v1;
	v9 =	vld [tilespmem:s13+$0x20];
	[tilespmem:s11+$0x0] =	vst v2  }
0x1ee: {  	v2 =	vld [tilespmem:s13+$0xFFFFFFC0];
	v10 =	vshrl.u32 v0, $0x5;
	v11 =	vandn.u32 $0x1F, v0  }
0x1ef: {  	v12 =	vshrl.u32 v3, $0x5;
	v3 =	vandn.u32 $0x1F, v3;
	v13 =	vld [tilespmem:s10+$0x10]  }
0x1f0: {  	v14 =	vshrl.u32 v5, $0x5;
	v5 =	vandn.u32 $0x1F, v5;
	v15 =	vld [tilespmem:s10+$0x20]  }
0x1f1: {  	v16 =	vshrl.u32 v6, $0x5;
	v6 =	vandn.u32 $0x1F, v6;
	v7 =	vld.idx.msk [tilespmem:v7+s31+$0x0], $0xffff  }
0x1f2: {  	v4 =	vld.idx.msk [tilespmem:v4+s31+$0x0], $0xffff;
	v17 =	vshrl.u32 v9, $0x5;
	v0 =	vandn.u32 $0x1F, v9  }
0x1f3: {  	s10 =	sadd.s32 $0x80, s10;
	v9 =	vshrl.u32 v2, $0x5;
	v18 =	vandn.u32 $0x1F, v2;
	v2 =	vld.idx.msk [tilespmem:v10+s31+$0x0], $0xffff  }
0x1f4: {  	v10 =	vld [tilespmem:s10+$0x30];
	v13 =	vnsel vm0, $0x0, v13  }
0x1f5: {  	v12 =	vld.idx.msk [tilespmem:v12+s31+$0x0], $0xffff;
	[tilespmem:s11+$0x10] =	vst v13;
	v13 =	vnsel vm1, $0x0, v15  }
0x1f6: {  	v8 =	vandn.u32 $0x1F, v8;
	v14 =	vld.idx.msk [tilespmem:v14+s31+$0x0], $0xffff;
	[tilespmem:s11+$0x20] =	vst v13  }
0x1f7: {  	v7 =	vshll.u32 v7, v8;
	v13 =	vld.idx.msk [tilespmem:v16+s31+$0x0], $0xffff  }
0x1f8: {  	v1 =	vshll.u32 v4, v1;
	vm0 =	vlt.s32 v7, $0x0;
	v8 =	vld.idx.msk [tilespmem:v9+s31+$0x0], $0xffff  }
0x1f9: {  	s11 =	sadd.s32 $0x80, s11;
	vm1 =	vlt.s32 v1, $0x0;
	v4 =	vshll.u32 v2, v11;
	v1 =	vld.idx.msk [tilespmem:v17+s31+$0x0], $0xffff;
	v7 =	vnsel vm0, $0x0, v10  }
.Ltmp6:
0x1fa: {  	vm2 =	vlt.s32 v4, $0x0;
	v2 =	vld [tilespmem:s10+$0xFFFFFFC0];
	[tilespmem:s11+$0x30] =	vst v7;
	(pc) =	sbr.rel @p0 .LBB2_14-.Ltmp6, $4  }
0x1fb: {  	v7 =	vshll.u32 v12, v3;
	v4 =	vld [tilespmem:s10+$0xFFFFFFD0]  }
0x1fc: {  	vm3 =	vlt.s32 v7, $0x0;
	v7 =	vshll.u32 v14, v5;
	v3 =	vld [tilespmem:s10+$0xFFFFFFE0]  }
0x1fd: {  	vm4 =	vlt.s32 v7, $0x0;
	v9 =	vshll.u32 v13, v6;
	v5 =	vld [tilespmem:s10+$0xFFFFFFF0]  }
0x1fe: {  	s13 =	sadd.s32 $0x80, s13;
	v7 =	vshll.u32 v8, v18;
	vm0 =	vlt.s32 v9, $0x0;
	v6 =	vld [tilespmem:s10+$0x0]  }
0x1ff: {  	vm5 =	vlt.s32 v7, $0x0  }
0x200: {  	v7 =	vld [tilespmem:s10+$0x10];
	v2 =	vnsel vm5, $0x0, v2  }
0x201: {  	v4 =	vnsel vm1, $0x0, v4;
	[tilespmem:s11+$0xFFFFFFC0] =	vst v2;
	v2 =	vld [tilespmem:s10+$0x20]  }
0x202: {  	v3 =	vnsel vm2, $0x0, v3;
	[tilespmem:s11+$0xFFFFFFD0] =	vst v4  }
0x203: {  	v4 =	vnsel vm3, $0x0, v5;
	[tilespmem:s11+$0xFFFFFFE0] =	vst v3  }
0x204: {  	v0 =	vshll.u32 v1, v0;
	v1 =	vnsel vm4, $0x0, v6;
	[tilespmem:s11+$0xFFFFFFF0] =	vst v4  }
0x205: {  	vm1 =	vlt.s32 v0, $0x0;
	[tilespmem:s11+$0x0] =	vst v1;
	v0 =	vnsel vm0, $0x0, v7  }
0x206: {  	[tilespmem:s11+$0x10] =	vst v0;
	v0 =	vnsel vm1, $0x0, v2  }
0x207: {  	[tilespmem:s11+$0x20] =	vst v0  }
0x208: {  	[hbm4b:s25+s1] =	stream.linear.scatter [tilespmem:s4], [sflag:$0x3], $0x3200, $0x38;
	[tilespmem:$0x1AC00] =	vst v63  }
0x209: {  	_ =	swait.ge [sflag:s5], $0x3200  }
0x20a: {  	[sflag:s5] =	ssyncset.done $0x0  }
0x20b: {  	[sflag:s5] =	ssyncadd.s32 $0xFFFFCE00  }
0x20c: {  	_ =	swait.ge [sflag:s5], $0x3200  }
0x20d: {  	[sflag:s5] =	ssyncset.done $0x0  }
0x20e: {  	[sflag:s5] =	ssyncadd.s32 $0xFFFFCE00  }
0x20f: {  	_ =	swait.ge [sflag:s8], $0x3200  }
0x210: {  	[sflag:s8] =	ssyncset.done $0x0  }
0x211: {  	s13 =	simm.s32 $0x3240;
	[sflag:s8] =	ssyncadd.s32 $0xFFFFCE00  }
0x212: {  	v1 =	vld [tilespmem:s13+$0x30]  }
0x213: {  	v0 =	vld [tilespmem:s13+$0xFFFFFFD0]  }
0x214: {  	v2 =	vld [tilespmem:s13+$0xFFFFFFE0]  }
0x215: {  	v3 =	vld [tilespmem:s13+$0xFFFFFFF0]  }
0x216: {  	v4 =	vld [tilespmem:s13+$0x0]  }
0x217: {  	v6 =	vld [tilespmem:s13+$0x10];
	v5 =	vshrl.u32 v1, $0x5  }
0x218: {  	v8 =	vld [tilespmem:s13+$0xFFFFFFC0];
	v7 =	vshrl.u32 v0, $0x5  }
0x219: {  	v10 =	vld [tilespmem:s13+$0x20];
	v9 =	vshrl.u32 v2, $0x5  }
0x21a: {  	s10 =	simm.s32 $0x9640;
	v11 =	vshrl.u32 v3, $0x5  }
0x21b: {  	v16 =	vld [tilespmem:s10+$0x30];
	v12 =	vshrl.u32 v4, $0x5  }
0x21c: {  	v13 =	vshrl.u32 v6, $0x5;
	v5 =	vld.idx.msk [tilespmem:v5+s31+$0x0], $0xffff  }
0x21d: {  	v14 =	vshrl.u32 v8, $0x5;
	v7 =	vld.idx.msk [tilespmem:v7+s31+$0x0], $0xffff  }
0x21e: {  	v15 =	vshrl.u32 v10, $0x5;
	v9 =	vld.idx.msk [tilespmem:v9+s31+$0x0], $0xffff  }
0x21f: {  	v11 =	vld.idx.msk [tilespmem:v11+s31+$0x0], $0xffff  }
0x220: {  	v12 =	vld.idx.msk [tilespmem:v12+s31+$0x0], $0xffff  }
0x221: {  	v17 =	vandn.u32 $0x1F, v0;
	v13 =	vld.idx.msk [tilespmem:v13+s31+$0x0], $0xffff  }
0x222: {  	v18 =	vandn.u32 $0x1F, v2;
	v3 =	vandn.u32 $0x1F, v3;
	v19 =	vandn.u32 $0x1F, v4;
	v14 =	vld.idx.msk [tilespmem:v14+s31+$0x0], $0xffff  }
0x223: {  	v6 =	vandn.u32 $0x1F, v6;
	v0 =	vandn.u32 $0x1F, v10;
	v2 =	vandn.u32 $0x1F, v1;
	v1 =	vld.idx.msk [tilespmem:v15+s31+$0x0], $0xffff  }
0x224: {  	v8 =	vandn.u32 $0x1F, v8;
	v4 =	vshll.u32 v5, v2;
	v5 =	vshll.u32 v7, v17;
	v2 =	vld [tilespmem:s10+$0xFFFFFFC0]  }
0x225: {  	vm0 =	vlt.s32 v4, $0x0;
	vm1 =	vlt.s32 v5, $0x0;
	v5 =	vshll.u32 v9, v18;
	v4 =	vld [tilespmem:s10+$0xFFFFFFD0]  }
0x226: {  	v62 =	vshll.u32 v12, v19;
	vm2 =	vlt.s32 v5, $0x0;
	v5 =	vshll.u32 v11, v3;
	v3 =	vld [tilespmem:s10+$0xFFFFFFE0]  }
0x227: {  	s11 =	simm.s32 $0xFA40;
	v63 =	vshll.u32 v13, v6;
	v7 =	vnsel vm0, $0x0, v16;
	vm3 =	vlt.s32 v5, $0x0;
	v5 =	vld [tilespmem:s10+$0xFFFFFFF0]  }
0x228: {  	s12 =	simm.s32 $0x0;
	s13 =	simm.s32 $0x32C0;
	v6 =	vld [tilespmem:s10+$0x0];
	vm4 =	vlt.s32 v62, $0x0;
	vm0 =	vlt.s32 v63, $0x0;
	[tilespmem:s11+$0x30] =	vst v7;
	v7 =	vshll.u32 v14, v8  }
.LBB2_16:
0x229: {  	v8 =	vld [tilespmem:s13+$0x30];
	s12 =	sadd.s32 $0x8, s12;
	vm5 =	vlt.s32 v7, $0x0;
	v0 =	vshll.u32 v1, v0  }
0x22a: {  	v1 =	vld [tilespmem:s13+$0xFFFFFFD0];
	p0 =	slt.u32 s12, $0x318;
	v2 =	vnsel vm5, $0x0, v2;
	v4 =	vnsel vm1, $0x0, v4;
	vm1 =	vlt.s32 v0, $0x0  }
0x22b: {  	v0 =	vld [tilespmem:s13+$0xFFFFFFE0];
	[tilespmem:s11+$0xFFFFFFC0] =	vst v2;
	v2 =	vnsel vm2, $0x0, v3  }
0x22c: {  	v3 =	vld [tilespmem:s13+$0xFFFFFFF0];
	[tilespmem:s11+$0xFFFFFFD0] =	vst v4;
	v4 =	vnsel vm3, $0x0, v5  }
0x22d: {  	v5 =	vld [tilespmem:s13+$0x0];
	[tilespmem:s11+$0xFFFFFFE0] =	vst v2;
	v2 =	vnsel vm4, $0x0, v6  }
0x22e: {  	v6 =	vld [tilespmem:s13+$0x10];
	v7 =	vshrl.u32 v8, $0x5;
	[tilespmem:s11+$0xFFFFFFF0] =	vst v4  }
0x22f: {  	v4 =	vshrl.u32 v1, $0x5;
	v1 =	vandn.u32 $0x1F, v1;
	v9 =	vld [tilespmem:s13+$0x20];
	[tilespmem:s11+$0x0] =	vst v2  }
0x230: {  	v2 =	vld [tilespmem:s13+$0xFFFFFFC0];
	v10 =	vshrl.u32 v0, $0x5;
	v11 =	vandn.u32 $0x1F, v0  }
0x231: {  	v12 =	vshrl.u32 v3, $0x5;
	v3 =	vandn.u32 $0x1F, v3;
	v13 =	vld [tilespmem:s10+$0x10]  }
0x232: {  	v14 =	vshrl.u32 v5, $0x5;
	v5 =	vandn.u32 $0x1F, v5;
	v15 =	vld [tilespmem:s10+$0x20]  }
0x233: {  	v16 =	vshrl.u32 v6, $0x5;
	v6 =	vandn.u32 $0x1F, v6;
	v7 =	vld.idx.msk [tilespmem:v7+s31+$0x0], $0xffff  }
0x234: {  	v4 =	vld.idx.msk [tilespmem:v4+s31+$0x0], $0xffff;
	v17 =	vshrl.u32 v9, $0x5;
	v0 =	vandn.u32 $0x1F, v9  }
0x235: {  	s10 =	sadd.s32 $0x80, s10;
	v9 =	vshrl.u32 v2, $0x5;
	v18 =	vandn.u32 $0x1F, v2;
	v2 =	vld.idx.msk [tilespmem:v10+s31+$0x0], $0xffff  }
0x236: {  	v10 =	vld [tilespmem:s10+$0x30];
	v13 =	vnsel vm0, $0x0, v13  }
0x237: {  	v12 =	vld.idx.msk [tilespmem:v12+s31+$0x0], $0xffff;
	[tilespmem:s11+$0x10] =	vst v13;
	v13 =	vnsel vm1, $0x0, v15  }
0x238: {  	v8 =	vandn.u32 $0x1F, v8;
	v14 =	vld.idx.msk [tilespmem:v14+s31+$0x0], $0xffff;
	[tilespmem:s11+$0x20] =	vst v13  }
0x239: {  	v7 =	vshll.u32 v7, v8;
	v13 =	vld.idx.msk [tilespmem:v16+s31+$0x0], $0xffff  }
0x23a: {  	v1 =	vshll.u32 v4, v1;
	vm0 =	vlt.s32 v7, $0x0;
	v8 =	vld.idx.msk [tilespmem:v9+s31+$0x0], $0xffff  }
0x23b: {  	s11 =	sadd.s32 $0x80, s11;
	vm1 =	vlt.s32 v1, $0x0;
	v4 =	vshll.u32 v2, v11;
	v1 =	vld.idx.msk [tilespmem:v17+s31+$0x0], $0xffff;
	v7 =	vnsel vm0, $0x0, v10  }
.Ltmp7:
0x23c: {  	vm2 =	vlt.s32 v4, $0x0;
	v2 =	vld [tilespmem:s10+$0xFFFFFFC0];
	[tilespmem:s11+$0x30] =	vst v7;
	(pc) =	sbr.rel @p0 .LBB2_16-.Ltmp7, $4  }
0x23d: {  	v7 =	vshll.u32 v12, v3;
	v4 =	vld [tilespmem:s10+$0xFFFFFFD0]  }
0x23e: {  	vm3 =	vlt.s32 v7, $0x0;
	v7 =	vshll.u32 v14, v5;
	v3 =	vld [tilespmem:s10+$0xFFFFFFE0]  }
0x23f: {  	vm4 =	vlt.s32 v7, $0x0;
	v9 =	vshll.u32 v13, v6;
	v5 =	vld [tilespmem:s10+$0xFFFFFFF0]  }
0x240: {  	s13 =	sadd.s32 $0x80, s13;
	v7 =	vshll.u32 v8, v18;
	vm0 =	vlt.s32 v9, $0x0;
	v6 =	vld [tilespmem:s10+$0x0]  }
0x241: {  	vm5 =	vlt.s32 v7, $0x0  }
0x242: {  	v58 =	vld [tilespmem:s10+$0x10];
	v2 =	vnsel vm5, $0x0, v2  }
0x243: {  	v59 =	vld [tilespmem:s10+$0x20];
	v4 =	vnsel vm1, $0x0, v4;
	[tilespmem:s11+$0xFFFFFFC0] =	vst v2  }
0x244: {  	v3 =	vnsel vm2, $0x0, v3;
	[tilespmem:s11+$0xFFFFFFD0] =	vst v4  }
0x245: {  	v60 =	vnsel vm3, $0x0, v5;
	[tilespmem:s11+$0xFFFFFFE0] =	vst v3  }
0x246: {  	v0 =	vshll.u32 v1, v0;
	v61 =	vnsel vm4, $0x0, v6;
	[tilespmem:s11+$0xFFFFFFF0] =	vst v60  }
0x247: {  	vm15 =	vlt.s32 v0, $0x0;
	[tilespmem:s11+$0x0] =	vst v61;
	v62 =	vnsel vm0, $0x0, v58  }
0x248: {  	v63 =	vnsel vm15, $0x0, v59;
	[tilespmem:s11+$0x10] =	vst v62  }
0x249: {  	s9 =	sadd.s32 $0x1, s9;
	[tilespmem:s11+$0x20] =	vst v63  }
0x24a: {  	[hbm4b:s26+s1] =	stream.linear.scatter [tilespmem:s6], [sflag:$0x4], $0x3200, $0x38;
	[tilespmem:$0x1AC00] =	vst v63  }
0x24b: {  	p0 =	sne.s32 s9, s29;
	_ =	swait.ge [sflag:s7], $0x3200  }
.Ltmp8:
0x24c: {  	[sflag:s7] =	ssyncset.done $0x0;
	(pc) =	sbr.rel @p0 .LBB2_1-.Ltmp8, $4  }
0x24d: {  	[sflag:s7] =	ssyncadd.s32 $0xFFFFCE00  }
0x24e: {  	_ =	swait.ge [sflag:s8], $0x3200  }
0x24f: {  	[sflag:s8] =	ssyncset.done $0x0  }
0x250: {  	[sflag:s8] =	ssyncadd.s32 $0xFFFFCE00  }
0x251: {  	_ =	sfence.sel $0x180000  }
0x252: {  	[bflag:$0x0] =	sbarrier.arrive $0xFFFF  }
0x253: {  	_ =	strace $0x9000004A  }
0x254: {  	s0 =	stileid.u32;
	[bflag:$0x2] =	sbarrier.arrive $0xFFFF  }
0x255: {  	p0 =	sne.s32 s0, $0x0;
	s0 =	rddreg [dreg:$0x2]  }
0x256: {  	s0 =	sadd.s32 @!p0 $0x100000, s0  }
0x257: {  	[sflag:s0] =	ssyncadd.tile.s32 @!p0 $0x1;
	_ =	shalt  }
.Lfunc_end2:
_tile_overlayer_lowered:
.L_overlay_start_2:
0x258: {  	(tag) =	ssettag $0x2  }
0x259: {  	s0 =	rddreg [dreg:$0x0];
	s2 =	stileid.u32  }
0x25a: {  	s1 =	rddreg [dreg:$0x1];
	p0 =	sne.s32 s2, $0x0  }
0x25b: {  	s3 =	rddreg [dreg:$0x2];
	[bflag:$0x3] =	sbarrier.arrive $0xFFFF;
	s2 =	simm.s32 @!p0 $0x1C06  }
0x25c: {  	[timem:s3], [sflag:s2] =	dma.local @!p0 [hbm:s0], s1  }
0x25d: {  	s0 =	simm.s32 @!p0 $0x6  }
0x25e: {  	_ =	swait.ge @!p0 [sflag:s0], s1  }
0x25f: {  	s1 =	ssub.s32 @!p0 $0x0, s1;
	[sflag:s0] =	ssyncset.done @!p0 $0x0  }
0x260: {  	[sflag:s0] =	ssyncadd.s32 @!p0 s1  }
0x261: {  	[bflag:$0x3] =	sbarrier.arrive $0xFFFF  }
0x262: {  	_ =	shalt  }

</sc_bundles>
